<compile_context>
chip_gen: v7x
topology: tpu7x:2x2x1
jax: 0.10.2.dev20260603
libtpu: 0.0.44.dev20260713+nightly
codegen_flags: <defaults>
</compile_context>

<pallas_src>
import functools

import jax
import jax.numpy as jnp
from jax import lax
from jax.experimental import pallas as pl
from jax.experimental.pallas import tpu as pltpu
from jax.experimental.pallas import tpu_sc as plsc

_NC = 2
_NS = 16
_NW = _NC * _NS
_L = 16
_BC = 512
_ITEM = 32
_D = 64


def _tec_body(ids_hbm, rat_hbm, pe_hbm, posb_hbm, re8_hbm,
              out_hbm, mask_hbm,
              ids_v0, rat_v0, pe_v0, posb_v0, out_v0, mask_v0,
              ids_v1, rat_v1, pe_v1, posb_v1, out_v1, mask_v1,
              re_v, in_sem, out_sem):
    bw = pe_hbm.shape[1]
    n_rows = posb_hbm.shape[0] // (_D * _L)
    nb = bw // _BC
    units = n_rows * nb // _NW
    wid = lax.axis_index("s") * _NC + lax.axis_index("c")
    base = wid * units

    bufs = ((ids_v0, rat_v0, pe_v0, posb_v0, out_v0, mask_v0),
            (ids_v1, rat_v1, pe_v1, posb_v1, out_v1, mask_v1))

    def in_descs(ug, slot):
        ids_v, rat_v, pe_v, posb_v, _, _ = bufs[slot]
        n = ug // nb
        boff = (ug - n * nb) * _BC
        return (
            pltpu.make_async_copy(
                ids_hbm.at[pl.ds(n * bw + boff, _BC)], ids_v, in_sem),
            pltpu.make_async_copy(
                rat_hbm.at[pl.ds(n * bw + boff, _BC)], rat_v, in_sem),
            pltpu.make_async_copy(
                pe_hbm.at[pl.ds(n * _ITEM, _ITEM), pl.ds(boff, _BC)],
                pe_v, in_sem),
            pltpu.make_async_copy(
                posb_hbm.at[pl.ds(n * _D * _L, _D * _L)], posb_v, in_sem),
        )

    def out_descs(ug, slot):
        _, _, _, _, out_v, mask_v = bufs[slot]
        n = ug // nb
        boff = (ug - n * nb) * _BC
        return (
            pltpu.make_async_copy(
                out_v, out_hbm.at[pl.ds(n * _D, _D), pl.ds(boff, _BC)],
                out_sem),
            pltpu.make_async_copy(
                mask_v, mask_hbm.at[pl.ds(n * bw + boff, _BC)], out_sem),
        )

    _DB = 8

    def compute(slot):
        ids_v, rat_v, pe_v, posb_v, out_v, mask_v = bufs[slot]

        for blk in range(_ITEM // _DB):
            dbase = blk * _DB
            pos_init = tuple(posb_v[pl.ds((dbase + j) * _L, _L)]
                             for j in range(_DB))

            @plsc.parallel_loop(0, _BC // _L, carry=pos_init)
            def item_loop(k, pos, dbase=dbase, first=(blk == 0)):
                c = k * _L
                ids16 = ids_v[pl.ds(c, _L)]
                validf = jnp.where(ids16 != jnp.zeros((_L,), jnp.int32),
                                   1.0, 0.0)
                if first:
                    mask_v[pl.ds(c, _L)] = validf
                v8 = validf * jnp.full((_L,), 8.0, jnp.float32)
                for j in range(_DB):
                    pe16 = pe_v[dbase + j, pl.ds(c, _L)]
                    out_v[dbase + j, pl.ds(c, _L)] = (pe16 * v8
                                                      + pos[j] * validf)
                return pos

        for blk in range((_D - _ITEM) // _DB):
            ebase = blk * _DB
            init = (tuple(posb_v[pl.ds((_ITEM + ebase + j) * _L, _L)]
                          for j in range(_DB)),
                    tuple(re_v[pl.ds((ebase + j) * _L, _L)]
                          for j in range(_DB)))

            @plsc.parallel_loop(0, _BC // _L, carry=init)
            def rat_loop(k, cr, ebase=ebase):
                pos, row = cr
                c = k * _L
                ids16 = ids_v[pl.ds(c, _L)]
                rat16 = rat_v[pl.ds(c, _L)]
                validf = jnp.where(ids16 != jnp.zeros((_L,), jnp.int32),
                                   1.0, 0.0)
                rix = rat16[:, None]
                dn = lax.GatherDimensionNumbers(
                    offset_dims=(), collapsed_slice_dims=(0,),
                    start_index_map=(0,))
                for j in range(_DB):
                    g16 = lax.gather(
                        row[j], rix, dn, (1,),
                        mode=lax.GatherScatterMode.PROMISE_IN_BOUNDS)
                    out_v[_ITEM + ebase + j, pl.ds(c, _L)] = (
                        (g16 + pos[j]) * validf)
                return cr

    pltpu.sync_copy(re8_hbm, re_v)
    for dsc in in_descs(base, 0):
        dsc.start()

    def pair_body(p, carry):
        for slot in (0, 1):
            u = 2 * p + slot
            for dsc in in_descs(base + u, slot):
                dsc.wait()

            @pl.when(u + 1 < units)
            def _():
                for dsc in in_descs(base + u + 1, 1 - slot):
                    dsc.start()

            @pl.when(u >= 2)
            def _():
                for dsc in out_descs(base + u - 2, slot):
                    dsc.wait()

            compute(slot)
            for dsc in out_descs(base + u, slot):
                dsc.start()
        return carry

    lax.fori_loop(0, units // 2, pair_body, 0)
    for dsc in out_descs(base + units - 2, 0):
        dsc.wait()
    for dsc in out_descs(base + units - 1, 1):
        dsc.wait()


def _make_sc_call(n_rows, b):
    mesh = plsc.VectorSubcoreMesh(core_axis_name="c", subcore_axis_name="s")
    buf = [
        pltpu.VMEM((_BC,), jnp.int32),
        pltpu.VMEM((_BC,), jnp.int32),
        pltpu.VMEM((_ITEM, _BC), jnp.float32),
        pltpu.VMEM((_D * _L,), jnp.float32),
        pltpu.VMEM((_D, _BC), jnp.float32),
        pltpu.VMEM((_BC,), jnp.float32),
    ]
    return functools.partial(
        pl.kernel,
        out_type=(jax.ShapeDtypeStruct((n_rows * _D, b), jnp.float32),
                  jax.ShapeDtypeStruct((n_rows * b,), jnp.float32)),
        mesh=mesh,
        scratch_types=buf + buf + [
            pltpu.VMEM((_ITEM * _L,), jnp.float32),
            pltpu.SemaphoreType.DMA,
            pltpu.SemaphoreType.DMA,
        ],
    )(_tec_body)


def kernel(past_lengths, past_ids, past_embeddings, ratings, pos_emb,
           rating_emb):
    B, N = past_ids.shape
    D = pos_emb.shape[1]
    item = past_embeddings.shape[-1]
    scale = float(D) ** 0.5
    pe2d = jnp.transpose(past_embeddings, (1, 2, 0)).reshape(N * item, B)
    ids1d = past_ids.T.reshape(-1).astype(jnp.int32)
    rat1d = ratings.T.reshape(-1).astype(jnp.int32)
    posb = jnp.repeat(pos_emb.reshape(-1), _L)
    re8 = jnp.pad(rating_emb.T * scale,
                  ((0, 0), (0, _L - rating_emb.shape[0]))).reshape(-1)
    out2d, mask1d = _make_sc_call(N, B)(ids1d, rat1d, pe2d, posb, re8)
    out = jnp.transpose(out2d.reshape(N, D, B), (2, 0, 1))
    mask = jnp.transpose(mask1d.reshape(N, B), (1, 0))[..., None]
    return past_lengths, out, mask

# --- scband reference (transcript-rebuilt; emitter-appended) ---
"""Pipeline reference for scband-learnable-positional-embedding-rated-input-features-preprocessor-6313601925791 (READ-ONLY COPY).

The authoritative reference and input builder live on the scoring server;
editing this copy changes nothing except your own understanding.
"""

import jax, jax.numpy as jnp
import numpy as np

B = 4096
N = 200
ITEM_DIM = 32
RATING_DIM = 32
EMB_DIM = ITEM_DIM + RATING_DIM
MAX_SEQ = 200
NUM_RATINGS = 10
VOCAB = 100000


def setup_inputs(seed: int = 0) -> dict:
    key = jax.random.key(seed)
    k1, k2, k3, k4, k5, k6 = jax.random.split(key, 6)
    past_lengths = jax.random.randint(k1, (B,), 0, MAX_SEQ, dtype=jnp.int64 if jax.config.jax_enable_x64 else jnp.int32)
    past_ids = jax.random.randint(k2, (B, N), 0, VOCAB, dtype=jnp.int64 if jax.config.jax_enable_x64 else jnp.int32)
    past_embeddings = jax.random.normal(k3, (B, N, ITEM_DIM), dtype=jnp.float32)
    ratings = jax.random.randint(k4, (B, N), 0, NUM_RATINGS, dtype=jnp.int64 if jax.config.jax_enable_x64 else jnp.int32)
    # learned params (truncated-normal init approximated by scaled normal)
    std = (1.0 / EMB_DIM) ** 0.5
    pos_emb = jax.random.normal(k5, (MAX_SEQ, EMB_DIM), dtype=jnp.float32) * std
    rating_emb = jax.random.normal(k6, (NUM_RATINGS, RATING_DIM), dtype=jnp.float32) * std
    return {
        'past_lengths': past_lengths,
        'past_ids': past_ids,
        'past_embeddings': past_embeddings,
        'ratings': ratings,
        'pos_emb': pos_emb,
        'rating_emb': rating_emb,
    }


def reference(past_lengths, past_ids, past_embeddings, ratings, pos_emb, rating_emb):
    Bq, Nq = past_ids.shape
    D = pos_emb.shape[1]
    rating_vecs = jnp.take(rating_emb, ratings, axis=0)  # [B, N, RATING_DIM]
    pos_vecs = jnp.take(pos_emb, jnp.arange(Nq), axis=0)[None, :, :]  # [1, N, D]
    user_embeddings = jnp.concatenate([past_embeddings, rating_vecs], axis=-1) * (float(D) ** 0.5) + pos_vecs
    # dropout_rate = 0.0 -> identity
    valid_mask = (past_ids != 0)[..., None].astype(jnp.float32)
    user_embeddings = user_embeddings * valid_mask
    return (past_lengths, user_embeddings, valid_mask)

if __name__ == "__main__":
    import jax
    _d = setup_inputs()
    print(jax.jit(kernel)(*tuple(_d.values())))

</pallas_src>

<mosaic_0001>
#map = affine_map<(d0, d1) -> (0)>
#map1 = affine_map<(d0, d1) -> (0, 0)>
module attributes {stable_mosaic.version = 14 : i64} {
  func.func @_tec_body(%arg0: i32, %arg1: i32, %arg2: memref<819200xi32, #tpu.memory_space<hbm>>, %arg3: memref<819200xi32, #tpu.memory_space<hbm>>, %arg4: memref<6400x4096xf32, #tpu.memory_space<hbm>>, %arg5: memref<204800xf32, #tpu.memory_space<hbm>>, %arg6: memref<512xf32, #tpu.memory_space<hbm>>, %arg7: memref<12800x4096xf32, #tpu.memory_space<hbm>>, %arg8: memref<819200xf32, #tpu.memory_space<hbm>>, %arg9: memref<512xi32, #tpu.memory_space<vmem>>, %arg10: memref<512xi32, #tpu.memory_space<vmem>>, %arg11: memref<32x512xf32, #tpu.memory_space<vmem>>, %arg12: memref<1024xf32, #tpu.memory_space<vmem>>, %arg13: memref<64x512xf32, #tpu.memory_space<vmem>>, %arg14: memref<512xf32, #tpu.memory_space<vmem>>, %arg15: memref<512xi32, #tpu.memory_space<vmem>>, %arg16: memref<512xi32, #tpu.memory_space<vmem>>, %arg17: memref<32x512xf32, #tpu.memory_space<vmem>>, %arg18: memref<1024xf32, #tpu.memory_space<vmem>>, %arg19: memref<64x512xf32, #tpu.memory_space<vmem>>, %arg20: memref<512xf32, #tpu.memory_space<vmem>>, %arg21: memref<512xf32, #tpu.memory_space<vmem>>, %arg22: memref<!tpu.dma_semaphore, #tpu.memory_space<semaphore_mem>>, %arg23: memref<!tpu.dma_semaphore, #tpu.memory_space<semaphore_mem>>) attributes {dimension_semantics = [#tpu.dimension_semantics<core_parallel>, #tpu.dimension_semantics<subcore_parallel>], iteration_bounds = array<i64: 2, 16>, scalar_prefetch = 0 : i64, scratch_operands = 15 : i64, tpu.core_type = #tpu.core_type<sc_vector_subcore>, window_params = [{transform_indices = #map}, {transform_indices = #map}, {transform_indices = #map1}, {transform_indices = #map}, {transform_indices = #map}, {transform_indices = #map1}, {transform_indices = #map}]} {
    %mul3A = arith.constant 2 : i32
    %mul3A_0 = arith.muli %arg1, %mul3A : i32
    %add3A = arith.addi %mul3A_0, %arg0 : i32
    %mul3A_1 = arith.constant 50 : i32
    %mul3A_2 = arith.muli %add3A, %mul3A_1 : i32
    "tpu.region"() ({
      %run_scoped3A = tpu.sem_alloc : memref<!tpu.dma_semaphore, #tpu.memory_space<semaphore_mem>>
      tpu.enqueue_dma source(%arg6 : memref<512xf32, #tpu.memory_space<hbm>>) target(%arg21 : memref<512xf32, #tpu.memory_space<vmem>>) target_semaphore(%run_scoped3A : memref<!tpu.dma_semaphore, #tpu.memory_space<semaphore_mem>>)
      tpu.wait_dma2 semaphore(%run_scoped3A : memref<!tpu.dma_semaphore, #tpu.memory_space<semaphore_mem>>) src(%arg6 : memref<512xf32, #tpu.memory_space<hbm>>) dst(%arg21 : memref<512xf32, #tpu.memory_space<vmem>>)
      tpu.yield
    }) : () -> ()
    %jit3A = arith.constant 8 : i32
    %div3A = arith.divsi %mul3A_2, %jit3A : i32
    %sign3A = arith.constant 0 : i32
    %sign3A_3 = arith.cmpi sgt, %mul3A_2, %sign3A : i32
    %sign3A_4 = arith.extui %sign3A_3 : i1 to i32
    %sign3A_5 = arith.constant 0 : i32
    %sign3A_6 = arith.cmpi slt, %mul3A_2, %sign3A_5 : i32
    %sign3A_7 = arith.extui %sign3A_6 : i1 to i32
    %sign3A_8 = arith.subi %sign3A_4, %sign3A_7 : i32
    %sign3A_9 = arith.constant 0 : i32
    %sign3A_10 = arith.cmpi sgt, %jit3A, %sign3A_9 : i32
    %sign3A_11 = arith.extui %sign3A_10 : i1 to i32
    %sign3A_12 = arith.constant 0 : i32
    %sign3A_13 = arith.cmpi slt, %jit3A, %sign3A_12 : i32
    %sign3A_14 = arith.extui %sign3A_13 : i1 to i32
    %sign3A_15 = arith.subi %sign3A_11, %sign3A_14 : i32
    %ne3A = arith.cmpi ne, %sign3A_8, %sign3A_15 : i32
    %rem3A = arith.remsi %mul3A_2, %jit3A : i32
    %ne3A_16 = arith.constant 0 : i32
    %ne3A_17 = arith.cmpi ne, %rem3A, %ne3A_16 : i32
    %and3A = arith.andi %ne3A, %ne3A_17 : i1
    %sub3A = arith.constant 1 : i32
    %sub3A_18 = arith.subi %div3A, %sub3A : i32
    %select_n3A = arith.select %and3A, %sub3A_18, %div3A : i32
    %mul3A_19 = arith.constant 8 : i32
    %mul3A_20 = arith.muli %select_n3A, %mul3A_19 : i32
    %sub3A_21 = arith.subi %mul3A_2, %mul3A_20 : i32
    %mul3A_22 = arith.constant 512 : i32
    %mul3A_23 = arith.muli %sub3A_21, %mul3A_22 : i32
    %mul3A_24 = arith.constant 4096 : i32
    %mul3A_25 = arith.muli %select_n3A, %mul3A_24 : i32
    %add3A_26 = arith.addi %mul3A_25, %mul3A_23 : i32
    %mul3A_27 = arith.constant 4096 : i32
    %mul3A_28 = arith.muli %select_n3A, %mul3A_27 : i32
    %add3A_29 = arith.addi %mul3A_28, %mul3A_23 : i32
    %mul3A_30 = arith.constant 32 : i32
    %mul3A_31 = arith.muli %select_n3A, %mul3A_30 : i32
    %mul3A_32 = arith.constant 64 : i32
    %mul3A_33 = arith.muli %select_n3A, %mul3A_32 : i32
    %mul3A_34 = arith.constant 16 : i32
    %mul3A_35 = arith.muli %mul3A_33, %mul3A_34 : i32
    %dma_start3A = tpu.memref_slice %arg2[%add3A_26] : memref<819200xi32, #tpu.memory_space<hbm>> -> memref<512xi32, #tpu.memory_space<hbm>>
    %dma_start3A_36 = tpu.memref_slice %arg2[%add3A_26] : memref<819200xi32, #tpu.memory_space<hbm>> -> memref<512xi32, #tpu.memory_space<hbm>>
    tpu.enqueue_dma source(%dma_start3A_36 : memref<512xi32, #tpu.memory_space<hbm>>) target(%arg9 : memref<512xi32, #tpu.memory_space<vmem>>) target_semaphore(%arg22 : memref<!tpu.dma_semaphore, #tpu.memory_space<semaphore_mem>>)
    %dma_start3A_37 = tpu.memref_slice %arg3[%add3A_29] : memref<819200xi32, #tpu.memory_space<hbm>> -> memref<512xi32, #tpu.memory_space<hbm>>
    %dma_start3A_38 = tpu.memref_slice %arg3[%add3A_29] : memref<819200xi32, #tpu.memory_space<hbm>> -> memref<512xi32, #tpu.memory_space<hbm>>
    tpu.enqueue_dma source(%dma_start3A_38 : memref<512xi32, #tpu.memory_space<hbm>>) target(%arg10 : memref<512xi32, #tpu.memory_space<vmem>>) target_semaphore(%arg22 : memref<!tpu.dma_semaphore, #tpu.memory_space<semaphore_mem>>)
    %dma_start3A_39 = tpu.memref_slice %arg4[%mul3A_31, %mul3A_23] : memref<6400x4096xf32, #tpu.memory_space<hbm>> -> memref<32x512xf32, #tpu.memory_space<hbm>>
    %dma_start3A_40 = tpu.memref_slice %arg4[%mul3A_31, %mul3A_23] : memref<6400x4096xf32, #tpu.memory_space<hbm>> -> memref<32x512xf32, #tpu.memory_space<hbm>>
    tpu.enqueue_dma source(%dma_start3A_40 : memref<32x512xf32, #tpu.memory_space<hbm>>) target(%arg11 : memref<32x512xf32, #tpu.memory_space<vmem>>) target_semaphore(%arg22 : memref<!tpu.dma_semaphore, #tpu.memory_space<semaphore_mem>>)
    %dma_start3A_41 = tpu.memref_slice %arg5[%mul3A_35] : memref<204800xf32, #tpu.memory_space<hbm>> -> memref<1024xf32, #tpu.memory_space<hbm>>
    %dma_start3A_42 = tpu.memref_slice %arg5[%mul3A_35] : memref<204800xf32, #tpu.memory_space<hbm>> -> memref<1024xf32, #tpu.memory_space<hbm>>
    tpu.enqueue_dma source(%dma_start3A_42 : memref<1024xf32, #tpu.memory_space<hbm>>) target(%arg12 : memref<1024xf32, #tpu.memory_space<vmem>>) target_semaphore(%arg22 : memref<!tpu.dma_semaphore, #tpu.memory_space<semaphore_mem>>)
    %scan3A = arith.constant 0 : i32
    %scan3A_43 = arith.constant 0 : i32
    %scan3A_44 = arith.constant 25 : i32
    %scan3A_45 = arith.addi %scan3A_43, %scan3A_44 : i32
    %scan3A_46 = arith.constant 1 : i32
    scf.for %scan3A_131 = %scan3A_43 to %scan3A_45 step %scan3A_46  : i32 {
      %mul3A_132 = arith.constant 2 : i32
      %mul3A_133 = arith.muli %mul3A_132, %scan3A_131 : i32
      %add3A_134 = arith.constant 0 : i32
      %add3A_135 = arith.addi %mul3A_133, %add3A_134 : i32
      %add3A_136 = arith.addi %mul3A_2, %add3A_135 : i32
      %jit3A_137 = arith.constant 8 : i32
      %div3A_138 = arith.divsi %add3A_136, %jit3A_137 : i32
      %sign3A_139 = arith.constant 0 : i32
      %sign3A_140 = arith.cmpi sgt, %add3A_136, %sign3A_139 : i32
      %sign3A_141 = arith.extui %sign3A_140 : i1 to i32
      %sign3A_142 = arith.constant 0 : i32
      %sign3A_143 = arith.cmpi slt, %add3A_136, %sign3A_142 : i32
      %sign3A_144 = arith.extui %sign3A_143 : i1 to i32
      %sign3A_145 = arith.subi %sign3A_141, %sign3A_144 : i32
      %sign3A_146 = arith.constant 0 : i32
      %sign3A_147 = arith.cmpi sgt, %jit3A_137, %sign3A_146 : i32
      %sign3A_148 = arith.extui %sign3A_147 : i1 to i32
      %sign3A_149 = arith.constant 0 : i32
      %sign3A_150 = arith.cmpi slt, %jit3A_137, %sign3A_149 : i32
      %sign3A_151 = arith.extui %sign3A_150 : i1 to i32
      %sign3A_152 = arith.subi %sign3A_148, %sign3A_151 : i32
      %ne3A_153 = arith.cmpi ne, %sign3A_145, %sign3A_152 : i32
      %rem3A_154 = arith.remsi %add3A_136, %jit3A_137 : i32
      %ne3A_155 = arith.constant 0 : i32
      %ne3A_156 = arith.cmpi ne, %rem3A_154, %ne3A_155 : i32
      %and3A_157 = arith.andi %ne3A_153, %ne3A_156 : i1
      %sub3A_158 = arith.constant 1 : i32
      %sub3A_159 = arith.subi %div3A_138, %sub3A_158 : i32
      %select_n3A_160 = arith.select %and3A_157, %sub3A_159, %div3A_138 : i32
      %mul3A_161 = arith.constant 8 : i32
      %mul3A_162 = arith.muli %select_n3A_160, %mul3A_161 : i32
      %sub3A_163 = arith.subi %add3A_136, %mul3A_162 : i32
      %mul3A_164 = arith.constant 512 : i32
      %mul3A_165 = arith.muli %sub3A_163, %mul3A_164 : i32
      %mul3A_166 = arith.constant 4096 : i32
      %mul3A_167 = arith.muli %select_n3A_160, %mul3A_166 : i32
      %add3A_168 = arith.addi %mul3A_167, %mul3A_165 : i32
      %mul3A_169 = arith.constant 4096 : i32
      %mul3A_170 = arith.muli %select_n3A_160, %mul3A_169 : i32
      %add3A_171 = arith.addi %mul3A_170, %mul3A_165 : i32
      %mul3A_172 = arith.constant 32 : i32
      %mul3A_173 = arith.muli %select_n3A_160, %mul3A_172 : i32
      %mul3A_174 = arith.constant 64 : i32
      %mul3A_175 = arith.muli %select_n3A_160, %mul3A_174 : i32
      %mul3A_176 = arith.constant 16 : i32
      %mul3A_177 = arith.muli %mul3A_175, %mul3A_176 : i32
      %dma_wait3A_178 = tpu.memref_slice %arg2[%add3A_168] : memref<819200xi32, #tpu.memory_space<hbm>> -> memref<512xi32, #tpu.memory_space<hbm>>
      %dma_wait3A_179 = tpu.memref_slice %arg2[%add3A_168] : memref<819200xi32, #tpu.memory_space<hbm>> -> memref<512xi32, #tpu.memory_space<hbm>>
      tpu.wait_dma2 semaphore(%arg22 : memref<!tpu.dma_semaphore, #tpu.memory_space<semaphore_mem>>) src(%dma_wait3A_179 : memref<512xi32, #tpu.memory_space<hbm>>) dst(%arg9 : memref<512xi32, #tpu.memory_space<vmem>>)
      %dma_wait3A_180 = tpu.memref_slice %arg3[%add3A_171] : memref<819200xi32, #tpu.memory_space<hbm>> -> memref<512xi32, #tpu.memory_space<hbm>>
      %dma_wait3A_181 = tpu.memref_slice %arg3[%add3A_171] : memref<819200xi32, #tpu.memory_space<hbm>> -> memref<512xi32, #tpu.memory_space<hbm>>
      tpu.wait_dma2 semaphore(%arg22 : memref<!tpu.dma_semaphore, #tpu.memory_space<semaphore_mem>>) src(%dma_wait3A_181 : memref<512xi32, #tpu.memory_space<hbm>>) dst(%arg10 : memref<512xi32, #tpu.memory_space<vmem>>)
      %dma_wait3A_182 = tpu.memref_slice %arg4[%mul3A_173, %mul3A_165] : memref<6400x4096xf32, #tpu.memory_space<hbm>> -> memref<32x512xf32, #tpu.memory_space<hbm>>
      %dma_wait3A_183 = tpu.memref_slice %arg4[%mul3A_173, %mul3A_165] : memref<6400x4096xf32, #tpu.memory_space<hbm>> -> memref<32x512xf32, #tpu.memory_space<hbm>>
      tpu.wait_dma2 semaphore(%arg22 : memref<!tpu.dma_semaphore, #tpu.memory_space<semaphore_mem>>) src(%dma_wait3A_183 : memref<32x512xf32, #tpu.memory_space<hbm>>) dst(%arg11 : memref<32x512xf32, #tpu.memory_space<vmem>>)
      %dma_wait3A_184 = tpu.memref_slice %arg5[%mul3A_177] : memref<204800xf32, #tpu.memory_space<hbm>> -> memref<1024xf32, #tpu.memory_space<hbm>>
      %dma_wait3A_185 = tpu.memref_slice %arg5[%mul3A_177] : memref<204800xf32, #tpu.memory_space<hbm>> -> memref<1024xf32, #tpu.memory_space<hbm>>
      tpu.wait_dma2 semaphore(%arg22 : memref<!tpu.dma_semaphore, #tpu.memory_space<semaphore_mem>>) src(%dma_wait3A_185 : memref<1024xf32, #tpu.memory_space<hbm>>) dst(%arg12 : memref<1024xf32, #tpu.memory_space<vmem>>)
      %add3A_186 = arith.constant 1 : i32
      %add3A_187 = arith.addi %add3A_135, %add3A_186 : i32
      %lt3A = arith.constant 50 : i32
      %lt3A_188 = arith.cmpi slt, %add3A_187, %lt3A : i32
      %convert_element_type3A = arith.extui %lt3A_188 : i1 to i32
      %cond3A = arith.constant 0 : i32
      %cond3A_189 = arith.cmpi ne, %convert_element_type3A, %cond3A : i32
      scf.if %cond3A_189 {
        %add3A_976 = arith.addi %mul3A_2, %add3A_135 : i32
        %add3A_977 = arith.constant 1 : i32
        %add3A_978 = arith.addi %add3A_976, %add3A_977 : i32
        %jit3A_979 = arith.constant 8 : i32
        %div3A_980 = arith.divsi %add3A_978, %jit3A_979 : i32
        %sign3A_981 = arith.constant 0 : i32
        %sign3A_982 = arith.cmpi sgt, %add3A_978, %sign3A_981 : i32
        %sign3A_983 = arith.extui %sign3A_982 : i1 to i32
        %sign3A_984 = arith.constant 0 : i32
        %sign3A_985 = arith.cmpi slt, %add3A_978, %sign3A_984 : i32
        %sign3A_986 = arith.extui %sign3A_985 : i1 to i32
        %sign3A_987 = arith.subi %sign3A_983, %sign3A_986 : i32
        %sign3A_988 = arith.constant 0 : i32
        %sign3A_989 = arith.cmpi sgt, %jit3A_979, %sign3A_988 : i32
        %sign3A_990 = arith.extui %sign3A_989 : i1 to i32
        %sign3A_991 = arith.constant 0 : i32
        %sign3A_992 = arith.cmpi slt, %jit3A_979, %sign3A_991 : i32
        %sign3A_993 = arith.extui %sign3A_992 : i1 to i32
        %sign3A_994 = arith.subi %sign3A_990, %sign3A_993 : i32
        %ne3A_995 = arith.cmpi ne, %sign3A_987, %sign3A_994 : i32
        %rem3A_996 = arith.remsi %add3A_978, %jit3A_979 : i32
        %ne3A_997 = arith.constant 0 : i32
        %ne3A_998 = arith.cmpi ne, %rem3A_996, %ne3A_997 : i32
        %and3A_999 = arith.andi %ne3A_995, %ne3A_998 : i1
        %sub3A_1000 = arith.constant 1 : i32
        %sub3A_1001 = arith.subi %div3A_980, %sub3A_1000 : i32
        %select_n3A_1002 = arith.select %and3A_999, %sub3A_1001, %div3A_980 : i32
        %mul3A_1003 = arith.constant 8 : i32
        %mul3A_1004 = arith.muli %select_n3A_1002, %mul3A_1003 : i32
        %sub3A_1005 = arith.subi %add3A_978, %mul3A_1004 : i32
        %mul3A_1006 = arith.constant 512 : i32
        %mul3A_1007 = arith.muli %sub3A_1005, %mul3A_1006 : i32
        %mul3A_1008 = arith.constant 4096 : i32
        %mul3A_1009 = arith.muli %select_n3A_1002, %mul3A_1008 : i32
        %add3A_1010 = arith.addi %mul3A_1009, %mul3A_1007 : i32
        %mul3A_1011 = arith.constant 4096 : i32
        %mul3A_1012 = arith.muli %select_n3A_1002, %mul3A_1011 : i32
        %add3A_1013 = arith.addi %mul3A_1012, %mul3A_1007 : i32
        %mul3A_1014 = arith.constant 32 : i32
        %mul3A_1015 = arith.muli %select_n3A_1002, %mul3A_1014 : i32
        %mul3A_1016 = arith.constant 64 : i32
        %mul3A_1017 = arith.muli %select_n3A_1002, %mul3A_1016 : i32
        %mul3A_1018 = arith.constant 16 : i32
        %mul3A_1019 = arith.muli %mul3A_1017, %mul3A_1018 : i32
        %dma_start3A_1020 = tpu.memref_slice %arg2[%add3A_1010] : memref<819200xi32, #tpu.memory_space<hbm>> -> memref<512xi32, #tpu.memory_space<hbm>>
        %dma_start3A_1021 = tpu.memref_slice %arg2[%add3A_1010] : memref<819200xi32, #tpu.memory_space<hbm>> -> memref<512xi32, #tpu.memory_space<hbm>>
        tpu.enqueue_dma source(%dma_start3A_1021 : memref<512xi32, #tpu.memory_space<hbm>>) target(%arg15 : memref<512xi32, #tpu.memory_space<vmem>>) target_semaphore(%arg22 : memref<!tpu.dma_semaphore, #tpu.memory_space<semaphore_mem>>)
        %dma_start3A_1022 = tpu.memref_slice %arg3[%add3A_1013] : memref<819200xi32, #tpu.memory_space<hbm>> -> memref<512xi32, #tpu.memory_space<hbm>>
        %dma_start3A_1023 = tpu.memref_slice %arg3[%add3A_1013] : memref<819200xi32, #tpu.memory_space<hbm>> -> memref<512xi32, #tpu.memory_space<hbm>>
        tpu.enqueue_dma source(%dma_start3A_1023 : memref<512xi32, #tpu.memory_space<hbm>>) target(%arg16 : memref<512xi32, #tpu.memory_space<vmem>>) target_semaphore(%arg22 : memref<!tpu.dma_semaphore, #tpu.memory_space<semaphore_mem>>)
        %dma_start3A_1024 = tpu.memref_slice %arg4[%mul3A_1015, %mul3A_1007] : memref<6400x4096xf32, #tpu.memory_space<hbm>> -> memref<32x512xf32, #tpu.memory_space<hbm>>
        %dma_start3A_1025 = tpu.memref_slice %arg4[%mul3A_1015, %mul3A_1007] : memref<6400x4096xf32, #tpu.memory_space<hbm>> -> memref<32x512xf32, #tpu.memory_space<hbm>>
        tpu.enqueue_dma source(%dma_start3A_1025 : memref<32x512xf32, #tpu.memory_space<hbm>>) target(%arg17 : memref<32x512xf32, #tpu.memory_space<vmem>>) target_semaphore(%arg22 : memref<!tpu.dma_semaphore, #tpu.memory_space<semaphore_mem>>)
        %dma_start3A_1026 = tpu.memref_slice %arg5[%mul3A_1019] : memref<204800xf32, #tpu.memory_space<hbm>> -> memref<1024xf32, #tpu.memory_space<hbm>>
        %dma_start3A_1027 = tpu.memref_slice %arg5[%mul3A_1019] : memref<204800xf32, #tpu.memory_space<hbm>> -> memref<1024xf32, #tpu.memory_space<hbm>>
        tpu.enqueue_dma source(%dma_start3A_1027 : memref<1024xf32, #tpu.memory_space<hbm>>) target(%arg18 : memref<1024xf32, #tpu.memory_space<vmem>>) target_semaphore(%arg22 : memref<!tpu.dma_semaphore, #tpu.memory_space<semaphore_mem>>)
      } else {
      }
      %ge3A = arith.constant 2 : i32
      %ge3A_190 = arith.cmpi sge, %add3A_135, %ge3A : i32
      %convert_element_type3A_191 = arith.extui %ge3A_190 : i1 to i32
      %cond3A_192 = arith.constant 0 : i32
      %cond3A_193 = arith.cmpi ne, %convert_element_type3A_191, %cond3A_192 : i32
      scf.if %cond3A_193 {
        %add3A_976 = arith.addi %mul3A_2, %add3A_135 : i32
        %sub3A_977 = arith.constant 2 : i32
        %sub3A_978 = arith.subi %add3A_976, %sub3A_977 : i32
        %jit3A_979 = arith.constant 8 : i32
        %div3A_980 = arith.divsi %sub3A_978, %jit3A_979 : i32
        %sign3A_981 = arith.constant 0 : i32
        %sign3A_982 = arith.cmpi sgt, %sub3A_978, %sign3A_981 : i32
        %sign3A_983 = arith.extui %sign3A_982 : i1 to i32
        %sign3A_984 = arith.constant 0 : i32
        %sign3A_985 = arith.cmpi slt, %sub3A_978, %sign3A_984 : i32
        %sign3A_986 = arith.extui %sign3A_985 : i1 to i32
        %sign3A_987 = arith.subi %sign3A_983, %sign3A_986 : i32
        %sign3A_988 = arith.constant 0 : i32
        %sign3A_989 = arith.cmpi sgt, %jit3A_979, %sign3A_988 : i32
        %sign3A_990 = arith.extui %sign3A_989 : i1 to i32
        %sign3A_991 = arith.constant 0 : i32
        %sign3A_992 = arith.cmpi slt, %jit3A_979, %sign3A_991 : i32
        %sign3A_993 = arith.extui %sign3A_992 : i1 to i32
        %sign3A_994 = arith.subi %sign3A_990, %sign3A_993 : i32
        %ne3A_995 = arith.cmpi ne, %sign3A_987, %sign3A_994 : i32
        %rem3A_996 = arith.remsi %sub3A_978, %jit3A_979 : i32
        %ne3A_997 = arith.constant 0 : i32
        %ne3A_998 = arith.cmpi ne, %rem3A_996, %ne3A_997 : i32
        %and3A_999 = arith.andi %ne3A_995, %ne3A_998 : i1
        %sub3A_1000 = arith.constant 1 : i32
        %sub3A_1001 = arith.subi %div3A_980, %sub3A_1000 : i32
        %select_n3A_1002 = arith.select %and3A_999, %sub3A_1001, %div3A_980 : i32
        %mul3A_1003 = arith.constant 8 : i32
        %mul3A_1004 = arith.muli %select_n3A_1002, %mul3A_1003 : i32
        %sub3A_1005 = arith.subi %sub3A_978, %mul3A_1004 : i32
        %mul3A_1006 = arith.constant 512 : i32
        %mul3A_1007 = arith.muli %sub3A_1005, %mul3A_1006 : i32
        %mul3A_1008 = arith.constant 64 : i32
        %mul3A_1009 = arith.muli %select_n3A_1002, %mul3A_1008 : i32
        %mul3A_1010 = arith.constant 4096 : i32
        %mul3A_1011 = arith.muli %select_n3A_1002, %mul3A_1010 : i32
        %add3A_1012 = arith.addi %mul3A_1011, %mul3A_1007 : i32
        %dma_wait3A_1013 = tpu.memref_slice %arg7[%mul3A_1009, %mul3A_1007] : memref<12800x4096xf32, #tpu.memory_space<hbm>> -> memref<64x512xf32, #tpu.memory_space<hbm>>
        %dma_wait3A_1014 = tpu.memref_slice %arg7[%mul3A_1009, %mul3A_1007] : memref<12800x4096xf32, #tpu.memory_space<hbm>> -> memref<64x512xf32, #tpu.memory_space<hbm>>
        tpu.wait_dma2 semaphore(%arg23 : memref<!tpu.dma_semaphore, #tpu.memory_space<semaphore_mem>>) src(%arg13 : memref<64x512xf32, #tpu.memory_space<vmem>>) dst(%dma_wait3A_1014 : memref<64x512xf32, #tpu.memory_space<hbm>>)
        %dma_wait3A_1015 = tpu.memref_slice %arg8[%add3A_1012] : memref<819200xf32, #tpu.memory_space<hbm>> -> memref<512xf32, #tpu.memory_space<hbm>>
        %dma_wait3A_1016 = tpu.memref_slice %arg8[%add3A_1012] : memref<819200xf32, #tpu.memory_space<hbm>> -> memref<512xf32, #tpu.memory_space<hbm>>
        tpu.wait_dma2 semaphore(%arg23 : memref<!tpu.dma_semaphore, #tpu.memory_space<semaphore_mem>>) src(%arg14 : memref<512xf32, #tpu.memory_space<vmem>>) dst(%dma_wait3A_1016 : memref<512xf32, #tpu.memory_space<hbm>>)
      } else {
      }
      %get3A = arith.constant 0 : index
      %get3A_194 = tpu.vector_load %arg12[%get3A] {strides = array<i32>} : memref<1024xf32, #tpu.memory_space<vmem>>, vector<16xf32>,
      %get3A_195 = vector.shape_cast %get3A_194 : vector<16xf32> to vector<16xf32>
      %get3A_196 = arith.constant 16 : index
      %get3A_197 = tpu.vector_load %arg12[%get3A_196] {strides = array<i32>} : memref<1024xf32, #tpu.memory_space<vmem>>, vector<16xf32>,
      %get3A_198 = vector.shape_cast %get3A_197 : vector<16xf32> to vector<16xf32>
      %get3A_199 = arith.constant 32 : index
      %get3A_200 = tpu.vector_load %arg12[%get3A_199] {strides = array<i32>} : memref<1024xf32, #tpu.memory_space<vmem>>, vector<16xf32>,
      %get3A_201 = vector.shape_cast %get3A_200 : vector<16xf32> to vector<16xf32>
      %get3A_202 = arith.constant 48 : index
      %get3A_203 = tpu.vector_load %arg12[%get3A_202] {strides = array<i32>} : memref<1024xf32, #tpu.memory_space<vmem>>, vector<16xf32>,
      %get3A_204 = vector.shape_cast %get3A_203 : vector<16xf32> to vector<16xf32>
      %get3A_205 = arith.constant 64 : index
      %get3A_206 = tpu.vector_load %arg12[%get3A_205] {strides = array<i32>} : memref<1024xf32, #tpu.memory_space<vmem>>, vector<16xf32>,
      %get3A_207 = vector.shape_cast %get3A_206 : vector<16xf32> to vector<16xf32>
      %get3A_208 = arith.constant 80 : index
      %get3A_209 = tpu.vector_load %arg12[%get3A_208] {strides = array<i32>} : memref<1024xf32, #tpu.memory_space<vmem>>, vector<16xf32>,
      %get3A_210 = vector.shape_cast %get3A_209 : vector<16xf32> to vector<16xf32>
      %get3A_211 = arith.constant 96 : index
      %get3A_212 = tpu.vector_load %arg12[%get3A_211] {strides = array<i32>} : memref<1024xf32, #tpu.memory_space<vmem>>, vector<16xf32>,
      %get3A_213 = vector.shape_cast %get3A_212 : vector<16xf32> to vector<16xf32>
      %get3A_214 = arith.constant 112 : index
      %get3A_215 = tpu.vector_load %arg12[%get3A_214] {strides = array<i32>} : memref<1024xf32, #tpu.memory_space<vmem>>, vector<16xf32>,
      %get3A_216 = vector.shape_cast %get3A_215 : vector<16xf32> to vector<16xf32>
      %parallel_loop3A = arith.constant 0 : i32
      %parallel_loop3A_217 = arith.constant 32 : i32
      %parallel_loop3A_218 = arith.constant 1 : i32
      %parallel_loop3A_219:8 = scf.for %parallel_loop3A_976 = %parallel_loop3A to %parallel_loop3A_217 step %parallel_loop3A_218 iter_args(%parallel_loop3A_977 = %get3A_195, %parallel_loop3A_978 = %get3A_198, %parallel_loop3A_979 = %get3A_201, %parallel_loop3A_980 = %get3A_204, %parallel_loop3A_981 = %get3A_207, %parallel_loop3A_982 = %get3A_210, %parallel_loop3A_983 = %get3A_213, %parallel_loop3A_984 = %get3A_216) -> (vector<16xf32>, vector<16xf32>, vector<16xf32>, vector<16xf32>, vector<16xf32>, vector<16xf32>, vector<16xf32>, vector<16xf32>)  : i32 {
        %parallel_loop3A_985 = arith.constant 16 : i32
        %parallel_loop3A_986 = arith.muli %parallel_loop3A_976, %parallel_loop3A_985 : i32
        %parallel_loop3A_987 = arith.index_cast %parallel_loop3A_986 : i32 to index
        %parallel_loop3A_988 = tpu.vector_load %arg9[%parallel_loop3A_987] {strides = array<i32>} : memref<512xi32, #tpu.memory_space<vmem>>, vector<16xi32>,
        %parallel_loop3A_989 = vector.shape_cast %parallel_loop3A_988 : vector<16xi32> to vector<16xi32>
        %parallel_loop3A_990 = arith.constant 0 : i32
        %parallel_loop3A_991 = vector.broadcast %parallel_loop3A_990 : i32 to vector<16xi32>
        %parallel_loop3A_992 = arith.cmpi ne, %parallel_loop3A_989, %parallel_loop3A_991 : vector<16xi32>
        %parallel_loop3A_993 = arith.constant 1.000000e+00 : f32
        %parallel_loop3A_994 = arith.constant 0.000000e+00 : f32
        %parallel_loop3A_995 = vector.broadcast %parallel_loop3A_993 : f32 to vector<16xf32>
        %parallel_loop3A_996 = vector.broadcast %parallel_loop3A_994 : f32 to vector<16xf32>
        %parallel_loop3A_997 = arith.select %parallel_loop3A_992, %parallel_loop3A_995, %parallel_loop3A_996 : vector<16xi1>, vector<16xf32>
        %parallel_loop3A_998 = arith.index_cast %parallel_loop3A_986 : i32 to index
        %parallel_loop3A_999 = tpu.vector_load %arg14[%parallel_loop3A_998] {strides = array<i32>} : memref<512xf32, #tpu.memory_space<vmem>>, vector<16xf32>,
        %parallel_loop3A_1000 = vector.shape_cast %parallel_loop3A_999 : vector<16xf32> to vector<16xf32>
        %parallel_loop3A_1001 = vector.shape_cast %parallel_loop3A_997 : vector<16xf32> to vector<16xf32>
        tpu.vector_store %arg14[%parallel_loop3A_998], %parallel_loop3A_1001 {strides = array<i32>} : memref<512xf32, #tpu.memory_space<vmem>>, vector<16xf32>,
        %parallel_loop3A_1002 = arith.constant 8.000000e+00 : f32
        %parallel_loop3A_1003 = vector.broadcast %parallel_loop3A_1002 : f32 to vector<16xf32>
        %parallel_loop3A_1004 = arith.mulf %parallel_loop3A_997, %parallel_loop3A_1003 : vector<16xf32>
        %parallel_loop3A_1005 = arith.constant 0 : i32
        %parallel_loop3A_1006 = arith.index_cast %parallel_loop3A_1005 : i32 to index
        %parallel_loop3A_1007 = arith.index_cast %parallel_loop3A_986 : i32 to index
        %parallel_loop3A_1008 = tpu.vector_load %arg11[%parallel_loop3A_1006, %parallel_loop3A_1007] {strides = array<i32>} : memref<32x512xf32, #tpu.memory_space<vmem>>, vector<1x16xf32>,
        %parallel_loop3A_1009 = vector.shape_cast %parallel_loop3A_1008 : vector<1x16xf32> to vector<16xf32>
        %parallel_loop3A_1010 = arith.mulf %parallel_loop3A_1009, %parallel_loop3A_1004 : vector<16xf32>
        %parallel_loop3A_1011 = arith.mulf %parallel_loop3A_977, %parallel_loop3A_997 : vector<16xf32>
        %parallel_loop3A_1012 = arith.addf %parallel_loop3A_1010, %parallel_loop3A_1011 : vector<16xf32>
        %parallel_loop3A_1013 = arith.constant 0 : i32
        %parallel_loop3A_1014 = arith.index_cast %parallel_loop3A_1013 : i32 to index
        %parallel_loop3A_1015 = arith.index_cast %parallel_loop3A_986 : i32 to index
        %parallel_loop3A_1016 = tpu.vector_load %arg13[%parallel_loop3A_1014, %parallel_loop3A_1015] {strides = array<i32>} : memref<64x512xf32, #tpu.memory_space<vmem>>, vector<1x16xf32>,
        %parallel_loop3A_1017 = vector.shape_cast %parallel_loop3A_1016 : vector<1x16xf32> to vector<16xf32>
        %parallel_loop3A_1018 = vector.shape_cast %parallel_loop3A_1012 : vector<16xf32> to vector<1x16xf32>
        tpu.vector_store %arg13[%parallel_loop3A_1014, %parallel_loop3A_1015], %parallel_loop3A_1018 {strides = array<i32>} : memref<64x512xf32, #tpu.memory_space<vmem>>, vector<1x16xf32>,
        %parallel_loop3A_1019 = arith.constant 1 : i32
        %parallel_loop3A_1020 = arith.index_cast %parallel_loop3A_1019 : i32 to index
        %parallel_loop3A_1021 = arith.index_cast %parallel_loop3A_986 : i32 to index
        %parallel_loop3A_1022 = tpu.vector_load %arg11[%parallel_loop3A_1020, %parallel_loop3A_1021] {strides = array<i32>} : memref<32x512xf32, #tpu.memory_space<vmem>>, vector<1x16xf32>,
        %parallel_loop3A_1023 = vector.shape_cast %parallel_loop3A_1022 : vector<1x16xf32> to vector<16xf32>
        %parallel_loop3A_1024 = arith.mulf %parallel_loop3A_1023, %parallel_loop3A_1004 : vector<16xf32>
        %parallel_loop3A_1025 = arith.mulf %parallel_loop3A_978, %parallel_loop3A_997 : vector<16xf32>
        %parallel_loop3A_1026 = arith.addf %parallel_loop3A_1024, %parallel_loop3A_1025 : vector<16xf32>
        %parallel_loop3A_1027 = arith.constant 1 : i32
        %parallel_loop3A_1028 = arith.index_cast %parallel_loop3A_1027 : i32 to index
        %parallel_loop3A_1029 = arith.index_cast %parallel_loop3A_986 : i32 to index
        %parallel_loop3A_1030 = tpu.vector_load %arg13[%parallel_loop3A_1028, %parallel_loop3A_1029] {strides = array<i32>} : memref<64x512xf32, #tpu.memory_space<vmem>>, vector<1x16xf32>,
        %parallel_loop3A_1031 = vector.shape_cast %parallel_loop3A_1030 : vector<1x16xf32> to vector<16xf32>
        %parallel_loop3A_1032 = vector.shape_cast %parallel_loop3A_1026 : vector<16xf32> to vector<1x16xf32>
        tpu.vector_store %arg13[%parallel_loop3A_1028, %parallel_loop3A_1029], %parallel_loop3A_1032 {strides = array<i32>} : memref<64x512xf32, #tpu.memory_space<vmem>>, vector<1x16xf32>,
        %parallel_loop3A_1033 = arith.constant 2 : i32
        %parallel_loop3A_1034 = arith.index_cast %parallel_loop3A_1033 : i32 to index
        %parallel_loop3A_1035 = arith.index_cast %parallel_loop3A_986 : i32 to index
        %parallel_loop3A_1036 = tpu.vector_load %arg11[%parallel_loop3A_1034, %parallel_loop3A_1035] {strides = array<i32>} : memref<32x512xf32, #tpu.memory_space<vmem>>, vector<1x16xf32>,
        %parallel_loop3A_1037 = vector.shape_cast %parallel_loop3A_1036 : vector<1x16xf32> to vector<16xf32>
        %parallel_loop3A_1038 = arith.mulf %parallel_loop3A_1037, %parallel_loop3A_1004 : vector<16xf32>
        %parallel_loop3A_1039 = arith.mulf %parallel_loop3A_979, %parallel_loop3A_997 : vector<16xf32>
        %parallel_loop3A_1040 = arith.addf %parallel_loop3A_1038, %parallel_loop3A_1039 : vector<16xf32>
        %parallel_loop3A_1041 = arith.constant 2 : i32
        %parallel_loop3A_1042 = arith.index_cast %parallel_loop3A_1041 : i32 to index
        %parallel_loop3A_1043 = arith.index_cast %parallel_loop3A_986 : i32 to index
        %parallel_loop3A_1044 = tpu.vector_load %arg13[%parallel_loop3A_1042, %parallel_loop3A_1043] {strides = array<i32>} : memref<64x512xf32, #tpu.memory_space<vmem>>, vector<1x16xf32>,
        %parallel_loop3A_1045 = vector.shape_cast %parallel_loop3A_1044 : vector<1x16xf32> to vector<16xf32>
        %parallel_loop3A_1046 = vector.shape_cast %parallel_loop3A_1040 : vector<16xf32> to vector<1x16xf32>
        tpu.vector_store %arg13[%parallel_loop3A_1042, %parallel_loop3A_1043], %parallel_loop3A_1046 {strides = array<i32>} : memref<64x512xf32, #tpu.memory_space<vmem>>, vector<1x16xf32>,
        %parallel_loop3A_1047 = arith.constant 3 : i32
        %parallel_loop3A_1048 = arith.index_cast %parallel_loop3A_1047 : i32 to index
        %parallel_loop3A_1049 = arith.index_cast %parallel_loop3A_986 : i32 to index
        %parallel_loop3A_1050 = tpu.vector_load %arg11[%parallel_loop3A_1048, %parallel_loop3A_1049] {strides = array<i32>} : memref<32x512xf32, #tpu.memory_space<vmem>>, vector<1x16xf32>,
        %parallel_loop3A_1051 = vector.shape_cast %parallel_loop3A_1050 : vector<1x16xf32> to vector<16xf32>
        %parallel_loop3A_1052 = arith.mulf %parallel_loop3A_1051, %parallel_loop3A_1004 : vector<16xf32>
        %parallel_loop3A_1053 = arith.mulf %parallel_loop3A_980, %parallel_loop3A_997 : vector<16xf32>
        %parallel_loop3A_1054 = arith.addf %parallel_loop3A_1052, %parallel_loop3A_1053 : vector<16xf32>
        %parallel_loop3A_1055 = arith.constant 3 : i32
        %parallel_loop3A_1056 = arith.index_cast %parallel_loop3A_1055 : i32 to index
        %parallel_loop3A_1057 = arith.index_cast %parallel_loop3A_986 : i32 to index
        %parallel_loop3A_1058 = tpu.vector_load %arg13[%parallel_loop3A_1056, %parallel_loop3A_1057] {strides = array<i32>} : memref<64x512xf32, #tpu.memory_space<vmem>>, vector<1x16xf32>,
        %parallel_loop3A_1059 = vector.shape_cast %parallel_loop3A_1058 : vector<1x16xf32> to vector<16xf32>
        %parallel_loop3A_1060 = vector.shape_cast %parallel_loop3A_1054 : vector<16xf32> to vector<1x16xf32>
        tpu.vector_store %arg13[%parallel_loop3A_1056, %parallel_loop3A_1057], %parallel_loop3A_1060 {strides = array<i32>} : memref<64x512xf32, #tpu.memory_space<vmem>>, vector<1x16xf32>,
        %parallel_loop3A_1061 = arith.constant 4 : i32
        %parallel_loop3A_1062 = arith.index_cast %parallel_loop3A_1061 : i32 to index
        %parallel_loop3A_1063 = arith.index_cast %parallel_loop3A_986 : i32 to index
        %parallel_loop3A_1064 = tpu.vector_load %arg11[%parallel_loop3A_1062, %parallel_loop3A_1063] {strides = array<i32>} : memref<32x512xf32, #tpu.memory_space<vmem>>, vector<1x16xf32>,
        %parallel_loop3A_1065 = vector.shape_cast %parallel_loop3A_1064 : vector<1x16xf32> to vector<16xf32>
        %parallel_loop3A_1066 = arith.mulf %parallel_loop3A_1065, %parallel_loop3A_1004 : vector<16xf32>
        %parallel_loop3A_1067 = arith.mulf %parallel_loop3A_981, %parallel_loop3A_997 : vector<16xf32>
        %parallel_loop3A_1068 = arith.addf %parallel_loop3A_1066, %parallel_loop3A_1067 : vector<16xf32>
        %parallel_loop3A_1069 = arith.constant 4 : i32
        %parallel_loop3A_1070 = arith.index_cast %parallel_loop3A_1069 : i32 to index
        %parallel_loop3A_1071 = arith.index_cast %parallel_loop3A_986 : i32 to index
        %parallel_loop3A_1072 = tpu.vector_load %arg13[%parallel_loop3A_1070, %parallel_loop3A_1071] {strides = array<i32>} : memref<64x512xf32, #tpu.memory_space<vmem>>, vector<1x16xf32>,
        %parallel_loop3A_1073 = vector.shape_cast %parallel_loop3A_1072 : vector<1x16xf32> to vector<16xf32>
        %parallel_loop3A_1074 = vector.shape_cast %parallel_loop3A_1068 : vector<16xf32> to vector<1x16xf32>
        tpu.vector_store %arg13[%parallel_loop3A_1070, %parallel_loop3A_1071], %parallel_loop3A_1074 {strides = array<i32>} : memref<64x512xf32, #tpu.memory_space<vmem>>, vector<1x16xf32>,
        %parallel_loop3A_1075 = arith.constant 5 : i32
        %parallel_loop3A_1076 = arith.index_cast %parallel_loop3A_1075 : i32 to index
        %parallel_loop3A_1077 = arith.index_cast %parallel_loop3A_986 : i32 to index
        %parallel_loop3A_1078 = tpu.vector_load %arg11[%parallel_loop3A_1076, %parallel_loop3A_1077] {strides = array<i32>} : memref<32x512xf32, #tpu.memory_space<vmem>>, vector<1x16xf32>,
        %parallel_loop3A_1079 = vector.shape_cast %parallel_loop3A_1078 : vector<1x16xf32> to vector<16xf32>
        %parallel_loop3A_1080 = arith.mulf %parallel_loop3A_1079, %parallel_loop3A_1004 : vector<16xf32>
        %parallel_loop3A_1081 = arith.mulf %parallel_loop3A_982, %parallel_loop3A_997 : vector<16xf32>
        %parallel_loop3A_1082 = arith.addf %parallel_loop3A_1080, %parallel_loop3A_1081 : vector<16xf32>
        %parallel_loop3A_1083 = arith.constant 5 : i32
        %parallel_loop3A_1084 = arith.index_cast %parallel_loop3A_1083 : i32 to index
        %parallel_loop3A_1085 = arith.index_cast %parallel_loop3A_986 : i32 to index
        %parallel_loop3A_1086 = tpu.vector_load %arg13[%parallel_loop3A_1084, %parallel_loop3A_1085] {strides = array<i32>} : memref<64x512xf32, #tpu.memory_space<vmem>>, vector<1x16xf32>,
        %parallel_loop3A_1087 = vector.shape_cast %parallel_loop3A_1086 : vector<1x16xf32> to vector<16xf32>
        %parallel_loop3A_1088 = vector.shape_cast %parallel_loop3A_1082 : vector<16xf32> to vector<1x16xf32>
        tpu.vector_store %arg13[%parallel_loop3A_1084, %parallel_loop3A_1085], %parallel_loop3A_1088 {strides = array<i32>} : memref<64x512xf32, #tpu.memory_space<vmem>>, vector<1x16xf32>,
        %parallel_loop3A_1089 = arith.constant 6 : i32
        %parallel_loop3A_1090 = arith.index_cast %parallel_loop3A_1089 : i32 to index
        %parallel_loop3A_1091 = arith.index_cast %parallel_loop3A_986 : i32 to index
        %parallel_loop3A_1092 = tpu.vector_load %arg11[%parallel_loop3A_1090, %parallel_loop3A_1091] {strides = array<i32>} : memref<32x512xf32, #tpu.memory_space<vmem>>, vector<1x16xf32>,
        %parallel_loop3A_1093 = vector.shape_cast %parallel_loop3A_1092 : vector<1x16xf32> to vector<16xf32>
        %parallel_loop3A_1094 = arith.mulf %parallel_loop3A_1093, %parallel_loop3A_1004 : vector<16xf32>
        %parallel_loop3A_1095 = arith.mulf %parallel_loop3A_983, %parallel_loop3A_997 : vector<16xf32>
        %parallel_loop3A_1096 = arith.addf %parallel_loop3A_1094, %parallel_loop3A_1095 : vector<16xf32>
        %parallel_loop3A_1097 = arith.constant 6 : i32
        %parallel_loop3A_1098 = arith.index_cast %parallel_loop3A_1097 : i32 to index
        %parallel_loop3A_1099 = arith.index_cast %parallel_loop3A_986 : i32 to index
        %parallel_loop3A_1100 = tpu.vector_load %arg13[%parallel_loop3A_1098, %parallel_loop3A_1099] {strides = array<i32>} : memref<64x512xf32, #tpu.memory_space<vmem>>, vector<1x16xf32>,
        %parallel_loop3A_1101 = vector.shape_cast %parallel_loop3A_1100 : vector<1x16xf32> to vector<16xf32>
        %parallel_loop3A_1102 = vector.shape_cast %parallel_loop3A_1096 : vector<16xf32> to vector<1x16xf32>
        tpu.vector_store %arg13[%parallel_loop3A_1098, %parallel_loop3A_1099], %parallel_loop3A_1102 {strides = array<i32>} : memref<64x512xf32, #tpu.memory_space<vmem>>, vector<1x16xf32>,
        %parallel_loop3A_1103 = arith.constant 7 : i32
        %parallel_loop3A_1104 = arith.index_cast %parallel_loop3A_1103 : i32 to index
        %parallel_loop3A_1105 = arith.index_cast %parallel_loop3A_986 : i32 to index
        %parallel_loop3A_1106 = tpu.vector_load %arg11[%parallel_loop3A_1104, %parallel_loop3A_1105] {strides = array<i32>} : memref<32x512xf32, #tpu.memory_space<vmem>>, vector<1x16xf32>,
        %parallel_loop3A_1107 = vector.shape_cast %parallel_loop3A_1106 : vector<1x16xf32> to vector<16xf32>
        %parallel_loop3A_1108 = arith.mulf %parallel_loop3A_1107, %parallel_loop3A_1004 : vector<16xf32>
        %parallel_loop3A_1109 = arith.mulf %parallel_loop3A_984, %parallel_loop3A_997 : vector<16xf32>
        %parallel_loop3A_1110 = arith.addf %parallel_loop3A_1108, %parallel_loop3A_1109 : vector<16xf32>
        %parallel_loop3A_1111 = arith.constant 7 : i32
        %parallel_loop3A_1112 = arith.index_cast %parallel_loop3A_1111 : i32 to index
        %parallel_loop3A_1113 = arith.index_cast %parallel_loop3A_986 : i32 to index
        %parallel_loop3A_1114 = tpu.vector_load %arg13[%parallel_loop3A_1112, %parallel_loop3A_1113] {strides = array<i32>} : memref<64x512xf32, #tpu.memory_space<vmem>>, vector<1x16xf32>,
        %parallel_loop3A_1115 = vector.shape_cast %parallel_loop3A_1114 : vector<1x16xf32> to vector<16xf32>
        %parallel_loop3A_1116 = vector.shape_cast %parallel_loop3A_1110 : vector<16xf32> to vector<1x16xf32>
        tpu.vector_store %arg13[%parallel_loop3A_1112, %parallel_loop3A_1113], %parallel_loop3A_1116 {strides = array<i32>} : memref<64x512xf32, #tpu.memory_space<vmem>>, vector<1x16xf32>,
        scf.yield %parallel_loop3A_977, %parallel_loop3A_978, %parallel_loop3A_979, %parallel_loop3A_980, %parallel_loop3A_981, %parallel_loop3A_982, %parallel_loop3A_983, %parallel_loop3A_984 : vector<16xf32>, vector<16xf32>, vector<16xf32>, vector<16xf32>, vector<16xf32>, vector<16xf32>, vector<16xf32>, vector<16xf32>
      } {sc.loop_unroll_factor = 1 : i64, sc.parallel_access}
      %get3A_220 = arith.constant 128 : index
      %get3A_221 = tpu.vector_load %arg12[%get3A_220] {strides = array<i32>} : memref<1024xf32, #tpu.memory_space<vmem>>, vector<16xf32>,
      %get3A_222 = vector.shape_cast %get3A_221 : vector<16xf32> to vector<16xf32>
      %get3A_223 = arith.constant 144 : index
      %get3A_224 = tpu.vector_load %arg12[%get3A_223] {strides = array<i32>} : memref<1024xf32, #tpu.memory_space<vmem>>, vector<16xf32>,
      %get3A_225 = vector.shape_cast %get3A_224 : vector<16xf32> to vector<16xf32>
      %get3A_226 = arith.constant 160 : index
      %get3A_227 = tpu.vector_load %arg12[%get3A_226] {strides = array<i32>} : memref<1024xf32, #tpu.memory_space<vmem>>, vector<16xf32>,
      %get3A_228 = vector.shape_cast %get3A_227 : vector<16xf32> to vector<16xf32>
      %get3A_229 = arith.constant 176 : index
      %get3A_230 = tpu.vector_load %arg12[%get3A_229] {strides = array<i32>} : memref<1024xf32, #tpu.memory_space<vmem>>, vector<16xf32>,
      %get3A_231 = vector.shape_cast %get3A_230 : vector<16xf32> to vector<16xf32>
      %get3A_232 = arith.constant 192 : index
      %get3A_233 = tpu.vector_load %arg12[%get3A_232] {strides = array<i32>} : memref<1024xf32, #tpu.memory_space<vmem>>, vector<16xf32>,
      %get3A_234 = vector.shape_cast %get3A_233 : vector<16xf32> to vector<16xf32>
      %get3A_235 = arith.constant 208 : index
      %get3A_236 = tpu.vector_load %arg12[%get3A_235] {strides = array<i32>} : memref<1024xf32, #tpu.memory_space<vmem>>, vector<16xf32>,
      %get3A_237 = vector.shape_cast %get3A_236 : vector<16xf32> to vector<16xf32>
      %get3A_238 = arith.constant 224 : index
      %get3A_239 = tpu.vector_load %arg12[%get3A_238] {strides = array<i32>} : memref<1024xf32, #tpu.memory_space<vmem>>, vector<16xf32>,
      %get3A_240 = vector.shape_cast %get3A_239 : vector<16xf32> to vector<16xf32>
      %get3A_241 = arith.constant 240 : index
      %get3A_242 = tpu.vector_load %arg12[%get3A_241] {strides = array<i32>} : memref<1024xf32, #tpu.memory_space<vmem>>, vector<16xf32>,
      %get3A_243 = vector.shape_cast %get3A_242 : vector<16xf32> to vector<16xf32>
      %parallel_loop3A_244 = arith.constant 0 : i32
      %parallel_loop3A_245 = arith.constant 32 : i32
      %parallel_loop3A_246 = arith.constant 1 : i32
      %parallel_loop3A_247:8 = scf.for %parallel_loop3A_976 = %parallel_loop3A_244 to %parallel_loop3A_245 step %parallel_loop3A_246 iter_args(%parallel_loop3A_977 = %get3A_222, %parallel_loop3A_978 = %get3A_225, %parallel_loop3A_979 = %get3A_228, %parallel_loop3A_980 = %get3A_231, %parallel_loop3A_981 = %get3A_234, %parallel_loop3A_982 = %get3A_237, %parallel_loop3A_983 = %get3A_240, %parallel_loop3A_984 = %get3A_243) -> (vector<16xf32>, vector<16xf32>, vector<16xf32>, vector<16xf32>, vector<16xf32>, vector<16xf32>, vector<16xf32>, vector<16xf32>)  : i32 {
        %parallel_loop3A_985 = arith.constant 16 : i32
        %parallel_loop3A_986 = arith.muli %parallel_loop3A_976, %parallel_loop3A_985 : i32
        %parallel_loop3A_987 = arith.index_cast %parallel_loop3A_986 : i32 to index
        %parallel_loop3A_988 = tpu.vector_load %arg9[%parallel_loop3A_987] {strides = array<i32>} : memref<512xi32, #tpu.memory_space<vmem>>, vector<16xi32>,
        %parallel_loop3A_989 = vector.shape_cast %parallel_loop3A_988 : vector<16xi32> to vector<16xi32>
        %parallel_loop3A_990 = arith.constant 0 : i32
        %parallel_loop3A_991 = vector.broadcast %parallel_loop3A_990 : i32 to vector<16xi32>
        %parallel_loop3A_992 = arith.cmpi ne, %parallel_loop3A_989, %parallel_loop3A_991 : vector<16xi32>
        %parallel_loop3A_993 = arith.constant 1.000000e+00 : f32
        %parallel_loop3A_994 = arith.constant 0.000000e+00 : f32
        %parallel_loop3A_995 = vector.broadcast %parallel_loop3A_993 : f32 to vector<16xf32>
        %parallel_loop3A_996 = vector.broadcast %parallel_loop3A_994 : f32 to vector<16xf32>
        %parallel_loop3A_997 = arith.select %parallel_loop3A_992, %parallel_loop3A_995, %parallel_loop3A_996 : vector<16xi1>, vector<16xf32>
        %parallel_loop3A_998 = arith.constant 8.000000e+00 : f32
        %parallel_loop3A_999 = vector.broadcast %parallel_loop3A_998 : f32 to vector<16xf32>
        %parallel_loop3A_1000 = arith.mulf %parallel_loop3A_997, %parallel_loop3A_999 : vector<16xf32>
        %parallel_loop3A_1001 = arith.constant 8 : i32
        %parallel_loop3A_1002 = arith.index_cast %parallel_loop3A_1001 : i32 to index
        %parallel_loop3A_1003 = arith.index_cast %parallel_loop3A_986 : i32 to index
        %parallel_loop3A_1004 = tpu.vector_load %arg11[%parallel_loop3A_1002, %parallel_loop3A_1003] {strides = array<i32>} : memref<32x512xf32, #tpu.memory_space<vmem>>, vector<1x16xf32>,
        %parallel_loop3A_1005 = vector.shape_cast %parallel_loop3A_1004 : vector<1x16xf32> to vector<16xf32>
        %parallel_loop3A_1006 = arith.mulf %parallel_loop3A_1005, %parallel_loop3A_1000 : vector<16xf32>
        %parallel_loop3A_1007 = arith.mulf %parallel_loop3A_977, %parallel_loop3A_997 : vector<16xf32>
        %parallel_loop3A_1008 = arith.addf %parallel_loop3A_1006, %parallel_loop3A_1007 : vector<16xf32>
        %parallel_loop3A_1009 = arith.constant 8 : i32
        %parallel_loop3A_1010 = arith.index_cast %parallel_loop3A_1009 : i32 to index
        %parallel_loop3A_1011 = arith.index_cast %parallel_loop3A_986 : i32 to index
        %parallel_loop3A_1012 = tpu.vector_load %arg13[%parallel_loop3A_1010, %parallel_loop3A_1011] {strides = array<i32>} : memref<64x512xf32, #tpu.memory_space<vmem>>, vector<1x16xf32>,
        %parallel_loop3A_1013 = vector.shape_cast %parallel_loop3A_1012 : vector<1x16xf32> to vector<16xf32>
        %parallel_loop3A_1014 = vector.shape_cast %parallel_loop3A_1008 : vector<16xf32> to vector<1x16xf32>
        tpu.vector_store %arg13[%parallel_loop3A_1010, %parallel_loop3A_1011], %parallel_loop3A_1014 {strides = array<i32>} : memref<64x512xf32, #tpu.memory_space<vmem>>, vector<1x16xf32>,
        %parallel_loop3A_1015 = arith.constant 9 : i32
        %parallel_loop3A_1016 = arith.index_cast %parallel_loop3A_1015 : i32 to index
        %parallel_loop3A_1017 = arith.index_cast %parallel_loop3A_986 : i32 to index
        %parallel_loop3A_1018 = tpu.vector_load %arg11[%parallel_loop3A_1016, %parallel_loop3A_1017] {strides = array<i32>} : memref<32x512xf32, #tpu.memory_space<vmem>>, vector<1x16xf32>,
        %parallel_loop3A_1019 = vector.shape_cast %parallel_loop3A_1018 : vector<1x16xf32> to vector<16xf32>
        %parallel_loop3A_1020 = arith.mulf %parallel_loop3A_1019, %parallel_loop3A_1000 : vector<16xf32>
        %parallel_loop3A_1021 = arith.mulf %parallel_loop3A_978, %parallel_loop3A_997 : vector<16xf32>
        %parallel_loop3A_1022 = arith.addf %parallel_loop3A_1020, %parallel_loop3A_1021 : vector<16xf32>
        %parallel_loop3A_1023 = arith.constant 9 : i32
        %parallel_loop3A_1024 = arith.index_cast %parallel_loop3A_1023 : i32 to index
        %parallel_loop3A_1025 = arith.index_cast %parallel_loop3A_986 : i32 to index
        %parallel_loop3A_1026 = tpu.vector_load %arg13[%parallel_loop3A_1024, %parallel_loop3A_1025] {strides = array<i32>} : memref<64x512xf32, #tpu.memory_space<vmem>>, vector<1x16xf32>,
        %parallel_loop3A_1027 = vector.shape_cast %parallel_loop3A_1026 : vector<1x16xf32> to vector<16xf32>
        %parallel_loop3A_1028 = vector.shape_cast %parallel_loop3A_1022 : vector<16xf32> to vector<1x16xf32>
        tpu.vector_store %arg13[%parallel_loop3A_1024, %parallel_loop3A_1025], %parallel_loop3A_1028 {strides = array<i32>} : memref<64x512xf32, #tpu.memory_space<vmem>>, vector<1x16xf32>,
        %parallel_loop3A_1029 = arith.constant 10 : i32
        %parallel_loop3A_1030 = arith.index_cast %parallel_loop3A_1029 : i32 to index
        %parallel_loop3A_1031 = arith.index_cast %parallel_loop3A_986 : i32 to index
        %parallel_loop3A_1032 = tpu.vector_load %arg11[%parallel_loop3A_1030, %parallel_loop3A_1031] {strides = array<i32>} : memref<32x512xf32, #tpu.memory_space<vmem>>, vector<1x16xf32>,
        %parallel_loop3A_1033 = vector.shape_cast %parallel_loop3A_1032 : vector<1x16xf32> to vector<16xf32>
        %parallel_loop3A_1034 = arith.mulf %parallel_loop3A_1033, %parallel_loop3A_1000 : vector<16xf32>
        %parallel_loop3A_1035 = arith.mulf %parallel_loop3A_979, %parallel_loop3A_997 : vector<16xf32>
        %parallel_loop3A_1036 = arith.addf %parallel_loop3A_1034, %parallel_loop3A_1035 : vector<16xf32>
        %parallel_loop3A_1037 = arith.constant 10 : i32
        %parallel_loop3A_1038 = arith.index_cast %parallel_loop3A_1037 : i32 to index
        %parallel_loop3A_1039 = arith.index_cast %parallel_loop3A_986 : i32 to index
        %parallel_loop3A_1040 = tpu.vector_load %arg13[%parallel_loop3A_1038, %parallel_loop3A_1039] {strides = array<i32>} : memref<64x512xf32, #tpu.memory_space<vmem>>, vector<1x16xf32>,
        %parallel_loop3A_1041 = vector.shape_cast %parallel_loop3A_1040 : vector<1x16xf32> to vector<16xf32>
        %parallel_loop3A_1042 = vector.shape_cast %parallel_loop3A_1036 : vector<16xf32> to vector<1x16xf32>
        tpu.vector_store %arg13[%parallel_loop3A_1038, %parallel_loop3A_1039], %parallel_loop3A_1042 {strides = array<i32>} : memref<64x512xf32, #tpu.memory_space<vmem>>, vector<1x16xf32>,
        %parallel_loop3A_1043 = arith.constant 11 : i32
        %parallel_loop3A_1044 = arith.index_cast %parallel_loop3A_1043 : i32 to index
        %parallel_loop3A_1045 = arith.index_cast %parallel_loop3A_986 : i32 to index
        %parallel_loop3A_1046 = tpu.vector_load %arg11[%parallel_loop3A_1044, %parallel_loop3A_1045] {strides = array<i32>} : memref<32x512xf32, #tpu.memory_space<vmem>>, vector<1x16xf32>,
        %parallel_loop3A_1047 = vector.shape_cast %parallel_loop3A_1046 : vector<1x16xf32> to vector<16xf32>
        %parallel_loop3A_1048 = arith.mulf %parallel_loop3A_1047, %parallel_loop3A_1000 : vector<16xf32>
        %parallel_loop3A_1049 = arith.mulf %parallel_loop3A_980, %parallel_loop3A_997 : vector<16xf32>
        %parallel_loop3A_1050 = arith.addf %parallel_loop3A_1048, %parallel_loop3A_1049 : vector<16xf32>
        %parallel_loop3A_1051 = arith.constant 11 : i32
        %parallel_loop3A_1052 = arith.index_cast %parallel_loop3A_1051 : i32 to index
        %parallel_loop3A_1053 = arith.index_cast %parallel_loop3A_986 : i32 to index
        %parallel_loop3A_1054 = tpu.vector_load %arg13[%parallel_loop3A_1052, %parallel_loop3A_1053] {strides = array<i32>} : memref<64x512xf32, #tpu.memory_space<vmem>>, vector<1x16xf32>,
        %parallel_loop3A_1055 = vector.shape_cast %parallel_loop3A_1054 : vector<1x16xf32> to vector<16xf32>
        %parallel_loop3A_1056 = vector.shape_cast %parallel_loop3A_1050 : vector<16xf32> to vector<1x16xf32>
        tpu.vector_store %arg13[%parallel_loop3A_1052, %parallel_loop3A_1053], %parallel_loop3A_1056 {strides = array<i32>} : memref<64x512xf32, #tpu.memory_space<vmem>>, vector<1x16xf32>,
        %parallel_loop3A_1057 = arith.constant 12 : i32
        %parallel_loop3A_1058 = arith.index_cast %parallel_loop3A_1057 : i32 to index
        %parallel_loop3A_1059 = arith.index_cast %parallel_loop3A_986 : i32 to index
        %parallel_loop3A_1060 = tpu.vector_load %arg11[%parallel_loop3A_1058, %parallel_loop3A_1059] {strides = array<i32>} : memref<32x512xf32, #tpu.memory_space<vmem>>, vector<1x16xf32>,
        %parallel_loop3A_1061 = vector.shape_cast %parallel_loop3A_1060 : vector<1x16xf32> to vector<16xf32>
        %parallel_loop3A_1062 = arith.mulf %parallel_loop3A_1061, %parallel_loop3A_1000 : vector<16xf32>
        %parallel_loop3A_1063 = arith.mulf %parallel_loop3A_981, %parallel_loop3A_997 : vector<16xf32>
        %parallel_loop3A_1064 = arith.addf %parallel_loop3A_1062, %parallel_loop3A_1063 : vector<16xf32>
        %parallel_loop3A_1065 = arith.constant 12 : i32
        %parallel_loop3A_1066 = arith.index_cast %parallel_loop3A_1065 : i32 to index
        %parallel_loop3A_1067 = arith.index_cast %parallel_loop3A_986 : i32 to index
        %parallel_loop3A_1068 = tpu.vector_load %arg13[%parallel_loop3A_1066, %parallel_loop3A_1067] {strides = array<i32>} : memref<64x512xf32, #tpu.memory_space<vmem>>, vector<1x16xf32>,
        %parallel_loop3A_1069 = vector.shape_cast %parallel_loop3A_1068 : vector<1x16xf32> to vector<16xf32>
        %parallel_loop3A_1070 = vector.shape_cast %parallel_loop3A_1064 : vector<16xf32> to vector<1x16xf32>
        tpu.vector_store %arg13[%parallel_loop3A_1066, %parallel_loop3A_1067], %parallel_loop3A_1070 {strides = array<i32>} : memref<64x512xf32, #tpu.memory_space<vmem>>, vector<1x16xf32>,
        %parallel_loop3A_1071 = arith.constant 13 : i32
        %parallel_loop3A_1072 = arith.index_cast %parallel_loop3A_1071 : i32 to index
        %parallel_loop3A_1073 = arith.index_cast %parallel_loop3A_986 : i32 to index
        %parallel_loop3A_1074 = tpu.vector_load %arg11[%parallel_loop3A_1072, %parallel_loop3A_1073] {strides = array<i32>} : memref<32x512xf32, #tpu.memory_space<vmem>>, vector<1x16xf32>,
        %parallel_loop3A_1075 = vector.shape_cast %parallel_loop3A_1074 : vector<1x16xf32> to vector<16xf32>
        %parallel_loop3A_1076 = arith.mulf %parallel_loop3A_1075, %parallel_loop3A_1000 : vector<16xf32>
        %parallel_loop3A_1077 = arith.mulf %parallel_loop3A_982, %parallel_loop3A_997 : vector<16xf32>
        %parallel_loop3A_1078 = arith.addf %parallel_loop3A_1076, %parallel_loop3A_1077 : vector<16xf32>
        %parallel_loop3A_1079 = arith.constant 13 : i32
        %parallel_loop3A_1080 = arith.index_cast %parallel_loop3A_1079 : i32 to index
        %parallel_loop3A_1081 = arith.index_cast %parallel_loop3A_986 : i32 to index
        %parallel_loop3A_1082 = tpu.vector_load %arg13[%parallel_loop3A_1080, %parallel_loop3A_1081] {strides = array<i32>} : memref<64x512xf32, #tpu.memory_space<vmem>>, vector<1x16xf32>,
        %parallel_loop3A_1083 = vector.shape_cast %parallel_loop3A_1082 : vector<1x16xf32> to vector<16xf32>
        %parallel_loop3A_1084 = vector.shape_cast %parallel_loop3A_1078 : vector<16xf32> to vector<1x16xf32>
        tpu.vector_store %arg13[%parallel_loop3A_1080, %parallel_loop3A_1081], %parallel_loop3A_1084 {strides = array<i32>} : memref<64x512xf32, #tpu.memory_space<vmem>>, vector<1x16xf32>,
        %parallel_loop3A_1085 = arith.constant 14 : i32
        %parallel_loop3A_1086 = arith.index_cast %parallel_loop3A_1085 : i32 to index
        %parallel_loop3A_1087 = arith.index_cast %parallel_loop3A_986 : i32 to index
        %parallel_loop3A_1088 = tpu.vector_load %arg11[%parallel_loop3A_1086, %parallel_loop3A_1087] {strides = array<i32>} : memref<32x512xf32, #tpu.memory_space<vmem>>, vector<1x16xf32>,
        %parallel_loop3A_1089 = vector.shape_cast %parallel_loop3A_1088 : vector<1x16xf32> to vector<16xf32>
        %parallel_loop3A_1090 = arith.mulf %parallel_loop3A_1089, %parallel_loop3A_1000 : vector<16xf32>
        %parallel_loop3A_1091 = arith.mulf %parallel_loop3A_983, %parallel_loop3A_997 : vector<16xf32>
        %parallel_loop3A_1092 = arith.addf %parallel_loop3A_1090, %parallel_loop3A_1091 : vector<16xf32>
        %parallel_loop3A_1093 = arith.constant 14 : i32
        %parallel_loop3A_1094 = arith.index_cast %parallel_loop3A_1093 : i32 to index
        %parallel_loop3A_1095 = arith.index_cast %parallel_loop3A_986 : i32 to index
        %parallel_loop3A_1096 = tpu.vector_load %arg13[%parallel_loop3A_1094, %parallel_loop3A_1095] {strides = array<i32>} : memref<64x512xf32, #tpu.memory_space<vmem>>, vector<1x16xf32>,
        %parallel_loop3A_1097 = vector.shape_cast %parallel_loop3A_1096 : vector<1x16xf32> to vector<16xf32>
        %parallel_loop3A_1098 = vector.shape_cast %parallel_loop3A_1092 : vector<16xf32> to vector<1x16xf32>
        tpu.vector_store %arg13[%parallel_loop3A_1094, %parallel_loop3A_1095], %parallel_loop3A_1098 {strides = array<i32>} : memref<64x512xf32, #tpu.memory_space<vmem>>, vector<1x16xf32>,
        %parallel_loop3A_1099 = arith.constant 15 : i32
        %parallel_loop3A_1100 = arith.index_cast %parallel_loop3A_1099 : i32 to index
        %parallel_loop3A_1101 = arith.index_cast %parallel_loop3A_986 : i32 to index
        %parallel_loop3A_1102 = tpu.vector_load %arg11[%parallel_loop3A_1100, %parallel_loop3A_1101] {strides = array<i32>} : memref<32x512xf32, #tpu.memory_space<vmem>>, vector<1x16xf32>,
        %parallel_loop3A_1103 = vector.shape_cast %parallel_loop3A_1102 : vector<1x16xf32> to vector<16xf32>
        %parallel_loop3A_1104 = arith.mulf %parallel_loop3A_1103, %parallel_loop3A_1000 : vector<16xf32>
        %parallel_loop3A_1105 = arith.mulf %parallel_loop3A_984, %parallel_loop3A_997 : vector<16xf32>
        %parallel_loop3A_1106 = arith.addf %parallel_loop3A_1104, %parallel_loop3A_1105 : vector<16xf32>
        %parallel_loop3A_1107 = arith.constant 15 : i32
        %parallel_loop3A_1108 = arith.index_cast %parallel_loop3A_1107 : i32 to index
        %parallel_loop3A_1109 = arith.index_cast %parallel_loop3A_986 : i32 to index
        %parallel_loop3A_1110 = tpu.vector_load %arg13[%parallel_loop3A_1108, %parallel_loop3A_1109] {strides = array<i32>} : memref<64x512xf32, #tpu.memory_space<vmem>>, vector<1x16xf32>,
        %parallel_loop3A_1111 = vector.shape_cast %parallel_loop3A_1110 : vector<1x16xf32> to vector<16xf32>
        %parallel_loop3A_1112 = vector.shape_cast %parallel_loop3A_1106 : vector<16xf32> to vector<1x16xf32>
        tpu.vector_store %arg13[%parallel_loop3A_1108, %parallel_loop3A_1109], %parallel_loop3A_1112 {strides = array<i32>} : memref<64x512xf32, #tpu.memory_space<vmem>>, vector<1x16xf32>,
        scf.yield %parallel_loop3A_977, %parallel_loop3A_978, %parallel_loop3A_979, %parallel_loop3A_980, %parallel_loop3A_981, %parallel_loop3A_982, %parallel_loop3A_983, %parallel_loop3A_984 : vector<16xf32>, vector<16xf32>, vector<16xf32>, vector<16xf32>, vector<16xf32>, vector<16xf32>, vector<16xf32>, vector<16xf32>
      } {sc.loop_unroll_factor = 1 : i64, sc.parallel_access}
      %get3A_248 = arith.constant 256 : index
      %get3A_249 = tpu.vector_load %arg12[%get3A_248] {strides = array<i32>} : memref<1024xf32, #tpu.memory_space<vmem>>, vector<16xf32>,
      %get3A_250 = vector.shape_cast %get3A_249 : vector<16xf32> to vector<16xf32>
      %get3A_251 = arith.constant 272 : index
      %get3A_252 = tpu.vector_load %arg12[%get3A_251] {strides = array<i32>} : memref<1024xf32, #tpu.memory_space<vmem>>, vector<16xf32>,
      %get3A_253 = vector.shape_cast %get3A_252 : vector<16xf32> to vector<16xf32>
      %get3A_254 = arith.constant 288 : index
      %get3A_255 = tpu.vector_load %arg12[%get3A_254] {strides = array<i32>} : memref<1024xf32, #tpu.memory_space<vmem>>, vector<16xf32>,
      %get3A_256 = vector.shape_cast %get3A_255 : vector<16xf32> to vector<16xf32>
      %get3A_257 = arith.constant 304 : index
      %get3A_258 = tpu.vector_load %arg12[%get3A_257] {strides = array<i32>} : memref<1024xf32, #tpu.memory_space<vmem>>, vector<16xf32>,
      %get3A_259 = vector.shape_cast %get3A_258 : vector<16xf32> to vector<16xf32>
      %get3A_260 = arith.constant 320 : index
      %get3A_261 = tpu.vector_load %arg12[%get3A_260] {strides = array<i32>} : memref<1024xf32, #tpu.memory_space<vmem>>, vector<16xf32>,
      %get3A_262 = vector.shape_cast %get3A_261 : vector<16xf32> to vector<16xf32>
      %get3A_263 = arith.constant 336 : index
      %get3A_264 = tpu.vector_load %arg12[%get3A_263] {strides = array<i32>} : memref<1024xf32, #tpu.memory_space<vmem>>, vector<16xf32>,
      %get3A_265 = vector.shape_cast %get3A_264 : vector<16xf32> to vector<16xf32>
      %get3A_266 = arith.constant 352 : index
      %get3A_267 = tpu.vector_load %arg12[%get3A_266] {strides = array<i32>} : memref<1024xf32, #tpu.memory_space<vmem>>, vector<16xf32>,
      %get3A_268 = vector.shape_cast %get3A_267 : vector<16xf32> to vector<16xf32>
      %get3A_269 = arith.constant 368 : index
      %get3A_270 = tpu.vector_load %arg12[%get3A_269] {strides = array<i32>} : memref<1024xf32, #tpu.memory_space<vmem>>, vector<16xf32>,
      %get3A_271 = vector.shape_cast %get3A_270 : vector<16xf32> to vector<16xf32>
      %parallel_loop3A_272 = arith.constant 0 : i32
      %parallel_loop3A_273 = arith.constant 32 : i32
      %parallel_loop3A_274 = arith.constant 1 : i32
      %parallel_loop3A_275:8 = scf.for %parallel_loop3A_976 = %parallel_loop3A_272 to %parallel_loop3A_273 step %parallel_loop3A_274 iter_args(%parallel_loop3A_977 = %get3A_250, %parallel_loop3A_978 = %get3A_253, %parallel_loop3A_979 = %get3A_256, %parallel_loop3A_980 = %get3A_259, %parallel_loop3A_981 = %get3A_262, %parallel_loop3A_982 = %get3A_265, %parallel_loop3A_983 = %get3A_268, %parallel_loop3A_984 = %get3A_271) -> (vector<16xf32>, vector<16xf32>, vector<16xf32>, vector<16xf32>, vector<16xf32>, vector<16xf32>, vector<16xf32>, vector<16xf32>)  : i32 {
        %parallel_loop3A_985 = arith.constant 16 : i32
        %parallel_loop3A_986 = arith.muli %parallel_loop3A_976, %parallel_loop3A_985 : i32
        %parallel_loop3A_987 = arith.index_cast %parallel_loop3A_986 : i32 to index
        %parallel_loop3A_988 = tpu.vector_load %arg9[%parallel_loop3A_987] {strides = array<i32>} : memref<512xi32, #tpu.memory_space<vmem>>, vector<16xi32>,
        %parallel_loop3A_989 = vector.shape_cast %parallel_loop3A_988 : vector<16xi32> to vector<16xi32>
        %parallel_loop3A_990 = arith.constant 0 : i32
        %parallel_loop3A_991 = vector.broadcast %parallel_loop3A_990 : i32 to vector<16xi32>
        %parallel_loop3A_992 = arith.cmpi ne, %parallel_loop3A_989, %parallel_loop3A_991 : vector<16xi32>
        %parallel_loop3A_993 = arith.constant 1.000000e+00 : f32
        %parallel_loop3A_994 = arith.constant 0.000000e+00 : f32
        %parallel_loop3A_995 = vector.broadcast %parallel_loop3A_993 : f32 to vector<16xf32>
        %parallel_loop3A_996 = vector.broadcast %parallel_loop3A_994 : f32 to vector<16xf32>
        %parallel_loop3A_997 = arith.select %parallel_loop3A_992, %parallel_loop3A_995, %parallel_loop3A_996 : vector<16xi1>, vector<16xf32>
        %parallel_loop3A_998 = arith.constant 8.000000e+00 : f32
        %parallel_loop3A_999 = vector.broadcast %parallel_loop3A_998 : f32 to vector<16xf32>
        %parallel_loop3A_1000 = arith.mulf %parallel_loop3A_997, %parallel_loop3A_999 : vector<16xf32>
        %parallel_loop3A_1001 = arith.constant 16 : i32
        %parallel_loop3A_1002 = arith.index_cast %parallel_loop3A_1001 : i32 to index
        %parallel_loop3A_1003 = arith.index_cast %parallel_loop3A_986 : i32 to index
        %parallel_loop3A_1004 = tpu.vector_load %arg11[%parallel_loop3A_1002, %parallel_loop3A_1003] {strides = array<i32>} : memref<32x512xf32, #tpu.memory_space<vmem>>, vector<1x16xf32>,
        %parallel_loop3A_1005 = vector.shape_cast %parallel_loop3A_1004 : vector<1x16xf32> to vector<16xf32>
        %parallel_loop3A_1006 = arith.mulf %parallel_loop3A_1005, %parallel_loop3A_1000 : vector<16xf32>
        %parallel_loop3A_1007 = arith.mulf %parallel_loop3A_977, %parallel_loop3A_997 : vector<16xf32>
        %parallel_loop3A_1008 = arith.addf %parallel_loop3A_1006, %parallel_loop3A_1007 : vector<16xf32>
        %parallel_loop3A_1009 = arith.constant 16 : i32
        %parallel_loop3A_1010 = arith.index_cast %parallel_loop3A_1009 : i32 to index
        %parallel_loop3A_1011 = arith.index_cast %parallel_loop3A_986 : i32 to index
        %parallel_loop3A_1012 = tpu.vector_load %arg13[%parallel_loop3A_1010, %parallel_loop3A_1011] {strides = array<i32>} : memref<64x512xf32, #tpu.memory_space<vmem>>, vector<1x16xf32>,
        %parallel_loop3A_1013 = vector.shape_cast %parallel_loop3A_1012 : vector<1x16xf32> to vector<16xf32>
        %parallel_loop3A_1014 = vector.shape_cast %parallel_loop3A_1008 : vector<16xf32> to vector<1x16xf32>
        tpu.vector_store %arg13[%parallel_loop3A_1010, %parallel_loop3A_1011], %parallel_loop3A_1014 {strides = array<i32>} : memref<64x512xf32, #tpu.memory_space<vmem>>, vector<1x16xf32>,
        %parallel_loop3A_1015 = arith.constant 17 : i32
        %parallel_loop3A_1016 = arith.index_cast %parallel_loop3A_1015 : i32 to index
        %parallel_loop3A_1017 = arith.index_cast %parallel_loop3A_986 : i32 to index
        %parallel_loop3A_1018 = tpu.vector_load %arg11[%parallel_loop3A_1016, %parallel_loop3A_1017] {strides = array<i32>} : memref<32x512xf32, #tpu.memory_space<vmem>>, vector<1x16xf32>,
        %parallel_loop3A_1019 = vector.shape_cast %parallel_loop3A_1018 : vector<1x16xf32> to vector<16xf32>
        %parallel_loop3A_1020 = arith.mulf %parallel_loop3A_1019, %parallel_loop3A_1000 : vector<16xf32>
        %parallel_loop3A_1021 = arith.mulf %parallel_loop3A_978, %parallel_loop3A_997 : vector<16xf32>
        %parallel_loop3A_1022 = arith.addf %parallel_loop3A_1020, %parallel_loop3A_1021 : vector<16xf32>
        %parallel_loop3A_1023 = arith.constant 17 : i32
        %parallel_loop3A_1024 = arith.index_cast %parallel_loop3A_1023 : i32 to index
        %parallel_loop3A_1025 = arith.index_cast %parallel_loop3A_986 : i32 to index
        %parallel_loop3A_1026 = tpu.vector_load %arg13[%parallel_loop3A_1024, %parallel_loop3A_1025] {strides = array<i32>} : memref<64x512xf32, #tpu.memory_space<vmem>>, vector<1x16xf32>,
        %parallel_loop3A_1027 = vector.shape_cast %parallel_loop3A_1026 : vector<1x16xf32> to vector<16xf32>
        %parallel_loop3A_1028 = vector.shape_cast %parallel_loop3A_1022 : vector<16xf32> to vector<1x16xf32>
        tpu.vector_store %arg13[%parallel_loop3A_1024, %parallel_loop3A_1025], %parallel_loop3A_1028 {strides = array<i32>} : memref<64x512xf32, #tpu.memory_space<vmem>>, vector<1x16xf32>,
        %parallel_loop3A_1029 = arith.constant 18 : i32
        %parallel_loop3A_1030 = arith.index_cast %parallel_loop3A_1029 : i32 to index
        %parallel_loop3A_1031 = arith.index_cast %parallel_loop3A_986 : i32 to index
        %parallel_loop3A_1032 = tpu.vector_load %arg11[%parallel_loop3A_1030, %parallel_loop3A_1031] {strides = array<i32>} : memref<32x512xf32, #tpu.memory_space<vmem>>, vector<1x16xf32>,
        %parallel_loop3A_1033 = vector.shape_cast %parallel_loop3A_1032 : vector<1x16xf32> to vector<16xf32>
        %parallel_loop3A_1034 = arith.mulf %parallel_loop3A_1033, %parallel_loop3A_1000 : vector<16xf32>
        %parallel_loop3A_1035 = arith.mulf %parallel_loop3A_979, %parallel_loop3A_997 : vector<16xf32>
        %parallel_loop3A_1036 = arith.addf %parallel_loop3A_1034, %parallel_loop3A_1035 : vector<16xf32>
        %parallel_loop3A_1037 = arith.constant 18 : i32
        %parallel_loop3A_1038 = arith.index_cast %parallel_loop3A_1037 : i32 to index
        %parallel_loop3A_1039 = arith.index_cast %parallel_loop3A_986 : i32 to index
        %parallel_loop3A_1040 = tpu.vector_load %arg13[%parallel_loop3A_1038, %parallel_loop3A_1039] {strides = array<i32>} : memref<64x512xf32, #tpu.memory_space<vmem>>, vector<1x16xf32>,
        %parallel_loop3A_1041 = vector.shape_cast %parallel_loop3A_1040 : vector<1x16xf32> to vector<16xf32>
        %parallel_loop3A_1042 = vector.shape_cast %parallel_loop3A_1036 : vector<16xf32> to vector<1x16xf32>
        tpu.vector_store %arg13[%parallel_loop3A_1038, %parallel_loop3A_1039], %parallel_loop3A_1042 {strides = array<i32>} : memref<64x512xf32, #tpu.memory_space<vmem>>, vector<1x16xf32>,
        %parallel_loop3A_1043 = arith.constant 19 : i32
        %parallel_loop3A_1044 = arith.index_cast %parallel_loop3A_1043 : i32 to index
        %parallel_loop3A_1045 = arith.index_cast %parallel_loop3A_986 : i32 to index
        %parallel_loop3A_1046 = tpu.vector_load %arg11[%parallel_loop3A_1044, %parallel_loop3A_1045] {strides = array<i32>} : memref<32x512xf32, #tpu.memory_space<vmem>>, vector<1x16xf32>,
        %parallel_loop3A_1047 = vector.shape_cast %parallel_loop3A_1046 : vector<1x16xf32> to vector<16xf32>
        %parallel_loop3A_1048 = arith.mulf %parallel_loop3A_1047, %parallel_loop3A_1000 : vector<16xf32>
        %parallel_loop3A_1049 = arith.mulf %parallel_loop3A_980, %parallel_loop3A_997 : vector<16xf32>
        %parallel_loop3A_1050 = arith.addf %parallel_loop3A_1048, %parallel_loop3A_1049 : vector<16xf32>
        %parallel_loop3A_1051 = arith.constant 19 : i32
        %parallel_loop3A_1052 = arith.index_cast %parallel_loop3A_1051 : i32 to index
        %parallel_loop3A_1053 = arith.index_cast %parallel_loop3A_986 : i32 to index
        %parallel_loop3A_1054 = tpu.vector_load %arg13[%parallel_loop3A_1052, %parallel_loop3A_1053] {strides = array<i32>} : memref<64x512xf32, #tpu.memory_space<vmem>>, vector<1x16xf32>,
        %parallel_loop3A_1055 = vector.shape_cast %parallel_loop3A_1054 : vector<1x16xf32> to vector<16xf32>
        %parallel_loop3A_1056 = vector.shape_cast %parallel_loop3A_1050 : vector<16xf32> to vector<1x16xf32>
        tpu.vector_store %arg13[%parallel_loop3A_1052, %parallel_loop3A_1053], %parallel_loop3A_1056 {strides = array<i32>} : memref<64x512xf32, #tpu.memory_space<vmem>>, vector<1x16xf32>,
        %parallel_loop3A_1057 = arith.constant 20 : i32
        %parallel_loop3A_1058 = arith.index_cast %parallel_loop3A_1057 : i32 to index
        %parallel_loop3A_1059 = arith.index_cast %parallel_loop3A_986 : i32 to index
        %parallel_loop3A_1060 = tpu.vector_load %arg11[%parallel_loop3A_1058, %parallel_loop3A_1059] {strides = array<i32>} : memref<32x512xf32, #tpu.memory_space<vmem>>, vector<1x16xf32>,
        %parallel_loop3A_1061 = vector.shape_cast %parallel_loop3A_1060 : vector<1x16xf32> to vector<16xf32>
        %parallel_loop3A_1062 = arith.mulf %parallel_loop3A_1061, %parallel_loop3A_1000 : vector<16xf32>
        %parallel_loop3A_1063 = arith.mulf %parallel_loop3A_981, %parallel_loop3A_997 : vector<16xf32>
        %parallel_loop3A_1064 = arith.addf %parallel_loop3A_1062, %parallel_loop3A_1063 : vector<16xf32>
        %parallel_loop3A_1065 = arith.constant 20 : i32
        %parallel_loop3A_1066 = arith.index_cast %parallel_loop3A_1065 : i32 to index
        %parallel_loop3A_1067 = arith.index_cast %parallel_loop3A_986 : i32 to index
        %parallel_loop3A_1068 = tpu.vector_load %arg13[%parallel_loop3A_1066, %parallel_loop3A_1067] {strides = array<i32>} : memref<64x512xf32, #tpu.memory_space<vmem>>, vector<1x16xf32>,
        %parallel_loop3A_1069 = vector.shape_cast %parallel_loop3A_1068 : vector<1x16xf32> to vector<16xf32>
        %parallel_loop3A_1070 = vector.shape_cast %parallel_loop3A_1064 : vector<16xf32> to vector<1x16xf32>
        tpu.vector_store %arg13[%parallel_loop3A_1066, %parallel_loop3A_1067], %parallel_loop3A_1070 {strides = array<i32>} : memref<64x512xf32, #tpu.memory_space<vmem>>, vector<1x16xf32>,
        %parallel_loop3A_1071 = arith.constant 21 : i32
        %parallel_loop3A_1072 = arith.index_cast %parallel_loop3A_1071 : i32 to index
        %parallel_loop3A_1073 = arith.index_cast %parallel_loop3A_986 : i32 to index
        %parallel_loop3A_1074 = tpu.vector_load %arg11[%parallel_loop3A_1072, %parallel_loop3A_1073] {strides = array<i32>} : memref<32x512xf32, #tpu.memory_space<vmem>>, vector<1x16xf32>,
        %parallel_loop3A_1075 = vector.shape_cast %parallel_loop3A_1074 : vector<1x16xf32> to vector<16xf32>
        %parallel_loop3A_1076 = arith.mulf %parallel_loop3A_1075, %parallel_loop3A_1000 : vector<16xf32>
        %parallel_loop3A_1077 = arith.mulf %parallel_loop3A_982, %parallel_loop3A_997 : vector<16xf32>
        %parallel_loop3A_1078 = arith.addf %parallel_loop3A_1076, %parallel_loop3A_1077 : vector<16xf32>
        %parallel_loop3A_1079 = arith.constant 21 : i32
        %parallel_loop3A_1080 = arith.index_cast %parallel_loop3A_1079 : i32 to index
        %parallel_loop3A_1081 = arith.index_cast %parallel_loop3A_986 : i32 to index
        %parallel_loop3A_1082 = tpu.vector_load %arg13[%parallel_loop3A_1080, %parallel_loop3A_1081] {strides = array<i32>} : memref<64x512xf32, #tpu.memory_space<vmem>>, vector<1x16xf32>,
        %parallel_loop3A_1083 = vector.shape_cast %parallel_loop3A_1082 : vector<1x16xf32> to vector<16xf32>
        %parallel_loop3A_1084 = vector.shape_cast %parallel_loop3A_1078 : vector<16xf32> to vector<1x16xf32>
        tpu.vector_store %arg13[%parallel_loop3A_1080, %parallel_loop3A_1081], %parallel_loop3A_1084 {strides = array<i32>} : memref<64x512xf32, #tpu.memory_space<vmem>>, vector<1x16xf32>,
        %parallel_loop3A_1085 = arith.constant 22 : i32
        %parallel_loop3A_1086 = arith.index_cast %parallel_loop3A_1085 : i32 to index
        %parallel_loop3A_1087 = arith.index_cast %parallel_loop3A_986 : i32 to index
        %parallel_loop3A_1088 = tpu.vector_load %arg11[%parallel_loop3A_1086, %parallel_loop3A_1087] {strides = array<i32>} : memref<32x512xf32, #tpu.memory_space<vmem>>, vector<1x16xf32>,
        %parallel_loop3A_1089 = vector.shape_cast %parallel_loop3A_1088 : vector<1x16xf32> to vector<16xf32>
        %parallel_loop3A_1090 = arith.mulf %parallel_loop3A_1089, %parallel_loop3A_1000 : vector<16xf32>
        %parallel_loop3A_1091 = arith.mulf %parallel_loop3A_983, %parallel_loop3A_997 : vector<16xf32>
        %parallel_loop3A_1092 = arith.addf %parallel_loop3A_1090, %parallel_loop3A_1091 : vector<16xf32>
        %parallel_loop3A_1093 = arith.constant 22 : i32
        %parallel_loop3A_1094 = arith.index_cast %parallel_loop3A_1093 : i32 to index
        %parallel_loop3A_1095 = arith.index_cast %parallel_loop3A_986 : i32 to index
        %parallel_loop3A_1096 = tpu.vector_load %arg13[%parallel_loop3A_1094, %parallel_loop3A_1095] {strides = array<i32>} : memref<64x512xf32, #tpu.memory_space<vmem>>, vector<1x16xf32>,
        %parallel_loop3A_1097 = vector.shape_cast %parallel_loop3A_1096 : vector<1x16xf32> to vector<16xf32>
        %parallel_loop3A_1098 = vector.shape_cast %parallel_loop3A_1092 : vector<16xf32> to vector<1x16xf32>
        tpu.vector_store %arg13[%parallel_loop3A_1094, %parallel_loop3A_1095], %parallel_loop3A_1098 {strides = array<i32>} : memref<64x512xf32, #tpu.memory_space<vmem>>, vector<1x16xf32>,
        %parallel_loop3A_1099 = arith.constant 23 : i32
        %parallel_loop3A_1100 = arith.index_cast %parallel_loop3A_1099 : i32 to index
        %parallel_loop3A_1101 = arith.index_cast %parallel_loop3A_986 : i32 to index
        %parallel_loop3A_1102 = tpu.vector_load %arg11[%parallel_loop3A_1100, %parallel_loop3A_1101] {strides = array<i32>} : memref<32x512xf32, #tpu.memory_space<vmem>>, vector<1x16xf32>,
        %parallel_loop3A_1103 = vector.shape_cast %parallel_loop3A_1102 : vector<1x16xf32> to vector<16xf32>
        %parallel_loop3A_1104 = arith.mulf %parallel_loop3A_1103, %parallel_loop3A_1000 : vector<16xf32>
        %parallel_loop3A_1105 = arith.mulf %parallel_loop3A_984, %parallel_loop3A_997 : vector<16xf32>
        %parallel_loop3A_1106 = arith.addf %parallel_loop3A_1104, %parallel_loop3A_1105 : vector<16xf32>
        %parallel_loop3A_1107 = arith.constant 23 : i32
        %parallel_loop3A_1108 = arith.index_cast %parallel_loop3A_1107 : i32 to index
        %parallel_loop3A_1109 = arith.index_cast %parallel_loop3A_986 : i32 to index
        %parallel_loop3A_1110 = tpu.vector_load %arg13[%parallel_loop3A_1108, %parallel_loop3A_1109] {strides = array<i32>} : memref<64x512xf32, #tpu.memory_space<vmem>>, vector<1x16xf32>,
        %parallel_loop3A_1111 = vector.shape_cast %parallel_loop3A_1110 : vector<1x16xf32> to vector<16xf32>
        %parallel_loop3A_1112 = vector.shape_cast %parallel_loop3A_1106 : vector<16xf32> to vector<1x16xf32>
        tpu.vector_store %arg13[%parallel_loop3A_1108, %parallel_loop3A_1109], %parallel_loop3A_1112 {strides = array<i32>} : memref<64x512xf32, #tpu.memory_space<vmem>>, vector<1x16xf32>,
        scf.yield %parallel_loop3A_977, %parallel_loop3A_978, %parallel_loop3A_979, %parallel_loop3A_980, %parallel_loop3A_981, %parallel_loop3A_982, %parallel_loop3A_983, %parallel_loop3A_984 : vector<16xf32>, vector<16xf32>, vector<16xf32>, vector<16xf32>, vector<16xf32>, vector<16xf32>, vector<16xf32>, vector<16xf32>
      } {sc.loop_unroll_factor = 1 : i64, sc.parallel_access}
      %get3A_276 = arith.constant 384 : index
      %get3A_277 = tpu.vector_load %arg12[%get3A_276] {strides = array<i32>} : memref<1024xf32, #tpu.memory_space<vmem>>, vector<16xf32>,
      %get3A_278 = vector.shape_cast %get3A_277 : vector<16xf32> to vector<16xf32>
      %get3A_279 = arith.constant 400 : index
      %get3A_280 = tpu.vector_load %arg12[%get3A_279] {strides = array<i32>} : memref<1024xf32, #tpu.memory_space<vmem>>, vector<16xf32>,
      %get3A_281 = vector.shape_cast %get3A_280 : vector<16xf32> to vector<16xf32>
      %get3A_282 = arith.constant 416 : index
      %get3A_283 = tpu.vector_load %arg12[%get3A_282] {strides = array<i32>} : memref<1024xf32, #tpu.memory_space<vmem>>, vector<16xf32>,
      %get3A_284 = vector.shape_cast %get3A_283 : vector<16xf32> to vector<16xf32>
      %get3A_285 = arith.constant 432 : index
      %get3A_286 = tpu.vector_load %arg12[%get3A_285] {strides = array<i32>} : memref<1024xf32, #tpu.memory_space<vmem>>, vector<16xf32>,
      %get3A_287 = vector.shape_cast %get3A_286 : vector<16xf32> to vector<16xf32>
      %get3A_288 = arith.constant 448 : index
      %get3A_289 = tpu.vector_load %arg12[%get3A_288] {strides = array<i32>} : memref<1024xf32, #tpu.memory_space<vmem>>, vector<16xf32>,
      %get3A_290 = vector.shape_cast %get3A_289 : vector<16xf32> to vector<16xf32>
      %get3A_291 = arith.constant 464 : index
      %get3A_292 = tpu.vector_load %arg12[%get3A_291] {strides = array<i32>} : memref<1024xf32, #tpu.memory_space<vmem>>, vector<16xf32>,
      %get3A_293 = vector.shape_cast %get3A_292 : vector<16xf32> to vector<16xf32>
      %get3A_294 = arith.constant 480 : index
      %get3A_295 = tpu.vector_load %arg12[%get3A_294] {strides = array<i32>} : memref<1024xf32, #tpu.memory_space<vmem>>, vector<16xf32>,
      %get3A_296 = vector.shape_cast %get3A_295 : vector<16xf32> to vector<16xf32>
      %get3A_297 = arith.constant 496 : index
      %get3A_298 = tpu.vector_load %arg12[%get3A_297] {strides = array<i32>} : memref<1024xf32, #tpu.memory_space<vmem>>, vector<16xf32>,
      %get3A_299 = vector.shape_cast %get3A_298 : vector<16xf32> to vector<16xf32>
      %parallel_loop3A_300 = arith.constant 0 : i32
      %parallel_loop3A_301 = arith.constant 32 : i32
      %parallel_loop3A_302 = arith.constant 1 : i32
      %parallel_loop3A_303:8 = scf.for %parallel_loop3A_976 = %parallel_loop3A_300 to %parallel_loop3A_301 step %parallel_loop3A_302 iter_args(%parallel_loop3A_977 = %get3A_278, %parallel_loop3A_978 = %get3A_281, %parallel_loop3A_979 = %get3A_284, %parallel_loop3A_980 = %get3A_287, %parallel_loop3A_981 = %get3A_290, %parallel_loop3A_982 = %get3A_293, %parallel_loop3A_983 = %get3A_296, %parallel_loop3A_984 = %get3A_299) -> (vector<16xf32>, vector<16xf32>, vector<16xf32>, vector<16xf32>, vector<16xf32>, vector<16xf32>, vector<16xf32>, vector<16xf32>)  : i32 {
        %parallel_loop3A_985 = arith.constant 16 : i32
        %parallel_loop3A_986 = arith.muli %parallel_loop3A_976, %parallel_loop3A_985 : i32
        %parallel_loop3A_987 = arith.index_cast %parallel_loop3A_986 : i32 to index
        %parallel_loop3A_988 = tpu.vector_load %arg9[%parallel_loop3A_987] {strides = array<i32>} : memref<512xi32, #tpu.memory_space<vmem>>, vector<16xi32>,
        %parallel_loop3A_989 = vector.shape_cast %parallel_loop3A_988 : vector<16xi32> to vector<16xi32>
        %parallel_loop3A_990 = arith.constant 0 : i32
        %parallel_loop3A_991 = vector.broadcast %parallel_loop3A_990 : i32 to vector<16xi32>
        %parallel_loop3A_992 = arith.cmpi ne, %parallel_loop3A_989, %parallel_loop3A_991 : vector<16xi32>
        %parallel_loop3A_993 = arith.constant 1.000000e+00 : f32
        %parallel_loop3A_994 = arith.constant 0.000000e+00 : f32
        %parallel_loop3A_995 = vector.broadcast %parallel_loop3A_993 : f32 to vector<16xf32>
        %parallel_loop3A_996 = vector.broadcast %parallel_loop3A_994 : f32 to vector<16xf32>
        %parallel_loop3A_997 = arith.select %parallel_loop3A_992, %parallel_loop3A_995, %parallel_loop3A_996 : vector<16xi1>, vector<16xf32>
        %parallel_loop3A_998 = arith.constant 8.000000e+00 : f32
        %parallel_loop3A_999 = vector.broadcast %parallel_loop3A_998 : f32 to vector<16xf32>
        %parallel_loop3A_1000 = arith.mulf %parallel_loop3A_997, %parallel_loop3A_999 : vector<16xf32>
        %parallel_loop3A_1001 = arith.constant 24 : i32
        %parallel_loop3A_1002 = arith.index_cast %parallel_loop3A_1001 : i32 to index
        %parallel_loop3A_1003 = arith.index_cast %parallel_loop3A_986 : i32 to index
        %parallel_loop3A_1004 = tpu.vector_load %arg11[%parallel_loop3A_1002, %parallel_loop3A_1003] {strides = array<i32>} : memref<32x512xf32, #tpu.memory_space<vmem>>, vector<1x16xf32>,
        %parallel_loop3A_1005 = vector.shape_cast %parallel_loop3A_1004 : vector<1x16xf32> to vector<16xf32>
        %parallel_loop3A_1006 = arith.mulf %parallel_loop3A_1005, %parallel_loop3A_1000 : vector<16xf32>
        %parallel_loop3A_1007 = arith.mulf %parallel_loop3A_977, %parallel_loop3A_997 : vector<16xf32>
        %parallel_loop3A_1008 = arith.addf %parallel_loop3A_1006, %parallel_loop3A_1007 : vector<16xf32>
        %parallel_loop3A_1009 = arith.constant 24 : i32
        %parallel_loop3A_1010 = arith.index_cast %parallel_loop3A_1009 : i32 to index
        %parallel_loop3A_1011 = arith.index_cast %parallel_loop3A_986 : i32 to index
        %parallel_loop3A_1012 = tpu.vector_load %arg13[%parallel_loop3A_1010, %parallel_loop3A_1011] {strides = array<i32>} : memref<64x512xf32, #tpu.memory_space<vmem>>, vector<1x16xf32>,
        %parallel_loop3A_1013 = vector.shape_cast %parallel_loop3A_1012 : vector<1x16xf32> to vector<16xf32>
        %parallel_loop3A_1014 = vector.shape_cast %parallel_loop3A_1008 : vector<16xf32> to vector<1x16xf32>
        tpu.vector_store %arg13[%parallel_loop3A_1010, %parallel_loop3A_1011], %parallel_loop3A_1014 {strides = array<i32>} : memref<64x512xf32, #tpu.memory_space<vmem>>, vector<1x16xf32>,
        %parallel_loop3A_1015 = arith.constant 25 : i32
        %parallel_loop3A_1016 = arith.index_cast %parallel_loop3A_1015 : i32 to index
        %parallel_loop3A_1017 = arith.index_cast %parallel_loop3A_986 : i32 to index
        %parallel_loop3A_1018 = tpu.vector_load %arg11[%parallel_loop3A_1016, %parallel_loop3A_1017] {strides = array<i32>} : memref<32x512xf32, #tpu.memory_space<vmem>>, vector<1x16xf32>,
        %parallel_loop3A_1019 = vector.shape_cast %parallel_loop3A_1018 : vector<1x16xf32> to vector<16xf32>
        %parallel_loop3A_1020 = arith.mulf %parallel_loop3A_1019, %parallel_loop3A_1000 : vector<16xf32>
        %parallel_loop3A_1021 = arith.mulf %parallel_loop3A_978, %parallel_loop3A_997 : vector<16xf32>
        %parallel_loop3A_1022 = arith.addf %parallel_loop3A_1020, %parallel_loop3A_1021 : vector<16xf32>
        %parallel_loop3A_1023 = arith.constant 25 : i32
        %parallel_loop3A_1024 = arith.index_cast %parallel_loop3A_1023 : i32 to index
        %parallel_loop3A_1025 = arith.index_cast %parallel_loop3A_986 : i32 to index
        %parallel_loop3A_1026 = tpu.vector_load %arg13[%parallel_loop3A_1024, %parallel_loop3A_1025] {strides = array<i32>} : memref<64x512xf32, #tpu.memory_space<vmem>>, vector<1x16xf32>,
        %parallel_loop3A_1027 = vector.shape_cast %parallel_loop3A_1026 : vector<1x16xf32> to vector<16xf32>
        %parallel_loop3A_1028 = vector.shape_cast %parallel_loop3A_1022 : vector<16xf32> to vector<1x16xf32>
        tpu.vector_store %arg13[%parallel_loop3A_1024, %parallel_loop3A_1025], %parallel_loop3A_1028 {strides = array<i32>} : memref<64x512xf32, #tpu.memory_space<vmem>>, vector<1x16xf32>,
        %parallel_loop3A_1029 = arith.constant 26 : i32
        %parallel_loop3A_1030 = arith.index_cast %parallel_loop3A_1029 : i32 to index
        %parallel_loop3A_1031 = arith.index_cast %parallel_loop3A_986 : i32 to index
        %parallel_loop3A_1032 = tpu.vector_load %arg11[%parallel_loop3A_1030, %parallel_loop3A_1031] {strides = array<i32>} : memref<32x512xf32, #tpu.memory_space<vmem>>, vector<1x16xf32>,
        %parallel_loop3A_1033 = vector.shape_cast %parallel_loop3A_1032 : vector<1x16xf32> to vector<16xf32>
        %parallel_loop3A_1034 = arith.mulf %parallel_loop3A_1033, %parallel_loop3A_1000 : vector<16xf32>
        %parallel_loop3A_1035 = arith.mulf %parallel_loop3A_979, %parallel_loop3A_997 : vector<16xf32>
        %parallel_loop3A_1036 = arith.addf %parallel_loop3A_1034, %parallel_loop3A_1035 : vector<16xf32>
        %parallel_loop3A_1037 = arith.constant 26 : i32
        %parallel_loop3A_1038 = arith.index_cast %parallel_loop3A_1037 : i32 to index
        %parallel_loop3A_1039 = arith.index_cast %parallel_loop3A_986 : i32 to index
        %parallel_loop3A_1040 = tpu.vector_load %arg13[%parallel_loop3A_1038, %parallel_loop3A_1039] {strides = array<i32>} : memref<64x512xf32, #tpu.memory_space<vmem>>, vector<1x16xf32>,
        %parallel_loop3A_1041 = vector.shape_cast %parallel_loop3A_1040 : vector<1x16xf32> to vector<16xf32>
        %parallel_loop3A_1042 = vector.shape_cast %parallel_loop3A_1036 : vector<16xf32> to vector<1x16xf32>
        tpu.vector_store %arg13[%parallel_loop3A_1038, %parallel_loop3A_1039], %parallel_loop3A_1042 {strides = array<i32>} : memref<64x512xf32, #tpu.memory_space<vmem>>, vector<1x16xf32>,
        %parallel_loop3A_1043 = arith.constant 27 : i32
        %parallel_loop3A_1044 = arith.index_cast %parallel_loop3A_1043 : i32 to index
        %parallel_loop3A_1045 = arith.index_cast %parallel_loop3A_986 : i32 to index
        %parallel_loop3A_1046 = tpu.vector_load %arg11[%parallel_loop3A_1044, %parallel_loop3A_1045] {strides = array<i32>} : memref<32x512xf32, #tpu.memory_space<vmem>>, vector<1x16xf32>,
        %parallel_loop3A_1047 = vector.shape_cast %parallel_loop3A_1046 : vector<1x16xf32> to vector<16xf32>
        %parallel_loop3A_1048 = arith.mulf %parallel_loop3A_1047, %parallel_loop3A_1000 : vector<16xf32>
        %parallel_loop3A_1049 = arith.mulf %parallel_loop3A_980, %parallel_loop3A_997 : vector<16xf32>
        %parallel_loop3A_1050 = arith.addf %parallel_loop3A_1048, %parallel_loop3A_1049 : vector<16xf32>
        %parallel_loop3A_1051 = arith.constant 27 : i32
        %parallel_loop3A_1052 = arith.index_cast %parallel_loop3A_1051 : i32 to index
        %parallel_loop3A_1053 = arith.index_cast %parallel_loop3A_986 : i32 to index
        %parallel_loop3A_1054 = tpu.vector_load %arg13[%parallel_loop3A_1052, %parallel_loop3A_1053] {strides = array<i32>} : memref<64x512xf32, #tpu.memory_space<vmem>>, vector<1x16xf32>,
        %parallel_loop3A_1055 = vector.shape_cast %parallel_loop3A_1054 : vector<1x16xf32> to vector<16xf32>
        %parallel_loop3A_1056 = vector.shape_cast %parallel_loop3A_1050 : vector<16xf32> to vector<1x16xf32>
        tpu.vector_store %arg13[%parallel_loop3A_1052, %parallel_loop3A_1053], %parallel_loop3A_1056 {strides = array<i32>} : memref<64x512xf32, #tpu.memory_space<vmem>>, vector<1x16xf32>,
        %parallel_loop3A_1057 = arith.constant 28 : i32
        %parallel_loop3A_1058 = arith.index_cast %parallel_loop3A_1057 : i32 to index
        %parallel_loop3A_1059 = arith.index_cast %parallel_loop3A_986 : i32 to index
        %parallel_loop3A_1060 = tpu.vector_load %arg11[%parallel_loop3A_1058, %parallel_loop3A_1059] {strides = array<i32>} : memref<32x512xf32, #tpu.memory_space<vmem>>, vector<1x16xf32>,
        %parallel_loop3A_1061 = vector.shape_cast %parallel_loop3A_1060 : vector<1x16xf32> to vector<16xf32>
        %parallel_loop3A_1062 = arith.mulf %parallel_loop3A_1061, %parallel_loop3A_1000 : vector<16xf32>
        %parallel_loop3A_1063 = arith.mulf %parallel_loop3A_981, %parallel_loop3A_997 : vector<16xf32>
        %parallel_loop3A_1064 = arith.addf %parallel_loop3A_1062, %parallel_loop3A_1063 : vector<16xf32>
        %parallel_loop3A_1065 = arith.constant 28 : i32
        %parallel_loop3A_1066 = arith.index_cast %parallel_loop3A_1065 : i32 to index
        %parallel_loop3A_1067 = arith.index_cast %parallel_loop3A_986 : i32 to index
        %parallel_loop3A_1068 = tpu.vector_load %arg13[%parallel_loop3A_1066, %parallel_loop3A_1067] {strides = array<i32>} : memref<64x512xf32, #tpu.memory_space<vmem>>, vector<1x16xf32>,
        %parallel_loop3A_1069 = vector.shape_cast %parallel_loop3A_1068 : vector<1x16xf32> to vector<16xf32>
        %parallel_loop3A_1070 = vector.shape_cast %parallel_loop3A_1064 : vector<16xf32> to vector<1x16xf32>
        tpu.vector_store %arg13[%parallel_loop3A_1066, %parallel_loop3A_1067], %parallel_loop3A_1070 {strides = array<i32>} : memref<64x512xf32, #tpu.memory_space<vmem>>, vector<1x16xf32>,
        %parallel_loop3A_1071 = arith.constant 29 : i32
        %parallel_loop3A_1072 = arith.index_cast %parallel_loop3A_1071 : i32 to index
        %parallel_loop3A_1073 = arith.index_cast %parallel_loop3A_986 : i32 to index
        %parallel_loop3A_1074 = tpu.vector_load %arg11[%parallel_loop3A_1072, %parallel_loop3A_1073] {strides = array<i32>} : memref<32x512xf32, #tpu.memory_space<vmem>>, vector<1x16xf32>,
        %parallel_loop3A_1075 = vector.shape_cast %parallel_loop3A_1074 : vector<1x16xf32> to vector<16xf32>
        %parallel_loop3A_1076 = arith.mulf %parallel_loop3A_1075, %parallel_loop3A_1000 : vector<16xf32>
        %parallel_loop3A_1077 = arith.mulf %parallel_loop3A_982, %parallel_loop3A_997 : vector<16xf32>
        %parallel_loop3A_1078 = arith.addf %parallel_loop3A_1076, %parallel_loop3A_1077 : vector<16xf32>
        %parallel_loop3A_1079 = arith.constant 29 : i32
        %parallel_loop3A_1080 = arith.index_cast %parallel_loop3A_1079 : i32 to index
        %parallel_loop3A_1081 = arith.index_cast %parallel_loop3A_986 : i32 to index
        %parallel_loop3A_1082 = tpu.vector_load %arg13[%parallel_loop3A_1080, %parallel_loop3A_1081] {strides = array<i32>} : memref<64x512xf32, #tpu.memory_space<vmem>>, vector<1x16xf32>,
        %parallel_loop3A_1083 = vector.shape_cast %parallel_loop3A_1082 : vector<1x16xf32> to vector<16xf32>
        %parallel_loop3A_1084 = vector.shape_cast %parallel_loop3A_1078 : vector<16xf32> to vector<1x16xf32>
        tpu.vector_store %arg13[%parallel_loop3A_1080, %parallel_loop3A_1081], %parallel_loop3A_1084 {strides = array<i32>} : memref<64x512xf32, #tpu.memory_space<vmem>>, vector<1x16xf32>,
        %parallel_loop3A_1085 = arith.constant 30 : i32
        %parallel_loop3A_1086 = arith.index_cast %parallel_loop3A_1085 : i32 to index
        %parallel_loop3A_1087 = arith.index_cast %parallel_loop3A_986 : i32 to index
        %parallel_loop3A_1088 = tpu.vector_load %arg11[%parallel_loop3A_1086, %parallel_loop3A_1087] {strides = array<i32>} : memref<32x512xf32, #tpu.memory_space<vmem>>, vector<1x16xf32>,
        %parallel_loop3A_1089 = vector.shape_cast %parallel_loop3A_1088 : vector<1x16xf32> to vector<16xf32>
        %parallel_loop3A_1090 = arith.mulf %parallel_loop3A_1089, %parallel_loop3A_1000 : vector<16xf32>
        %parallel_loop3A_1091 = arith.mulf %parallel_loop3A_983, %parallel_loop3A_997 : vector<16xf32>
        %parallel_loop3A_1092 = arith.addf %parallel_loop3A_1090, %parallel_loop3A_1091 : vector<16xf32>
        %parallel_loop3A_1093 = arith.constant 30 : i32
        %parallel_loop3A_1094 = arith.index_cast %parallel_loop3A_1093 : i32 to index
        %parallel_loop3A_1095 = arith.index_cast %parallel_loop3A_986 : i32 to index
        %parallel_loop3A_1096 = tpu.vector_load %arg13[%parallel_loop3A_1094, %parallel_loop3A_1095] {strides = array<i32>} : memref<64x512xf32, #tpu.memory_space<vmem>>, vector<1x16xf32>,
        %parallel_loop3A_1097 = vector.shape_cast %parallel_loop3A_1096 : vector<1x16xf32> to vector<16xf32>
        %parallel_loop3A_1098 = vector.shape_cast %parallel_loop3A_1092 : vector<16xf32> to vector<1x16xf32>
        tpu.vector_store %arg13[%parallel_loop3A_1094, %parallel_loop3A_1095], %parallel_loop3A_1098 {strides = array<i32>} : memref<64x512xf32, #tpu.memory_space<vmem>>, vector<1x16xf32>,
        %parallel_loop3A_1099 = arith.constant 31 : i32
        %parallel_loop3A_1100 = arith.index_cast %parallel_loop3A_1099 : i32 to index
        %parallel_loop3A_1101 = arith.index_cast %parallel_loop3A_986 : i32 to index
        %parallel_loop3A_1102 = tpu.vector_load %arg11[%parallel_loop3A_1100, %parallel_loop3A_1101] {strides = array<i32>} : memref<32x512xf32, #tpu.memory_space<vmem>>, vector<1x16xf32>,
        %parallel_loop3A_1103 = vector.shape_cast %parallel_loop3A_1102 : vector<1x16xf32> to vector<16xf32>
        %parallel_loop3A_1104 = arith.mulf %parallel_loop3A_1103, %parallel_loop3A_1000 : vector<16xf32>
        %parallel_loop3A_1105 = arith.mulf %parallel_loop3A_984, %parallel_loop3A_997 : vector<16xf32>
        %parallel_loop3A_1106 = arith.addf %parallel_loop3A_1104, %parallel_loop3A_1105 : vector<16xf32>
        %parallel_loop3A_1107 = arith.constant 31 : i32
        %parallel_loop3A_1108 = arith.index_cast %parallel_loop3A_1107 : i32 to index
        %parallel_loop3A_1109 = arith.index_cast %parallel_loop3A_986 : i32 to index
        %parallel_loop3A_1110 = tpu.vector_load %arg13[%parallel_loop3A_1108, %parallel_loop3A_1109] {strides = array<i32>} : memref<64x512xf32, #tpu.memory_space<vmem>>, vector<1x16xf32>,
        %parallel_loop3A_1111 = vector.shape_cast %parallel_loop3A_1110 : vector<1x16xf32> to vector<16xf32>
        %parallel_loop3A_1112 = vector.shape_cast %parallel_loop3A_1106 : vector<16xf32> to vector<1x16xf32>
        tpu.vector_store %arg13[%parallel_loop3A_1108, %parallel_loop3A_1109], %parallel_loop3A_1112 {strides = array<i32>} : memref<64x512xf32, #tpu.memory_space<vmem>>, vector<1x16xf32>,
        scf.yield %parallel_loop3A_977, %parallel_loop3A_978, %parallel_loop3A_979, %parallel_loop3A_980, %parallel_loop3A_981, %parallel_loop3A_982, %parallel_loop3A_983, %parallel_loop3A_984 : vector<16xf32>, vector<16xf32>, vector<16xf32>, vector<16xf32>, vector<16xf32>, vector<16xf32>, vector<16xf32>, vector<16xf32>
      } {sc.loop_unroll_factor = 1 : i64, sc.parallel_access}
      %get3A_304 = arith.constant 512 : index
      %get3A_305 = tpu.vector_load %arg12[%get3A_304] {strides = array<i32>} : memref<1024xf32, #tpu.memory_space<vmem>>, vector<16xf32>,
      %get3A_306 = vector.shape_cast %get3A_305 : vector<16xf32> to vector<16xf32>
      %get3A_307 = arith.constant 528 : index
      %get3A_308 = tpu.vector_load %arg12[%get3A_307] {strides = array<i32>} : memref<1024xf32, #tpu.memory_space<vmem>>, vector<16xf32>,
      %get3A_309 = vector.shape_cast %get3A_308 : vector<16xf32> to vector<16xf32>
      %get3A_310 = arith.constant 544 : index
      %get3A_311 = tpu.vector_load %arg12[%get3A_310] {strides = array<i32>} : memref<1024xf32, #tpu.memory_space<vmem>>, vector<16xf32>,
      %get3A_312 = vector.shape_cast %get3A_311 : vector<16xf32> to vector<16xf32>
      %get3A_313 = arith.constant 560 : index
      %get3A_314 = tpu.vector_load %arg12[%get3A_313] {strides = array<i32>} : memref<1024xf32, #tpu.memory_space<vmem>>, vector<16xf32>,
      %get3A_315 = vector.shape_cast %get3A_314 : vector<16xf32> to vector<16xf32>
      %get3A_316 = arith.constant 576 : index
      %get3A_317 = tpu.vector_load %arg12[%get3A_316] {strides = array<i32>} : memref<1024xf32, #tpu.memory_space<vmem>>, vector<16xf32>,
      %get3A_318 = vector.shape_cast %get3A_317 : vector<16xf32> to vector<16xf32>
      %get3A_319 = arith.constant 592 : index
      %get3A_320 = tpu.vector_load %arg12[%get3A_319] {strides = array<i32>} : memref<1024xf32, #tpu.memory_space<vmem>>, vector<16xf32>,
      %get3A_321 = vector.shape_cast %get3A_320 : vector<16xf32> to vector<16xf32>
      %get3A_322 = arith.constant 608 : index
      %get3A_323 = tpu.vector_load %arg12[%get3A_322] {strides = array<i32>} : memref<1024xf32, #tpu.memory_space<vmem>>, vector<16xf32>,
      %get3A_324 = vector.shape_cast %get3A_323 : vector<16xf32> to vector<16xf32>
      %get3A_325 = arith.constant 624 : index
      %get3A_326 = tpu.vector_load %arg12[%get3A_325] {strides = array<i32>} : memref<1024xf32, #tpu.memory_space<vmem>>, vector<16xf32>,
      %get3A_327 = vector.shape_cast %get3A_326 : vector<16xf32> to vector<16xf32>
      %get3A_328 = arith.constant 0 : index
      %get3A_329 = tpu.vector_load %arg21[%get3A_328] {strides = array<i32>} : memref<512xf32, #tpu.memory_space<vmem>>, vector<16xf32>,
      %get3A_330 = vector.shape_cast %get3A_329 : vector<16xf32> to vector<16xf32>
      %get3A_331 = arith.constant 16 : index
      %get3A_332 = tpu.vector_load %arg21[%get3A_331] {strides = array<i32>} : memref<512xf32, #tpu.memory_space<vmem>>, vector<16xf32>,
      %get3A_333 = vector.shape_cast %get3A_332 : vector<16xf32> to vector<16xf32>
      %get3A_334 = arith.constant 32 : index
      %get3A_335 = tpu.vector_load %arg21[%get3A_334] {strides = array<i32>} : memref<512xf32, #tpu.memory_space<vmem>>, vector<16xf32>,
      %get3A_336 = vector.shape_cast %get3A_335 : vector<16xf32> to vector<16xf32>
      %get3A_337 = arith.constant 48 : index
      %get3A_338 = tpu.vector_load %arg21[%get3A_337] {strides = array<i32>} : memref<512xf32, #tpu.memory_space<vmem>>, vector<16xf32>,
      %get3A_339 = vector.shape_cast %get3A_338 : vector<16xf32> to vector<16xf32>
      %get3A_340 = arith.constant 64 : index
      %get3A_341 = tpu.vector_load %arg21[%get3A_340] {strides = array<i32>} : memref<512xf32, #tpu.memory_space<vmem>>, vector<16xf32>,
      %get3A_342 = vector.shape_cast %get3A_341 : vector<16xf32> to vector<16xf32>
      %get3A_343 = arith.constant 80 : index
      %get3A_344 = tpu.vector_load %arg21[%get3A_343] {strides = array<i32>} : memref<512xf32, #tpu.memory_space<vmem>>, vector<16xf32>,
      %get3A_345 = vector.shape_cast %get3A_344 : vector<16xf32> to vector<16xf32>
      %get3A_346 = arith.constant 96 : index
      %get3A_347 = tpu.vector_load %arg21[%get3A_346] {strides = array<i32>} : memref<512xf32, #tpu.memory_space<vmem>>, vector<16xf32>,
      %get3A_348 = vector.shape_cast %get3A_347 : vector<16xf32> to vector<16xf32>
      %get3A_349 = arith.constant 112 : index
      %get3A_350 = tpu.vector_load %arg21[%get3A_349] {strides = array<i32>} : memref<512xf32, #tpu.memory_space<vmem>>, vector<16xf32>,
      %get3A_351 = vector.shape_cast %get3A_350 : vector<16xf32> to vector<16xf32>
      %parallel_loop3A_352 = arith.constant 0 : i32
      %parallel_loop3A_353 = arith.constant 32 : i32
      %parallel_loop3A_354 = arith.constant 1 : i32
      %parallel_loop3A_355:16 = scf.for %parallel_loop3A_976 = %parallel_loop3A_352 to %parallel_loop3A_353 step %parallel_loop3A_354 iter_args(%parallel_loop3A_977 = %get3A_306, %parallel_loop3A_978 = %get3A_309, %parallel_loop3A_979 = %get3A_312, %parallel_loop3A_980 = %get3A_315, %parallel_loop3A_981 = %get3A_318, %parallel_loop3A_982 = %get3A_321, %parallel_loop3A_983 = %get3A_324, %parallel_loop3A_984 = %get3A_327, %parallel_loop3A_985 = %get3A_330, %parallel_loop3A_986 = %get3A_333, %parallel_loop3A_987 = %get3A_336, %parallel_loop3A_988 = %get3A_339, %parallel_loop3A_989 = %get3A_342, %parallel_loop3A_990 = %get3A_345, %parallel_loop3A_991 = %get3A_348, %parallel_loop3A_992 = %get3A_351) -> (vector<16xf32>, vector<16xf32>, vector<16xf32>, vector<16xf32>, vector<16xf32>, vector<16xf32>, vector<16xf32>, vector<16xf32>, vector<16xf32>, vector<16xf32>, vector<16xf32>, vector<16xf32>, vector<16xf32>, vector<16xf32>, vector<16xf32>, vector<16xf32>)  : i32 {
        %parallel_loop3A_993 = arith.constant 16 : i32
        %parallel_loop3A_994 = arith.muli %parallel_loop3A_976, %parallel_loop3A_993 : i32
        %parallel_loop3A_995 = arith.index_cast %parallel_loop3A_994 : i32 to index
        %parallel_loop3A_996 = tpu.vector_load %arg9[%parallel_loop3A_995] {strides = array<i32>} : memref<512xi32, #tpu.memory_space<vmem>>, vector<16xi32>,
        %parallel_loop3A_997 = vector.shape_cast %parallel_loop3A_996 : vector<16xi32> to vector<16xi32>
        %parallel_loop3A_998 = arith.index_cast %parallel_loop3A_994 : i32 to index
        %parallel_loop3A_999 = tpu.vector_load %arg10[%parallel_loop3A_998] {strides = array<i32>} : memref<512xi32, #tpu.memory_space<vmem>>, vector<16xi32>,
        %parallel_loop3A_1000 = vector.shape_cast %parallel_loop3A_999 : vector<16xi32> to vector<16xi32>
        %parallel_loop3A_1001 = arith.constant 0 : i32
        %parallel_loop3A_1002 = vector.broadcast %parallel_loop3A_1001 : i32 to vector<16xi32>
        %parallel_loop3A_1003 = arith.cmpi ne, %parallel_loop3A_997, %parallel_loop3A_1002 : vector<16xi32>
        %parallel_loop3A_1004 = arith.constant 1.000000e+00 : f32
        %parallel_loop3A_1005 = arith.constant 0.000000e+00 : f32
        %parallel_loop3A_1006 = vector.broadcast %parallel_loop3A_1004 : f32 to vector<16xf32>
        %parallel_loop3A_1007 = vector.broadcast %parallel_loop3A_1005 : f32 to vector<16xf32>
        %parallel_loop3A_1008 = arith.select %parallel_loop3A_1003, %parallel_loop3A_1006, %parallel_loop3A_1007 : vector<16xi1>, vector<16xf32>
        %parallel_loop3A_1009 = vector.shape_cast %parallel_loop3A_1000 : vector<16xi32> to vector<16x1xi32>
        %parallel_loop3A_1010 = vector.shape_cast %parallel_loop3A_1009 : vector<16x1xi32> to vector<16xi32>
        %parallel_loop3A_1011 = tpu.dynamic_gather %parallel_loop3A_985[%parallel_loop3A_1010] in [0] : vector<16xf32>, vector<16xi32> -> vector<16xf32>
        %parallel_loop3A_1012 = arith.addf %parallel_loop3A_1011, %parallel_loop3A_977 : vector<16xf32>
        %parallel_loop3A_1013 = arith.mulf %parallel_loop3A_1012, %parallel_loop3A_1008 : vector<16xf32>
        %parallel_loop3A_1014 = arith.constant 32 : i32
        %parallel_loop3A_1015 = arith.index_cast %parallel_loop3A_1014 : i32 to index
        %parallel_loop3A_1016 = arith.index_cast %parallel_loop3A_994 : i32 to index
        %parallel_loop3A_1017 = tpu.vector_load %arg13[%parallel_loop3A_1015, %parallel_loop3A_1016] {strides = array<i32>} : memref<64x512xf32, #tpu.memory_space<vmem>>, vector<1x16xf32>,
        %parallel_loop3A_1018 = vector.shape_cast %parallel_loop3A_1017 : vector<1x16xf32> to vector<16xf32>
        %parallel_loop3A_1019 = vector.shape_cast %parallel_loop3A_1013 : vector<16xf32> to vector<1x16xf32>
        tpu.vector_store %arg13[%parallel_loop3A_1015, %parallel_loop3A_1016], %parallel_loop3A_1019 {strides = array<i32>} : memref<64x512xf32, #tpu.memory_space<vmem>>, vector<1x16xf32>,
        %parallel_loop3A_1020 = vector.shape_cast %parallel_loop3A_1009 : vector<16x1xi32> to vector<16xi32>
        %parallel_loop3A_1021 = tpu.dynamic_gather %parallel_loop3A_986[%parallel_loop3A_1020] in [0] : vector<16xf32>, vector<16xi32> -> vector<16xf32>
        %parallel_loop3A_1022 = arith.addf %parallel_loop3A_1021, %parallel_loop3A_978 : vector<16xf32>
        %parallel_loop3A_1023 = arith.mulf %parallel_loop3A_1022, %parallel_loop3A_1008 : vector<16xf32>
        %parallel_loop3A_1024 = arith.constant 33 : i32
        %parallel_loop3A_1025 = arith.index_cast %parallel_loop3A_1024 : i32 to index
        %parallel_loop3A_1026 = arith.index_cast %parallel_loop3A_994 : i32 to index
        %parallel_loop3A_1027 = tpu.vector_load %arg13[%parallel_loop3A_1025, %parallel_loop3A_1026] {strides = array<i32>} : memref<64x512xf32, #tpu.memory_space<vmem>>, vector<1x16xf32>,
        %parallel_loop3A_1028 = vector.shape_cast %parallel_loop3A_1027 : vector<1x16xf32> to vector<16xf32>
        %parallel_loop3A_1029 = vector.shape_cast %parallel_loop3A_1023 : vector<16xf32> to vector<1x16xf32>
        tpu.vector_store %arg13[%parallel_loop3A_1025, %parallel_loop3A_1026], %parallel_loop3A_1029 {strides = array<i32>} : memref<64x512xf32, #tpu.memory_space<vmem>>, vector<1x16xf32>,
        %parallel_loop3A_1030 = vector.shape_cast %parallel_loop3A_1009 : vector<16x1xi32> to vector<16xi32>
        %parallel_loop3A_1031 = tpu.dynamic_gather %parallel_loop3A_987[%parallel_loop3A_1030] in [0] : vector<16xf32>, vector<16xi32> -> vector<16xf32>
        %parallel_loop3A_1032 = arith.addf %parallel_loop3A_1031, %parallel_loop3A_979 : vector<16xf32>
        %parallel_loop3A_1033 = arith.mulf %parallel_loop3A_1032, %parallel_loop3A_1008 : vector<16xf32>
        %parallel_loop3A_1034 = arith.constant 34 : i32
        %parallel_loop3A_1035 = arith.index_cast %parallel_loop3A_1034 : i32 to index
        %parallel_loop3A_1036 = arith.index_cast %parallel_loop3A_994 : i32 to index
        %parallel_loop3A_1037 = tpu.vector_load %arg13[%parallel_loop3A_1035, %parallel_loop3A_1036] {strides = array<i32>} : memref<64x512xf32, #tpu.memory_space<vmem>>, vector<1x16xf32>,
        %parallel_loop3A_1038 = vector.shape_cast %parallel_loop3A_1037 : vector<1x16xf32> to vector<16xf32>
        %parallel_loop3A_1039 = vector.shape_cast %parallel_loop3A_1033 : vector<16xf32> to vector<1x16xf32>
        tpu.vector_store %arg13[%parallel_loop3A_1035, %parallel_loop3A_1036], %parallel_loop3A_1039 {strides = array<i32>} : memref<64x512xf32, #tpu.memory_space<vmem>>, vector<1x16xf32>,
        %parallel_loop3A_1040 = vector.shape_cast %parallel_loop3A_1009 : vector<16x1xi32> to vector<16xi32>
        %parallel_loop3A_1041 = tpu.dynamic_gather %parallel_loop3A_988[%parallel_loop3A_1040] in [0] : vector<16xf32>, vector<16xi32> -> vector<16xf32>
        %parallel_loop3A_1042 = arith.addf %parallel_loop3A_1041, %parallel_loop3A_980 : vector<16xf32>
        %parallel_loop3A_1043 = arith.mulf %parallel_loop3A_1042, %parallel_loop3A_1008 : vector<16xf32>
        %parallel_loop3A_1044 = arith.constant 35 : i32
        %parallel_loop3A_1045 = arith.index_cast %parallel_loop3A_1044 : i32 to index
        %parallel_loop3A_1046 = arith.index_cast %parallel_loop3A_994 : i32 to index
        %parallel_loop3A_1047 = tpu.vector_load %arg13[%parallel_loop3A_1045, %parallel_loop3A_1046] {strides = array<i32>} : memref<64x512xf32, #tpu.memory_space<vmem>>, vector<1x16xf32>,
        %parallel_loop3A_1048 = vector.shape_cast %parallel_loop3A_1047 : vector<1x16xf32> to vector<16xf32>
        %parallel_loop3A_1049 = vector.shape_cast %parallel_loop3A_1043 : vector<16xf32> to vector<1x16xf32>
        tpu.vector_store %arg13[%parallel_loop3A_1045, %parallel_loop3A_1046], %parallel_loop3A_1049 {strides = array<i32>} : memref<64x512xf32, #tpu.memory_space<vmem>>, vector<1x16xf32>,
        %parallel_loop3A_1050 = vector.shape_cast %parallel_loop3A_1009 : vector<16x1xi32> to vector<16xi32>
        %parallel_loop3A_1051 = tpu.dynamic_gather %parallel_loop3A_989[%parallel_loop3A_1050] in [0] : vector<16xf32>, vector<16xi32> -> vector<16xf32>
        %parallel_loop3A_1052 = arith.addf %parallel_loop3A_1051, %parallel_loop3A_981 : vector<16xf32>
        %parallel_loop3A_1053 = arith.mulf %parallel_loop3A_1052, %parallel_loop3A_1008 : vector<16xf32>
        %parallel_loop3A_1054 = arith.constant 36 : i32
        %parallel_loop3A_1055 = arith.index_cast %parallel_loop3A_1054 : i32 to index
        %parallel_loop3A_1056 = arith.index_cast %parallel_loop3A_994 : i32 to index
        %parallel_loop3A_1057 = tpu.vector_load %arg13[%parallel_loop3A_1055, %parallel_loop3A_1056] {strides = array<i32>} : memref<64x512xf32, #tpu.memory_space<vmem>>, vector<1x16xf32>,
        %parallel_loop3A_1058 = vector.shape_cast %parallel_loop3A_1057 : vector<1x16xf32> to vector<16xf32>
        %parallel_loop3A_1059 = vector.shape_cast %parallel_loop3A_1053 : vector<16xf32> to vector<1x16xf32>
        tpu.vector_store %arg13[%parallel_loop3A_1055, %parallel_loop3A_1056], %parallel_loop3A_1059 {strides = array<i32>} : memref<64x512xf32, #tpu.memory_space<vmem>>, vector<1x16xf32>,
        %parallel_loop3A_1060 = vector.shape_cast %parallel_loop3A_1009 : vector<16x1xi32> to vector<16xi32>
        %parallel_loop3A_1061 = tpu.dynamic_gather %parallel_loop3A_990[%parallel_loop3A_1060] in [0] : vector<16xf32>, vector<16xi32> -> vector<16xf32>
        %parallel_loop3A_1062 = arith.addf %parallel_loop3A_1061, %parallel_loop3A_982 : vector<16xf32>
        %parallel_loop3A_1063 = arith.mulf %parallel_loop3A_1062, %parallel_loop3A_1008 : vector<16xf32>
        %parallel_loop3A_1064 = arith.constant 37 : i32
        %parallel_loop3A_1065 = arith.index_cast %parallel_loop3A_1064 : i32 to index
        %parallel_loop3A_1066 = arith.index_cast %parallel_loop3A_994 : i32 to index
        %parallel_loop3A_1067 = tpu.vector_load %arg13[%parallel_loop3A_1065, %parallel_loop3A_1066] {strides = array<i32>} : memref<64x512xf32, #tpu.memory_space<vmem>>, vector<1x16xf32>,
        %parallel_loop3A_1068 = vector.shape_cast %parallel_loop3A_1067 : vector<1x16xf32> to vector<16xf32>
        %parallel_loop3A_1069 = vector.shape_cast %parallel_loop3A_1063 : vector<16xf32> to vector<1x16xf32>
        tpu.vector_store %arg13[%parallel_loop3A_1065, %parallel_loop3A_1066], %parallel_loop3A_1069 {strides = array<i32>} : memref<64x512xf32, #tpu.memory_space<vmem>>, vector<1x16xf32>,
        %parallel_loop3A_1070 = vector.shape_cast %parallel_loop3A_1009 : vector<16x1xi32> to vector<16xi32>
        %parallel_loop3A_1071 = tpu.dynamic_gather %parallel_loop3A_991[%parallel_loop3A_1070] in [0] : vector<16xf32>, vector<16xi32> -> vector<16xf32>
        %parallel_loop3A_1072 = arith.addf %parallel_loop3A_1071, %parallel_loop3A_983 : vector<16xf32>
        %parallel_loop3A_1073 = arith.mulf %parallel_loop3A_1072, %parallel_loop3A_1008 : vector<16xf32>
        %parallel_loop3A_1074 = arith.constant 38 : i32
        %parallel_loop3A_1075 = arith.index_cast %parallel_loop3A_1074 : i32 to index
        %parallel_loop3A_1076 = arith.index_cast %parallel_loop3A_994 : i32 to index
        %parallel_loop3A_1077 = tpu.vector_load %arg13[%parallel_loop3A_1075, %parallel_loop3A_1076] {strides = array<i32>} : memref<64x512xf32, #tpu.memory_space<vmem>>, vector<1x16xf32>,
        %parallel_loop3A_1078 = vector.shape_cast %parallel_loop3A_1077 : vector<1x16xf32> to vector<16xf32>
        %parallel_loop3A_1079 = vector.shape_cast %parallel_loop3A_1073 : vector<16xf32> to vector<1x16xf32>
        tpu.vector_store %arg13[%parallel_loop3A_1075, %parallel_loop3A_1076], %parallel_loop3A_1079 {strides = array<i32>} : memref<64x512xf32, #tpu.memory_space<vmem>>, vector<1x16xf32>,
        %parallel_loop3A_1080 = vector.shape_cast %parallel_loop3A_1009 : vector<16x1xi32> to vector<16xi32>
        %parallel_loop3A_1081 = tpu.dynamic_gather %parallel_loop3A_992[%parallel_loop3A_1080] in [0] : vector<16xf32>, vector<16xi32> -> vector<16xf32>
        %parallel_loop3A_1082 = arith.addf %parallel_loop3A_1081, %parallel_loop3A_984 : vector<16xf32>
        %parallel_loop3A_1083 = arith.mulf %parallel_loop3A_1082, %parallel_loop3A_1008 : vector<16xf32>
        %parallel_loop3A_1084 = arith.constant 39 : i32
        %parallel_loop3A_1085 = arith.index_cast %parallel_loop3A_1084 : i32 to index
        %parallel_loop3A_1086 = arith.index_cast %parallel_loop3A_994 : i32 to index
        %parallel_loop3A_1087 = tpu.vector_load %arg13[%parallel_loop3A_1085, %parallel_loop3A_1086] {strides = array<i32>} : memref<64x512xf32, #tpu.memory_space<vmem>>, vector<1x16xf32>,
        %parallel_loop3A_1088 = vector.shape_cast %parallel_loop3A_1087 : vector<1x16xf32> to vector<16xf32>
        %parallel_loop3A_1089 = vector.shape_cast %parallel_loop3A_1083 : vector<16xf32> to vector<1x16xf32>
        tpu.vector_store %arg13[%parallel_loop3A_1085, %parallel_loop3A_1086], %parallel_loop3A_1089 {strides = array<i32>} : memref<64x512xf32, #tpu.memory_space<vmem>>, vector<1x16xf32>,
        scf.yield %parallel_loop3A_977, %parallel_loop3A_978, %parallel_loop3A_979, %parallel_loop3A_980, %parallel_loop3A_981, %parallel_loop3A_982, %parallel_loop3A_983, %parallel_loop3A_984, %parallel_loop3A_985, %parallel_loop3A_986, %parallel_loop3A_987, %parallel_loop3A_988, %parallel_loop3A_989, %parallel_loop3A_990, %parallel_loop3A_991, %parallel_loop3A_992 : vector<16xf32>, vector<16xf32>, vector<16xf32>, vector<16xf32>, vector<16xf32>, vector<16xf32>, vector<16xf32>, vector<16xf32>, vector<16xf32>, vector<16xf32>, vector<16xf32>, vector<16xf32>, vector<16xf32>, vector<16xf32>, vector<16xf32>, vector<16xf32>
      } {sc.loop_unroll_factor = 1 : i64, sc.parallel_access}
      %get3A_356 = arith.constant 640 : index
      %get3A_357 = tpu.vector_load %arg12[%get3A_356] {strides = array<i32>} : memref<1024xf32, #tpu.memory_space<vmem>>, vector<16xf32>,
      %get3A_358 = vector.shape_cast %get3A_357 : vector<16xf32> to vector<16xf32>
      %get3A_359 = arith.constant 656 : index
      %get3A_360 = tpu.vector_load %arg12[%get3A_359] {strides = array<i32>} : memref<1024xf32, #tpu.memory_space<vmem>>, vector<16xf32>,
      %get3A_361 = vector.shape_cast %get3A_360 : vector<16xf32> to vector<16xf32>
      %get3A_362 = arith.constant 672 : index
      %get3A_363 = tpu.vector_load %arg12[%get3A_362] {strides = array<i32>} : memref<1024xf32, #tpu.memory_space<vmem>>, vector<16xf32>,
      %get3A_364 = vector.shape_cast %get3A_363 : vector<16xf32> to vector<16xf32>
      %get3A_365 = arith.constant 688 : index
      %get3A_366 = tpu.vector_load %arg12[%get3A_365] {strides = array<i32>} : memref<1024xf32, #tpu.memory_space<vmem>>, vector<16xf32>,
      %get3A_367 = vector.shape_cast %get3A_366 : vector<16xf32> to vector<16xf32>
      %get3A_368 = arith.constant 704 : index
      %get3A_369 = tpu.vector_load %arg12[%get3A_368] {strides = array<i32>} : memref<1024xf32, #tpu.memory_space<vmem>>, vector<16xf32>,
      %get3A_370 = vector.shape_cast %get3A_369 : vector<16xf32> to vector<16xf32>
      %get3A_371 = arith.constant 720 : index
      %get3A_372 = tpu.vector_load %arg12[%get3A_371] {strides = array<i32>} : memref<1024xf32, #tpu.memory_space<vmem>>, vector<16xf32>,
      %get3A_373 = vector.shape_cast %get3A_372 : vector<16xf32> to vector<16xf32>
      %get3A_374 = arith.constant 736 : index
      %get3A_375 = tpu.vector_load %arg12[%get3A_374] {strides = array<i32>} : memref<1024xf32, #tpu.memory_space<vmem>>, vector<16xf32>,
      %get3A_376 = vector.shape_cast %get3A_375 : vector<16xf32> to vector<16xf32>
      %get3A_377 = arith.constant 752 : index
      %get3A_378 = tpu.vector_load %arg12[%get3A_377] {strides = array<i32>} : memref<1024xf32, #tpu.memory_space<vmem>>, vector<16xf32>,
      %get3A_379 = vector.shape_cast %get3A_378 : vector<16xf32> to vector<16xf32>
      %get3A_380 = arith.constant 128 : index
      %get3A_381 = tpu.vector_load %arg21[%get3A_380] {strides = array<i32>} : memref<512xf32, #tpu.memory_space<vmem>>, vector<16xf32>,
      %get3A_382 = vector.shape_cast %get3A_381 : vector<16xf32> to vector<16xf32>
      %get3A_383 = arith.constant 144 : index
      %get3A_384 = tpu.vector_load %arg21[%get3A_383] {strides = array<i32>} : memref<512xf32, #tpu.memory_space<vmem>>, vector<16xf32>,
      %get3A_385 = vector.shape_cast %get3A_384 : vector<16xf32> to vector<16xf32>
      %get3A_386 = arith.constant 160 : index
      %get3A_387 = tpu.vector_load %arg21[%get3A_386] {strides = array<i32>} : memref<512xf32, #tpu.memory_space<vmem>>, vector<16xf32>,
      %get3A_388 = vector.shape_cast %get3A_387 : vector<16xf32> to vector<16xf32>
      %get3A_389 = arith.constant 176 : index
      %get3A_390 = tpu.vector_load %arg21[%get3A_389] {strides = array<i32>} : memref<512xf32, #tpu.memory_space<vmem>>, vector<16xf32>,
      %get3A_391 = vector.shape_cast %get3A_390 : vector<16xf32> to vector<16xf32>
      %get3A_392 = arith.constant 192 : index
      %get3A_393 = tpu.vector_load %arg21[%get3A_392] {strides = array<i32>} : memref<512xf32, #tpu.memory_space<vmem>>, vector<16xf32>,
      %get3A_394 = vector.shape_cast %get3A_393 : vector<16xf32> to vector<16xf32>
      %get3A_395 = arith.constant 208 : index
      %get3A_396 = tpu.vector_load %arg21[%get3A_395] {strides = array<i32>} : memref<512xf32, #tpu.memory_space<vmem>>, vector<16xf32>,
      %get3A_397 = vector.shape_cast %get3A_396 : vector<16xf32> to vector<16xf32>
      %get3A_398 = arith.constant 224 : index
      %get3A_399 = tpu.vector_load %arg21[%get3A_398] {strides = array<i32>} : memref<512xf32, #tpu.memory_space<vmem>>, vector<16xf32>,
      %get3A_400 = vector.shape_cast %get3A_399 : vector<16xf32> to vector<16xf32>
      %get3A_401 = arith.constant 240 : index
      %get3A_402 = tpu.vector_load %arg21[%get3A_401] {strides = array<i32>} : memref<512xf32, #tpu.memory_space<vmem>>, vector<16xf32>,
      %get3A_403 = vector.shape_cast %get3A_402 : vector<16xf32> to vector<16xf32>
      %parallel_loop3A_404 = arith.constant 0 : i32
      %parallel_loop3A_405 = arith.constant 32 : i32
      %parallel_loop3A_406 = arith.constant 1 : i32
      %parallel_loop3A_407:16 = scf.for %parallel_loop3A_976 = %parallel_loop3A_404 to %parallel_loop3A_405 step %parallel_loop3A_406 iter_args(%parallel_loop3A_977 = %get3A_358, %parallel_loop3A_978 = %get3A_361, %parallel_loop3A_979 = %get3A_364, %parallel_loop3A_980 = %get3A_367, %parallel_loop3A_981 = %get3A_370, %parallel_loop3A_982 = %get3A_373, %parallel_loop3A_983 = %get3A_376, %parallel_loop3A_984 = %get3A_379, %parallel_loop3A_985 = %get3A_382, %parallel_loop3A_986 = %get3A_385, %parallel_loop3A_987 = %get3A_388, %parallel_loop3A_988 = %get3A_391, %parallel_loop3A_989 = %get3A_394, %parallel_loop3A_990 = %get3A_397, %parallel_loop3A_991 = %get3A_400, %parallel_loop3A_992 = %get3A_403) -> (vector<16xf32>, vector<16xf32>, vector<16xf32>, vector<16xf32>, vector<16xf32>, vector<16xf32>, vector<16xf32>, vector<16xf32>, vector<16xf32>, vector<16xf32>, vector<16xf32>, vector<16xf32>, vector<16xf32>, vector<16xf32>, vector<16xf32>, vector<16xf32>)  : i32 {
        %parallel_loop3A_993 = arith.constant 16 : i32
        %parallel_loop3A_994 = arith.muli %parallel_loop3A_976, %parallel_loop3A_993 : i32
        %parallel_loop3A_995 = arith.index_cast %parallel_loop3A_994 : i32 to index
        %parallel_loop3A_996 = tpu.vector_load %arg9[%parallel_loop3A_995] {strides = array<i32>} : memref<512xi32, #tpu.memory_space<vmem>>, vector<16xi32>,
        %parallel_loop3A_997 = vector.shape_cast %parallel_loop3A_996 : vector<16xi32> to vector<16xi32>
        %parallel_loop3A_998 = arith.index_cast %parallel_loop3A_994 : i32 to index
        %parallel_loop3A_999 = tpu.vector_load %arg10[%parallel_loop3A_998] {strides = array<i32>} : memref<512xi32, #tpu.memory_space<vmem>>, vector<16xi32>,
        %parallel_loop3A_1000 = vector.shape_cast %parallel_loop3A_999 : vector<16xi32> to vector<16xi32>
        %parallel_loop3A_1001 = arith.constant 0 : i32
        %parallel_loop3A_1002 = vector.broadcast %parallel_loop3A_1001 : i32 to vector<16xi32>
        %parallel_loop3A_1003 = arith.cmpi ne, %parallel_loop3A_997, %parallel_loop3A_1002 : vector<16xi32>
        %parallel_loop3A_1004 = arith.constant 1.000000e+00 : f32
        %parallel_loop3A_1005 = arith.constant 0.000000e+00 : f32
        %parallel_loop3A_1006 = vector.broadcast %parallel_loop3A_1004 : f32 to vector<16xf32>
        %parallel_loop3A_1007 = vector.broadcast %parallel_loop3A_1005 : f32 to vector<16xf32>
        %parallel_loop3A_1008 = arith.select %parallel_loop3A_1003, %parallel_loop3A_1006, %parallel_loop3A_1007 : vector<16xi1>, vector<16xf32>
        %parallel_loop3A_1009 = vector.shape_cast %parallel_loop3A_1000 : vector<16xi32> to vector<16x1xi32>
        %parallel_loop3A_1010 = vector.shape_cast %parallel_loop3A_1009 : vector<16x1xi32> to vector<16xi32>
        %parallel_loop3A_1011 = tpu.dynamic_gather %parallel_loop3A_985[%parallel_loop3A_1010] in [0] : vector<16xf32>, vector<16xi32> -> vector<16xf32>
        %parallel_loop3A_1012 = arith.addf %parallel_loop3A_1011, %parallel_loop3A_977 : vector<16xf32>
        %parallel_loop3A_1013 = arith.mulf %parallel_loop3A_1012, %parallel_loop3A_1008 : vector<16xf32>
        %parallel_loop3A_1014 = arith.constant 40 : i32
        %parallel_loop3A_1015 = arith.index_cast %parallel_loop3A_1014 : i32 to index
        %parallel_loop3A_1016 = arith.index_cast %parallel_loop3A_994 : i32 to index
        %parallel_loop3A_1017 = tpu.vector_load %arg13[%parallel_loop3A_1015, %parallel_loop3A_1016] {strides = array<i32>} : memref<64x512xf32, #tpu.memory_space<vmem>>, vector<1x16xf32>,
        %parallel_loop3A_1018 = vector.shape_cast %parallel_loop3A_1017 : vector<1x16xf32> to vector<16xf32>
        %parallel_loop3A_1019 = vector.shape_cast %parallel_loop3A_1013 : vector<16xf32> to vector<1x16xf32>
        tpu.vector_store %arg13[%parallel_loop3A_1015, %parallel_loop3A_1016], %parallel_loop3A_1019 {strides = array<i32>} : memref<64x512xf32, #tpu.memory_space<vmem>>, vector<1x16xf32>,
        %parallel_loop3A_1020 = vector.shape_cast %parallel_loop3A_1009 : vector<16x1xi32> to vector<16xi32>
        %parallel_loop3A_1021 = tpu.dynamic_gather %parallel_loop3A_986[%parallel_loop3A_1020] in [0] : vector<16xf32>, vector<16xi32> -> vector<16xf32>
        %parallel_loop3A_1022 = arith.addf %parallel_loop3A_1021, %parallel_loop3A_978 : vector<16xf32>
        %parallel_loop3A_1023 = arith.mulf %parallel_loop3A_1022, %parallel_loop3A_1008 : vector<16xf32>
        %parallel_loop3A_1024 = arith.constant 41 : i32
        %parallel_loop3A_1025 = arith.index_cast %parallel_loop3A_1024 : i32 to index
        %parallel_loop3A_1026 = arith.index_cast %parallel_loop3A_994 : i32 to index
        %parallel_loop3A_1027 = tpu.vector_load %arg13[%parallel_loop3A_1025, %parallel_loop3A_1026] {strides = array<i32>} : memref<64x512xf32, #tpu.memory_space<vmem>>, vector<1x16xf32>,
        %parallel_loop3A_1028 = vector.shape_cast %parallel_loop3A_1027 : vector<1x16xf32> to vector<16xf32>
        %parallel_loop3A_1029 = vector.shape_cast %parallel_loop3A_1023 : vector<16xf32> to vector<1x16xf32>
        tpu.vector_store %arg13[%parallel_loop3A_1025, %parallel_loop3A_1026], %parallel_loop3A_1029 {strides = array<i32>} : memref<64x512xf32, #tpu.memory_space<vmem>>, vector<1x16xf32>,
        %parallel_loop3A_1030 = vector.shape_cast %parallel_loop3A_1009 : vector<16x1xi32> to vector<16xi32>
        %parallel_loop3A_1031 = tpu.dynamic_gather %parallel_loop3A_987[%parallel_loop3A_1030] in [0] : vector<16xf32>, vector<16xi32> -> vector<16xf32>
        %parallel_loop3A_1032 = arith.addf %parallel_loop3A_1031, %parallel_loop3A_979 : vector<16xf32>
        %parallel_loop3A_1033 = arith.mulf %parallel_loop3A_1032, %parallel_loop3A_1008 : vector<16xf32>
        %parallel_loop3A_1034 = arith.constant 42 : i32
        %parallel_loop3A_1035 = arith.index_cast %parallel_loop3A_1034 : i32 to index
        %parallel_loop3A_1036 = arith.index_cast %parallel_loop3A_994 : i32 to index
        %parallel_loop3A_1037 = tpu.vector_load %arg13[%parallel_loop3A_1035, %parallel_loop3A_1036] {strides = array<i32>} : memref<64x512xf32, #tpu.memory_space<vmem>>, vector<1x16xf32>,
        %parallel_loop3A_1038 = vector.shape_cast %parallel_loop3A_1037 : vector<1x16xf32> to vector<16xf32>
        %parallel_loop3A_1039 = vector.shape_cast %parallel_loop3A_1033 : vector<16xf32> to vector<1x16xf32>
        tpu.vector_store %arg13[%parallel_loop3A_1035, %parallel_loop3A_1036], %parallel_loop3A_1039 {strides = array<i32>} : memref<64x512xf32, #tpu.memory_space<vmem>>, vector<1x16xf32>,
        %parallel_loop3A_1040 = vector.shape_cast %parallel_loop3A_1009 : vector<16x1xi32> to vector<16xi32>
        %parallel_loop3A_1041 = tpu.dynamic_gather %parallel_loop3A_988[%parallel_loop3A_1040] in [0] : vector<16xf32>, vector<16xi32> -> vector<16xf32>
        %parallel_loop3A_1042 = arith.addf %parallel_loop3A_1041, %parallel_loop3A_980 : vector<16xf32>
        %parallel_loop3A_1043 = arith.mulf %parallel_loop3A_1042, %parallel_loop3A_1008 : vector<16xf32>
        %parallel_loop3A_1044 = arith.constant 43 : i32
        %parallel_loop3A_1045 = arith.index_cast %parallel_loop3A_1044 : i32 to index
        %parallel_loop3A_1046 = arith.index_cast %parallel_loop3A_994 : i32 to index
        %parallel_loop3A_1047 = tpu.vector_load %arg13[%parallel_loop3A_1045, %parallel_loop3A_1046] {strides = array<i32>} : memref<64x512xf32, #tpu.memory_space<vmem>>, vector<1x16xf32>,
        %parallel_loop3A_1048 = vector.shape_cast %parallel_loop3A_1047 : vector<1x16xf32> to vector<16xf32>
        %parallel_loop3A_1049 = vector.shape_cast %parallel_loop3A_1043 : vector<16xf32> to vector<1x16xf32>
        tpu.vector_store %arg13[%parallel_loop3A_1045, %parallel_loop3A_1046], %parallel_loop3A_1049 {strides = array<i32>} : memref<64x512xf32, #tpu.memory_space<vmem>>, vector<1x16xf32>,
        %parallel_loop3A_1050 = vector.shape_cast %parallel_loop3A_1009 : vector<16x1xi32> to vector<16xi32>
        %parallel_loop3A_1051 = tpu.dynamic_gather %parallel_loop3A_989[%parallel_loop3A_1050] in [0] : vector<16xf32>, vector<16xi32> -> vector<16xf32>
        %parallel_loop3A_1052 = arith.addf %parallel_loop3A_1051, %parallel_loop3A_981 : vector<16xf32>
        %parallel_loop3A_1053 = arith.mulf %parallel_loop3A_1052, %parallel_loop3A_1008 : vector<16xf32>
        %parallel_loop3A_1054 = arith.constant 44 : i32
        %parallel_loop3A_1055 = arith.index_cast %parallel_loop3A_1054 : i32 to index
        %parallel_loop3A_1056 = arith.index_cast %parallel_loop3A_994 : i32 to index
        %parallel_loop3A_1057 = tpu.vector_load %arg13[%parallel_loop3A_1055, %parallel_loop3A_1056] {strides = array<i32>} : memref<64x512xf32, #tpu.memory_space<vmem>>, vector<1x16xf32>,
        %parallel_loop3A_1058 = vector.shape_cast %parallel_loop3A_1057 : vector<1x16xf32> to vector<16xf32>
        %parallel_loop3A_1059 = vector.shape_cast %parallel_loop3A_1053 : vector<16xf32> to vector<1x16xf32>
        tpu.vector_store %arg13[%parallel_loop3A_1055, %parallel_loop3A_1056], %parallel_loop3A_1059 {strides = array<i32>} : memref<64x512xf32, #tpu.memory_space<vmem>>, vector<1x16xf32>,
        %parallel_loop3A_1060 = vector.shape_cast %parallel_loop3A_1009 : vector<16x1xi32> to vector<16xi32>
        %parallel_loop3A_1061 = tpu.dynamic_gather %parallel_loop3A_990[%parallel_loop3A_1060] in [0] : vector<16xf32>, vector<16xi32> -> vector<16xf32>
        %parallel_loop3A_1062 = arith.addf %parallel_loop3A_1061, %parallel_loop3A_982 : vector<16xf32>
        %parallel_loop3A_1063 = arith.mulf %parallel_loop3A_1062, %parallel_loop3A_1008 : vector<16xf32>
        %parallel_loop3A_1064 = arith.constant 45 : i32
        %parallel_loop3A_1065 = arith.index_cast %parallel_loop3A_1064 : i32 to index
        %parallel_loop3A_1066 = arith.index_cast %parallel_loop3A_994 : i32 to index
        %parallel_loop3A_1067 = tpu.vector_load %arg13[%parallel_loop3A_1065, %parallel_loop3A_1066] {strides = array<i32>} : memref<64x512xf32, #tpu.memory_space<vmem>>, vector<1x16xf32>,
        %parallel_loop3A_1068 = vector.shape_cast %parallel_loop3A_1067 : vector<1x16xf32> to vector<16xf32>
        %parallel_loop3A_1069 = vector.shape_cast %parallel_loop3A_1063 : vector<16xf32> to vector<1x16xf32>
        tpu.vector_store %arg13[%parallel_loop3A_1065, %parallel_loop3A_1066], %parallel_loop3A_1069 {strides = array<i32>} : memref<64x512xf32, #tpu.memory_space<vmem>>, vector<1x16xf32>,
        %parallel_loop3A_1070 = vector.shape_cast %parallel_loop3A_1009 : vector<16x1xi32> to vector<16xi32>
        %parallel_loop3A_1071 = tpu.dynamic_gather %parallel_loop3A_991[%parallel_loop3A_1070] in [0] : vector<16xf32>, vector<16xi32> -> vector<16xf32>
        %parallel_loop3A_1072 = arith.addf %parallel_loop3A_1071, %parallel_loop3A_983 : vector<16xf32>
        %parallel_loop3A_1073 = arith.mulf %parallel_loop3A_1072, %parallel_loop3A_1008 : vector<16xf32>
        %parallel_loop3A_1074 = arith.constant 46 : i32
        %parallel_loop3A_1075 = arith.index_cast %parallel_loop3A_1074 : i32 to index
        %parallel_loop3A_1076 = arith.index_cast %parallel_loop3A_994 : i32 to index
        %parallel_loop3A_1077 = tpu.vector_load %arg13[%parallel_loop3A_1075, %parallel_loop3A_1076] {strides = array<i32>} : memref<64x512xf32, #tpu.memory_space<vmem>>, vector<1x16xf32>,
        %parallel_loop3A_1078 = vector.shape_cast %parallel_loop3A_1077 : vector<1x16xf32> to vector<16xf32>
        %parallel_loop3A_1079 = vector.shape_cast %parallel_loop3A_1073 : vector<16xf32> to vector<1x16xf32>
        tpu.vector_store %arg13[%parallel_loop3A_1075, %parallel_loop3A_1076], %parallel_loop3A_1079 {strides = array<i32>} : memref<64x512xf32, #tpu.memory_space<vmem>>, vector<1x16xf32>,
        %parallel_loop3A_1080 = vector.shape_cast %parallel_loop3A_1009 : vector<16x1xi32> to vector<16xi32>
        %parallel_loop3A_1081 = tpu.dynamic_gather %parallel_loop3A_992[%parallel_loop3A_1080] in [0] : vector<16xf32>, vector<16xi32> -> vector<16xf32>
        %parallel_loop3A_1082 = arith.addf %parallel_loop3A_1081, %parallel_loop3A_984 : vector<16xf32>
        %parallel_loop3A_1083 = arith.mulf %parallel_loop3A_1082, %parallel_loop3A_1008 : vector<16xf32>
        %parallel_loop3A_1084 = arith.constant 47 : i32
        %parallel_loop3A_1085 = arith.index_cast %parallel_loop3A_1084 : i32 to index
        %parallel_loop3A_1086 = arith.index_cast %parallel_loop3A_994 : i32 to index
        %parallel_loop3A_1087 = tpu.vector_load %arg13[%parallel_loop3A_1085, %parallel_loop3A_1086] {strides = array<i32>} : memref<64x512xf32, #tpu.memory_space<vmem>>, vector<1x16xf32>,
        %parallel_loop3A_1088 = vector.shape_cast %parallel_loop3A_1087 : vector<1x16xf32> to vector<16xf32>
        %parallel_loop3A_1089 = vector.shape_cast %parallel_loop3A_1083 : vector<16xf32> to vector<1x16xf32>
        tpu.vector_store %arg13[%parallel_loop3A_1085, %parallel_loop3A_1086], %parallel_loop3A_1089 {strides = array<i32>} : memref<64x512xf32, #tpu.memory_space<vmem>>, vector<1x16xf32>,
        scf.yield %parallel_loop3A_977, %parallel_loop3A_978, %parallel_loop3A_979, %parallel_loop3A_980, %parallel_loop3A_981, %parallel_loop3A_982, %parallel_loop3A_983, %parallel_loop3A_984, %parallel_loop3A_985, %parallel_loop3A_986, %parallel_loop3A_987, %parallel_loop3A_988, %parallel_loop3A_989, %parallel_loop3A_990, %parallel_loop3A_991, %parallel_loop3A_992 : vector<16xf32>, vector<16xf32>, vector<16xf32>, vector<16xf32>, vector<16xf32>, vector<16xf32>, vector<16xf32>, vector<16xf32>, vector<16xf32>, vector<16xf32>, vector<16xf32>, vector<16xf32>, vector<16xf32>, vector<16xf32>, vector<16xf32>, vector<16xf32>
      } {sc.loop_unroll_factor = 1 : i64, sc.parallel_access}
      %get3A_408 = arith.constant 768 : index
      %get3A_409 = tpu.vector_load %arg12[%get3A_408] {strides = array<i32>} : memref<1024xf32, #tpu.memory_space<vmem>>, vector<16xf32>,
      %get3A_410 = vector.shape_cast %get3A_409 : vector<16xf32> to vector<16xf32>
      %get3A_411 = arith.constant 784 : index
      %get3A_412 = tpu.vector_load %arg12[%get3A_411] {strides = array<i32>} : memref<1024xf32, #tpu.memory_space<vmem>>, vector<16xf32>,
      %get3A_413 = vector.shape_cast %get3A_412 : vector<16xf32> to vector<16xf32>
      %get3A_414 = arith.constant 800 : index
      %get3A_415 = tpu.vector_load %arg12[%get3A_414] {strides = array<i32>} : memref<1024xf32, #tpu.memory_space<vmem>>, vector<16xf32>,
      %get3A_416 = vector.shape_cast %get3A_415 : vector<16xf32> to vector<16xf32>
      %get3A_417 = arith.constant 816 : index
      %get3A_418 = tpu.vector_load %arg12[%get3A_417] {strides = array<i32>} : memref<1024xf32, #tpu.memory_space<vmem>>, vector<16xf32>,
      %get3A_419 = vector.shape_cast %get3A_418 : vector<16xf32> to vector<16xf32>
      %get3A_420 = arith.constant 832 : index
      %get3A_421 = tpu.vector_load %arg12[%get3A_420] {strides = array<i32>} : memref<1024xf32, #tpu.memory_space<vmem>>, vector<16xf32>,
      %get3A_422 = vector.shape_cast %get3A_421 : vector<16xf32> to vector<16xf32>
      %get3A_423 = arith.constant 848 : index
      %get3A_424 = tpu.vector_load %arg12[%get3A_423] {strides = array<i32>} : memref<1024xf32, #tpu.memory_space<vmem>>, vector<16xf32>,
      %get3A_425 = vector.shape_cast %get3A_424 : vector<16xf32> to vector<16xf32>
      %get3A_426 = arith.constant 864 : index
      %get3A_427 = tpu.vector_load %arg12[%get3A_426] {strides = array<i32>} : memref<1024xf32, #tpu.memory_space<vmem>>, vector<16xf32>,
      %get3A_428 = vector.shape_cast %get3A_427 : vector<16xf32> to vector<16xf32>
      %get3A_429 = arith.constant 880 : index
      %get3A_430 = tpu.vector_load %arg12[%get3A_429] {strides = array<i32>} : memref<1024xf32, #tpu.memory_space<vmem>>, vector<16xf32>,
      %get3A_431 = vector.shape_cast %get3A_430 : vector<16xf32> to vector<16xf32>
      %get3A_432 = arith.constant 256 : index
      %get3A_433 = tpu.vector_load %arg21[%get3A_432] {strides = array<i32>} : memref<512xf32, #tpu.memory_space<vmem>>, vector<16xf32>,
      %get3A_434 = vector.shape_cast %get3A_433 : vector<16xf32> to vector<16xf32>
      %get3A_435 = arith.constant 272 : index
      %get3A_436 = tpu.vector_load %arg21[%get3A_435] {strides = array<i32>} : memref<512xf32, #tpu.memory_space<vmem>>, vector<16xf32>,
      %get3A_437 = vector.shape_cast %get3A_436 : vector<16xf32> to vector<16xf32>
      %get3A_438 = arith.constant 288 : index
      %get3A_439 = tpu.vector_load %arg21[%get3A_438] {strides = array<i32>} : memref<512xf32, #tpu.memory_space<vmem>>, vector<16xf32>,
      %get3A_440 = vector.shape_cast %get3A_439 : vector<16xf32> to vector<16xf32>
      %get3A_441 = arith.constant 304 : index
      %get3A_442 = tpu.vector_load %arg21[%get3A_441] {strides = array<i32>} : memref<512xf32, #tpu.memory_space<vmem>>, vector<16xf32>,
      %get3A_443 = vector.shape_cast %get3A_442 : vector<16xf32> to vector<16xf32>
      %get3A_444 = arith.constant 320 : index
      %get3A_445 = tpu.vector_load %arg21[%get3A_444] {strides = array<i32>} : memref<512xf32, #tpu.memory_space<vmem>>, vector<16xf32>,
      %get3A_446 = vector.shape_cast %get3A_445 : vector<16xf32> to vector<16xf32>
      %get3A_447 = arith.constant 336 : index
      %get3A_448 = tpu.vector_load %arg21[%get3A_447] {strides = array<i32>} : memref<512xf32, #tpu.memory_space<vmem>>, vector<16xf32>,
      %get3A_449 = vector.shape_cast %get3A_448 : vector<16xf32> to vector<16xf32>
      %get3A_450 = arith.constant 352 : index
      %get3A_451 = tpu.vector_load %arg21[%get3A_450] {strides = array<i32>} : memref<512xf32, #tpu.memory_space<vmem>>, vector<16xf32>,
      %get3A_452 = vector.shape_cast %get3A_451 : vector<16xf32> to vector<16xf32>
      %get3A_453 = arith.constant 368 : index
      %get3A_454 = tpu.vector_load %arg21[%get3A_453] {strides = array<i32>} : memref<512xf32, #tpu.memory_space<vmem>>, vector<16xf32>,
      %get3A_455 = vector.shape_cast %get3A_454 : vector<16xf32> to vector<16xf32>
      %parallel_loop3A_456 = arith.constant 0 : i32
      %parallel_loop3A_457 = arith.constant 32 : i32
      %parallel_loop3A_458 = arith.constant 1 : i32
      %parallel_loop3A_459:16 = scf.for %parallel_loop3A_976 = %parallel_loop3A_456 to %parallel_loop3A_457 step %parallel_loop3A_458 iter_args(%parallel_loop3A_977 = %get3A_410, %parallel_loop3A_978 = %get3A_413, %parallel_loop3A_979 = %get3A_416, %parallel_loop3A_980 = %get3A_419, %parallel_loop3A_981 = %get3A_422, %parallel_loop3A_982 = %get3A_425, %parallel_loop3A_983 = %get3A_428, %parallel_loop3A_984 = %get3A_431, %parallel_loop3A_985 = %get3A_434, %parallel_loop3A_986 = %get3A_437, %parallel_loop3A_987 = %get3A_440, %parallel_loop3A_988 = %get3A_443, %parallel_loop3A_989 = %get3A_446, %parallel_loop3A_990 = %get3A_449, %parallel_loop3A_991 = %get3A_452, %parallel_loop3A_992 = %get3A_455) -> (vector<16xf32>, vector<16xf32>, vector<16xf32>, vector<16xf32>, vector<16xf32>, vector<16xf32>, vector<16xf32>, vector<16xf32>, vector<16xf32>, vector<16xf32>, vector<16xf32>, vector<16xf32>, vector<16xf32>, vector<16xf32>, vector<16xf32>, vector<16xf32>)  : i32 {
        %parallel_loop3A_993 = arith.constant 16 : i32
        %parallel_loop3A_994 = arith.muli %parallel_loop3A_976, %parallel_loop3A_993 : i32
        %parallel_loop3A_995 = arith.index_cast %parallel_loop3A_994 : i32 to index
        %parallel_loop3A_996 = tpu.vector_load %arg9[%parallel_loop3A_995] {strides = array<i32>} : memref<512xi32, #tpu.memory_space<vmem>>, vector<16xi32>,
        %parallel_loop3A_997 = vector.shape_cast %parallel_loop3A_996 : vector<16xi32> to vector<16xi32>
        %parallel_loop3A_998 = arith.index_cast %parallel_loop3A_994 : i32 to index
        %parallel_loop3A_999 = tpu.vector_load %arg10[%parallel_loop3A_998] {strides = array<i32>} : memref<512xi32, #tpu.memory_space<vmem>>, vector<16xi32>,
        %parallel_loop3A_1000 = vector.shape_cast %parallel_loop3A_999 : vector<16xi32> to vector<16xi32>
        %parallel_loop3A_1001 = arith.constant 0 : i32
        %parallel_loop3A_1002 = vector.broadcast %parallel_loop3A_1001 : i32 to vector<16xi32>
        %parallel_loop3A_1003 = arith.cmpi ne, %parallel_loop3A_997, %parallel_loop3A_1002 : vector<16xi32>
        %parallel_loop3A_1004 = arith.constant 1.000000e+00 : f32
        %parallel_loop3A_1005 = arith.constant 0.000000e+00 : f32
        %parallel_loop3A_1006 = vector.broadcast %parallel_loop3A_1004 : f32 to vector<16xf32>
        %parallel_loop3A_1007 = vector.broadcast %parallel_loop3A_1005 : f32 to vector<16xf32>
        %parallel_loop3A_1008 = arith.select %parallel_loop3A_1003, %parallel_loop3A_1006, %parallel_loop3A_1007 : vector<16xi1>, vector<16xf32>
        %parallel_loop3A_1009 = vector.shape_cast %parallel_loop3A_1000 : vector<16xi32> to vector<16x1xi32>
        %parallel_loop3A_1010 = vector.shape_cast %parallel_loop3A_1009 : vector<16x1xi32> to vector<16xi32>
        %parallel_loop3A_1011 = tpu.dynamic_gather %parallel_loop3A_985[%parallel_loop3A_1010] in [0] : vector<16xf32>, vector<16xi32> -> vector<16xf32>
        %parallel_loop3A_1012 = arith.addf %parallel_loop3A_1011, %parallel_loop3A_977 : vector<16xf32>
        %parallel_loop3A_1013 = arith.mulf %parallel_loop3A_1012, %parallel_loop3A_1008 : vector<16xf32>
        %parallel_loop3A_1014 = arith.constant 48 : i32
        %parallel_loop3A_1015 = arith.index_cast %parallel_loop3A_1014 : i32 to index
        %parallel_loop3A_1016 = arith.index_cast %parallel_loop3A_994 : i32 to index
        %parallel_loop3A_1017 = tpu.vector_load %arg13[%parallel_loop3A_1015, %parallel_loop3A_1016] {strides = array<i32>} : memref<64x512xf32, #tpu.memory_space<vmem>>, vector<1x16xf32>,
        %parallel_loop3A_1018 = vector.shape_cast %parallel_loop3A_1017 : vector<1x16xf32> to vector<16xf32>
        %parallel_loop3A_1019 = vector.shape_cast %parallel_loop3A_1013 : vector<16xf32> to vector<1x16xf32>
        tpu.vector_store %arg13[%parallel_loop3A_1015, %parallel_loop3A_1016], %parallel_loop3A_1019 {strides = array<i32>} : memref<64x512xf32, #tpu.memory_space<vmem>>, vector<1x16xf32>,
        %parallel_loop3A_1020 = vector.shape_cast %parallel_loop3A_1009 : vector<16x1xi32> to vector<16xi32>
        %parallel_loop3A_1021 = tpu.dynamic_gather %parallel_loop3A_986[%parallel_loop3A_1020] in [0] : vector<16xf32>, vector<16xi32> -> vector<16xf32>
        %parallel_loop3A_1022 = arith.addf %parallel_loop3A_1021, %parallel_loop3A_978 : vector<16xf32>
        %parallel_loop3A_1023 = arith.mulf %parallel_loop3A_1022, %parallel_loop3A_1008 : vector<16xf32>
        %parallel_loop3A_1024 = arith.constant 49 : i32
        %parallel_loop3A_1025 = arith.index_cast %parallel_loop3A_1024 : i32 to index
        %parallel_loop3A_1026 = arith.index_cast %parallel_loop3A_994 : i32 to index
        %parallel_loop3A_1027 = tpu.vector_load %arg13[%parallel_loop3A_1025, %parallel_loop3A_1026] {strides = array<i32>} : memref<64x512xf32, #tpu.memory_space<vmem>>, vector<1x16xf32>,
        %parallel_loop3A_1028 = vector.shape_cast %parallel_loop3A_1027 : vector<1x16xf32> to vector<16xf32>
        %parallel_loop3A_1029 = vector.shape_cast %parallel_loop3A_1023 : vector<16xf32> to vector<1x16xf32>
        tpu.vector_store %arg13[%parallel_loop3A_1025, %parallel_loop3A_1026], %parallel_loop3A_1029 {strides = array<i32>} : memref<64x512xf32, #tpu.memory_space<vmem>>, vector<1x16xf32>,
        %parallel_loop3A_1030 = vector.shape_cast %parallel_loop3A_1009 : vector<16x1xi32> to vector<16xi32>
        %parallel_loop3A_1031 = tpu.dynamic_gather %parallel_loop3A_987[%parallel_loop3A_1030] in [0] : vector<16xf32>, vector<16xi32> -> vector<16xf32>
        %parallel_loop3A_1032 = arith.addf %parallel_loop3A_1031, %parallel_loop3A_979 : vector<16xf32>
        %parallel_loop3A_1033 = arith.mulf %parallel_loop3A_1032, %parallel_loop3A_1008 : vector<16xf32>
        %parallel_loop3A_1034 = arith.constant 50 : i32
        %parallel_loop3A_1035 = arith.index_cast %parallel_loop3A_1034 : i32 to index
        %parallel_loop3A_1036 = arith.index_cast %parallel_loop3A_994 : i32 to index
        %parallel_loop3A_1037 = tpu.vector_load %arg13[%parallel_loop3A_1035, %parallel_loop3A_1036] {strides = array<i32>} : memref<64x512xf32, #tpu.memory_space<vmem>>, vector<1x16xf32>,
        %parallel_loop3A_1038 = vector.shape_cast %parallel_loop3A_1037 : vector<1x16xf32> to vector<16xf32>
        %parallel_loop3A_1039 = vector.shape_cast %parallel_loop3A_1033 : vector<16xf32> to vector<1x16xf32>
        tpu.vector_store %arg13[%parallel_loop3A_1035, %parallel_loop3A_1036], %parallel_loop3A_1039 {strides = array<i32>} : memref<64x512xf32, #tpu.memory_space<vmem>>, vector<1x16xf32>,
        %parallel_loop3A_1040 = vector.shape_cast %parallel_loop3A_1009 : vector<16x1xi32> to vector<16xi32>
        %parallel_loop3A_1041 = tpu.dynamic_gather %parallel_loop3A_988[%parallel_loop3A_1040] in [0] : vector<16xf32>, vector<16xi32> -> vector<16xf32>
        %parallel_loop3A_1042 = arith.addf %parallel_loop3A_1041, %parallel_loop3A_980 : vector<16xf32>
        %parallel_loop3A_1043 = arith.mulf %parallel_loop3A_1042, %parallel_loop3A_1008 : vector<16xf32>
        %parallel_loop3A_1044 = arith.constant 51 : i32
        %parallel_loop3A_1045 = arith.index_cast %parallel_loop3A_1044 : i32 to index
        %parallel_loop3A_1046 = arith.index_cast %parallel_loop3A_994 : i32 to index
        %parallel_loop3A_1047 = tpu.vector_load %arg13[%parallel_loop3A_1045, %parallel_loop3A_1046] {strides = array<i32>} : memref<64x512xf32, #tpu.memory_space<vmem>>, vector<1x16xf32>,
        %parallel_loop3A_1048 = vector.shape_cast %parallel_loop3A_1047 : vector<1x16xf32> to vector<16xf32>
        %parallel_loop3A_1049 = vector.shape_cast %parallel_loop3A_1043 : vector<16xf32> to vector<1x16xf32>
        tpu.vector_store %arg13[%parallel_loop3A_1045, %parallel_loop3A_1046], %parallel_loop3A_1049 {strides = array<i32>} : memref<64x512xf32, #tpu.memory_space<vmem>>, vector<1x16xf32>,
        %parallel_loop3A_1050 = vector.shape_cast %parallel_loop3A_1009 : vector<16x1xi32> to vector<16xi32>
        %parallel_loop3A_1051 = tpu.dynamic_gather %parallel_loop3A_989[%parallel_loop3A_1050] in [0] : vector<16xf32>, vector<16xi32> -> vector<16xf32>
        %parallel_loop3A_1052 = arith.addf %parallel_loop3A_1051, %parallel_loop3A_981 : vector<16xf32>
        %parallel_loop3A_1053 = arith.mulf %parallel_loop3A_1052, %parallel_loop3A_1008 : vector<16xf32>
        %parallel_loop3A_1054 = arith.constant 52 : i32
        %parallel_loop3A_1055 = arith.index_cast %parallel_loop3A_1054 : i32 to index
        %parallel_loop3A_1056 = arith.index_cast %parallel_loop3A_994 : i32 to index
        %parallel_loop3A_1057 = tpu.vector_load %arg13[%parallel_loop3A_1055, %parallel_loop3A_1056] {strides = array<i32>} : memref<64x512xf32, #tpu.memory_space<vmem>>, vector<1x16xf32>,
        %parallel_loop3A_1058 = vector.shape_cast %parallel_loop3A_1057 : vector<1x16xf32> to vector<16xf32>
        %parallel_loop3A_1059 = vector.shape_cast %parallel_loop3A_1053 : vector<16xf32> to vector<1x16xf32>
        tpu.vector_store %arg13[%parallel_loop3A_1055, %parallel_loop3A_1056], %parallel_loop3A_1059 {strides = array<i32>} : memref<64x512xf32, #tpu.memory_space<vmem>>, vector<1x16xf32>,
        %parallel_loop3A_1060 = vector.shape_cast %parallel_loop3A_1009 : vector<16x1xi32> to vector<16xi32>
        %parallel_loop3A_1061 = tpu.dynamic_gather %parallel_loop3A_990[%parallel_loop3A_1060] in [0] : vector<16xf32>, vector<16xi32> -> vector<16xf32>
        %parallel_loop3A_1062 = arith.addf %parallel_loop3A_1061, %parallel_loop3A_982 : vector<16xf32>
        %parallel_loop3A_1063 = arith.mulf %parallel_loop3A_1062, %parallel_loop3A_1008 : vector<16xf32>
        %parallel_loop3A_1064 = arith.constant 53 : i32
        %parallel_loop3A_1065 = arith.index_cast %parallel_loop3A_1064 : i32 to index
        %parallel_loop3A_1066 = arith.index_cast %parallel_loop3A_994 : i32 to index
        %parallel_loop3A_1067 = tpu.vector_load %arg13[%parallel_loop3A_1065, %parallel_loop3A_1066] {strides = array<i32>} : memref<64x512xf32, #tpu.memory_space<vmem>>, vector<1x16xf32>,
        %parallel_loop3A_1068 = vector.shape_cast %parallel_loop3A_1067 : vector<1x16xf32> to vector<16xf32>
        %parallel_loop3A_1069 = vector.shape_cast %parallel_loop3A_1063 : vector<16xf32> to vector<1x16xf32>
        tpu.vector_store %arg13[%parallel_loop3A_1065, %parallel_loop3A_1066], %parallel_loop3A_1069 {strides = array<i32>} : memref<64x512xf32, #tpu.memory_space<vmem>>, vector<1x16xf32>,
        %parallel_loop3A_1070 = vector.shape_cast %parallel_loop3A_1009 : vector<16x1xi32> to vector<16xi32>
        %parallel_loop3A_1071 = tpu.dynamic_gather %parallel_loop3A_991[%parallel_loop3A_1070] in [0] : vector<16xf32>, vector<16xi32> -> vector<16xf32>
        %parallel_loop3A_1072 = arith.addf %parallel_loop3A_1071, %parallel_loop3A_983 : vector<16xf32>
        %parallel_loop3A_1073 = arith.mulf %parallel_loop3A_1072, %parallel_loop3A_1008 : vector<16xf32>
        %parallel_loop3A_1074 = arith.constant 54 : i32
        %parallel_loop3A_1075 = arith.index_cast %parallel_loop3A_1074 : i32 to index
        %parallel_loop3A_1076 = arith.index_cast %parallel_loop3A_994 : i32 to index
        %parallel_loop3A_1077 = tpu.vector_load %arg13[%parallel_loop3A_1075, %parallel_loop3A_1076] {strides = array<i32>} : memref<64x512xf32, #tpu.memory_space<vmem>>, vector<1x16xf32>,
        %parallel_loop3A_1078 = vector.shape_cast %parallel_loop3A_1077 : vector<1x16xf32> to vector<16xf32>
        %parallel_loop3A_1079 = vector.shape_cast %parallel_loop3A_1073 : vector<16xf32> to vector<1x16xf32>
        tpu.vector_store %arg13[%parallel_loop3A_1075, %parallel_loop3A_1076], %parallel_loop3A_1079 {strides = array<i32>} : memref<64x512xf32, #tpu.memory_space<vmem>>, vector<1x16xf32>,
        %parallel_loop3A_1080 = vector.shape_cast %parallel_loop3A_1009 : vector<16x1xi32> to vector<16xi32>
        %parallel_loop3A_1081 = tpu.dynamic_gather %parallel_loop3A_992[%parallel_loop3A_1080] in [0] : vector<16xf32>, vector<16xi32> -> vector<16xf32>
        %parallel_loop3A_1082 = arith.addf %parallel_loop3A_1081, %parallel_loop3A_984 : vector<16xf32>
        %parallel_loop3A_1083 = arith.mulf %parallel_loop3A_1082, %parallel_loop3A_1008 : vector<16xf32>
        %parallel_loop3A_1084 = arith.constant 55 : i32
        %parallel_loop3A_1085 = arith.index_cast %parallel_loop3A_1084 : i32 to index
        %parallel_loop3A_1086 = arith.index_cast %parallel_loop3A_994 : i32 to index
        %parallel_loop3A_1087 = tpu.vector_load %arg13[%parallel_loop3A_1085, %parallel_loop3A_1086] {strides = array<i32>} : memref<64x512xf32, #tpu.memory_space<vmem>>, vector<1x16xf32>,
        %parallel_loop3A_1088 = vector.shape_cast %parallel_loop3A_1087 : vector<1x16xf32> to vector<16xf32>
        %parallel_loop3A_1089 = vector.shape_cast %parallel_loop3A_1083 : vector<16xf32> to vector<1x16xf32>
        tpu.vector_store %arg13[%parallel_loop3A_1085, %parallel_loop3A_1086], %parallel_loop3A_1089 {strides = array<i32>} : memref<64x512xf32, #tpu.memory_space<vmem>>, vector<1x16xf32>,
        scf.yield %parallel_loop3A_977, %parallel_loop3A_978, %parallel_loop3A_979, %parallel_loop3A_980, %parallel_loop3A_981, %parallel_loop3A_982, %parallel_loop3A_983, %parallel_loop3A_984, %parallel_loop3A_985, %parallel_loop3A_986, %parallel_loop3A_987, %parallel_loop3A_988, %parallel_loop3A_989, %parallel_loop3A_990, %parallel_loop3A_991, %parallel_loop3A_992 : vector<16xf32>, vector<16xf32>, vector<16xf32>, vector<16xf32>, vector<16xf32>, vector<16xf32>, vector<16xf32>, vector<16xf32>, vector<16xf32>, vector<16xf32>, vector<16xf32>, vector<16xf32>, vector<16xf32>, vector<16xf32>, vector<16xf32>, vector<16xf32>
      } {sc.loop_unroll_factor = 1 : i64, sc.parallel_access}
      %get3A_460 = arith.constant 896 : index
      %get3A_461 = tpu.vector_load %arg12[%get3A_460] {strides = array<i32>} : memref<1024xf32, #tpu.memory_space<vmem>>, vector<16xf32>,
      %get3A_462 = vector.shape_cast %get3A_461 : vector<16xf32> to vector<16xf32>
      %get3A_463 = arith.constant 912 : index
      %get3A_464 = tpu.vector_load %arg12[%get3A_463] {strides = array<i32>} : memref<1024xf32, #tpu.memory_space<vmem>>, vector<16xf32>,
      %get3A_465 = vector.shape_cast %get3A_464 : vector<16xf32> to vector<16xf32>
      %get3A_466 = arith.constant 928 : index
      %get3A_467 = tpu.vector_load %arg12[%get3A_466] {strides = array<i32>} : memref<1024xf32, #tpu.memory_space<vmem>>, vector<16xf32>,
      %get3A_468 = vector.shape_cast %get3A_467 : vector<16xf32> to vector<16xf32>
      %get3A_469 = arith.constant 944 : index
      %get3A_470 = tpu.vector_load %arg12[%get3A_469] {strides = array<i32>} : memref<1024xf32, #tpu.memory_space<vmem>>, vector<16xf32>,
      %get3A_471 = vector.shape_cast %get3A_470 : vector<16xf32> to vector<16xf32>
      %get3A_472 = arith.constant 960 : index
      %get3A_473 = tpu.vector_load %arg12[%get3A_472] {strides = array<i32>} : memref<1024xf32, #tpu.memory_space<vmem>>, vector<16xf32>,
      %get3A_474 = vector.shape_cast %get3A_473 : vector<16xf32> to vector<16xf32>
      %get3A_475 = arith.constant 976 : index
      %get3A_476 = tpu.vector_load %arg12[%get3A_475] {strides = array<i32>} : memref<1024xf32, #tpu.memory_space<vmem>>, vector<16xf32>,
      %get3A_477 = vector.shape_cast %get3A_476 : vector<16xf32> to vector<16xf32>
      %get3A_478 = arith.constant 992 : index
      %get3A_479 = tpu.vector_load %arg12[%get3A_478] {strides = array<i32>} : memref<1024xf32, #tpu.memory_space<vmem>>, vector<16xf32>,
      %get3A_480 = vector.shape_cast %get3A_479 : vector<16xf32> to vector<16xf32>
      %get3A_481 = arith.constant 1008 : index
      %get3A_482 = tpu.vector_load %arg12[%get3A_481] {strides = array<i32>} : memref<1024xf32, #tpu.memory_space<vmem>>, vector<16xf32>,
      %get3A_483 = vector.shape_cast %get3A_482 : vector<16xf32> to vector<16xf32>
      %get3A_484 = arith.constant 384 : index
      %get3A_485 = tpu.vector_load %arg21[%get3A_484] {strides = array<i32>} : memref<512xf32, #tpu.memory_space<vmem>>, vector<16xf32>,
      %get3A_486 = vector.shape_cast %get3A_485 : vector<16xf32> to vector<16xf32>
      %get3A_487 = arith.constant 400 : index
      %get3A_488 = tpu.vector_load %arg21[%get3A_487] {strides = array<i32>} : memref<512xf32, #tpu.memory_space<vmem>>, vector<16xf32>,
      %get3A_489 = vector.shape_cast %get3A_488 : vector<16xf32> to vector<16xf32>
      %get3A_490 = arith.constant 416 : index
      %get3A_491 = tpu.vector_load %arg21[%get3A_490] {strides = array<i32>} : memref<512xf32, #tpu.memory_space<vmem>>, vector<16xf32>,
      %get3A_492 = vector.shape_cast %get3A_491 : vector<16xf32> to vector<16xf32>
      %get3A_493 = arith.constant 432 : index
      %get3A_494 = tpu.vector_load %arg21[%get3A_493] {strides = array<i32>} : memref<512xf32, #tpu.memory_space<vmem>>, vector<16xf32>,
      %get3A_495 = vector.shape_cast %get3A_494 : vector<16xf32> to vector<16xf32>
      %get3A_496 = arith.constant 448 : index
      %get3A_497 = tpu.vector_load %arg21[%get3A_496] {strides = array<i32>} : memref<512xf32, #tpu.memory_space<vmem>>, vector<16xf32>,
      %get3A_498 = vector.shape_cast %get3A_497 : vector<16xf32> to vector<16xf32>
      %get3A_499 = arith.constant 464 : index
      %get3A_500 = tpu.vector_load %arg21[%get3A_499] {strides = array<i32>} : memref<512xf32, #tpu.memory_space<vmem>>, vector<16xf32>,
      %get3A_501 = vector.shape_cast %get3A_500 : vector<16xf32> to vector<16xf32>
      %get3A_502 = arith.constant 480 : index
      %get3A_503 = tpu.vector_load %arg21[%get3A_502] {strides = array<i32>} : memref<512xf32, #tpu.memory_space<vmem>>, vector<16xf32>,
      %get3A_504 = vector.shape_cast %get3A_503 : vector<16xf32> to vector<16xf32>
      %get3A_505 = arith.constant 496 : index
      %get3A_506 = tpu.vector_load %arg21[%get3A_505] {strides = array<i32>} : memref<512xf32, #tpu.memory_space<vmem>>, vector<16xf32>,
      %get3A_507 = vector.shape_cast %get3A_506 : vector<16xf32> to vector<16xf32>
      %parallel_loop3A_508 = arith.constant 0 : i32
      %parallel_loop3A_509 = arith.constant 32 : i32
      %parallel_loop3A_510 = arith.constant 1 : i32
      %parallel_loop3A_511:16 = scf.for %parallel_loop3A_976 = %parallel_loop3A_508 to %parallel_loop3A_509 step %parallel_loop3A_510 iter_args(%parallel_loop3A_977 = %get3A_462, %parallel_loop3A_978 = %get3A_465, %parallel_loop3A_979 = %get3A_468, %parallel_loop3A_980 = %get3A_471, %parallel_loop3A_981 = %get3A_474, %parallel_loop3A_982 = %get3A_477, %parallel_loop3A_983 = %get3A_480, %parallel_loop3A_984 = %get3A_483, %parallel_loop3A_985 = %get3A_486, %parallel_loop3A_986 = %get3A_489, %parallel_loop3A_987 = %get3A_492, %parallel_loop3A_988 = %get3A_495, %parallel_loop3A_989 = %get3A_498, %parallel_loop3A_990 = %get3A_501, %parallel_loop3A_991 = %get3A_504, %parallel_loop3A_992 = %get3A_507) -> (vector<16xf32>, vector<16xf32>, vector<16xf32>, vector<16xf32>, vector<16xf32>, vector<16xf32>, vector<16xf32>, vector<16xf32>, vector<16xf32>, vector<16xf32>, vector<16xf32>, vector<16xf32>, vector<16xf32>, vector<16xf32>, vector<16xf32>, vector<16xf32>)  : i32 {
        %parallel_loop3A_993 = arith.constant 16 : i32
        %parallel_loop3A_994 = arith.muli %parallel_loop3A_976, %parallel_loop3A_993 : i32
        %parallel_loop3A_995 = arith.index_cast %parallel_loop3A_994 : i32 to index
        %parallel_loop3A_996 = tpu.vector_load %arg9[%parallel_loop3A_995] {strides = array<i32>} : memref<512xi32, #tpu.memory_space<vmem>>, vector<16xi32>,
        %parallel_loop3A_997 = vector.shape_cast %parallel_loop3A_996 : vector<16xi32> to vector<16xi32>
        %parallel_loop3A_998 = arith.index_cast %parallel_loop3A_994 : i32 to index
        %parallel_loop3A_999 = tpu.vector_load %arg10[%parallel_loop3A_998] {strides = array<i32>} : memref<512xi32, #tpu.memory_space<vmem>>, vector<16xi32>,
        %parallel_loop3A_1000 = vector.shape_cast %parallel_loop3A_999 : vector<16xi32> to vector<16xi32>
        %parallel_loop3A_1001 = arith.constant 0 : i32
        %parallel_loop3A_1002 = vector.broadcast %parallel_loop3A_1001 : i32 to vector<16xi32>
        %parallel_loop3A_1003 = arith.cmpi ne, %parallel_loop3A_997, %parallel_loop3A_1002 : vector<16xi32>
        %parallel_loop3A_1004 = arith.constant 1.000000e+00 : f32
        %parallel_loop3A_1005 = arith.constant 0.000000e+00 : f32
        %parallel_loop3A_1006 = vector.broadcast %parallel_loop3A_1004 : f32 to vector<16xf32>
        %parallel_loop3A_1007 = vector.broadcast %parallel_loop3A_1005 : f32 to vector<16xf32>
        %parallel_loop3A_1008 = arith.select %parallel_loop3A_1003, %parallel_loop3A_1006, %parallel_loop3A_1007 : vector<16xi1>, vector<16xf32>
        %parallel_loop3A_1009 = vector.shape_cast %parallel_loop3A_1000 : vector<16xi32> to vector<16x1xi32>
        %parallel_loop3A_1010 = vector.shape_cast %parallel_loop3A_1009 : vector<16x1xi32> to vector<16xi32>
        %parallel_loop3A_1011 = tpu.dynamic_gather %parallel_loop3A_985[%parallel_loop3A_1010] in [0] : vector<16xf32>, vector<16xi32> -> vector<16xf32>
        %parallel_loop3A_1012 = arith.addf %parallel_loop3A_1011, %parallel_loop3A_977 : vector<16xf32>
        %parallel_loop3A_1013 = arith.mulf %parallel_loop3A_1012, %parallel_loop3A_1008 : vector<16xf32>
        %parallel_loop3A_1014 = arith.constant 56 : i32
        %parallel_loop3A_1015 = arith.index_cast %parallel_loop3A_1014 : i32 to index
        %parallel_loop3A_1016 = arith.index_cast %parallel_loop3A_994 : i32 to index
        %parallel_loop3A_1017 = tpu.vector_load %arg13[%parallel_loop3A_1015, %parallel_loop3A_1016] {strides = array<i32>} : memref<64x512xf32, #tpu.memory_space<vmem>>, vector<1x16xf32>,
        %parallel_loop3A_1018 = vector.shape_cast %parallel_loop3A_1017 : vector<1x16xf32> to vector<16xf32>
        %parallel_loop3A_1019 = vector.shape_cast %parallel_loop3A_1013 : vector<16xf32> to vector<1x16xf32>
        tpu.vector_store %arg13[%parallel_loop3A_1015, %parallel_loop3A_1016], %parallel_loop3A_1019 {strides = array<i32>} : memref<64x512xf32, #tpu.memory_space<vmem>>, vector<1x16xf32>,
        %parallel_loop3A_1020 = vector.shape_cast %parallel_loop3A_1009 : vector<16x1xi32> to vector<16xi32>
        %parallel_loop3A_1021 = tpu.dynamic_gather %parallel_loop3A_986[%parallel_loop3A_1020] in [0] : vector<16xf32>, vector<16xi32> -> vector<16xf32>
        %parallel_loop3A_1022 = arith.addf %parallel_loop3A_1021, %parallel_loop3A_978 : vector<16xf32>
        %parallel_loop3A_1023 = arith.mulf %parallel_loop3A_1022, %parallel_loop3A_1008 : vector<16xf32>
        %parallel_loop3A_1024 = arith.constant 57 : i32
        %parallel_loop3A_1025 = arith.index_cast %parallel_loop3A_1024 : i32 to index
        %parallel_loop3A_1026 = arith.index_cast %parallel_loop3A_994 : i32 to index
        %parallel_loop3A_1027 = tpu.vector_load %arg13[%parallel_loop3A_1025, %parallel_loop3A_1026] {strides = array<i32>} : memref<64x512xf32, #tpu.memory_space<vmem>>, vector<1x16xf32>,
        %parallel_loop3A_1028 = vector.shape_cast %parallel_loop3A_1027 : vector<1x16xf32> to vector<16xf32>
        %parallel_loop3A_1029 = vector.shape_cast %parallel_loop3A_1023 : vector<16xf32> to vector<1x16xf32>
        tpu.vector_store %arg13[%parallel_loop3A_1025, %parallel_loop3A_1026], %parallel_loop3A_1029 {strides = array<i32>} : memref<64x512xf32, #tpu.memory_space<vmem>>, vector<1x16xf32>,
        %parallel_loop3A_1030 = vector.shape_cast %parallel_loop3A_1009 : vector<16x1xi32> to vector<16xi32>
        %parallel_loop3A_1031 = tpu.dynamic_gather %parallel_loop3A_987[%parallel_loop3A_1030] in [0] : vector<16xf32>, vector<16xi32> -> vector<16xf32>
        %parallel_loop3A_1032 = arith.addf %parallel_loop3A_1031, %parallel_loop3A_979 : vector<16xf32>
        %parallel_loop3A_1033 = arith.mulf %parallel_loop3A_1032, %parallel_loop3A_1008 : vector<16xf32>
        %parallel_loop3A_1034 = arith.constant 58 : i32
        %parallel_loop3A_1035 = arith.index_cast %parallel_loop3A_1034 : i32 to index
        %parallel_loop3A_1036 = arith.index_cast %parallel_loop3A_994 : i32 to index
        %parallel_loop3A_1037 = tpu.vector_load %arg13[%parallel_loop3A_1035, %parallel_loop3A_1036] {strides = array<i32>} : memref<64x512xf32, #tpu.memory_space<vmem>>, vector<1x16xf32>,
        %parallel_loop3A_1038 = vector.shape_cast %parallel_loop3A_1037 : vector<1x16xf32> to vector<16xf32>
        %parallel_loop3A_1039 = vector.shape_cast %parallel_loop3A_1033 : vector<16xf32> to vector<1x16xf32>
        tpu.vector_store %arg13[%parallel_loop3A_1035, %parallel_loop3A_1036], %parallel_loop3A_1039 {strides = array<i32>} : memref<64x512xf32, #tpu.memory_space<vmem>>, vector<1x16xf32>,
        %parallel_loop3A_1040 = vector.shape_cast %parallel_loop3A_1009 : vector<16x1xi32> to vector<16xi32>
        %parallel_loop3A_1041 = tpu.dynamic_gather %parallel_loop3A_988[%parallel_loop3A_1040] in [0] : vector<16xf32>, vector<16xi32> -> vector<16xf32>
        %parallel_loop3A_1042 = arith.addf %parallel_loop3A_1041, %parallel_loop3A_980 : vector<16xf32>
        %parallel_loop3A_1043 = arith.mulf %parallel_loop3A_1042, %parallel_loop3A_1008 : vector<16xf32>
        %parallel_loop3A_1044 = arith.constant 59 : i32
        %parallel_loop3A_1045 = arith.index_cast %parallel_loop3A_1044 : i32 to index
        %parallel_loop3A_1046 = arith.index_cast %parallel_loop3A_994 : i32 to index
        %parallel_loop3A_1047 = tpu.vector_load %arg13[%parallel_loop3A_1045, %parallel_loop3A_1046] {strides = array<i32>} : memref<64x512xf32, #tpu.memory_space<vmem>>, vector<1x16xf32>,
        %parallel_loop3A_1048 = vector.shape_cast %parallel_loop3A_1047 : vector<1x16xf32> to vector<16xf32>
        %parallel_loop3A_1049 = vector.shape_cast %parallel_loop3A_1043 : vector<16xf32> to vector<1x16xf32>
        tpu.vector_store %arg13[%parallel_loop3A_1045, %parallel_loop3A_1046], %parallel_loop3A_1049 {strides = array<i32>} : memref<64x512xf32, #tpu.memory_space<vmem>>, vector<1x16xf32>,
        %parallel_loop3A_1050 = vector.shape_cast %parallel_loop3A_1009 : vector<16x1xi32> to vector<16xi32>
        %parallel_loop3A_1051 = tpu.dynamic_gather %parallel_loop3A_989[%parallel_loop3A_1050] in [0] : vector<16xf32>, vector<16xi32> -> vector<16xf32>
        %parallel_loop3A_1052 = arith.addf %parallel_loop3A_1051, %parallel_loop3A_981 : vector<16xf32>
        %parallel_loop3A_1053 = arith.mulf %parallel_loop3A_1052, %parallel_loop3A_1008 : vector<16xf32>
        %parallel_loop3A_1054 = arith.constant 60 : i32
        %parallel_loop3A_1055 = arith.index_cast %parallel_loop3A_1054 : i32 to index
        %parallel_loop3A_1056 = arith.index_cast %parallel_loop3A_994 : i32 to index
        %parallel_loop3A_1057 = tpu.vector_load %arg13[%parallel_loop3A_1055, %parallel_loop3A_1056] {strides = array<i32>} : memref<64x512xf32, #tpu.memory_space<vmem>>, vector<1x16xf32>,
        %parallel_loop3A_1058 = vector.shape_cast %parallel_loop3A_1057 : vector<1x16xf32> to vector<16xf32>
        %parallel_loop3A_1059 = vector.shape_cast %parallel_loop3A_1053 : vector<16xf32> to vector<1x16xf32>
        tpu.vector_store %arg13[%parallel_loop3A_1055, %parallel_loop3A_1056], %parallel_loop3A_1059 {strides = array<i32>} : memref<64x512xf32, #tpu.memory_space<vmem>>, vector<1x16xf32>,
        %parallel_loop3A_1060 = vector.shape_cast %parallel_loop3A_1009 : vector<16x1xi32> to vector<16xi32>
        %parallel_loop3A_1061 = tpu.dynamic_gather %parallel_loop3A_990[%parallel_loop3A_1060] in [0] : vector<16xf32>, vector<16xi32> -> vector<16xf32>
        %parallel_loop3A_1062 = arith.addf %parallel_loop3A_1061, %parallel_loop3A_982 : vector<16xf32>
        %parallel_loop3A_1063 = arith.mulf %parallel_loop3A_1062, %parallel_loop3A_1008 : vector<16xf32>
        %parallel_loop3A_1064 = arith.constant 61 : i32
        %parallel_loop3A_1065 = arith.index_cast %parallel_loop3A_1064 : i32 to index
        %parallel_loop3A_1066 = arith.index_cast %parallel_loop3A_994 : i32 to index
        %parallel_loop3A_1067 = tpu.vector_load %arg13[%parallel_loop3A_1065, %parallel_loop3A_1066] {strides = array<i32>} : memref<64x512xf32, #tpu.memory_space<vmem>>, vector<1x16xf32>,
        %parallel_loop3A_1068 = vector.shape_cast %parallel_loop3A_1067 : vector<1x16xf32> to vector<16xf32>
        %parallel_loop3A_1069 = vector.shape_cast %parallel_loop3A_1063 : vector<16xf32> to vector<1x16xf32>
        tpu.vector_store %arg13[%parallel_loop3A_1065, %parallel_loop3A_1066], %parallel_loop3A_1069 {strides = array<i32>} : memref<64x512xf32, #tpu.memory_space<vmem>>, vector<1x16xf32>,
        %parallel_loop3A_1070 = vector.shape_cast %parallel_loop3A_1009 : vector<16x1xi32> to vector<16xi32>
        %parallel_loop3A_1071 = tpu.dynamic_gather %parallel_loop3A_991[%parallel_loop3A_1070] in [0] : vector<16xf32>, vector<16xi32> -> vector<16xf32>
        %parallel_loop3A_1072 = arith.addf %parallel_loop3A_1071, %parallel_loop3A_983 : vector<16xf32>
        %parallel_loop3A_1073 = arith.mulf %parallel_loop3A_1072, %parallel_loop3A_1008 : vector<16xf32>
        %parallel_loop3A_1074 = arith.constant 62 : i32
        %parallel_loop3A_1075 = arith.index_cast %parallel_loop3A_1074 : i32 to index
        %parallel_loop3A_1076 = arith.index_cast %parallel_loop3A_994 : i32 to index
        %parallel_loop3A_1077 = tpu.vector_load %arg13[%parallel_loop3A_1075, %parallel_loop3A_1076] {strides = array<i32>} : memref<64x512xf32, #tpu.memory_space<vmem>>, vector<1x16xf32>,
        %parallel_loop3A_1078 = vector.shape_cast %parallel_loop3A_1077 : vector<1x16xf32> to vector<16xf32>
        %parallel_loop3A_1079 = vector.shape_cast %parallel_loop3A_1073 : vector<16xf32> to vector<1x16xf32>
        tpu.vector_store %arg13[%parallel_loop3A_1075, %parallel_loop3A_1076], %parallel_loop3A_1079 {strides = array<i32>} : memref<64x512xf32, #tpu.memory_space<vmem>>, vector<1x16xf32>,
        %parallel_loop3A_1080 = vector.shape_cast %parallel_loop3A_1009 : vector<16x1xi32> to vector<16xi32>
        %parallel_loop3A_1081 = tpu.dynamic_gather %parallel_loop3A_992[%parallel_loop3A_1080] in [0] : vector<16xf32>, vector<16xi32> -> vector<16xf32>
        %parallel_loop3A_1082 = arith.addf %parallel_loop3A_1081, %parallel_loop3A_984 : vector<16xf32>
        %parallel_loop3A_1083 = arith.mulf %parallel_loop3A_1082, %parallel_loop3A_1008 : vector<16xf32>
        %parallel_loop3A_1084 = arith.constant 63 : i32
        %parallel_loop3A_1085 = arith.index_cast %parallel_loop3A_1084 : i32 to index
        %parallel_loop3A_1086 = arith.index_cast %parallel_loop3A_994 : i32 to index
        %parallel_loop3A_1087 = tpu.vector_load %arg13[%parallel_loop3A_1085, %parallel_loop3A_1086] {strides = array<i32>} : memref<64x512xf32, #tpu.memory_space<vmem>>, vector<1x16xf32>,
        %parallel_loop3A_1088 = vector.shape_cast %parallel_loop3A_1087 : vector<1x16xf32> to vector<16xf32>
        %parallel_loop3A_1089 = vector.shape_cast %parallel_loop3A_1083 : vector<16xf32> to vector<1x16xf32>
        tpu.vector_store %arg13[%parallel_loop3A_1085, %parallel_loop3A_1086], %parallel_loop3A_1089 {strides = array<i32>} : memref<64x512xf32, #tpu.memory_space<vmem>>, vector<1x16xf32>,
        scf.yield %parallel_loop3A_977, %parallel_loop3A_978, %parallel_loop3A_979, %parallel_loop3A_980, %parallel_loop3A_981, %parallel_loop3A_982, %parallel_loop3A_983, %parallel_loop3A_984, %parallel_loop3A_985, %parallel_loop3A_986, %parallel_loop3A_987, %parallel_loop3A_988, %parallel_loop3A_989, %parallel_loop3A_990, %parallel_loop3A_991, %parallel_loop3A_992 : vector<16xf32>, vector<16xf32>, vector<16xf32>, vector<16xf32>, vector<16xf32>, vector<16xf32>, vector<16xf32>, vector<16xf32>, vector<16xf32>, vector<16xf32>, vector<16xf32>, vector<16xf32>, vector<16xf32>, vector<16xf32>, vector<16xf32>, vector<16xf32>
      } {sc.loop_unroll_factor = 1 : i64, sc.parallel_access}
      %add3A_512 = arith.addi %mul3A_2, %add3A_135 : i32
      %jit3A_513 = arith.constant 8 : i32
      %div3A_514 = arith.divsi %add3A_512, %jit3A_513 : i32
      %sign3A_515 = arith.constant 0 : i32
      %sign3A_516 = arith.cmpi sgt, %add3A_512, %sign3A_515 : i32
      %sign3A_517 = arith.extui %sign3A_516 : i1 to i32
      %sign3A_518 = arith.constant 0 : i32
      %sign3A_519 = arith.cmpi slt, %add3A_512, %sign3A_518 : i32
      %sign3A_520 = arith.extui %sign3A_519 : i1 to i32
      %sign3A_521 = arith.subi %sign3A_517, %sign3A_520 : i32
      %sign3A_522 = arith.constant 0 : i32
      %sign3A_523 = arith.cmpi sgt, %jit3A_513, %sign3A_522 : i32
      %sign3A_524 = arith.extui %sign3A_523 : i1 to i32
      %sign3A_525 = arith.constant 0 : i32
      %sign3A_526 = arith.cmpi slt, %jit3A_513, %sign3A_525 : i32
      %sign3A_527 = arith.extui %sign3A_526 : i1 to i32
      %sign3A_528 = arith.subi %sign3A_524, %sign3A_527 : i32
      %ne3A_529 = arith.cmpi ne, %sign3A_521, %sign3A_528 : i32
      %rem3A_530 = arith.remsi %add3A_512, %jit3A_513 : i32
      %ne3A_531 = arith.constant 0 : i32
      %ne3A_532 = arith.cmpi ne, %rem3A_530, %ne3A_531 : i32
      %and3A_533 = arith.andi %ne3A_529, %ne3A_532 : i1
      %sub3A_534 = arith.constant 1 : i32
      %sub3A_535 = arith.subi %div3A_514, %sub3A_534 : i32
      %select_n3A_536 = arith.select %and3A_533, %sub3A_535, %div3A_514 : i32
      %mul3A_537 = arith.constant 8 : i32
      %mul3A_538 = arith.muli %select_n3A_536, %mul3A_537 : i32
      %sub3A_539 = arith.subi %add3A_512, %mul3A_538 : i32
      %mul3A_540 = arith.constant 512 : i32
      %mul3A_541 = arith.muli %sub3A_539, %mul3A_540 : i32
      %mul3A_542 = arith.constant 64 : i32
      %mul3A_543 = arith.muli %select_n3A_536, %mul3A_542 : i32
      %mul3A_544 = arith.constant 4096 : i32
      %mul3A_545 = arith.muli %select_n3A_536, %mul3A_544 : i32
      %add3A_546 = arith.addi %mul3A_545, %mul3A_541 : i32
      %dma_start3A_547 = tpu.memref_slice %arg7[%mul3A_543, %mul3A_541] : memref<12800x4096xf32, #tpu.memory_space<hbm>> -> memref<64x512xf32, #tpu.memory_space<hbm>>
      %dma_start3A_548 = tpu.memref_slice %arg7[%mul3A_543, %mul3A_541] : memref<12800x4096xf32, #tpu.memory_space<hbm>> -> memref<64x512xf32, #tpu.memory_space<hbm>>
      tpu.enqueue_dma source(%arg13 : memref<64x512xf32, #tpu.memory_space<vmem>>) target(%dma_start3A_548 : memref<64x512xf32, #tpu.memory_space<hbm>>) target_semaphore(%arg23 : memref<!tpu.dma_semaphore, #tpu.memory_space<semaphore_mem>>)
      %dma_start3A_549 = tpu.memref_slice %arg8[%add3A_546] : memref<819200xf32, #tpu.memory_space<hbm>> -> memref<512xf32, #tpu.memory_space<hbm>>
      %dma_start3A_550 = tpu.memref_slice %arg8[%add3A_546] : memref<819200xf32, #tpu.memory_space<hbm>> -> memref<512xf32, #tpu.memory_space<hbm>>
      tpu.enqueue_dma source(%arg14 : memref<512xf32, #tpu.memory_space<vmem>>) target(%dma_start3A_550 : memref<512xf32, #tpu.memory_space<hbm>>) target_semaphore(%arg23 : memref<!tpu.dma_semaphore, #tpu.memory_space<semaphore_mem>>)
      %mul3A_551 = arith.constant 2 : i32
      %mul3A_552 = arith.muli %mul3A_551, %scan3A_131 : i32
      %add3A_553 = arith.constant 1 : i32
      %add3A_554 = arith.addi %mul3A_552, %add3A_553 : i32
      %add3A_555 = arith.addi %mul3A_2, %add3A_554 : i32
      %jit3A_556 = arith.constant 8 : i32
      %div3A_557 = arith.divsi %add3A_555, %jit3A_556 : i32
      %sign3A_558 = arith.constant 0 : i32
      %sign3A_559 = arith.cmpi sgt, %add3A_555, %sign3A_558 : i32
      %sign3A_560 = arith.extui %sign3A_559 : i1 to i32
      %sign3A_561 = arith.constant 0 : i32
      %sign3A_562 = arith.cmpi slt, %add3A_555, %sign3A_561 : i32
      %sign3A_563 = arith.extui %sign3A_562 : i1 to i32
      %sign3A_564 = arith.subi %sign3A_560, %sign3A_563 : i32
      %sign3A_565 = arith.constant 0 : i32
      %sign3A_566 = arith.cmpi sgt, %jit3A_556, %sign3A_565 : i32
      %sign3A_567 = arith.extui %sign3A_566 : i1 to i32
      %sign3A_568 = arith.constant 0 : i32
      %sign3A_569 = arith.cmpi slt, %jit3A_556, %sign3A_568 : i32
      %sign3A_570 = arith.extui %sign3A_569 : i1 to i32
      %sign3A_571 = arith.subi %sign3A_567, %sign3A_570 : i32
      %ne3A_572 = arith.cmpi ne, %sign3A_564, %sign3A_571 : i32
      %rem3A_573 = arith.remsi %add3A_555, %jit3A_556 : i32
      %ne3A_574 = arith.constant 0 : i32
      %ne3A_575 = arith.cmpi ne, %rem3A_573, %ne3A_574 : i32
      %and3A_576 = arith.andi %ne3A_572, %ne3A_575 : i1
      %sub3A_577 = arith.constant 1 : i32
      %sub3A_578 = arith.subi %div3A_557, %sub3A_577 : i32
      %select_n3A_579 = arith.select %and3A_576, %sub3A_578, %div3A_557 : i32
      %mul3A_580 = arith.constant 8 : i32
      %mul3A_581 = arith.muli %select_n3A_579, %mul3A_580 : i32
      %sub3A_582 = arith.subi %add3A_555, %mul3A_581 : i32
      %mul3A_583 = arith.constant 512 : i32
      %mul3A_584 = arith.muli %sub3A_582, %mul3A_583 : i32
      %mul3A_585 = arith.constant 4096 : i32
      %mul3A_586 = arith.muli %select_n3A_579, %mul3A_585 : i32
      %add3A_587 = arith.addi %mul3A_586, %mul3A_584 : i32
      %mul3A_588 = arith.constant 4096 : i32
      %mul3A_589 = arith.muli %select_n3A_579, %mul3A_588 : i32
      %add3A_590 = arith.addi %mul3A_589, %mul3A_584 : i32
      %mul3A_591 = arith.constant 32 : i32
      %mul3A_592 = arith.muli %select_n3A_579, %mul3A_591 : i32
      %mul3A_593 = arith.constant 64 : i32
      %mul3A_594 = arith.muli %select_n3A_579, %mul3A_593 : i32
      %mul3A_595 = arith.constant 16 : i32
      %mul3A_596 = arith.muli %mul3A_594, %mul3A_595 : i32
      %dma_wait3A_597 = tpu.memref_slice %arg2[%add3A_587] : memref<819200xi32, #tpu.memory_space<hbm>> -> memref<512xi32, #tpu.memory_space<hbm>>
      %dma_wait3A_598 = tpu.memref_slice %arg2[%add3A_587] : memref<819200xi32, #tpu.memory_space<hbm>> -> memref<512xi32, #tpu.memory_space<hbm>>
      tpu.wait_dma2 semaphore(%arg22 : memref<!tpu.dma_semaphore, #tpu.memory_space<semaphore_mem>>) src(%dma_wait3A_598 : memref<512xi32, #tpu.memory_space<hbm>>) dst(%arg15 : memref<512xi32, #tpu.memory_space<vmem>>)
      %dma_wait3A_599 = tpu.memref_slice %arg3[%add3A_590] : memref<819200xi32, #tpu.memory_space<hbm>> -> memref<512xi32, #tpu.memory_space<hbm>>
      %dma_wait3A_600 = tpu.memref_slice %arg3[%add3A_590] : memref<819200xi32, #tpu.memory_space<hbm>> -> memref<512xi32, #tpu.memory_space<hbm>>
      tpu.wait_dma2 semaphore(%arg22 : memref<!tpu.dma_semaphore, #tpu.memory_space<semaphore_mem>>) src(%dma_wait3A_600 : memref<512xi32, #tpu.memory_space<hbm>>) dst(%arg16 : memref<512xi32, #tpu.memory_space<vmem>>)
      %dma_wait3A_601 = tpu.memref_slice %arg4[%mul3A_592, %mul3A_584] : memref<6400x4096xf32, #tpu.memory_space<hbm>> -> memref<32x512xf32, #tpu.memory_space<hbm>>
      %dma_wait3A_602 = tpu.memref_slice %arg4[%mul3A_592, %mul3A_584] : memref<6400x4096xf32, #tpu.memory_space<hbm>> -> memref<32x512xf32, #tpu.memory_space<hbm>>
      tpu.wait_dma2 semaphore(%arg22 : memref<!tpu.dma_semaphore, #tpu.memory_space<semaphore_mem>>) src(%dma_wait3A_602 : memref<32x512xf32, #tpu.memory_space<hbm>>) dst(%arg17 : memref<32x512xf32, #tpu.memory_space<vmem>>)
      %dma_wait3A_603 = tpu.memref_slice %arg5[%mul3A_596] : memref<204800xf32, #tpu.memory_space<hbm>> -> memref<1024xf32, #tpu.memory_space<hbm>>
      %dma_wait3A_604 = tpu.memref_slice %arg5[%mul3A_596] : memref<204800xf32, #tpu.memory_space<hbm>> -> memref<1024xf32, #tpu.memory_space<hbm>>
      tpu.wait_dma2 semaphore(%arg22 : memref<!tpu.dma_semaphore, #tpu.memory_space<semaphore_mem>>) src(%dma_wait3A_604 : memref<1024xf32, #tpu.memory_space<hbm>>) dst(%arg18 : memref<1024xf32, #tpu.memory_space<vmem>>)
      %add3A_605 = arith.constant 1 : i32
      %add3A_606 = arith.addi %add3A_554, %add3A_605 : i32
      %lt3A_607 = arith.constant 50 : i32
      %lt3A_608 = arith.cmpi slt, %add3A_606, %lt3A_607 : i32
      %convert_element_type3A_609 = arith.extui %lt3A_608 : i1 to i32
      %cond3A_610 = arith.constant 0 : i32
      %cond3A_611 = arith.cmpi ne, %convert_element_type3A_609, %cond3A_610 : i32
      scf.if %cond3A_611 {
        %add3A_976 = arith.addi %mul3A_2, %add3A_554 : i32
        %add3A_977 = arith.constant 1 : i32
        %add3A_978 = arith.addi %add3A_976, %add3A_977 : i32
        %jit3A_979 = arith.constant 8 : i32
        %div3A_980 = arith.divsi %add3A_978, %jit3A_979 : i32
        %sign3A_981 = arith.constant 0 : i32
        %sign3A_982 = arith.cmpi sgt, %add3A_978, %sign3A_981 : i32
        %sign3A_983 = arith.extui %sign3A_982 : i1 to i32
        %sign3A_984 = arith.constant 0 : i32
        %sign3A_985 = arith.cmpi slt, %add3A_978, %sign3A_984 : i32
        %sign3A_986 = arith.extui %sign3A_985 : i1 to i32
        %sign3A_987 = arith.subi %sign3A_983, %sign3A_986 : i32
        %sign3A_988 = arith.constant 0 : i32
        %sign3A_989 = arith.cmpi sgt, %jit3A_979, %sign3A_988 : i32
        %sign3A_990 = arith.extui %sign3A_989 : i1 to i32
        %sign3A_991 = arith.constant 0 : i32
        %sign3A_992 = arith.cmpi slt, %jit3A_979, %sign3A_991 : i32
        %sign3A_993 = arith.extui %sign3A_992 : i1 to i32
        %sign3A_994 = arith.subi %sign3A_990, %sign3A_993 : i32
        %ne3A_995 = arith.cmpi ne, %sign3A_987, %sign3A_994 : i32
        %rem3A_996 = arith.remsi %add3A_978, %jit3A_979 : i32
        %ne3A_997 = arith.constant 0 : i32
        %ne3A_998 = arith.cmpi ne, %rem3A_996, %ne3A_997 : i32
        %and3A_999 = arith.andi %ne3A_995, %ne3A_998 : i1
        %sub3A_1000 = arith.constant 1 : i32
        %sub3A_1001 = arith.subi %div3A_980, %sub3A_1000 : i32
        %select_n3A_1002 = arith.select %and3A_999, %sub3A_1001, %div3A_980 : i32
        %mul3A_1003 = arith.constant 8 : i32
        %mul3A_1004 = arith.muli %select_n3A_1002, %mul3A_1003 : i32
        %sub3A_1005 = arith.subi %add3A_978, %mul3A_1004 : i32
        %mul3A_1006 = arith.constant 512 : i32
        %mul3A_1007 = arith.muli %sub3A_1005, %mul3A_1006 : i32
        %mul3A_1008 = arith.constant 4096 : i32
        %mul3A_1009 = arith.muli %select_n3A_1002, %mul3A_1008 : i32
        %add3A_1010 = arith.addi %mul3A_1009, %mul3A_1007 : i32
        %mul3A_1011 = arith.constant 4096 : i32
        %mul3A_1012 = arith.muli %select_n3A_1002, %mul3A_1011 : i32
        %add3A_1013 = arith.addi %mul3A_1012, %mul3A_1007 : i32
        %mul3A_1014 = arith.constant 32 : i32
        %mul3A_1015 = arith.muli %select_n3A_1002, %mul3A_1014 : i32
        %mul3A_1016 = arith.constant 64 : i32
        %mul3A_1017 = arith.muli %select_n3A_1002, %mul3A_1016 : i32
        %mul3A_1018 = arith.constant 16 : i32
        %mul3A_1019 = arith.muli %mul3A_1017, %mul3A_1018 : i32
        %dma_start3A_1020 = tpu.memref_slice %arg2[%add3A_1010] : memref<819200xi32, #tpu.memory_space<hbm>> -> memref<512xi32, #tpu.memory_space<hbm>>
        %dma_start3A_1021 = tpu.memref_slice %arg2[%add3A_1010] : memref<819200xi32, #tpu.memory_space<hbm>> -> memref<512xi32, #tpu.memory_space<hbm>>
        tpu.enqueue_dma source(%dma_start3A_1021 : memref<512xi32, #tpu.memory_space<hbm>>) target(%arg9 : memref<512xi32, #tpu.memory_space<vmem>>) target_semaphore(%arg22 : memref<!tpu.dma_semaphore, #tpu.memory_space<semaphore_mem>>)
        %dma_start3A_1022 = tpu.memref_slice %arg3[%add3A_1013] : memref<819200xi32, #tpu.memory_space<hbm>> -> memref<512xi32, #tpu.memory_space<hbm>>
        %dma_start3A_1023 = tpu.memref_slice %arg3[%add3A_1013] : memref<819200xi32, #tpu.memory_space<hbm>> -> memref<512xi32, #tpu.memory_space<hbm>>
        tpu.enqueue_dma source(%dma_start3A_1023 : memref<512xi32, #tpu.memory_space<hbm>>) target(%arg10 : memref<512xi32, #tpu.memory_space<vmem>>) target_semaphore(%arg22 : memref<!tpu.dma_semaphore, #tpu.memory_space<semaphore_mem>>)
        %dma_start3A_1024 = tpu.memref_slice %arg4[%mul3A_1015, %mul3A_1007] : memref<6400x4096xf32, #tpu.memory_space<hbm>> -> memref<32x512xf32, #tpu.memory_space<hbm>>
        %dma_start3A_1025 = tpu.memref_slice %arg4[%mul3A_1015, %mul3A_1007] : memref<6400x4096xf32, #tpu.memory_space<hbm>> -> memref<32x512xf32, #tpu.memory_space<hbm>>
        tpu.enqueue_dma source(%dma_start3A_1025 : memref<32x512xf32, #tpu.memory_space<hbm>>) target(%arg11 : memref<32x512xf32, #tpu.memory_space<vmem>>) target_semaphore(%arg22 : memref<!tpu.dma_semaphore, #tpu.memory_space<semaphore_mem>>)
        %dma_start3A_1026 = tpu.memref_slice %arg5[%mul3A_1019] : memref<204800xf32, #tpu.memory_space<hbm>> -> memref<1024xf32, #tpu.memory_space<hbm>>
        %dma_start3A_1027 = tpu.memref_slice %arg5[%mul3A_1019] : memref<204800xf32, #tpu.memory_space<hbm>> -> memref<1024xf32, #tpu.memory_space<hbm>>
        tpu.enqueue_dma source(%dma_start3A_1027 : memref<1024xf32, #tpu.memory_space<hbm>>) target(%arg12 : memref<1024xf32, #tpu.memory_space<vmem>>) target_semaphore(%arg22 : memref<!tpu.dma_semaphore, #tpu.memory_space<semaphore_mem>>)
      } else {
      }
      %ge3A_612 = arith.constant 2 : i32
      %ge3A_613 = arith.cmpi sge, %add3A_554, %ge3A_612 : i32
      %convert_element_type3A_614 = arith.extui %ge3A_613 : i1 to i32
      %cond3A_615 = arith.constant 0 : i32
      %cond3A_616 = arith.cmpi ne, %convert_element_type3A_614, %cond3A_615 : i32
      scf.if %cond3A_616 {
        %add3A_976 = arith.addi %mul3A_2, %add3A_554 : i32
        %sub3A_977 = arith.constant 2 : i32
        %sub3A_978 = arith.subi %add3A_976, %sub3A_977 : i32
        %jit3A_979 = arith.constant 8 : i32
        %div3A_980 = arith.divsi %sub3A_978, %jit3A_979 : i32
        %sign3A_981 = arith.constant 0 : i32
        %sign3A_982 = arith.cmpi sgt, %sub3A_978, %sign3A_981 : i32
        %sign3A_983 = arith.extui %sign3A_982 : i1 to i32
        %sign3A_984 = arith.constant 0 : i32
        %sign3A_985 = arith.cmpi slt, %sub3A_978, %sign3A_984 : i32
        %sign3A_986 = arith.extui %sign3A_985 : i1 to i32
        %sign3A_987 = arith.subi %sign3A_983, %sign3A_986 : i32
        %sign3A_988 = arith.constant 0 : i32
        %sign3A_989 = arith.cmpi sgt, %jit3A_979, %sign3A_988 : i32
        %sign3A_990 = arith.extui %sign3A_989 : i1 to i32
        %sign3A_991 = arith.constant 0 : i32
        %sign3A_992 = arith.cmpi slt, %jit3A_979, %sign3A_991 : i32
        %sign3A_993 = arith.extui %sign3A_992 : i1 to i32
        %sign3A_994 = arith.subi %sign3A_990, %sign3A_993 : i32
        %ne3A_995 = arith.cmpi ne, %sign3A_987, %sign3A_994 : i32
        %rem3A_996 = arith.remsi %sub3A_978, %jit3A_979 : i32
        %ne3A_997 = arith.constant 0 : i32
        %ne3A_998 = arith.cmpi ne, %rem3A_996, %ne3A_997 : i32
        %and3A_999 = arith.andi %ne3A_995, %ne3A_998 : i1
        %sub3A_1000 = arith.constant 1 : i32
        %sub3A_1001 = arith.subi %div3A_980, %sub3A_1000 : i32
        %select_n3A_1002 = arith.select %and3A_999, %sub3A_1001, %div3A_980 : i32
        %mul3A_1003 = arith.constant 8 : i32
        %mul3A_1004 = arith.muli %select_n3A_1002, %mul3A_1003 : i32
        %sub3A_1005 = arith.subi %sub3A_978, %mul3A_1004 : i32
        %mul3A_1006 = arith.constant 512 : i32
        %mul3A_1007 = arith.muli %sub3A_1005, %mul3A_1006 : i32
        %mul3A_1008 = arith.constant 64 : i32
        %mul3A_1009 = arith.muli %select_n3A_1002, %mul3A_1008 : i32
        %mul3A_1010 = arith.constant 4096 : i32
        %mul3A_1011 = arith.muli %select_n3A_1002, %mul3A_1010 : i32
        %add3A_1012 = arith.addi %mul3A_1011, %mul3A_1007 : i32
        %dma_wait3A_1013 = tpu.memref_slice %arg7[%mul3A_1009, %mul3A_1007] : memref<12800x4096xf32, #tpu.memory_space<hbm>> -> memref<64x512xf32, #tpu.memory_space<hbm>>
        %dma_wait3A_1014 = tpu.memref_slice %arg7[%mul3A_1009, %mul3A_1007] : memref<12800x4096xf32, #tpu.memory_space<hbm>> -> memref<64x512xf32, #tpu.memory_space<hbm>>
        tpu.wait_dma2 semaphore(%arg23 : memref<!tpu.dma_semaphore, #tpu.memory_space<semaphore_mem>>) src(%arg19 : memref<64x512xf32, #tpu.memory_space<vmem>>) dst(%dma_wait3A_1014 : memref<64x512xf32, #tpu.memory_space<hbm>>)
        %dma_wait3A_1015 = tpu.memref_slice %arg8[%add3A_1012] : memref<819200xf32, #tpu.memory_space<hbm>> -> memref<512xf32, #tpu.memory_space<hbm>>
        %dma_wait3A_1016 = tpu.memref_slice %arg8[%add3A_1012] : memref<819200xf32, #tpu.memory_space<hbm>> -> memref<512xf32, #tpu.memory_space<hbm>>
        tpu.wait_dma2 semaphore(%arg23 : memref<!tpu.dma_semaphore, #tpu.memory_space<semaphore_mem>>) src(%arg20 : memref<512xf32, #tpu.memory_space<vmem>>) dst(%dma_wait3A_1016 : memref<512xf32, #tpu.memory_space<hbm>>)
      } else {
      }
      %get3A_617 = arith.constant 0 : index
      %get3A_618 = tpu.vector_load %arg18[%get3A_617] {strides = array<i32>} : memref<1024xf32, #tpu.memory_space<vmem>>, vector<16xf32>,
      %get3A_619 = vector.shape_cast %get3A_618 : vector<16xf32> to vector<16xf32>
      %get3A_620 = arith.constant 16 : index
      %get3A_621 = tpu.vector_load %arg18[%get3A_620] {strides = array<i32>} : memref<1024xf32, #tpu.memory_space<vmem>>, vector<16xf32>,
      %get3A_622 = vector.shape_cast %get3A_621 : vector<16xf32> to vector<16xf32>
      %get3A_623 = arith.constant 32 : index
      %get3A_624 = tpu.vector_load %arg18[%get3A_623] {strides = array<i32>} : memref<1024xf32, #tpu.memory_space<vmem>>, vector<16xf32>,
      %get3A_625 = vector.shape_cast %get3A_624 : vector<16xf32> to vector<16xf32>
      %get3A_626 = arith.constant 48 : index
      %get3A_627 = tpu.vector_load %arg18[%get3A_626] {strides = array<i32>} : memref<1024xf32, #tpu.memory_space<vmem>>, vector<16xf32>,
      %get3A_628 = vector.shape_cast %get3A_627 : vector<16xf32> to vector<16xf32>
      %get3A_629 = arith.constant 64 : index
      %get3A_630 = tpu.vector_load %arg18[%get3A_629] {strides = array<i32>} : memref<1024xf32, #tpu.memory_space<vmem>>, vector<16xf32>,
      %get3A_631 = vector.shape_cast %get3A_630 : vector<16xf32> to vector<16xf32>
      %get3A_632 = arith.constant 80 : index
      %get3A_633 = tpu.vector_load %arg18[%get3A_632] {strides = array<i32>} : memref<1024xf32, #tpu.memory_space<vmem>>, vector<16xf32>,
      %get3A_634 = vector.shape_cast %get3A_633 : vector<16xf32> to vector<16xf32>
      %get3A_635 = arith.constant 96 : index
      %get3A_636 = tpu.vector_load %arg18[%get3A_635] {strides = array<i32>} : memref<1024xf32, #tpu.memory_space<vmem>>, vector<16xf32>,
      %get3A_637 = vector.shape_cast %get3A_636 : vector<16xf32> to vector<16xf32>
      %get3A_638 = arith.constant 112 : index
      %get3A_639 = tpu.vector_load %arg18[%get3A_638] {strides = array<i32>} : memref<1024xf32, #tpu.memory_space<vmem>>, vector<16xf32>,
      %get3A_640 = vector.shape_cast %get3A_639 : vector<16xf32> to vector<16xf32>
      %parallel_loop3A_641 = arith.constant 0 : i32
      %parallel_loop3A_642 = arith.constant 32 : i32
      %parallel_loop3A_643 = arith.constant 1 : i32
      %parallel_loop3A_644:8 = scf.for %parallel_loop3A_976 = %parallel_loop3A_641 to %parallel_loop3A_642 step %parallel_loop3A_643 iter_args(%parallel_loop3A_977 = %get3A_619, %parallel_loop3A_978 = %get3A_622, %parallel_loop3A_979 = %get3A_625, %parallel_loop3A_980 = %get3A_628, %parallel_loop3A_981 = %get3A_631, %parallel_loop3A_982 = %get3A_634, %parallel_loop3A_983 = %get3A_637, %parallel_loop3A_984 = %get3A_640) -> (vector<16xf32>, vector<16xf32>, vector<16xf32>, vector<16xf32>, vector<16xf32>, vector<16xf32>, vector<16xf32>, vector<16xf32>)  : i32 {
        %parallel_loop3A_985 = arith.constant 16 : i32
        %parallel_loop3A_986 = arith.muli %parallel_loop3A_976, %parallel_loop3A_985 : i32
        %parallel_loop3A_987 = arith.index_cast %parallel_loop3A_986 : i32 to index
        %parallel_loop3A_988 = tpu.vector_load %arg15[%parallel_loop3A_987] {strides = array<i32>} : memref<512xi32, #tpu.memory_space<vmem>>, vector<16xi32>,
        %parallel_loop3A_989 = vector.shape_cast %parallel_loop3A_988 : vector<16xi32> to vector<16xi32>
        %parallel_loop3A_990 = arith.constant 0 : i32
        %parallel_loop3A_991 = vector.broadcast %parallel_loop3A_990 : i32 to vector<16xi32>
        %parallel_loop3A_992 = arith.cmpi ne, %parallel_loop3A_989, %parallel_loop3A_991 : vector<16xi32>
        %parallel_loop3A_993 = arith.constant 1.000000e+00 : f32
        %parallel_loop3A_994 = arith.constant 0.000000e+00 : f32
        %parallel_loop3A_995 = vector.broadcast %parallel_loop3A_993 : f32 to vector<16xf32>
        %parallel_loop3A_996 = vector.broadcast %parallel_loop3A_994 : f32 to vector<16xf32>
        %parallel_loop3A_997 = arith.select %parallel_loop3A_992, %parallel_loop3A_995, %parallel_loop3A_996 : vector<16xi1>, vector<16xf32>
        %parallel_loop3A_998 = arith.index_cast %parallel_loop3A_986 : i32 to index
        %parallel_loop3A_999 = tpu.vector_load %arg20[%parallel_loop3A_998] {strides = array<i32>} : memref<512xf32, #tpu.memory_space<vmem>>, vector<16xf32>,
        %parallel_loop3A_1000 = vector.shape_cast %parallel_loop3A_999 : vector<16xf32> to vector<16xf32>
        %parallel_loop3A_1001 = vector.shape_cast %parallel_loop3A_997 : vector<16xf32> to vector<16xf32>
        tpu.vector_store %arg20[%parallel_loop3A_998], %parallel_loop3A_1001 {strides = array<i32>} : memref<512xf32, #tpu.memory_space<vmem>>, vector<16xf32>,
        %parallel_loop3A_1002 = arith.constant 8.000000e+00 : f32
        %parallel_loop3A_1003 = vector.broadcast %parallel_loop3A_1002 : f32 to vector<16xf32>
        %parallel_loop3A_1004 = arith.mulf %parallel_loop3A_997, %parallel_loop3A_1003 : vector<16xf32>
        %parallel_loop3A_1005 = arith.constant 0 : i32
        %parallel_loop3A_1006 = arith.index_cast %parallel_loop3A_1005 : i32 to index
        %parallel_loop3A_1007 = arith.index_cast %parallel_loop3A_986 : i32 to index
        %parallel_loop3A_1008 = tpu.vector_load %arg17[%parallel_loop3A_1006, %parallel_loop3A_1007] {strides = array<i32>} : memref<32x512xf32, #tpu.memory_space<vmem>>, vector<1x16xf32>,
        %parallel_loop3A_1009 = vector.shape_cast %parallel_loop3A_1008 : vector<1x16xf32> to vector<16xf32>
        %parallel_loop3A_1010 = arith.mulf %parallel_loop3A_1009, %parallel_loop3A_1004 : vector<16xf32>
        %parallel_loop3A_1011 = arith.mulf %parallel_loop3A_977, %parallel_loop3A_997 : vector<16xf32>
        %parallel_loop3A_1012 = arith.addf %parallel_loop3A_1010, %parallel_loop3A_1011 : vector<16xf32>
        %parallel_loop3A_1013 = arith.constant 0 : i32
        %parallel_loop3A_1014 = arith.index_cast %parallel_loop3A_1013 : i32 to index
        %parallel_loop3A_1015 = arith.index_cast %parallel_loop3A_986 : i32 to index
        %parallel_loop3A_1016 = tpu.vector_load %arg19[%parallel_loop3A_1014, %parallel_loop3A_1015] {strides = array<i32>} : memref<64x512xf32, #tpu.memory_space<vmem>>, vector<1x16xf32>,
        %parallel_loop3A_1017 = vector.shape_cast %parallel_loop3A_1016 : vector<1x16xf32> to vector<16xf32>
        %parallel_loop3A_1018 = vector.shape_cast %parallel_loop3A_1012 : vector<16xf32> to vector<1x16xf32>
        tpu.vector_store %arg19[%parallel_loop3A_1014, %parallel_loop3A_1015], %parallel_loop3A_1018 {strides = array<i32>} : memref<64x512xf32, #tpu.memory_space<vmem>>, vector<1x16xf32>,
        %parallel_loop3A_1019 = arith.constant 1 : i32
        %parallel_loop3A_1020 = arith.index_cast %parallel_loop3A_1019 : i32 to index
        %parallel_loop3A_1021 = arith.index_cast %parallel_loop3A_986 : i32 to index
        %parallel_loop3A_1022 = tpu.vector_load %arg17[%parallel_loop3A_1020, %parallel_loop3A_1021] {strides = array<i32>} : memref<32x512xf32, #tpu.memory_space<vmem>>, vector<1x16xf32>,
        %parallel_loop3A_1023 = vector.shape_cast %parallel_loop3A_1022 : vector<1x16xf32> to vector<16xf32>
        %parallel_loop3A_1024 = arith.mulf %parallel_loop3A_1023, %parallel_loop3A_1004 : vector<16xf32>
        %parallel_loop3A_1025 = arith.mulf %parallel_loop3A_978, %parallel_loop3A_997 : vector<16xf32>
        %parallel_loop3A_1026 = arith.addf %parallel_loop3A_1024, %parallel_loop3A_1025 : vector<16xf32>
        %parallel_loop3A_1027 = arith.constant 1 : i32
        %parallel_loop3A_1028 = arith.index_cast %parallel_loop3A_1027 : i32 to index
        %parallel_loop3A_1029 = arith.index_cast %parallel_loop3A_986 : i32 to index
        %parallel_loop3A_1030 = tpu.vector_load %arg19[%parallel_loop3A_1028, %parallel_loop3A_1029] {strides = array<i32>} : memref<64x512xf32, #tpu.memory_space<vmem>>, vector<1x16xf32>,
        %parallel_loop3A_1031 = vector.shape_cast %parallel_loop3A_1030 : vector<1x16xf32> to vector<16xf32>
        %parallel_loop3A_1032 = vector.shape_cast %parallel_loop3A_1026 : vector<16xf32> to vector<1x16xf32>
        tpu.vector_store %arg19[%parallel_loop3A_1028, %parallel_loop3A_1029], %parallel_loop3A_1032 {strides = array<i32>} : memref<64x512xf32, #tpu.memory_space<vmem>>, vector<1x16xf32>,
        %parallel_loop3A_1033 = arith.constant 2 : i32
        %parallel_loop3A_1034 = arith.index_cast %parallel_loop3A_1033 : i32 to index
        %parallel_loop3A_1035 = arith.index_cast %parallel_loop3A_986 : i32 to index
        %parallel_loop3A_1036 = tpu.vector_load %arg17[%parallel_loop3A_1034, %parallel_loop3A_1035] {strides = array<i32>} : memref<32x512xf32, #tpu.memory_space<vmem>>, vector<1x16xf32>,
        %parallel_loop3A_1037 = vector.shape_cast %parallel_loop3A_1036 : vector<1x16xf32> to vector<16xf32>
        %parallel_loop3A_1038 = arith.mulf %parallel_loop3A_1037, %parallel_loop3A_1004 : vector<16xf32>
        %parallel_loop3A_1039 = arith.mulf %parallel_loop3A_979, %parallel_loop3A_997 : vector<16xf32>
        %parallel_loop3A_1040 = arith.addf %parallel_loop3A_1038, %parallel_loop3A_1039 : vector<16xf32>
        %parallel_loop3A_1041 = arith.constant 2 : i32
        %parallel_loop3A_1042 = arith.index_cast %parallel_loop3A_1041 : i32 to index
        %parallel_loop3A_1043 = arith.index_cast %parallel_loop3A_986 : i32 to index
        %parallel_loop3A_1044 = tpu.vector_load %arg19[%parallel_loop3A_1042, %parallel_loop3A_1043] {strides = array<i32>} : memref<64x512xf32, #tpu.memory_space<vmem>>, vector<1x16xf32>,
        %parallel_loop3A_1045 = vector.shape_cast %parallel_loop3A_1044 : vector<1x16xf32> to vector<16xf32>
        %parallel_loop3A_1046 = vector.shape_cast %parallel_loop3A_1040 : vector<16xf32> to vector<1x16xf32>
        tpu.vector_store %arg19[%parallel_loop3A_1042, %parallel_loop3A_1043], %parallel_loop3A_1046 {strides = array<i32>} : memref<64x512xf32, #tpu.memory_space<vmem>>, vector<1x16xf32>,
        %parallel_loop3A_1047 = arith.constant 3 : i32
        %parallel_loop3A_1048 = arith.index_cast %parallel_loop3A_1047 : i32 to index
        %parallel_loop3A_1049 = arith.index_cast %parallel_loop3A_986 : i32 to index
        %parallel_loop3A_1050 = tpu.vector_load %arg17[%parallel_loop3A_1048, %parallel_loop3A_1049] {strides = array<i32>} : memref<32x512xf32, #tpu.memory_space<vmem>>, vector<1x16xf32>,
        %parallel_loop3A_1051 = vector.shape_cast %parallel_loop3A_1050 : vector<1x16xf32> to vector<16xf32>
        %parallel_loop3A_1052 = arith.mulf %parallel_loop3A_1051, %parallel_loop3A_1004 : vector<16xf32>
        %parallel_loop3A_1053 = arith.mulf %parallel_loop3A_980, %parallel_loop3A_997 : vector<16xf32>
        %parallel_loop3A_1054 = arith.addf %parallel_loop3A_1052, %parallel_loop3A_1053 : vector<16xf32>
        %parallel_loop3A_1055 = arith.constant 3 : i32
        %parallel_loop3A_1056 = arith.index_cast %parallel_loop3A_1055 : i32 to index
        %parallel_loop3A_1057 = arith.index_cast %parallel_loop3A_986 : i32 to index
        %parallel_loop3A_1058 = tpu.vector_load %arg19[%parallel_loop3A_1056, %parallel_loop3A_1057] {strides = array<i32>} : memref<64x512xf32, #tpu.memory_space<vmem>>, vector<1x16xf32>,
        %parallel_loop3A_1059 = vector.shape_cast %parallel_loop3A_1058 : vector<1x16xf32> to vector<16xf32>
        %parallel_loop3A_1060 = vector.shape_cast %parallel_loop3A_1054 : vector<16xf32> to vector<1x16xf32>
        tpu.vector_store %arg19[%parallel_loop3A_1056, %parallel_loop3A_1057], %parallel_loop3A_1060 {strides = array<i32>} : memref<64x512xf32, #tpu.memory_space<vmem>>, vector<1x16xf32>,
        %parallel_loop3A_1061 = arith.constant 4 : i32
        %parallel_loop3A_1062 = arith.index_cast %parallel_loop3A_1061 : i32 to index
        %parallel_loop3A_1063 = arith.index_cast %parallel_loop3A_986 : i32 to index
        %parallel_loop3A_1064 = tpu.vector_load %arg17[%parallel_loop3A_1062, %parallel_loop3A_1063] {strides = array<i32>} : memref<32x512xf32, #tpu.memory_space<vmem>>, vector<1x16xf32>,
        %parallel_loop3A_1065 = vector.shape_cast %parallel_loop3A_1064 : vector<1x16xf32> to vector<16xf32>
        %parallel_loop3A_1066 = arith.mulf %parallel_loop3A_1065, %parallel_loop3A_1004 : vector<16xf32>
        %parallel_loop3A_1067 = arith.mulf %parallel_loop3A_981, %parallel_loop3A_997 : vector<16xf32>
        %parallel_loop3A_1068 = arith.addf %parallel_loop3A_1066, %parallel_loop3A_1067 : vector<16xf32>
        %parallel_loop3A_1069 = arith.constant 4 : i32
        %parallel_loop3A_1070 = arith.index_cast %parallel_loop3A_1069 : i32 to index
        %parallel_loop3A_1071 = arith.index_cast %parallel_loop3A_986 : i32 to index
        %parallel_loop3A_1072 = tpu.vector_load %arg19[%parallel_loop3A_1070, %parallel_loop3A_1071] {strides = array<i32>} : memref<64x512xf32, #tpu.memory_space<vmem>>, vector<1x16xf32>,
        %parallel_loop3A_1073 = vector.shape_cast %parallel_loop3A_1072 : vector<1x16xf32> to vector<16xf32>
        %parallel_loop3A_1074 = vector.shape_cast %parallel_loop3A_1068 : vector<16xf32> to vector<1x16xf32>
        tpu.vector_store %arg19[%parallel_loop3A_1070, %parallel_loop3A_1071], %parallel_loop3A_1074 {strides = array<i32>} : memref<64x512xf32, #tpu.memory_space<vmem>>, vector<1x16xf32>,
        %parallel_loop3A_1075 = arith.constant 5 : i32
        %parallel_loop3A_1076 = arith.index_cast %parallel_loop3A_1075 : i32 to index
        %parallel_loop3A_1077 = arith.index_cast %parallel_loop3A_986 : i32 to index
        %parallel_loop3A_1078 = tpu.vector_load %arg17[%parallel_loop3A_1076, %parallel_loop3A_1077] {strides = array<i32>} : memref<32x512xf32, #tpu.memory_space<vmem>>, vector<1x16xf32>,
        %parallel_loop3A_1079 = vector.shape_cast %parallel_loop3A_1078 : vector<1x16xf32> to vector<16xf32>
        %parallel_loop3A_1080 = arith.mulf %parallel_loop3A_1079, %parallel_loop3A_1004 : vector<16xf32>
        %parallel_loop3A_1081 = arith.mulf %parallel_loop3A_982, %parallel_loop3A_997 : vector<16xf32>
        %parallel_loop3A_1082 = arith.addf %parallel_loop3A_1080, %parallel_loop3A_1081 : vector<16xf32>
        %parallel_loop3A_1083 = arith.constant 5 : i32
        %parallel_loop3A_1084 = arith.index_cast %parallel_loop3A_1083 : i32 to index
        %parallel_loop3A_1085 = arith.index_cast %parallel_loop3A_986 : i32 to index
        %parallel_loop3A_1086 = tpu.vector_load %arg19[%parallel_loop3A_1084, %parallel_loop3A_1085] {strides = array<i32>} : memref<64x512xf32, #tpu.memory_space<vmem>>, vector<1x16xf32>,
        %parallel_loop3A_1087 = vector.shape_cast %parallel_loop3A_1086 : vector<1x16xf32> to vector<16xf32>
        %parallel_loop3A_1088 = vector.shape_cast %parallel_loop3A_1082 : vector<16xf32> to vector<1x16xf32>
        tpu.vector_store %arg19[%parallel_loop3A_1084, %parallel_loop3A_1085], %parallel_loop3A_1088 {strides = array<i32>} : memref<64x512xf32, #tpu.memory_space<vmem>>, vector<1x16xf32>,
        %parallel_loop3A_1089 = arith.constant 6 : i32
        %parallel_loop3A_1090 = arith.index_cast %parallel_loop3A_1089 : i32 to index
        %parallel_loop3A_1091 = arith.index_cast %parallel_loop3A_986 : i32 to index
        %parallel_loop3A_1092 = tpu.vector_load %arg17[%parallel_loop3A_1090, %parallel_loop3A_1091] {strides = array<i32>} : memref<32x512xf32, #tpu.memory_space<vmem>>, vector<1x16xf32>,
        %parallel_loop3A_1093 = vector.shape_cast %parallel_loop3A_1092 : vector<1x16xf32> to vector<16xf32>
        %parallel_loop3A_1094 = arith.mulf %parallel_loop3A_1093, %parallel_loop3A_1004 : vector<16xf32>
        %parallel_loop3A_1095 = arith.mulf %parallel_loop3A_983, %parallel_loop3A_997 : vector<16xf32>
        %parallel_loop3A_1096 = arith.addf %parallel_loop3A_1094, %parallel_loop3A_1095 : vector<16xf32>
        %parallel_loop3A_1097 = arith.constant 6 : i32
        %parallel_loop3A_1098 = arith.index_cast %parallel_loop3A_1097 : i32 to index
        %parallel_loop3A_1099 = arith.index_cast %parallel_loop3A_986 : i32 to index
        %parallel_loop3A_1100 = tpu.vector_load %arg19[%parallel_loop3A_1098, %parallel_loop3A_1099] {strides = array<i32>} : memref<64x512xf32, #tpu.memory_space<vmem>>, vector<1x16xf32>,
        %parallel_loop3A_1101 = vector.shape_cast %parallel_loop3A_1100 : vector<1x16xf32> to vector<16xf32>
        %parallel_loop3A_1102 = vector.shape_cast %parallel_loop3A_1096 : vector<16xf32> to vector<1x16xf32>
        tpu.vector_store %arg19[%parallel_loop3A_1098, %parallel_loop3A_1099], %parallel_loop3A_1102 {strides = array<i32>} : memref<64x512xf32, #tpu.memory_space<vmem>>, vector<1x16xf32>,
        %parallel_loop3A_1103 = arith.constant 7 : i32
        %parallel_loop3A_1104 = arith.index_cast %parallel_loop3A_1103 : i32 to index
        %parallel_loop3A_1105 = arith.index_cast %parallel_loop3A_986 : i32 to index
        %parallel_loop3A_1106 = tpu.vector_load %arg17[%parallel_loop3A_1104, %parallel_loop3A_1105] {strides = array<i32>} : memref<32x512xf32, #tpu.memory_space<vmem>>, vector<1x16xf32>,
        %parallel_loop3A_1107 = vector.shape_cast %parallel_loop3A_1106 : vector<1x16xf32> to vector<16xf32>
        %parallel_loop3A_1108 = arith.mulf %parallel_loop3A_1107, %parallel_loop3A_1004 : vector<16xf32>
        %parallel_loop3A_1109 = arith.mulf %parallel_loop3A_984, %parallel_loop3A_997 : vector<16xf32>
        %parallel_loop3A_1110 = arith.addf %parallel_loop3A_1108, %parallel_loop3A_1109 : vector<16xf32>
        %parallel_loop3A_1111 = arith.constant 7 : i32
        %parallel_loop3A_1112 = arith.index_cast %parallel_loop3A_1111 : i32 to index
        %parallel_loop3A_1113 = arith.index_cast %parallel_loop3A_986 : i32 to index
        %parallel_loop3A_1114 = tpu.vector_load %arg19[%parallel_loop3A_1112, %parallel_loop3A_1113] {strides = array<i32>} : memref<64x512xf32, #tpu.memory_space<vmem>>, vector<1x16xf32>,
        %parallel_loop3A_1115 = vector.shape_cast %parallel_loop3A_1114 : vector<1x16xf32> to vector<16xf32>
        %parallel_loop3A_1116 = vector.shape_cast %parallel_loop3A_1110 : vector<16xf32> to vector<1x16xf32>
        tpu.vector_store %arg19[%parallel_loop3A_1112, %parallel_loop3A_1113], %parallel_loop3A_1116 {strides = array<i32>} : memref<64x512xf32, #tpu.memory_space<vmem>>, vector<1x16xf32>,
        scf.yield %parallel_loop3A_977, %parallel_loop3A_978, %parallel_loop3A_979, %parallel_loop3A_980, %parallel_loop3A_981, %parallel_loop3A_982, %parallel_loop3A_983, %parallel_loop3A_984 : vector<16xf32>, vector<16xf32>, vector<16xf32>, vector<16xf32>, vector<16xf32>, vector<16xf32>, vector<16xf32>, vector<16xf32>
      } {sc.loop_unroll_factor = 1 : i64, sc.parallel_access}
      %get3A_645 = arith.constant 128 : index
      %get3A_646 = tpu.vector_load %arg18[%get3A_645] {strides = array<i32>} : memref<1024xf32, #tpu.memory_space<vmem>>, vector<16xf32>,
      %get3A_647 = vector.shape_cast %get3A_646 : vector<16xf32> to vector<16xf32>
      %get3A_648 = arith.constant 144 : index
      %get3A_649 = tpu.vector_load %arg18[%get3A_648] {strides = array<i32>} : memref<1024xf32, #tpu.memory_space<vmem>>, vector<16xf32>,
      %get3A_650 = vector.shape_cast %get3A_649 : vector<16xf32> to vector<16xf32>
      %get3A_651 = arith.constant 160 : index
      %get3A_652 = tpu.vector_load %arg18[%get3A_651] {strides = array<i32>} : memref<1024xf32, #tpu.memory_space<vmem>>, vector<16xf32>,
      %get3A_653 = vector.shape_cast %get3A_652 : vector<16xf32> to vector<16xf32>
      %get3A_654 = arith.constant 176 : index
      %get3A_655 = tpu.vector_load %arg18[%get3A_654] {strides = array<i32>} : memref<1024xf32, #tpu.memory_space<vmem>>, vector<16xf32>,
      %get3A_656 = vector.shape_cast %get3A_655 : vector<16xf32> to vector<16xf32>
      %get3A_657 = arith.constant 192 : index
      %get3A_658 = tpu.vector_load %arg18[%get3A_657] {strides = array<i32>} : memref<1024xf32, #tpu.memory_space<vmem>>, vector<16xf32>,
      %get3A_659 = vector.shape_cast %get3A_658 : vector<16xf32> to vector<16xf32>
      %get3A_660 = arith.constant 208 : index
      %get3A_661 = tpu.vector_load %arg18[%get3A_660] {strides = array<i32>} : memref<1024xf32, #tpu.memory_space<vmem>>, vector<16xf32>,
      %get3A_662 = vector.shape_cast %get3A_661 : vector<16xf32> to vector<16xf32>
      %get3A_663 = arith.constant 224 : index
      %get3A_664 = tpu.vector_load %arg18[%get3A_663] {strides = array<i32>} : memref<1024xf32, #tpu.memory_space<vmem>>, vector<16xf32>,
      %get3A_665 = vector.shape_cast %get3A_664 : vector<16xf32> to vector<16xf32>
      %get3A_666 = arith.constant 240 : index
      %get3A_667 = tpu.vector_load %arg18[%get3A_666] {strides = array<i32>} : memref<1024xf32, #tpu.memory_space<vmem>>, vector<16xf32>,
      %get3A_668 = vector.shape_cast %get3A_667 : vector<16xf32> to vector<16xf32>
      %parallel_loop3A_669 = arith.constant 0 : i32
      %parallel_loop3A_670 = arith.constant 32 : i32
      %parallel_loop3A_671 = arith.constant 1 : i32
      %parallel_loop3A_672:8 = scf.for %parallel_loop3A_976 = %parallel_loop3A_669 to %parallel_loop3A_670 step %parallel_loop3A_671 iter_args(%parallel_loop3A_977 = %get3A_647, %parallel_loop3A_978 = %get3A_650, %parallel_loop3A_979 = %get3A_653, %parallel_loop3A_980 = %get3A_656, %parallel_loop3A_981 = %get3A_659, %parallel_loop3A_982 = %get3A_662, %parallel_loop3A_983 = %get3A_665, %parallel_loop3A_984 = %get3A_668) -> (vector<16xf32>, vector<16xf32>, vector<16xf32>, vector<16xf32>, vector<16xf32>, vector<16xf32>, vector<16xf32>, vector<16xf32>)  : i32 {
        %parallel_loop3A_985 = arith.constant 16 : i32
        %parallel_loop3A_986 = arith.muli %parallel_loop3A_976, %parallel_loop3A_985 : i32
        %parallel_loop3A_987 = arith.index_cast %parallel_loop3A_986 : i32 to index
        %parallel_loop3A_988 = tpu.vector_load %arg15[%parallel_loop3A_987] {strides = array<i32>} : memref<512xi32, #tpu.memory_space<vmem>>, vector<16xi32>,
        %parallel_loop3A_989 = vector.shape_cast %parallel_loop3A_988 : vector<16xi32> to vector<16xi32>
        %parallel_loop3A_990 = arith.constant 0 : i32
        %parallel_loop3A_991 = vector.broadcast %parallel_loop3A_990 : i32 to vector<16xi32>
        %parallel_loop3A_992 = arith.cmpi ne, %parallel_loop3A_989, %parallel_loop3A_991 : vector<16xi32>
        %parallel_loop3A_993 = arith.constant 1.000000e+00 : f32
        %parallel_loop3A_994 = arith.constant 0.000000e+00 : f32
        %parallel_loop3A_995 = vector.broadcast %parallel_loop3A_993 : f32 to vector<16xf32>
        %parallel_loop3A_996 = vector.broadcast %parallel_loop3A_994 : f32 to vector<16xf32>
        %parallel_loop3A_997 = arith.select %parallel_loop3A_992, %parallel_loop3A_995, %parallel_loop3A_996 : vector<16xi1>, vector<16xf32>
        %parallel_loop3A_998 = arith.constant 8.000000e+00 : f32
        %parallel_loop3A_999 = vector.broadcast %parallel_loop3A_998 : f32 to vector<16xf32>
        %parallel_loop3A_1000 = arith.mulf %parallel_loop3A_997, %parallel_loop3A_999 : vector<16xf32>
        %parallel_loop3A_1001 = arith.constant 8 : i32
        %parallel_loop3A_1002 = arith.index_cast %parallel_loop3A_1001 : i32 to index
        %parallel_loop3A_1003 = arith.index_cast %parallel_loop3A_986 : i32 to index
        %parallel_loop3A_1004 = tpu.vector_load %arg17[%parallel_loop3A_1002, %parallel_loop3A_1003] {strides = array<i32>} : memref<32x512xf32, #tpu.memory_space<vmem>>, vector<1x16xf32>,
        %parallel_loop3A_1005 = vector.shape_cast %parallel_loop3A_1004 : vector<1x16xf32> to vector<16xf32>
        %parallel_loop3A_1006 = arith.mulf %parallel_loop3A_1005, %parallel_loop3A_1000 : vector<16xf32>
        %parallel_loop3A_1007 = arith.mulf %parallel_loop3A_977, %parallel_loop3A_997 : vector<16xf32>
        %parallel_loop3A_1008 = arith.addf %parallel_loop3A_1006, %parallel_loop3A_1007 : vector<16xf32>
        %parallel_loop3A_1009 = arith.constant 8 : i32
        %parallel_loop3A_1010 = arith.index_cast %parallel_loop3A_1009 : i32 to index
        %parallel_loop3A_1011 = arith.index_cast %parallel_loop3A_986 : i32 to index
        %parallel_loop3A_1012 = tpu.vector_load %arg19[%parallel_loop3A_1010, %parallel_loop3A_1011] {strides = array<i32>} : memref<64x512xf32, #tpu.memory_space<vmem>>, vector<1x16xf32>,
        %parallel_loop3A_1013 = vector.shape_cast %parallel_loop3A_1012 : vector<1x16xf32> to vector<16xf32>
        %parallel_loop3A_1014 = vector.shape_cast %parallel_loop3A_1008 : vector<16xf32> to vector<1x16xf32>
        tpu.vector_store %arg19[%parallel_loop3A_1010, %parallel_loop3A_1011], %parallel_loop3A_1014 {strides = array<i32>} : memref<64x512xf32, #tpu.memory_space<vmem>>, vector<1x16xf32>,
        %parallel_loop3A_1015 = arith.constant 9 : i32
        %parallel_loop3A_1016 = arith.index_cast %parallel_loop3A_1015 : i32 to index
        %parallel_loop3A_1017 = arith.index_cast %parallel_loop3A_986 : i32 to index
        %parallel_loop3A_1018 = tpu.vector_load %arg17[%parallel_loop3A_1016, %parallel_loop3A_1017] {strides = array<i32>} : memref<32x512xf32, #tpu.memory_space<vmem>>, vector<1x16xf32>,
        %parallel_loop3A_1019 = vector.shape_cast %parallel_loop3A_1018 : vector<1x16xf32> to vector<16xf32>
        %parallel_loop3A_1020 = arith.mulf %parallel_loop3A_1019, %parallel_loop3A_1000 : vector<16xf32>
        %parallel_loop3A_1021 = arith.mulf %parallel_loop3A_978, %parallel_loop3A_997 : vector<16xf32>
        %parallel_loop3A_1022 = arith.addf %parallel_loop3A_1020, %parallel_loop3A_1021 : vector<16xf32>
        %parallel_loop3A_1023 = arith.constant 9 : i32
        %parallel_loop3A_1024 = arith.index_cast %parallel_loop3A_1023 : i32 to index
        %parallel_loop3A_1025 = arith.index_cast %parallel_loop3A_986 : i32 to index
        %parallel_loop3A_1026 = tpu.vector_load %arg19[%parallel_loop3A_1024, %parallel_loop3A_1025] {strides = array<i32>} : memref<64x512xf32, #tpu.memory_space<vmem>>, vector<1x16xf32>,
        %parallel_loop3A_1027 = vector.shape_cast %parallel_loop3A_1026 : vector<1x16xf32> to vector<16xf32>
        %parallel_loop3A_1028 = vector.shape_cast %parallel_loop3A_1022 : vector<16xf32> to vector<1x16xf32>
        tpu.vector_store %arg19[%parallel_loop3A_1024, %parallel_loop3A_1025], %parallel_loop3A_1028 {strides = array<i32>} : memref<64x512xf32, #tpu.memory_space<vmem>>, vector<1x16xf32>,
        %parallel_loop3A_1029 = arith.constant 10 : i32
        %parallel_loop3A_1030 = arith.index_cast %parallel_loop3A_1029 : i32 to index
        %parallel_loop3A_1031 = arith.index_cast %parallel_loop3A_986 : i32 to index
        %parallel_loop3A_1032 = tpu.vector_load %arg17[%parallel_loop3A_1030, %parallel_loop3A_1031] {strides = array<i32>} : memref<32x512xf32, #tpu.memory_space<vmem>>, vector<1x16xf32>,
        %parallel_loop3A_1033 = vector.shape_cast %parallel_loop3A_1032 : vector<1x16xf32> to vector<16xf32>
        %parallel_loop3A_1034 = arith.mulf %parallel_loop3A_1033, %parallel_loop3A_1000 : vector<16xf32>
        %parallel_loop3A_1035 = arith.mulf %parallel_loop3A_979, %parallel_loop3A_997 : vector<16xf32>
        %parallel_loop3A_1036 = arith.addf %parallel_loop3A_1034, %parallel_loop3A_1035 : vector<16xf32>
        %parallel_loop3A_1037 = arith.constant 10 : i32
        %parallel_loop3A_1038 = arith.index_cast %parallel_loop3A_1037 : i32 to index
        %parallel_loop3A_1039 = arith.index_cast %parallel_loop3A_986 : i32 to index
        %parallel_loop3A_1040 = tpu.vector_load %arg19[%parallel_loop3A_1038, %parallel_loop3A_1039] {strides = array<i32>} : memref<64x512xf32, #tpu.memory_space<vmem>>, vector<1x16xf32>,
        %parallel_loop3A_1041 = vector.shape_cast %parallel_loop3A_1040 : vector<1x16xf32> to vector<16xf32>
        %parallel_loop3A_1042 = vector.shape_cast %parallel_loop3A_1036 : vector<16xf32> to vector<1x16xf32>
        tpu.vector_store %arg19[%parallel_loop3A_1038, %parallel_loop3A_1039], %parallel_loop3A_1042 {strides = array<i32>} : memref<64x512xf32, #tpu.memory_space<vmem>>, vector<1x16xf32>,
        %parallel_loop3A_1043 = arith.constant 11 : i32
        %parallel_loop3A_1044 = arith.index_cast %parallel_loop3A_1043 : i32 to index
        %parallel_loop3A_1045 = arith.index_cast %parallel_loop3A_986 : i32 to index
        %parallel_loop3A_1046 = tpu.vector_load %arg17[%parallel_loop3A_1044, %parallel_loop3A_1045] {strides = array<i32>} : memref<32x512xf32, #tpu.memory_space<vmem>>, vector<1x16xf32>,
        %parallel_loop3A_1047 = vector.shape_cast %parallel_loop3A_1046 : vector<1x16xf32> to vector<16xf32>
        %parallel_loop3A_1048 = arith.mulf %parallel_loop3A_1047, %parallel_loop3A_1000 : vector<16xf32>
        %parallel_loop3A_1049 = arith.mulf %parallel_loop3A_980, %parallel_loop3A_997 : vector<16xf32>
        %parallel_loop3A_1050 = arith.addf %parallel_loop3A_1048, %parallel_loop3A_1049 : vector<16xf32>
        %parallel_loop3A_1051 = arith.constant 11 : i32
        %parallel_loop3A_1052 = arith.index_cast %parallel_loop3A_1051 : i32 to index
        %parallel_loop3A_1053 = arith.index_cast %parallel_loop3A_986 : i32 to index
        %parallel_loop3A_1054 = tpu.vector_load %arg19[%parallel_loop3A_1052, %parallel_loop3A_1053] {strides = array<i32>} : memref<64x512xf32, #tpu.memory_space<vmem>>, vector<1x16xf32>,
        %parallel_loop3A_1055 = vector.shape_cast %parallel_loop3A_1054 : vector<1x16xf32> to vector<16xf32>
        %parallel_loop3A_1056 = vector.shape_cast %parallel_loop3A_1050 : vector<16xf32> to vector<1x16xf32>
        tpu.vector_store %arg19[%parallel_loop3A_1052, %parallel_loop3A_1053], %parallel_loop3A_1056 {strides = array<i32>} : memref<64x512xf32, #tpu.memory_space<vmem>>, vector<1x16xf32>,
        %parallel_loop3A_1057 = arith.constant 12 : i32
        %parallel_loop3A_1058 = arith.index_cast %parallel_loop3A_1057 : i32 to index
        %parallel_loop3A_1059 = arith.index_cast %parallel_loop3A_986 : i32 to index
        %parallel_loop3A_1060 = tpu.vector_load %arg17[%parallel_loop3A_1058, %parallel_loop3A_1059] {strides = array<i32>} : memref<32x512xf32, #tpu.memory_space<vmem>>, vector<1x16xf32>,
        %parallel_loop3A_1061 = vector.shape_cast %parallel_loop3A_1060 : vector<1x16xf32> to vector<16xf32>
        %parallel_loop3A_1062 = arith.mulf %parallel_loop3A_1061, %parallel_loop3A_1000 : vector<16xf32>
        %parallel_loop3A_1063 = arith.mulf %parallel_loop3A_981, %parallel_loop3A_997 : vector<16xf32>
        %parallel_loop3A_1064 = arith.addf %parallel_loop3A_1062, %parallel_loop3A_1063 : vector<16xf32>
        %parallel_loop3A_1065 = arith.constant 12 : i32
        %parallel_loop3A_1066 = arith.index_cast %parallel_loop3A_1065 : i32 to index
        %parallel_loop3A_1067 = arith.index_cast %parallel_loop3A_986 : i32 to index
        %parallel_loop3A_1068 = tpu.vector_load %arg19[%parallel_loop3A_1066, %parallel_loop3A_1067] {strides = array<i32>} : memref<64x512xf32, #tpu.memory_space<vmem>>, vector<1x16xf32>,
        %parallel_loop3A_1069 = vector.shape_cast %parallel_loop3A_1068 : vector<1x16xf32> to vector<16xf32>
        %parallel_loop3A_1070 = vector.shape_cast %parallel_loop3A_1064 : vector<16xf32> to vector<1x16xf32>
        tpu.vector_store %arg19[%parallel_loop3A_1066, %parallel_loop3A_1067], %parallel_loop3A_1070 {strides = array<i32>} : memref<64x512xf32, #tpu.memory_space<vmem>>, vector<1x16xf32>,
        %parallel_loop3A_1071 = arith.constant 13 : i32
        %parallel_loop3A_1072 = arith.index_cast %parallel_loop3A_1071 : i32 to index
        %parallel_loop3A_1073 = arith.index_cast %parallel_loop3A_986 : i32 to index
        %parallel_loop3A_1074 = tpu.vector_load %arg17[%parallel_loop3A_1072, %parallel_loop3A_1073] {strides = array<i32>} : memref<32x512xf32, #tpu.memory_space<vmem>>, vector<1x16xf32>,
        %parallel_loop3A_1075 = vector.shape_cast %parallel_loop3A_1074 : vector<1x16xf32> to vector<16xf32>
        %parallel_loop3A_1076 = arith.mulf %parallel_loop3A_1075, %parallel_loop3A_1000 : vector<16xf32>
        %parallel_loop3A_1077 = arith.mulf %parallel_loop3A_982, %parallel_loop3A_997 : vector<16xf32>
        %parallel_loop3A_1078 = arith.addf %parallel_loop3A_1076, %parallel_loop3A_1077 : vector<16xf32>
        %parallel_loop3A_1079 = arith.constant 13 : i32
        %parallel_loop3A_1080 = arith.index_cast %parallel_loop3A_1079 : i32 to index
        %parallel_loop3A_1081 = arith.index_cast %parallel_loop3A_986 : i32 to index
        %parallel_loop3A_1082 = tpu.vector_load %arg19[%parallel_loop3A_1080, %parallel_loop3A_1081] {strides = array<i32>} : memref<64x512xf32, #tpu.memory_space<vmem>>, vector<1x16xf32>,
        %parallel_loop3A_1083 = vector.shape_cast %parallel_loop3A_1082 : vector<1x16xf32> to vector<16xf32>
        %parallel_loop3A_1084 = vector.shape_cast %parallel_loop3A_1078 : vector<16xf32> to vector<1x16xf32>
        tpu.vector_store %arg19[%parallel_loop3A_1080, %parallel_loop3A_1081], %parallel_loop3A_1084 {strides = array<i32>} : memref<64x512xf32, #tpu.memory_space<vmem>>, vector<1x16xf32>,
        %parallel_loop3A_1085 = arith.constant 14 : i32
        %parallel_loop3A_1086 = arith.index_cast %parallel_loop3A_1085 : i32 to index
        %parallel_loop3A_1087 = arith.index_cast %parallel_loop3A_986 : i32 to index
        %parallel_loop3A_1088 = tpu.vector_load %arg17[%parallel_loop3A_1086, %parallel_loop3A_1087] {strides = array<i32>} : memref<32x512xf32, #tpu.memory_space<vmem>>, vector<1x16xf32>,
        %parallel_loop3A_1089 = vector.shape_cast %parallel_loop3A_1088 : vector<1x16xf32> to vector<16xf32>
        %parallel_loop3A_1090 = arith.mulf %parallel_loop3A_1089, %parallel_loop3A_1000 : vector<16xf32>
        %parallel_loop3A_1091 = arith.mulf %parallel_loop3A_983, %parallel_loop3A_997 : vector<16xf32>
        %parallel_loop3A_1092 = arith.addf %parallel_loop3A_1090, %parallel_loop3A_1091 : vector<16xf32>
        %parallel_loop3A_1093 = arith.constant 14 : i32
        %parallel_loop3A_1094 = arith.index_cast %parallel_loop3A_1093 : i32 to index
        %parallel_loop3A_1095 = arith.index_cast %parallel_loop3A_986 : i32 to index
        %parallel_loop3A_1096 = tpu.vector_load %arg19[%parallel_loop3A_1094, %parallel_loop3A_1095] {strides = array<i32>} : memref<64x512xf32, #tpu.memory_space<vmem>>, vector<1x16xf32>,
        %parallel_loop3A_1097 = vector.shape_cast %parallel_loop3A_1096 : vector<1x16xf32> to vector<16xf32>
        %parallel_loop3A_1098 = vector.shape_cast %parallel_loop3A_1092 : vector<16xf32> to vector<1x16xf32>
        tpu.vector_store %arg19[%parallel_loop3A_1094, %parallel_loop3A_1095], %parallel_loop3A_1098 {strides = array<i32>} : memref<64x512xf32, #tpu.memory_space<vmem>>, vector<1x16xf32>,
        %parallel_loop3A_1099 = arith.constant 15 : i32
        %parallel_loop3A_1100 = arith.index_cast %parallel_loop3A_1099 : i32 to index
        %parallel_loop3A_1101 = arith.index_cast %parallel_loop3A_986 : i32 to index
        %parallel_loop3A_1102 = tpu.vector_load %arg17[%parallel_loop3A_1100, %parallel_loop3A_1101] {strides = array<i32>} : memref<32x512xf32, #tpu.memory_space<vmem>>, vector<1x16xf32>,
        %parallel_loop3A_1103 = vector.shape_cast %parallel_loop3A_1102 : vector<1x16xf32> to vector<16xf32>
        %parallel_loop3A_1104 = arith.mulf %parallel_loop3A_1103, %parallel_loop3A_1000 : vector<16xf32>
        %parallel_loop3A_1105 = arith.mulf %parallel_loop3A_984, %parallel_loop3A_997 : vector<16xf32>
        %parallel_loop3A_1106 = arith.addf %parallel_loop3A_1104, %parallel_loop3A_1105 : vector<16xf32>
        %parallel_loop3A_1107 = arith.constant 15 : i32
        %parallel_loop3A_1108 = arith.index_cast %parallel_loop3A_1107 : i32 to index
        %parallel_loop3A_1109 = arith.index_cast %parallel_loop3A_986 : i32 to index
        %parallel_loop3A_1110 = tpu.vector_load %arg19[%parallel_loop3A_1108, %parallel_loop3A_1109] {strides = array<i32>} : memref<64x512xf32, #tpu.memory_space<vmem>>, vector<1x16xf32>,
        %parallel_loop3A_1111 = vector.shape_cast %parallel_loop3A_1110 : vector<1x16xf32> to vector<16xf32>
        %parallel_loop3A_1112 = vector.shape_cast %parallel_loop3A_1106 : vector<16xf32> to vector<1x16xf32>
        tpu.vector_store %arg19[%parallel_loop3A_1108, %parallel_loop3A_1109], %parallel_loop3A_1112 {strides = array<i32>} : memref<64x512xf32, #tpu.memory_space<vmem>>, vector<1x16xf32>,
        scf.yield %parallel_loop3A_977, %parallel_loop3A_978, %parallel_loop3A_979, %parallel_loop3A_980, %parallel_loop3A_981, %parallel_loop3A_982, %parallel_loop3A_983, %parallel_loop3A_984 : vector<16xf32>, vector<16xf32>, vector<16xf32>, vector<16xf32>, vector<16xf32>, vector<16xf32>, vector<16xf32>, vector<16xf32>
      } {sc.loop_unroll_factor = 1 : i64, sc.parallel_access}
      %get3A_673 = arith.constant 256 : index
      %get3A_674 = tpu.vector_load %arg18[%get3A_673] {strides = array<i32>} : memref<1024xf32, #tpu.memory_space<vmem>>, vector<16xf32>,
      %get3A_675 = vector.shape_cast %get3A_674 : vector<16xf32> to vector<16xf32>
      %get3A_676 = arith.constant 272 : index
      %get3A_677 = tpu.vector_load %arg18[%get3A_676] {strides = array<i32>} : memref<1024xf32, #tpu.memory_space<vmem>>, vector<16xf32>,
      %get3A_678 = vector.shape_cast %get3A_677 : vector<16xf32> to vector<16xf32>
      %get3A_679 = arith.constant 288 : index
      %get3A_680 = tpu.vector_load %arg18[%get3A_679] {strides = array<i32>} : memref<1024xf32, #tpu.memory_space<vmem>>, vector<16xf32>,
      %get3A_681 = vector.shape_cast %get3A_680 : vector<16xf32> to vector<16xf32>
      %get3A_682 = arith.constant 304 : index
      %get3A_683 = tpu.vector_load %arg18[%get3A_682] {strides = array<i32>} : memref<1024xf32, #tpu.memory_space<vmem>>, vector<16xf32>,
      %get3A_684 = vector.shape_cast %get3A_683 : vector<16xf32> to vector<16xf32>
      %get3A_685 = arith.constant 320 : index
      %get3A_686 = tpu.vector_load %arg18[%get3A_685] {strides = array<i32>} : memref<1024xf32, #tpu.memory_space<vmem>>, vector<16xf32>,
      %get3A_687 = vector.shape_cast %get3A_686 : vector<16xf32> to vector<16xf32>
      %get3A_688 = arith.constant 336 : index
      %get3A_689 = tpu.vector_load %arg18[%get3A_688] {strides = array<i32>} : memref<1024xf32, #tpu.memory_space<vmem>>, vector<16xf32>,
      %get3A_690 = vector.shape_cast %get3A_689 : vector<16xf32> to vector<16xf32>
      %get3A_691 = arith.constant 352 : index
      %get3A_692 = tpu.vector_load %arg18[%get3A_691] {strides = array<i32>} : memref<1024xf32, #tpu.memory_space<vmem>>, vector<16xf32>,
      %get3A_693 = vector.shape_cast %get3A_692 : vector<16xf32> to vector<16xf32>
      %get3A_694 = arith.constant 368 : index
      %get3A_695 = tpu.vector_load %arg18[%get3A_694] {strides = array<i32>} : memref<1024xf32, #tpu.memory_space<vmem>>, vector<16xf32>,
      %get3A_696 = vector.shape_cast %get3A_695 : vector<16xf32> to vector<16xf32>
      %parallel_loop3A_697 = arith.constant 0 : i32
      %parallel_loop3A_698 = arith.constant 32 : i32
      %parallel_loop3A_699 = arith.constant 1 : i32
      %parallel_loop3A_700:8 = scf.for %parallel_loop3A_976 = %parallel_loop3A_697 to %parallel_loop3A_698 step %parallel_loop3A_699 iter_args(%parallel_loop3A_977 = %get3A_675, %parallel_loop3A_978 = %get3A_678, %parallel_loop3A_979 = %get3A_681, %parallel_loop3A_980 = %get3A_684, %parallel_loop3A_981 = %get3A_687, %parallel_loop3A_982 = %get3A_690, %parallel_loop3A_983 = %get3A_693, %parallel_loop3A_984 = %get3A_696) -> (vector<16xf32>, vector<16xf32>, vector<16xf32>, vector<16xf32>, vector<16xf32>, vector<16xf32>, vector<16xf32>, vector<16xf32>)  : i32 {
        %parallel_loop3A_985 = arith.constant 16 : i32
        %parallel_loop3A_986 = arith.muli %parallel_loop3A_976, %parallel_loop3A_985 : i32
        %parallel_loop3A_987 = arith.index_cast %parallel_loop3A_986 : i32 to index
        %parallel_loop3A_988 = tpu.vector_load %arg15[%parallel_loop3A_987] {strides = array<i32>} : memref<512xi32, #tpu.memory_space<vmem>>, vector<16xi32>,
        %parallel_loop3A_989 = vector.shape_cast %parallel_loop3A_988 : vector<16xi32> to vector<16xi32>
        %parallel_loop3A_990 = arith.constant 0 : i32
        %parallel_loop3A_991 = vector.broadcast %parallel_loop3A_990 : i32 to vector<16xi32>
        %parallel_loop3A_992 = arith.cmpi ne, %parallel_loop3A_989, %parallel_loop3A_991 : vector<16xi32>
        %parallel_loop3A_993 = arith.constant 1.000000e+00 : f32
        %parallel_loop3A_994 = arith.constant 0.000000e+00 : f32
        %parallel_loop3A_995 = vector.broadcast %parallel_loop3A_993 : f32 to vector<16xf32>
        %parallel_loop3A_996 = vector.broadcast %parallel_loop3A_994 : f32 to vector<16xf32>
        %parallel_loop3A_997 = arith.select %parallel_loop3A_992, %parallel_loop3A_995, %parallel_loop3A_996 : vector<16xi1>, vector<16xf32>
        %parallel_loop3A_998 = arith.constant 8.000000e+00 : f32
        %parallel_loop3A_999 = vector.broadcast %parallel_loop3A_998 : f32 to vector<16xf32>
        %parallel_loop3A_1000 = arith.mulf %parallel_loop3A_997, %parallel_loop3A_999 : vector<16xf32>
        %parallel_loop3A_1001 = arith.constant 16 : i32
        %parallel_loop3A_1002 = arith.index_cast %parallel_loop3A_1001 : i32 to index
        %parallel_loop3A_1003 = arith.index_cast %parallel_loop3A_986 : i32 to index
        %parallel_loop3A_1004 = tpu.vector_load %arg17[%parallel_loop3A_1002, %parallel_loop3A_1003] {strides = array<i32>} : memref<32x512xf32, #tpu.memory_space<vmem>>, vector<1x16xf32>,
        %parallel_loop3A_1005 = vector.shape_cast %parallel_loop3A_1004 : vector<1x16xf32> to vector<16xf32>
        %parallel_loop3A_1006 = arith.mulf %parallel_loop3A_1005, %parallel_loop3A_1000 : vector<16xf32>
        %parallel_loop3A_1007 = arith.mulf %parallel_loop3A_977, %parallel_loop3A_997 : vector<16xf32>
        %parallel_loop3A_1008 = arith.addf %parallel_loop3A_1006, %parallel_loop3A_1007 : vector<16xf32>
        %parallel_loop3A_1009 = arith.constant 16 : i32
        %parallel_loop3A_1010 = arith.index_cast %parallel_loop3A_1009 : i32 to index
        %parallel_loop3A_1011 = arith.index_cast %parallel_loop3A_986 : i32 to index
        %parallel_loop3A_1012 = tpu.vector_load %arg19[%parallel_loop3A_1010, %parallel_loop3A_1011] {strides = array<i32>} : memref<64x512xf32, #tpu.memory_space<vmem>>, vector<1x16xf32>,
        %parallel_loop3A_1013 = vector.shape_cast %parallel_loop3A_1012 : vector<1x16xf32> to vector<16xf32>
        %parallel_loop3A_1014 = vector.shape_cast %parallel_loop3A_1008 : vector<16xf32> to vector<1x16xf32>
        tpu.vector_store %arg19[%parallel_loop3A_1010, %parallel_loop3A_1011], %parallel_loop3A_1014 {strides = array<i32>} : memref<64x512xf32, #tpu.memory_space<vmem>>, vector<1x16xf32>,
        %parallel_loop3A_1015 = arith.constant 17 : i32
        %parallel_loop3A_1016 = arith.index_cast %parallel_loop3A_1015 : i32 to index
        %parallel_loop3A_1017 = arith.index_cast %parallel_loop3A_986 : i32 to index
        %parallel_loop3A_1018 = tpu.vector_load %arg17[%parallel_loop3A_1016, %parallel_loop3A_1017] {strides = array<i32>} : memref<32x512xf32, #tpu.memory_space<vmem>>, vector<1x16xf32>,
        %parallel_loop3A_1019 = vector.shape_cast %parallel_loop3A_1018 : vector<1x16xf32> to vector<16xf32>
        %parallel_loop3A_1020 = arith.mulf %parallel_loop3A_1019, %parallel_loop3A_1000 : vector<16xf32>
        %parallel_loop3A_1021 = arith.mulf %parallel_loop3A_978, %parallel_loop3A_997 : vector<16xf32>
        %parallel_loop3A_1022 = arith.addf %parallel_loop3A_1020, %parallel_loop3A_1021 : vector<16xf32>
        %parallel_loop3A_1023 = arith.constant 17 : i32
        %parallel_loop3A_1024 = arith.index_cast %parallel_loop3A_1023 : i32 to index
        %parallel_loop3A_1025 = arith.index_cast %parallel_loop3A_986 : i32 to index
        %parallel_loop3A_1026 = tpu.vector_load %arg19[%parallel_loop3A_1024, %parallel_loop3A_1025] {strides = array<i32>} : memref<64x512xf32, #tpu.memory_space<vmem>>, vector<1x16xf32>,
        %parallel_loop3A_1027 = vector.shape_cast %parallel_loop3A_1026 : vector<1x16xf32> to vector<16xf32>
        %parallel_loop3A_1028 = vector.shape_cast %parallel_loop3A_1022 : vector<16xf32> to vector<1x16xf32>
        tpu.vector_store %arg19[%parallel_loop3A_1024, %parallel_loop3A_1025], %parallel_loop3A_1028 {strides = array<i32>} : memref<64x512xf32, #tpu.memory_space<vmem>>, vector<1x16xf32>,
        %parallel_loop3A_1029 = arith.constant 18 : i32
        %parallel_loop3A_1030 = arith.index_cast %parallel_loop3A_1029 : i32 to index
        %parallel_loop3A_1031 = arith.index_cast %parallel_loop3A_986 : i32 to index
        %parallel_loop3A_1032 = tpu.vector_load %arg17[%parallel_loop3A_1030, %parallel_loop3A_1031] {strides = array<i32>} : memref<32x512xf32, #tpu.memory_space<vmem>>, vector<1x16xf32>,
        %parallel_loop3A_1033 = vector.shape_cast %parallel_loop3A_1032 : vector<1x16xf32> to vector<16xf32>
        %parallel_loop3A_1034 = arith.mulf %parallel_loop3A_1033, %parallel_loop3A_1000 : vector<16xf32>
        %parallel_loop3A_1035 = arith.mulf %parallel_loop3A_979, %parallel_loop3A_997 : vector<16xf32>
        %parallel_loop3A_1036 = arith.addf %parallel_loop3A_1034, %parallel_loop3A_1035 : vector<16xf32>
        %parallel_loop3A_1037 = arith.constant 18 : i32
        %parallel_loop3A_1038 = arith.index_cast %parallel_loop3A_1037 : i32 to index
        %parallel_loop3A_1039 = arith.index_cast %parallel_loop3A_986 : i32 to index
        %parallel_loop3A_1040 = tpu.vector_load %arg19[%parallel_loop3A_1038, %parallel_loop3A_1039] {strides = array<i32>} : memref<64x512xf32, #tpu.memory_space<vmem>>, vector<1x16xf32>,
        %parallel_loop3A_1041 = vector.shape_cast %parallel_loop3A_1040 : vector<1x16xf32> to vector<16xf32>
        %parallel_loop3A_1042 = vector.shape_cast %parallel_loop3A_1036 : vector<16xf32> to vector<1x16xf32>
        tpu.vector_store %arg19[%parallel_loop3A_1038, %parallel_loop3A_1039], %parallel_loop3A_1042 {strides = array<i32>} : memref<64x512xf32, #tpu.memory_space<vmem>>, vector<1x16xf32>,
        %parallel_loop3A_1043 = arith.constant 19 : i32
        %parallel_loop3A_1044 = arith.index_cast %parallel_loop3A_1043 : i32 to index
        %parallel_loop3A_1045 = arith.index_cast %parallel_loop3A_986 : i32 to index
        %parallel_loop3A_1046 = tpu.vector_load %arg17[%parallel_loop3A_1044, %parallel_loop3A_1045] {strides = array<i32>} : memref<32x512xf32, #tpu.memory_space<vmem>>, vector<1x16xf32>,
        %parallel_loop3A_1047 = vector.shape_cast %parallel_loop3A_1046 : vector<1x16xf32> to vector<16xf32>
        %parallel_loop3A_1048 = arith.mulf %parallel_loop3A_1047, %parallel_loop3A_1000 : vector<16xf32>
        %parallel_loop3A_1049 = arith.mulf %parallel_loop3A_980, %parallel_loop3A_997 : vector<16xf32>
        %parallel_loop3A_1050 = arith.addf %parallel_loop3A_1048, %parallel_loop3A_1049 : vector<16xf32>
        %parallel_loop3A_1051 = arith.constant 19 : i32
        %parallel_loop3A_1052 = arith.index_cast %parallel_loop3A_1051 : i32 to index
        %parallel_loop3A_1053 = arith.index_cast %parallel_loop3A_986 : i32 to index
        %parallel_loop3A_1054 = tpu.vector_load %arg19[%parallel_loop3A_1052, %parallel_loop3A_1053] {strides = array<i32>} : memref<64x512xf32, #tpu.memory_space<vmem>>, vector<1x16xf32>,
        %parallel_loop3A_1055 = vector.shape_cast %parallel_loop3A_1054 : vector<1x16xf32> to vector<16xf32>
        %parallel_loop3A_1056 = vector.shape_cast %parallel_loop3A_1050 : vector<16xf32> to vector<1x16xf32>
        tpu.vector_store %arg19[%parallel_loop3A_1052, %parallel_loop3A_1053], %parallel_loop3A_1056 {strides = array<i32>} : memref<64x512xf32, #tpu.memory_space<vmem>>, vector<1x16xf32>,
        %parallel_loop3A_1057 = arith.constant 20 : i32
        %parallel_loop3A_1058 = arith.index_cast %parallel_loop3A_1057 : i32 to index
        %parallel_loop3A_1059 = arith.index_cast %parallel_loop3A_986 : i32 to index
        %parallel_loop3A_1060 = tpu.vector_load %arg17[%parallel_loop3A_1058, %parallel_loop3A_1059] {strides = array<i32>} : memref<32x512xf32, #tpu.memory_space<vmem>>, vector<1x16xf32>,
        %parallel_loop3A_1061 = vector.shape_cast %parallel_loop3A_1060 : vector<1x16xf32> to vector<16xf32>
        %parallel_loop3A_1062 = arith.mulf %parallel_loop3A_1061, %parallel_loop3A_1000 : vector<16xf32>
        %parallel_loop3A_1063 = arith.mulf %parallel_loop3A_981, %parallel_loop3A_997 : vector<16xf32>
        %parallel_loop3A_1064 = arith.addf %parallel_loop3A_1062, %parallel_loop3A_1063 : vector<16xf32>
        %parallel_loop3A_1065 = arith.constant 20 : i32
        %parallel_loop3A_1066 = arith.index_cast %parallel_loop3A_1065 : i32 to index
        %parallel_loop3A_1067 = arith.index_cast %parallel_loop3A_986 : i32 to index
        %parallel_loop3A_1068 = tpu.vector_load %arg19[%parallel_loop3A_1066, %parallel_loop3A_1067] {strides = array<i32>} : memref<64x512xf32, #tpu.memory_space<vmem>>, vector<1x16xf32>,
        %parallel_loop3A_1069 = vector.shape_cast %parallel_loop3A_1068 : vector<1x16xf32> to vector<16xf32>
        %parallel_loop3A_1070 = vector.shape_cast %parallel_loop3A_1064 : vector<16xf32> to vector<1x16xf32>
        tpu.vector_store %arg19[%parallel_loop3A_1066, %parallel_loop3A_1067], %parallel_loop3A_1070 {strides = array<i32>} : memref<64x512xf32, #tpu.memory_space<vmem>>, vector<1x16xf32>,
        %parallel_loop3A_1071 = arith.constant 21 : i32
        %parallel_loop3A_1072 = arith.index_cast %parallel_loop3A_1071 : i32 to index
        %parallel_loop3A_1073 = arith.index_cast %parallel_loop3A_986 : i32 to index
        %parallel_loop3A_1074 = tpu.vector_load %arg17[%parallel_loop3A_1072, %parallel_loop3A_1073] {strides = array<i32>} : memref<32x512xf32, #tpu.memory_space<vmem>>, vector<1x16xf32>,
        %parallel_loop3A_1075 = vector.shape_cast %parallel_loop3A_1074 : vector<1x16xf32> to vector<16xf32>
        %parallel_loop3A_1076 = arith.mulf %parallel_loop3A_1075, %parallel_loop3A_1000 : vector<16xf32>
        %parallel_loop3A_1077 = arith.mulf %parallel_loop3A_982, %parallel_loop3A_997 : vector<16xf32>
        %parallel_loop3A_1078 = arith.addf %parallel_loop3A_1076, %parallel_loop3A_1077 : vector<16xf32>
        %parallel_loop3A_1079 = arith.constant 21 : i32
        %parallel_loop3A_1080 = arith.index_cast %parallel_loop3A_1079 : i32 to index
        %parallel_loop3A_1081 = arith.index_cast %parallel_loop3A_986 : i32 to index
        %parallel_loop3A_1082 = tpu.vector_load %arg19[%parallel_loop3A_1080, %parallel_loop3A_1081] {strides = array<i32>} : memref<64x512xf32, #tpu.memory_space<vmem>>, vector<1x16xf32>,
        %parallel_loop3A_1083 = vector.shape_cast %parallel_loop3A_1082 : vector<1x16xf32> to vector<16xf32>
        %parallel_loop3A_1084 = vector.shape_cast %parallel_loop3A_1078 : vector<16xf32> to vector<1x16xf32>
        tpu.vector_store %arg19[%parallel_loop3A_1080, %parallel_loop3A_1081], %parallel_loop3A_1084 {strides = array<i32>} : memref<64x512xf32, #tpu.memory_space<vmem>>, vector<1x16xf32>,
        %parallel_loop3A_1085 = arith.constant 22 : i32
        %parallel_loop3A_1086 = arith.index_cast %parallel_loop3A_1085 : i32 to index
        %parallel_loop3A_1087 = arith.index_cast %parallel_loop3A_986 : i32 to index
        %parallel_loop3A_1088 = tpu.vector_load %arg17[%parallel_loop3A_1086, %parallel_loop3A_1087] {strides = array<i32>} : memref<32x512xf32, #tpu.memory_space<vmem>>, vector<1x16xf32>,
        %parallel_loop3A_1089 = vector.shape_cast %parallel_loop3A_1088 : vector<1x16xf32> to vector<16xf32>
        %parallel_loop3A_1090 = arith.mulf %parallel_loop3A_1089, %parallel_loop3A_1000 : vector<16xf32>
        %parallel_loop3A_1091 = arith.mulf %parallel_loop3A_983, %parallel_loop3A_997 : vector<16xf32>
        %parallel_loop3A_1092 = arith.addf %parallel_loop3A_1090, %parallel_loop3A_1091 : vector<16xf32>
        %parallel_loop3A_1093 = arith.constant 22 : i32
        %parallel_loop3A_1094 = arith.index_cast %parallel_loop3A_1093 : i32 to index
        %parallel_loop3A_1095 = arith.index_cast %parallel_loop3A_986 : i32 to index
        %parallel_loop3A_1096 = tpu.vector_load %arg19[%parallel_loop3A_1094, %parallel_loop3A_1095] {strides = array<i32>} : memref<64x512xf32, #tpu.memory_space<vmem>>, vector<1x16xf32>,
        %parallel_loop3A_1097 = vector.shape_cast %parallel_loop3A_1096 : vector<1x16xf32> to vector<16xf32>
        %parallel_loop3A_1098 = vector.shape_cast %parallel_loop3A_1092 : vector<16xf32> to vector<1x16xf32>
        tpu.vector_store %arg19[%parallel_loop3A_1094, %parallel_loop3A_1095], %parallel_loop3A_1098 {strides = array<i32>} : memref<64x512xf32, #tpu.memory_space<vmem>>, vector<1x16xf32>,
        %parallel_loop3A_1099 = arith.constant 23 : i32
        %parallel_loop3A_1100 = arith.index_cast %parallel_loop3A_1099 : i32 to index
        %parallel_loop3A_1101 = arith.index_cast %parallel_loop3A_986 : i32 to index
        %parallel_loop3A_1102 = tpu.vector_load %arg17[%parallel_loop3A_1100, %parallel_loop3A_1101] {strides = array<i32>} : memref<32x512xf32, #tpu.memory_space<vmem>>, vector<1x16xf32>,
        %parallel_loop3A_1103 = vector.shape_cast %parallel_loop3A_1102 : vector<1x16xf32> to vector<16xf32>
        %parallel_loop3A_1104 = arith.mulf %parallel_loop3A_1103, %parallel_loop3A_1000 : vector<16xf32>
        %parallel_loop3A_1105 = arith.mulf %parallel_loop3A_984, %parallel_loop3A_997 : vector<16xf32>
        %parallel_loop3A_1106 = arith.addf %parallel_loop3A_1104, %parallel_loop3A_1105 : vector<16xf32>
        %parallel_loop3A_1107 = arith.constant 23 : i32
        %parallel_loop3A_1108 = arith.index_cast %parallel_loop3A_1107 : i32 to index
        %parallel_loop3A_1109 = arith.index_cast %parallel_loop3A_986 : i32 to index
        %parallel_loop3A_1110 = tpu.vector_load %arg19[%parallel_loop3A_1108, %parallel_loop3A_1109] {strides = array<i32>} : memref<64x512xf32, #tpu.memory_space<vmem>>, vector<1x16xf32>,
        %parallel_loop3A_1111 = vector.shape_cast %parallel_loop3A_1110 : vector<1x16xf32> to vector<16xf32>
        %parallel_loop3A_1112 = vector.shape_cast %parallel_loop3A_1106 : vector<16xf32> to vector<1x16xf32>
        tpu.vector_store %arg19[%parallel_loop3A_1108, %parallel_loop3A_1109], %parallel_loop3A_1112 {strides = array<i32>} : memref<64x512xf32, #tpu.memory_space<vmem>>, vector<1x16xf32>,
        scf.yield %parallel_loop3A_977, %parallel_loop3A_978, %parallel_loop3A_979, %parallel_loop3A_980, %parallel_loop3A_981, %parallel_loop3A_982, %parallel_loop3A_983, %parallel_loop3A_984 : vector<16xf32>, vector<16xf32>, vector<16xf32>, vector<16xf32>, vector<16xf32>, vector<16xf32>, vector<16xf32>, vector<16xf32>
      } {sc.loop_unroll_factor = 1 : i64, sc.parallel_access}
      %get3A_701 = arith.constant 384 : index
      %get3A_702 = tpu.vector_load %arg18[%get3A_701] {strides = array<i32>} : memref<1024xf32, #tpu.memory_space<vmem>>, vector<16xf32>,
      %get3A_703 = vector.shape_cast %get3A_702 : vector<16xf32> to vector<16xf32>
      %get3A_704 = arith.constant 400 : index
      %get3A_705 = tpu.vector_load %arg18[%get3A_704] {strides = array<i32>} : memref<1024xf32, #tpu.memory_space<vmem>>, vector<16xf32>,
      %get3A_706 = vector.shape_cast %get3A_705 : vector<16xf32> to vector<16xf32>
      %get3A_707 = arith.constant 416 : index
      %get3A_708 = tpu.vector_load %arg18[%get3A_707] {strides = array<i32>} : memref<1024xf32, #tpu.memory_space<vmem>>, vector<16xf32>,
      %get3A_709 = vector.shape_cast %get3A_708 : vector<16xf32> to vector<16xf32>
      %get3A_710 = arith.constant 432 : index
      %get3A_711 = tpu.vector_load %arg18[%get3A_710] {strides = array<i32>} : memref<1024xf32, #tpu.memory_space<vmem>>, vector<16xf32>,
      %get3A_712 = vector.shape_cast %get3A_711 : vector<16xf32> to vector<16xf32>
      %get3A_713 = arith.constant 448 : index
      %get3A_714 = tpu.vector_load %arg18[%get3A_713] {strides = array<i32>} : memref<1024xf32, #tpu.memory_space<vmem>>, vector<16xf32>,
      %get3A_715 = vector.shape_cast %get3A_714 : vector<16xf32> to vector<16xf32>
      %get3A_716 = arith.constant 464 : index
      %get3A_717 = tpu.vector_load %arg18[%get3A_716] {strides = array<i32>} : memref<1024xf32, #tpu.memory_space<vmem>>, vector<16xf32>,
      %get3A_718 = vector.shape_cast %get3A_717 : vector<16xf32> to vector<16xf32>
      %get3A_719 = arith.constant 480 : index
      %get3A_720 = tpu.vector_load %arg18[%get3A_719] {strides = array<i32>} : memref<1024xf32, #tpu.memory_space<vmem>>, vector<16xf32>,
      %get3A_721 = vector.shape_cast %get3A_720 : vector<16xf32> to vector<16xf32>
      %get3A_722 = arith.constant 496 : index
      %get3A_723 = tpu.vector_load %arg18[%get3A_722] {strides = array<i32>} : memref<1024xf32, #tpu.memory_space<vmem>>, vector<16xf32>,
      %get3A_724 = vector.shape_cast %get3A_723 : vector<16xf32> to vector<16xf32>
      %parallel_loop3A_725 = arith.constant 0 : i32
      %parallel_loop3A_726 = arith.constant 32 : i32
      %parallel_loop3A_727 = arith.constant 1 : i32
      %parallel_loop3A_728:8 = scf.for %parallel_loop3A_976 = %parallel_loop3A_725 to %parallel_loop3A_726 step %parallel_loop3A_727 iter_args(%parallel_loop3A_977 = %get3A_703, %parallel_loop3A_978 = %get3A_706, %parallel_loop3A_979 = %get3A_709, %parallel_loop3A_980 = %get3A_712, %parallel_loop3A_981 = %get3A_715, %parallel_loop3A_982 = %get3A_718, %parallel_loop3A_983 = %get3A_721, %parallel_loop3A_984 = %get3A_724) -> (vector<16xf32>, vector<16xf32>, vector<16xf32>, vector<16xf32>, vector<16xf32>, vector<16xf32>, vector<16xf32>, vector<16xf32>)  : i32 {
        %parallel_loop3A_985 = arith.constant 16 : i32
        %parallel_loop3A_986 = arith.muli %parallel_loop3A_976, %parallel_loop3A_985 : i32
        %parallel_loop3A_987 = arith.index_cast %parallel_loop3A_986 : i32 to index
        %parallel_loop3A_988 = tpu.vector_load %arg15[%parallel_loop3A_987] {strides = array<i32>} : memref<512xi32, #tpu.memory_space<vmem>>, vector<16xi32>,
        %parallel_loop3A_989 = vector.shape_cast %parallel_loop3A_988 : vector<16xi32> to vector<16xi32>
        %parallel_loop3A_990 = arith.constant 0 : i32
        %parallel_loop3A_991 = vector.broadcast %parallel_loop3A_990 : i32 to vector<16xi32>
        %parallel_loop3A_992 = arith.cmpi ne, %parallel_loop3A_989, %parallel_loop3A_991 : vector<16xi32>
        %parallel_loop3A_993 = arith.constant 1.000000e+00 : f32
        %parallel_loop3A_994 = arith.constant 0.000000e+00 : f32
        %parallel_loop3A_995 = vector.broadcast %parallel_loop3A_993 : f32 to vector<16xf32>
        %parallel_loop3A_996 = vector.broadcast %parallel_loop3A_994 : f32 to vector<16xf32>
        %parallel_loop3A_997 = arith.select %parallel_loop3A_992, %parallel_loop3A_995, %parallel_loop3A_996 : vector<16xi1>, vector<16xf32>
        %parallel_loop3A_998 = arith.constant 8.000000e+00 : f32
        %parallel_loop3A_999 = vector.broadcast %parallel_loop3A_998 : f32 to vector<16xf32>
        %parallel_loop3A_1000 = arith.mulf %parallel_loop3A_997, %parallel_loop3A_999 : vector<16xf32>
        %parallel_loop3A_1001 = arith.constant 24 : i32
        %parallel_loop3A_1002 = arith.index_cast %parallel_loop3A_1001 : i32 to index
        %parallel_loop3A_1003 = arith.index_cast %parallel_loop3A_986 : i32 to index
        %parallel_loop3A_1004 = tpu.vector_load %arg17[%parallel_loop3A_1002, %parallel_loop3A_1003] {strides = array<i32>} : memref<32x512xf32, #tpu.memory_space<vmem>>, vector<1x16xf32>,
        %parallel_loop3A_1005 = vector.shape_cast %parallel_loop3A_1004 : vector<1x16xf32> to vector<16xf32>
        %parallel_loop3A_1006 = arith.mulf %parallel_loop3A_1005, %parallel_loop3A_1000 : vector<16xf32>
        %parallel_loop3A_1007 = arith.mulf %parallel_loop3A_977, %parallel_loop3A_997 : vector<16xf32>
        %parallel_loop3A_1008 = arith.addf %parallel_loop3A_1006, %parallel_loop3A_1007 : vector<16xf32>
        %parallel_loop3A_1009 = arith.constant 24 : i32
        %parallel_loop3A_1010 = arith.index_cast %parallel_loop3A_1009 : i32 to index
        %parallel_loop3A_1011 = arith.index_cast %parallel_loop3A_986 : i32 to index
        %parallel_loop3A_1012 = tpu.vector_load %arg19[%parallel_loop3A_1010, %parallel_loop3A_1011] {strides = array<i32>} : memref<64x512xf32, #tpu.memory_space<vmem>>, vector<1x16xf32>,
        %parallel_loop3A_1013 = vector.shape_cast %parallel_loop3A_1012 : vector<1x16xf32> to vector<16xf32>
        %parallel_loop3A_1014 = vector.shape_cast %parallel_loop3A_1008 : vector<16xf32> to vector<1x16xf32>
        tpu.vector_store %arg19[%parallel_loop3A_1010, %parallel_loop3A_1011], %parallel_loop3A_1014 {strides = array<i32>} : memref<64x512xf32, #tpu.memory_space<vmem>>, vector<1x16xf32>,
        %parallel_loop3A_1015 = arith.constant 25 : i32
        %parallel_loop3A_1016 = arith.index_cast %parallel_loop3A_1015 : i32 to index
        %parallel_loop3A_1017 = arith.index_cast %parallel_loop3A_986 : i32 to index
        %parallel_loop3A_1018 = tpu.vector_load %arg17[%parallel_loop3A_1016, %parallel_loop3A_1017] {strides = array<i32>} : memref<32x512xf32, #tpu.memory_space<vmem>>, vector<1x16xf32>,
        %parallel_loop3A_1019 = vector.shape_cast %parallel_loop3A_1018 : vector<1x16xf32> to vector<16xf32>
        %parallel_loop3A_1020 = arith.mulf %parallel_loop3A_1019, %parallel_loop3A_1000 : vector<16xf32>
        %parallel_loop3A_1021 = arith.mulf %parallel_loop3A_978, %parallel_loop3A_997 : vector<16xf32>
        %parallel_loop3A_1022 = arith.addf %parallel_loop3A_1020, %parallel_loop3A_1021 : vector<16xf32>
        %parallel_loop3A_1023 = arith.constant 25 : i32
        %parallel_loop3A_1024 = arith.index_cast %parallel_loop3A_1023 : i32 to index
        %parallel_loop3A_1025 = arith.index_cast %parallel_loop3A_986 : i32 to index
        %parallel_loop3A_1026 = tpu.vector_load %arg19[%parallel_loop3A_1024, %parallel_loop3A_1025] {strides = array<i32>} : memref<64x512xf32, #tpu.memory_space<vmem>>, vector<1x16xf32>,
        %parallel_loop3A_1027 = vector.shape_cast %parallel_loop3A_1026 : vector<1x16xf32> to vector<16xf32>
        %parallel_loop3A_1028 = vector.shape_cast %parallel_loop3A_1022 : vector<16xf32> to vector<1x16xf32>
        tpu.vector_store %arg19[%parallel_loop3A_1024, %parallel_loop3A_1025], %parallel_loop3A_1028 {strides = array<i32>} : memref<64x512xf32, #tpu.memory_space<vmem>>, vector<1x16xf32>,
        %parallel_loop3A_1029 = arith.constant 26 : i32
        %parallel_loop3A_1030 = arith.index_cast %parallel_loop3A_1029 : i32 to index
        %parallel_loop3A_1031 = arith.index_cast %parallel_loop3A_986 : i32 to index
        %parallel_loop3A_1032 = tpu.vector_load %arg17[%parallel_loop3A_1030, %parallel_loop3A_1031] {strides = array<i32>} : memref<32x512xf32, #tpu.memory_space<vmem>>, vector<1x16xf32>,
        %parallel_loop3A_1033 = vector.shape_cast %parallel_loop3A_1032 : vector<1x16xf32> to vector<16xf32>
        %parallel_loop3A_1034 = arith.mulf %parallel_loop3A_1033, %parallel_loop3A_1000 : vector<16xf32>
        %parallel_loop3A_1035 = arith.mulf %parallel_loop3A_979, %parallel_loop3A_997 : vector<16xf32>
        %parallel_loop3A_1036 = arith.addf %parallel_loop3A_1034, %parallel_loop3A_1035 : vector<16xf32>
        %parallel_loop3A_1037 = arith.constant 26 : i32
        %parallel_loop3A_1038 = arith.index_cast %parallel_loop3A_1037 : i32 to index
        %parallel_loop3A_1039 = arith.index_cast %parallel_loop3A_986 : i32 to index
        %parallel_loop3A_1040 = tpu.vector_load %arg19[%parallel_loop3A_1038, %parallel_loop3A_1039] {strides = array<i32>} : memref<64x512xf32, #tpu.memory_space<vmem>>, vector<1x16xf32>,
        %parallel_loop3A_1041 = vector.shape_cast %parallel_loop3A_1040 : vector<1x16xf32> to vector<16xf32>
        %parallel_loop3A_1042 = vector.shape_cast %parallel_loop3A_1036 : vector<16xf32> to vector<1x16xf32>
        tpu.vector_store %arg19[%parallel_loop3A_1038, %parallel_loop3A_1039], %parallel_loop3A_1042 {strides = array<i32>} : memref<64x512xf32, #tpu.memory_space<vmem>>, vector<1x16xf32>,
        %parallel_loop3A_1043 = arith.constant 27 : i32
        %parallel_loop3A_1044 = arith.index_cast %parallel_loop3A_1043 : i32 to index
        %parallel_loop3A_1045 = arith.index_cast %parallel_loop3A_986 : i32 to index
        %parallel_loop3A_1046 = tpu.vector_load %arg17[%parallel_loop3A_1044, %parallel_loop3A_1045] {strides = array<i32>} : memref<32x512xf32, #tpu.memory_space<vmem>>, vector<1x16xf32>,
        %parallel_loop3A_1047 = vector.shape_cast %parallel_loop3A_1046 : vector<1x16xf32> to vector<16xf32>
        %parallel_loop3A_1048 = arith.mulf %parallel_loop3A_1047, %parallel_loop3A_1000 : vector<16xf32>
        %parallel_loop3A_1049 = arith.mulf %parallel_loop3A_980, %parallel_loop3A_997 : vector<16xf32>
        %parallel_loop3A_1050 = arith.addf %parallel_loop3A_1048, %parallel_loop3A_1049 : vector<16xf32>
        %parallel_loop3A_1051 = arith.constant 27 : i32
        %parallel_loop3A_1052 = arith.index_cast %parallel_loop3A_1051 : i32 to index
        %parallel_loop3A_1053 = arith.index_cast %parallel_loop3A_986 : i32 to index
        %parallel_loop3A_1054 = tpu.vector_load %arg19[%parallel_loop3A_1052, %parallel_loop3A_1053] {strides = array<i32>} : memref<64x512xf32, #tpu.memory_space<vmem>>, vector<1x16xf32>,
        %parallel_loop3A_1055 = vector.shape_cast %parallel_loop3A_1054 : vector<1x16xf32> to vector<16xf32>
        %parallel_loop3A_1056 = vector.shape_cast %parallel_loop3A_1050 : vector<16xf32> to vector<1x16xf32>
        tpu.vector_store %arg19[%parallel_loop3A_1052, %parallel_loop3A_1053], %parallel_loop3A_1056 {strides = array<i32>} : memref<64x512xf32, #tpu.memory_space<vmem>>, vector<1x16xf32>,
        %parallel_loop3A_1057 = arith.constant 28 : i32
        %parallel_loop3A_1058 = arith.index_cast %parallel_loop3A_1057 : i32 to index
        %parallel_loop3A_1059 = arith.index_cast %parallel_loop3A_986 : i32 to index
        %parallel_loop3A_1060 = tpu.vector_load %arg17[%parallel_loop3A_1058, %parallel_loop3A_1059] {strides = array<i32>} : memref<32x512xf32, #tpu.memory_space<vmem>>, vector<1x16xf32>,
        %parallel_loop3A_1061 = vector.shape_cast %parallel_loop3A_1060 : vector<1x16xf32> to vector<16xf32>
        %parallel_loop3A_1062 = arith.mulf %parallel_loop3A_1061, %parallel_loop3A_1000 : vector<16xf32>
        %parallel_loop3A_1063 = arith.mulf %parallel_loop3A_981, %parallel_loop3A_997 : vector<16xf32>
        %parallel_loop3A_1064 = arith.addf %parallel_loop3A_1062, %parallel_loop3A_1063 : vector<16xf32>
        %parallel_loop3A_1065 = arith.constant 28 : i32
        %parallel_loop3A_1066 = arith.index_cast %parallel_loop3A_1065 : i32 to index
        %parallel_loop3A_1067 = arith.index_cast %parallel_loop3A_986 : i32 to index
        %parallel_loop3A_1068 = tpu.vector_load %arg19[%parallel_loop3A_1066, %parallel_loop3A_1067] {strides = array<i32>} : memref<64x512xf32, #tpu.memory_space<vmem>>, vector<1x16xf32>,
        %parallel_loop3A_1069 = vector.shape_cast %parallel_loop3A_1068 : vector<1x16xf32> to vector<16xf32>
        %parallel_loop3A_1070 = vector.shape_cast %parallel_loop3A_1064 : vector<16xf32> to vector<1x16xf32>
        tpu.vector_store %arg19[%parallel_loop3A_1066, %parallel_loop3A_1067], %parallel_loop3A_1070 {strides = array<i32>} : memref<64x512xf32, #tpu.memory_space<vmem>>, vector<1x16xf32>,
        %parallel_loop3A_1071 = arith.constant 29 : i32
        %parallel_loop3A_1072 = arith.index_cast %parallel_loop3A_1071 : i32 to index
        %parallel_loop3A_1073 = arith.index_cast %parallel_loop3A_986 : i32 to index
        %parallel_loop3A_1074 = tpu.vector_load %arg17[%parallel_loop3A_1072, %parallel_loop3A_1073] {strides = array<i32>} : memref<32x512xf32, #tpu.memory_space<vmem>>, vector<1x16xf32>,
        %parallel_loop3A_1075 = vector.shape_cast %parallel_loop3A_1074 : vector<1x16xf32> to vector<16xf32>
        %parallel_loop3A_1076 = arith.mulf %parallel_loop3A_1075, %parallel_loop3A_1000 : vector<16xf32>
        %parallel_loop3A_1077 = arith.mulf %parallel_loop3A_982, %parallel_loop3A_997 : vector<16xf32>
        %parallel_loop3A_1078 = arith.addf %parallel_loop3A_1076, %parallel_loop3A_1077 : vector<16xf32>
        %parallel_loop3A_1079 = arith.constant 29 : i32
        %parallel_loop3A_1080 = arith.index_cast %parallel_loop3A_1079 : i32 to index
        %parallel_loop3A_1081 = arith.index_cast %parallel_loop3A_986 : i32 to index
        %parallel_loop3A_1082 = tpu.vector_load %arg19[%parallel_loop3A_1080, %parallel_loop3A_1081] {strides = array<i32>} : memref<64x512xf32, #tpu.memory_space<vmem>>, vector<1x16xf32>,
        %parallel_loop3A_1083 = vector.shape_cast %parallel_loop3A_1082 : vector<1x16xf32> to vector<16xf32>
        %parallel_loop3A_1084 = vector.shape_cast %parallel_loop3A_1078 : vector<16xf32> to vector<1x16xf32>
        tpu.vector_store %arg19[%parallel_loop3A_1080, %parallel_loop3A_1081], %parallel_loop3A_1084 {strides = array<i32>} : memref<64x512xf32, #tpu.memory_space<vmem>>, vector<1x16xf32>,
        %parallel_loop3A_1085 = arith.constant 30 : i32
        %parallel_loop3A_1086 = arith.index_cast %parallel_loop3A_1085 : i32 to index
        %parallel_loop3A_1087 = arith.index_cast %parallel_loop3A_986 : i32 to index
        %parallel_loop3A_1088 = tpu.vector_load %arg17[%parallel_loop3A_1086, %parallel_loop3A_1087] {strides = array<i32>} : memref<32x512xf32, #tpu.memory_space<vmem>>, vector<1x16xf32>,
        %parallel_loop3A_1089 = vector.shape_cast %parallel_loop3A_1088 : vector<1x16xf32> to vector<16xf32>
        %parallel_loop3A_1090 = arith.mulf %parallel_loop3A_1089, %parallel_loop3A_1000 : vector<16xf32>
        %parallel_loop3A_1091 = arith.mulf %parallel_loop3A_983, %parallel_loop3A_997 : vector<16xf32>
        %parallel_loop3A_1092 = arith.addf %parallel_loop3A_1090, %parallel_loop3A_1091 : vector<16xf32>
        %parallel_loop3A_1093 = arith.constant 30 : i32
        %parallel_loop3A_1094 = arith.index_cast %parallel_loop3A_1093 : i32 to index
        %parallel_loop3A_1095 = arith.index_cast %parallel_loop3A_986 : i32 to index
        %parallel_loop3A_1096 = tpu.vector_load %arg19[%parallel_loop3A_1094, %parallel_loop3A_1095] {strides = array<i32>} : memref<64x512xf32, #tpu.memory_space<vmem>>, vector<1x16xf32>,
        %parallel_loop3A_1097 = vector.shape_cast %parallel_loop3A_1096 : vector<1x16xf32> to vector<16xf32>
        %parallel_loop3A_1098 = vector.shape_cast %parallel_loop3A_1092 : vector<16xf32> to vector<1x16xf32>
        tpu.vector_store %arg19[%parallel_loop3A_1094, %parallel_loop3A_1095], %parallel_loop3A_1098 {strides = array<i32>} : memref<64x512xf32, #tpu.memory_space<vmem>>, vector<1x16xf32>,
        %parallel_loop3A_1099 = arith.constant 31 : i32
        %parallel_loop3A_1100 = arith.index_cast %parallel_loop3A_1099 : i32 to index
        %parallel_loop3A_1101 = arith.index_cast %parallel_loop3A_986 : i32 to index
        %parallel_loop3A_1102 = tpu.vector_load %arg17[%parallel_loop3A_1100, %parallel_loop3A_1101] {strides = array<i32>} : memref<32x512xf32, #tpu.memory_space<vmem>>, vector<1x16xf32>,
        %parallel_loop3A_1103 = vector.shape_cast %parallel_loop3A_1102 : vector<1x16xf32> to vector<16xf32>
        %parallel_loop3A_1104 = arith.mulf %parallel_loop3A_1103, %parallel_loop3A_1000 : vector<16xf32>
        %parallel_loop3A_1105 = arith.mulf %parallel_loop3A_984, %parallel_loop3A_997 : vector<16xf32>
        %parallel_loop3A_1106 = arith.addf %parallel_loop3A_1104, %parallel_loop3A_1105 : vector<16xf32>
        %parallel_loop3A_1107 = arith.constant 31 : i32
        %parallel_loop3A_1108 = arith.index_cast %parallel_loop3A_1107 : i32 to index
        %parallel_loop3A_1109 = arith.index_cast %parallel_loop3A_986 : i32 to index
        %parallel_loop3A_1110 = tpu.vector_load %arg19[%parallel_loop3A_1108, %parallel_loop3A_1109] {strides = array<i32>} : memref<64x512xf32, #tpu.memory_space<vmem>>, vector<1x16xf32>,
        %parallel_loop3A_1111 = vector.shape_cast %parallel_loop3A_1110 : vector<1x16xf32> to vector<16xf32>
        %parallel_loop3A_1112 = vector.shape_cast %parallel_loop3A_1106 : vector<16xf32> to vector<1x16xf32>
        tpu.vector_store %arg19[%parallel_loop3A_1108, %parallel_loop3A_1109], %parallel_loop3A_1112 {strides = array<i32>} : memref<64x512xf32, #tpu.memory_space<vmem>>, vector<1x16xf32>,
        scf.yield %parallel_loop3A_977, %parallel_loop3A_978, %parallel_loop3A_979, %parallel_loop3A_980, %parallel_loop3A_981, %parallel_loop3A_982, %parallel_loop3A_983, %parallel_loop3A_984 : vector<16xf32>, vector<16xf32>, vector<16xf32>, vector<16xf32>, vector<16xf32>, vector<16xf32>, vector<16xf32>, vector<16xf32>
      } {sc.loop_unroll_factor = 1 : i64, sc.parallel_access}
      %get3A_729 = arith.constant 512 : index
      %get3A_730 = tpu.vector_load %arg18[%get3A_729] {strides = array<i32>} : memref<1024xf32, #tpu.memory_space<vmem>>, vector<16xf32>,
      %get3A_731 = vector.shape_cast %get3A_730 : vector<16xf32> to vector<16xf32>
      %get3A_732 = arith.constant 528 : index
      %get3A_733 = tpu.vector_load %arg18[%get3A_732] {strides = array<i32>} : memref<1024xf32, #tpu.memory_space<vmem>>, vector<16xf32>,
      %get3A_734 = vector.shape_cast %get3A_733 : vector<16xf32> to vector<16xf32>
      %get3A_735 = arith.constant 544 : index
      %get3A_736 = tpu.vector_load %arg18[%get3A_735] {strides = array<i32>} : memref<1024xf32, #tpu.memory_space<vmem>>, vector<16xf32>,
      %get3A_737 = vector.shape_cast %get3A_736 : vector<16xf32> to vector<16xf32>
      %get3A_738 = arith.constant 560 : index
      %get3A_739 = tpu.vector_load %arg18[%get3A_738] {strides = array<i32>} : memref<1024xf32, #tpu.memory_space<vmem>>, vector<16xf32>,
      %get3A_740 = vector.shape_cast %get3A_739 : vector<16xf32> to vector<16xf32>
      %get3A_741 = arith.constant 576 : index
      %get3A_742 = tpu.vector_load %arg18[%get3A_741] {strides = array<i32>} : memref<1024xf32, #tpu.memory_space<vmem>>, vector<16xf32>,
      %get3A_743 = vector.shape_cast %get3A_742 : vector<16xf32> to vector<16xf32>
      %get3A_744 = arith.constant 592 : index
      %get3A_745 = tpu.vector_load %arg18[%get3A_744] {strides = array<i32>} : memref<1024xf32, #tpu.memory_space<vmem>>, vector<16xf32>,
      %get3A_746 = vector.shape_cast %get3A_745 : vector<16xf32> to vector<16xf32>
      %get3A_747 = arith.constant 608 : index
      %get3A_748 = tpu.vector_load %arg18[%get3A_747] {strides = array<i32>} : memref<1024xf32, #tpu.memory_space<vmem>>, vector<16xf32>,
      %get3A_749 = vector.shape_cast %get3A_748 : vector<16xf32> to vector<16xf32>
      %get3A_750 = arith.constant 624 : index
      %get3A_751 = tpu.vector_load %arg18[%get3A_750] {strides = array<i32>} : memref<1024xf32, #tpu.memory_space<vmem>>, vector<16xf32>,
      %get3A_752 = vector.shape_cast %get3A_751 : vector<16xf32> to vector<16xf32>
      %get3A_753 = arith.constant 0 : index
      %get3A_754 = tpu.vector_load %arg21[%get3A_753] {strides = array<i32>} : memref<512xf32, #tpu.memory_space<vmem>>, vector<16xf32>,
      %get3A_755 = vector.shape_cast %get3A_754 : vector<16xf32> to vector<16xf32>
      %get3A_756 = arith.constant 16 : index
      %get3A_757 = tpu.vector_load %arg21[%get3A_756] {strides = array<i32>} : memref<512xf32, #tpu.memory_space<vmem>>, vector<16xf32>,
      %get3A_758 = vector.shape_cast %get3A_757 : vector<16xf32> to vector<16xf32>
      %get3A_759 = arith.constant 32 : index
      %get3A_760 = tpu.vector_load %arg21[%get3A_759] {strides = array<i32>} : memref<512xf32, #tpu.memory_space<vmem>>, vector<16xf32>,
      %get3A_761 = vector.shape_cast %get3A_760 : vector<16xf32> to vector<16xf32>
      %get3A_762 = arith.constant 48 : index
      %get3A_763 = tpu.vector_load %arg21[%get3A_762] {strides = array<i32>} : memref<512xf32, #tpu.memory_space<vmem>>, vector<16xf32>,
      %get3A_764 = vector.shape_cast %get3A_763 : vector<16xf32> to vector<16xf32>
      %get3A_765 = arith.constant 64 : index
      %get3A_766 = tpu.vector_load %arg21[%get3A_765] {strides = array<i32>} : memref<512xf32, #tpu.memory_space<vmem>>, vector<16xf32>,
      %get3A_767 = vector.shape_cast %get3A_766 : vector<16xf32> to vector<16xf32>
      %get3A_768 = arith.constant 80 : index
      %get3A_769 = tpu.vector_load %arg21[%get3A_768] {strides = array<i32>} : memref<512xf32, #tpu.memory_space<vmem>>, vector<16xf32>,
      %get3A_770 = vector.shape_cast %get3A_769 : vector<16xf32> to vector<16xf32>
      %get3A_771 = arith.constant 96 : index
      %get3A_772 = tpu.vector_load %arg21[%get3A_771] {strides = array<i32>} : memref<512xf32, #tpu.memory_space<vmem>>, vector<16xf32>,
      %get3A_773 = vector.shape_cast %get3A_772 : vector<16xf32> to vector<16xf32>
      %get3A_774 = arith.constant 112 : index
      %get3A_775 = tpu.vector_load %arg21[%get3A_774] {strides = array<i32>} : memref<512xf32, #tpu.memory_space<vmem>>, vector<16xf32>,
      %get3A_776 = vector.shape_cast %get3A_775 : vector<16xf32> to vector<16xf32>
      %parallel_loop3A_777 = arith.constant 0 : i32
      %parallel_loop3A_778 = arith.constant 32 : i32
      %parallel_loop3A_779 = arith.constant 1 : i32
      %parallel_loop3A_780:16 = scf.for %parallel_loop3A_976 = %parallel_loop3A_777 to %parallel_loop3A_778 step %parallel_loop3A_779 iter_args(%parallel_loop3A_977 = %get3A_731, %parallel_loop3A_978 = %get3A_734, %parallel_loop3A_979 = %get3A_737, %parallel_loop3A_980 = %get3A_740, %parallel_loop3A_981 = %get3A_743, %parallel_loop3A_982 = %get3A_746, %parallel_loop3A_983 = %get3A_749, %parallel_loop3A_984 = %get3A_752, %parallel_loop3A_985 = %get3A_755, %parallel_loop3A_986 = %get3A_758, %parallel_loop3A_987 = %get3A_761, %parallel_loop3A_988 = %get3A_764, %parallel_loop3A_989 = %get3A_767, %parallel_loop3A_990 = %get3A_770, %parallel_loop3A_991 = %get3A_773, %parallel_loop3A_992 = %get3A_776) -> (vector<16xf32>, vector<16xf32>, vector<16xf32>, vector<16xf32>, vector<16xf32>, vector<16xf32>, vector<16xf32>, vector<16xf32>, vector<16xf32>, vector<16xf32>, vector<16xf32>, vector<16xf32>, vector<16xf32>, vector<16xf32>, vector<16xf32>, vector<16xf32>)  : i32 {
        %parallel_loop3A_993 = arith.constant 16 : i32
        %parallel_loop3A_994 = arith.muli %parallel_loop3A_976, %parallel_loop3A_993 : i32
        %parallel_loop3A_995 = arith.index_cast %parallel_loop3A_994 : i32 to index
        %parallel_loop3A_996 = tpu.vector_load %arg15[%parallel_loop3A_995] {strides = array<i32>} : memref<512xi32, #tpu.memory_space<vmem>>, vector<16xi32>,
        %parallel_loop3A_997 = vector.shape_cast %parallel_loop3A_996 : vector<16xi32> to vector<16xi32>
        %parallel_loop3A_998 = arith.index_cast %parallel_loop3A_994 : i32 to index
        %parallel_loop3A_999 = tpu.vector_load %arg16[%parallel_loop3A_998] {strides = array<i32>} : memref<512xi32, #tpu.memory_space<vmem>>, vector<16xi32>,
        %parallel_loop3A_1000 = vector.shape_cast %parallel_loop3A_999 : vector<16xi32> to vector<16xi32>
        %parallel_loop3A_1001 = arith.constant 0 : i32
        %parallel_loop3A_1002 = vector.broadcast %parallel_loop3A_1001 : i32 to vector<16xi32>
        %parallel_loop3A_1003 = arith.cmpi ne, %parallel_loop3A_997, %parallel_loop3A_1002 : vector<16xi32>
        %parallel_loop3A_1004 = arith.constant 1.000000e+00 : f32
        %parallel_loop3A_1005 = arith.constant 0.000000e+00 : f32
        %parallel_loop3A_1006 = vector.broadcast %parallel_loop3A_1004 : f32 to vector<16xf32>
        %parallel_loop3A_1007 = vector.broadcast %parallel_loop3A_1005 : f32 to vector<16xf32>
        %parallel_loop3A_1008 = arith.select %parallel_loop3A_1003, %parallel_loop3A_1006, %parallel_loop3A_1007 : vector<16xi1>, vector<16xf32>
        %parallel_loop3A_1009 = vector.shape_cast %parallel_loop3A_1000 : vector<16xi32> to vector<16x1xi32>
        %parallel_loop3A_1010 = vector.shape_cast %parallel_loop3A_1009 : vector<16x1xi32> to vector<16xi32>
        %parallel_loop3A_1011 = tpu.dynamic_gather %parallel_loop3A_985[%parallel_loop3A_1010] in [0] : vector<16xf32>, vector<16xi32> -> vector<16xf32>
        %parallel_loop3A_1012 = arith.addf %parallel_loop3A_1011, %parallel_loop3A_977 : vector<16xf32>
        %parallel_loop3A_1013 = arith.mulf %parallel_loop3A_1012, %parallel_loop3A_1008 : vector<16xf32>
        %parallel_loop3A_1014 = arith.constant 32 : i32
        %parallel_loop3A_1015 = arith.index_cast %parallel_loop3A_1014 : i32 to index
        %parallel_loop3A_1016 = arith.index_cast %parallel_loop3A_994 : i32 to index
        %parallel_loop3A_1017 = tpu.vector_load %arg19[%parallel_loop3A_1015, %parallel_loop3A_1016] {strides = array<i32>} : memref<64x512xf32, #tpu.memory_space<vmem>>, vector<1x16xf32>,
        %parallel_loop3A_1018 = vector.shape_cast %parallel_loop3A_1017 : vector<1x16xf32> to vector<16xf32>
        %parallel_loop3A_1019 = vector.shape_cast %parallel_loop3A_1013 : vector<16xf32> to vector<1x16xf32>
        tpu.vector_store %arg19[%parallel_loop3A_1015, %parallel_loop3A_1016], %parallel_loop3A_1019 {strides = array<i32>} : memref<64x512xf32, #tpu.memory_space<vmem>>, vector<1x16xf32>,
        %parallel_loop3A_1020 = vector.shape_cast %parallel_loop3A_1009 : vector<16x1xi32> to vector<16xi32>
        %parallel_loop3A_1021 = tpu.dynamic_gather %parallel_loop3A_986[%parallel_loop3A_1020] in [0] : vector<16xf32>, vector<16xi32> -> vector<16xf32>
        %parallel_loop3A_1022 = arith.addf %parallel_loop3A_1021, %parallel_loop3A_978 : vector<16xf32>
        %parallel_loop3A_1023 = arith.mulf %parallel_loop3A_1022, %parallel_loop3A_1008 : vector<16xf32>
        %parallel_loop3A_1024 = arith.constant 33 : i32
        %parallel_loop3A_1025 = arith.index_cast %parallel_loop3A_1024 : i32 to index
        %parallel_loop3A_1026 = arith.index_cast %parallel_loop3A_994 : i32 to index
        %parallel_loop3A_1027 = tpu.vector_load %arg19[%parallel_loop3A_1025, %parallel_loop3A_1026] {strides = array<i32>} : memref<64x512xf32, #tpu.memory_space<vmem>>, vector<1x16xf32>,
        %parallel_loop3A_1028 = vector.shape_cast %parallel_loop3A_1027 : vector<1x16xf32> to vector<16xf32>
        %parallel_loop3A_1029 = vector.shape_cast %parallel_loop3A_1023 : vector<16xf32> to vector<1x16xf32>
        tpu.vector_store %arg19[%parallel_loop3A_1025, %parallel_loop3A_1026], %parallel_loop3A_1029 {strides = array<i32>} : memref<64x512xf32, #tpu.memory_space<vmem>>, vector<1x16xf32>,
        %parallel_loop3A_1030 = vector.shape_cast %parallel_loop3A_1009 : vector<16x1xi32> to vector<16xi32>
        %parallel_loop3A_1031 = tpu.dynamic_gather %parallel_loop3A_987[%parallel_loop3A_1030] in [0] : vector<16xf32>, vector<16xi32> -> vector<16xf32>
        %parallel_loop3A_1032 = arith.addf %parallel_loop3A_1031, %parallel_loop3A_979 : vector<16xf32>
        %parallel_loop3A_1033 = arith.mulf %parallel_loop3A_1032, %parallel_loop3A_1008 : vector<16xf32>
        %parallel_loop3A_1034 = arith.constant 34 : i32
        %parallel_loop3A_1035 = arith.index_cast %parallel_loop3A_1034 : i32 to index
        %parallel_loop3A_1036 = arith.index_cast %parallel_loop3A_994 : i32 to index
        %parallel_loop3A_1037 = tpu.vector_load %arg19[%parallel_loop3A_1035, %parallel_loop3A_1036] {strides = array<i32>} : memref<64x512xf32, #tpu.memory_space<vmem>>, vector<1x16xf32>,
        %parallel_loop3A_1038 = vector.shape_cast %parallel_loop3A_1037 : vector<1x16xf32> to vector<16xf32>
        %parallel_loop3A_1039 = vector.shape_cast %parallel_loop3A_1033 : vector<16xf32> to vector<1x16xf32>
        tpu.vector_store %arg19[%parallel_loop3A_1035, %parallel_loop3A_1036], %parallel_loop3A_1039 {strides = array<i32>} : memref<64x512xf32, #tpu.memory_space<vmem>>, vector<1x16xf32>,
        %parallel_loop3A_1040 = vector.shape_cast %parallel_loop3A_1009 : vector<16x1xi32> to vector<16xi32>
        %parallel_loop3A_1041 = tpu.dynamic_gather %parallel_loop3A_988[%parallel_loop3A_1040] in [0] : vector<16xf32>, vector<16xi32> -> vector<16xf32>
        %parallel_loop3A_1042 = arith.addf %parallel_loop3A_1041, %parallel_loop3A_980 : vector<16xf32>
        %parallel_loop3A_1043 = arith.mulf %parallel_loop3A_1042, %parallel_loop3A_1008 : vector<16xf32>
        %parallel_loop3A_1044 = arith.constant 35 : i32
        %parallel_loop3A_1045 = arith.index_cast %parallel_loop3A_1044 : i32 to index
        %parallel_loop3A_1046 = arith.index_cast %parallel_loop3A_994 : i32 to index
        %parallel_loop3A_1047 = tpu.vector_load %arg19[%parallel_loop3A_1045, %parallel_loop3A_1046] {strides = array<i32>} : memref<64x512xf32, #tpu.memory_space<vmem>>, vector<1x16xf32>,
        %parallel_loop3A_1048 = vector.shape_cast %parallel_loop3A_1047 : vector<1x16xf32> to vector<16xf32>
        %parallel_loop3A_1049 = vector.shape_cast %parallel_loop3A_1043 : vector<16xf32> to vector<1x16xf32>
        tpu.vector_store %arg19[%parallel_loop3A_1045, %parallel_loop3A_1046], %parallel_loop3A_1049 {strides = array<i32>} : memref<64x512xf32, #tpu.memory_space<vmem>>, vector<1x16xf32>,
        %parallel_loop3A_1050 = vector.shape_cast %parallel_loop3A_1009 : vector<16x1xi32> to vector<16xi32>
        %parallel_loop3A_1051 = tpu.dynamic_gather %parallel_loop3A_989[%parallel_loop3A_1050] in [0] : vector<16xf32>, vector<16xi32> -> vector<16xf32>
        %parallel_loop3A_1052 = arith.addf %parallel_loop3A_1051, %parallel_loop3A_981 : vector<16xf32>
        %parallel_loop3A_1053 = arith.mulf %parallel_loop3A_1052, %parallel_loop3A_1008 : vector<16xf32>
        %parallel_loop3A_1054 = arith.constant 36 : i32
        %parallel_loop3A_1055 = arith.index_cast %parallel_loop3A_1054 : i32 to index
        %parallel_loop3A_1056 = arith.index_cast %parallel_loop3A_994 : i32 to index
        %parallel_loop3A_1057 = tpu.vector_load %arg19[%parallel_loop3A_1055, %parallel_loop3A_1056] {strides = array<i32>} : memref<64x512xf32, #tpu.memory_space<vmem>>, vector<1x16xf32>,
        %parallel_loop3A_1058 = vector.shape_cast %parallel_loop3A_1057 : vector<1x16xf32> to vector<16xf32>
        %parallel_loop3A_1059 = vector.shape_cast %parallel_loop3A_1053 : vector<16xf32> to vector<1x16xf32>
        tpu.vector_store %arg19[%parallel_loop3A_1055, %parallel_loop3A_1056], %parallel_loop3A_1059 {strides = array<i32>} : memref<64x512xf32, #tpu.memory_space<vmem>>, vector<1x16xf32>,
        %parallel_loop3A_1060 = vector.shape_cast %parallel_loop3A_1009 : vector<16x1xi32> to vector<16xi32>
        %parallel_loop3A_1061 = tpu.dynamic_gather %parallel_loop3A_990[%parallel_loop3A_1060] in [0] : vector<16xf32>, vector<16xi32> -> vector<16xf32>
        %parallel_loop3A_1062 = arith.addf %parallel_loop3A_1061, %parallel_loop3A_982 : vector<16xf32>
        %parallel_loop3A_1063 = arith.mulf %parallel_loop3A_1062, %parallel_loop3A_1008 : vector<16xf32>
        %parallel_loop3A_1064 = arith.constant 37 : i32
        %parallel_loop3A_1065 = arith.index_cast %parallel_loop3A_1064 : i32 to index
        %parallel_loop3A_1066 = arith.index_cast %parallel_loop3A_994 : i32 to index
        %parallel_loop3A_1067 = tpu.vector_load %arg19[%parallel_loop3A_1065, %parallel_loop3A_1066] {strides = array<i32>} : memref<64x512xf32, #tpu.memory_space<vmem>>, vector<1x16xf32>,
        %parallel_loop3A_1068 = vector.shape_cast %parallel_loop3A_1067 : vector<1x16xf32> to vector<16xf32>
        %parallel_loop3A_1069 = vector.shape_cast %parallel_loop3A_1063 : vector<16xf32> to vector<1x16xf32>
        tpu.vector_store %arg19[%parallel_loop3A_1065, %parallel_loop3A_1066], %parallel_loop3A_1069 {strides = array<i32>} : memref<64x512xf32, #tpu.memory_space<vmem>>, vector<1x16xf32>,
        %parallel_loop3A_1070 = vector.shape_cast %parallel_loop3A_1009 : vector<16x1xi32> to vector<16xi32>
        %parallel_loop3A_1071 = tpu.dynamic_gather %parallel_loop3A_991[%parallel_loop3A_1070] in [0] : vector<16xf32>, vector<16xi32> -> vector<16xf32>
        %parallel_loop3A_1072 = arith.addf %parallel_loop3A_1071, %parallel_loop3A_983 : vector<16xf32>
        %parallel_loop3A_1073 = arith.mulf %parallel_loop3A_1072, %parallel_loop3A_1008 : vector<16xf32>
        %parallel_loop3A_1074 = arith.constant 38 : i32
        %parallel_loop3A_1075 = arith.index_cast %parallel_loop3A_1074 : i32 to index
        %parallel_loop3A_1076 = arith.index_cast %parallel_loop3A_994 : i32 to index
        %parallel_loop3A_1077 = tpu.vector_load %arg19[%parallel_loop3A_1075, %parallel_loop3A_1076] {strides = array<i32>} : memref<64x512xf32, #tpu.memory_space<vmem>>, vector<1x16xf32>,
        %parallel_loop3A_1078 = vector.shape_cast %parallel_loop3A_1077 : vector<1x16xf32> to vector<16xf32>
        %parallel_loop3A_1079 = vector.shape_cast %parallel_loop3A_1073 : vector<16xf32> to vector<1x16xf32>
        tpu.vector_store %arg19[%parallel_loop3A_1075, %parallel_loop3A_1076], %parallel_loop3A_1079 {strides = array<i32>} : memref<64x512xf32, #tpu.memory_space<vmem>>, vector<1x16xf32>,
        %parallel_loop3A_1080 = vector.shape_cast %parallel_loop3A_1009 : vector<16x1xi32> to vector<16xi32>
        %parallel_loop3A_1081 = tpu.dynamic_gather %parallel_loop3A_992[%parallel_loop3A_1080] in [0] : vector<16xf32>, vector<16xi32> -> vector<16xf32>
        %parallel_loop3A_1082 = arith.addf %parallel_loop3A_1081, %parallel_loop3A_984 : vector<16xf32>
        %parallel_loop3A_1083 = arith.mulf %parallel_loop3A_1082, %parallel_loop3A_1008 : vector<16xf32>
        %parallel_loop3A_1084 = arith.constant 39 : i32
        %parallel_loop3A_1085 = arith.index_cast %parallel_loop3A_1084 : i32 to index
        %parallel_loop3A_1086 = arith.index_cast %parallel_loop3A_994 : i32 to index
        %parallel_loop3A_1087 = tpu.vector_load %arg19[%parallel_loop3A_1085, %parallel_loop3A_1086] {strides = array<i32>} : memref<64x512xf32, #tpu.memory_space<vmem>>, vector<1x16xf32>,
        %parallel_loop3A_1088 = vector.shape_cast %parallel_loop3A_1087 : vector<1x16xf32> to vector<16xf32>
        %parallel_loop3A_1089 = vector.shape_cast %parallel_loop3A_1083 : vector<16xf32> to vector<1x16xf32>
        tpu.vector_store %arg19[%parallel_loop3A_1085, %parallel_loop3A_1086], %parallel_loop3A_1089 {strides = array<i32>} : memref<64x512xf32, #tpu.memory_space<vmem>>, vector<1x16xf32>,
        scf.yield %parallel_loop3A_977, %parallel_loop3A_978, %parallel_loop3A_979, %parallel_loop3A_980, %parallel_loop3A_981, %parallel_loop3A_982, %parallel_loop3A_983, %parallel_loop3A_984, %parallel_loop3A_985, %parallel_loop3A_986, %parallel_loop3A_987, %parallel_loop3A_988, %parallel_loop3A_989, %parallel_loop3A_990, %parallel_loop3A_991, %parallel_loop3A_992 : vector<16xf32>, vector<16xf32>, vector<16xf32>, vector<16xf32>, vector<16xf32>, vector<16xf32>, vector<16xf32>, vector<16xf32>, vector<16xf32>, vector<16xf32>, vector<16xf32>, vector<16xf32>, vector<16xf32>, vector<16xf32>, vector<16xf32>, vector<16xf32>
      } {sc.loop_unroll_factor = 1 : i64, sc.parallel_access}
      %get3A_781 = arith.constant 640 : index
      %get3A_782 = tpu.vector_load %arg18[%get3A_781] {strides = array<i32>} : memref<1024xf32, #tpu.memory_space<vmem>>, vector<16xf32>,
      %get3A_783 = vector.shape_cast %get3A_782 : vector<16xf32> to vector<16xf32>
      %get3A_784 = arith.constant 656 : index
      %get3A_785 = tpu.vector_load %arg18[%get3A_784] {strides = array<i32>} : memref<1024xf32, #tpu.memory_space<vmem>>, vector<16xf32>,
      %get3A_786 = vector.shape_cast %get3A_785 : vector<16xf32> to vector<16xf32>
      %get3A_787 = arith.constant 672 : index
      %get3A_788 = tpu.vector_load %arg18[%get3A_787] {strides = array<i32>} : memref<1024xf32, #tpu.memory_space<vmem>>, vector<16xf32>,
      %get3A_789 = vector.shape_cast %get3A_788 : vector<16xf32> to vector<16xf32>
      %get3A_790 = arith.constant 688 : index
      %get3A_791 = tpu.vector_load %arg18[%get3A_790] {strides = array<i32>} : memref<1024xf32, #tpu.memory_space<vmem>>, vector<16xf32>,
      %get3A_792 = vector.shape_cast %get3A_791 : vector<16xf32> to vector<16xf32>
      %get3A_793 = arith.constant 704 : index
      %get3A_794 = tpu.vector_load %arg18[%get3A_793] {strides = array<i32>} : memref<1024xf32, #tpu.memory_space<vmem>>, vector<16xf32>,
      %get3A_795 = vector.shape_cast %get3A_794 : vector<16xf32> to vector<16xf32>
      %get3A_796 = arith.constant 720 : index
      %get3A_797 = tpu.vector_load %arg18[%get3A_796] {strides = array<i32>} : memref<1024xf32, #tpu.memory_space<vmem>>, vector<16xf32>,
      %get3A_798 = vector.shape_cast %get3A_797 : vector<16xf32> to vector<16xf32>
      %get3A_799 = arith.constant 736 : index
      %get3A_800 = tpu.vector_load %arg18[%get3A_799] {strides = array<i32>} : memref<1024xf32, #tpu.memory_space<vmem>>, vector<16xf32>,
      %get3A_801 = vector.shape_cast %get3A_800 : vector<16xf32> to vector<16xf32>
      %get3A_802 = arith.constant 752 : index
      %get3A_803 = tpu.vector_load %arg18[%get3A_802] {strides = array<i32>} : memref<1024xf32, #tpu.memory_space<vmem>>, vector<16xf32>,
      %get3A_804 = vector.shape_cast %get3A_803 : vector<16xf32> to vector<16xf32>
      %get3A_805 = arith.constant 128 : index
      %get3A_806 = tpu.vector_load %arg21[%get3A_805] {strides = array<i32>} : memref<512xf32, #tpu.memory_space<vmem>>, vector<16xf32>,
      %get3A_807 = vector.shape_cast %get3A_806 : vector<16xf32> to vector<16xf32>
      %get3A_808 = arith.constant 144 : index
      %get3A_809 = tpu.vector_load %arg21[%get3A_808] {strides = array<i32>} : memref<512xf32, #tpu.memory_space<vmem>>, vector<16xf32>,
      %get3A_810 = vector.shape_cast %get3A_809 : vector<16xf32> to vector<16xf32>
      %get3A_811 = arith.constant 160 : index
      %get3A_812 = tpu.vector_load %arg21[%get3A_811] {strides = array<i32>} : memref<512xf32, #tpu.memory_space<vmem>>, vector<16xf32>,
      %get3A_813 = vector.shape_cast %get3A_812 : vector<16xf32> to vector<16xf32>
      %get3A_814 = arith.constant 176 : index
      %get3A_815 = tpu.vector_load %arg21[%get3A_814] {strides = array<i32>} : memref<512xf32, #tpu.memory_space<vmem>>, vector<16xf32>,
      %get3A_816 = vector.shape_cast %get3A_815 : vector<16xf32> to vector<16xf32>
      %get3A_817 = arith.constant 192 : index
      %get3A_818 = tpu.vector_load %arg21[%get3A_817] {strides = array<i32>} : memref<512xf32, #tpu.memory_space<vmem>>, vector<16xf32>,
      %get3A_819 = vector.shape_cast %get3A_818 : vector<16xf32> to vector<16xf32>
      %get3A_820 = arith.constant 208 : index
      %get3A_821 = tpu.vector_load %arg21[%get3A_820] {strides = array<i32>} : memref<512xf32, #tpu.memory_space<vmem>>, vector<16xf32>,
      %get3A_822 = vector.shape_cast %get3A_821 : vector<16xf32> to vector<16xf32>
      %get3A_823 = arith.constant 224 : index
      %get3A_824 = tpu.vector_load %arg21[%get3A_823] {strides = array<i32>} : memref<512xf32, #tpu.memory_space<vmem>>, vector<16xf32>,
      %get3A_825 = vector.shape_cast %get3A_824 : vector<16xf32> to vector<16xf32>
      %get3A_826 = arith.constant 240 : index
      %get3A_827 = tpu.vector_load %arg21[%get3A_826] {strides = array<i32>} : memref<512xf32, #tpu.memory_space<vmem>>, vector<16xf32>,
      %get3A_828 = vector.shape_cast %get3A_827 : vector<16xf32> to vector<16xf32>
      %parallel_loop3A_829 = arith.constant 0 : i32
      %parallel_loop3A_830 = arith.constant 32 : i32
      %parallel_loop3A_831 = arith.constant 1 : i32
      %parallel_loop3A_832:16 = scf.for %parallel_loop3A_976 = %parallel_loop3A_829 to %parallel_loop3A_830 step %parallel_loop3A_831 iter_args(%parallel_loop3A_977 = %get3A_783, %parallel_loop3A_978 = %get3A_786, %parallel_loop3A_979 = %get3A_789, %parallel_loop3A_980 = %get3A_792, %parallel_loop3A_981 = %get3A_795, %parallel_loop3A_982 = %get3A_798, %parallel_loop3A_983 = %get3A_801, %parallel_loop3A_984 = %get3A_804, %parallel_loop3A_985 = %get3A_807, %parallel_loop3A_986 = %get3A_810, %parallel_loop3A_987 = %get3A_813, %parallel_loop3A_988 = %get3A_816, %parallel_loop3A_989 = %get3A_819, %parallel_loop3A_990 = %get3A_822, %parallel_loop3A_991 = %get3A_825, %parallel_loop3A_992 = %get3A_828) -> (vector<16xf32>, vector<16xf32>, vector<16xf32>, vector<16xf32>, vector<16xf32>, vector<16xf32>, vector<16xf32>, vector<16xf32>, vector<16xf32>, vector<16xf32>, vector<16xf32>, vector<16xf32>, vector<16xf32>, vector<16xf32>, vector<16xf32>, vector<16xf32>)  : i32 {
        %parallel_loop3A_993 = arith.constant 16 : i32
        %parallel_loop3A_994 = arith.muli %parallel_loop3A_976, %parallel_loop3A_993 : i32
        %parallel_loop3A_995 = arith.index_cast %parallel_loop3A_994 : i32 to index
        %parallel_loop3A_996 = tpu.vector_load %arg15[%parallel_loop3A_995] {strides = array<i32>} : memref<512xi32, #tpu.memory_space<vmem>>, vector<16xi32>,
        %parallel_loop3A_997 = vector.shape_cast %parallel_loop3A_996 : vector<16xi32> to vector<16xi32>
        %parallel_loop3A_998 = arith.index_cast %parallel_loop3A_994 : i32 to index
        %parallel_loop3A_999 = tpu.vector_load %arg16[%parallel_loop3A_998] {strides = array<i32>} : memref<512xi32, #tpu.memory_space<vmem>>, vector<16xi32>,
        %parallel_loop3A_1000 = vector.shape_cast %parallel_loop3A_999 : vector<16xi32> to vector<16xi32>
        %parallel_loop3A_1001 = arith.constant 0 : i32
        %parallel_loop3A_1002 = vector.broadcast %parallel_loop3A_1001 : i32 to vector<16xi32>
        %parallel_loop3A_1003 = arith.cmpi ne, %parallel_loop3A_997, %parallel_loop3A_1002 : vector<16xi32>
        %parallel_loop3A_1004 = arith.constant 1.000000e+00 : f32
        %parallel_loop3A_1005 = arith.constant 0.000000e+00 : f32
        %parallel_loop3A_1006 = vector.broadcast %parallel_loop3A_1004 : f32 to vector<16xf32>
        %parallel_loop3A_1007 = vector.broadcast %parallel_loop3A_1005 : f32 to vector<16xf32>
        %parallel_loop3A_1008 = arith.select %parallel_loop3A_1003, %parallel_loop3A_1006, %parallel_loop3A_1007 : vector<16xi1>, vector<16xf32>
        %parallel_loop3A_1009 = vector.shape_cast %parallel_loop3A_1000 : vector<16xi32> to vector<16x1xi32>
        %parallel_loop3A_1010 = vector.shape_cast %parallel_loop3A_1009 : vector<16x1xi32> to vector<16xi32>
        %parallel_loop3A_1011 = tpu.dynamic_gather %parallel_loop3A_985[%parallel_loop3A_1010] in [0] : vector<16xf32>, vector<16xi32> -> vector<16xf32>
        %parallel_loop3A_1012 = arith.addf %parallel_loop3A_1011, %parallel_loop3A_977 : vector<16xf32>
        %parallel_loop3A_1013 = arith.mulf %parallel_loop3A_1012, %parallel_loop3A_1008 : vector<16xf32>
        %parallel_loop3A_1014 = arith.constant 40 : i32
        %parallel_loop3A_1015 = arith.index_cast %parallel_loop3A_1014 : i32 to index
        %parallel_loop3A_1016 = arith.index_cast %parallel_loop3A_994 : i32 to index
        %parallel_loop3A_1017 = tpu.vector_load %arg19[%parallel_loop3A_1015, %parallel_loop3A_1016] {strides = array<i32>} : memref<64x512xf32, #tpu.memory_space<vmem>>, vector<1x16xf32>,
        %parallel_loop3A_1018 = vector.shape_cast %parallel_loop3A_1017 : vector<1x16xf32> to vector<16xf32>
        %parallel_loop3A_1019 = vector.shape_cast %parallel_loop3A_1013 : vector<16xf32> to vector<1x16xf32>
        tpu.vector_store %arg19[%parallel_loop3A_1015, %parallel_loop3A_1016], %parallel_loop3A_1019 {strides = array<i32>} : memref<64x512xf32, #tpu.memory_space<vmem>>, vector<1x16xf32>,
        %parallel_loop3A_1020 = vector.shape_cast %parallel_loop3A_1009 : vector<16x1xi32> to vector<16xi32>
        %parallel_loop3A_1021 = tpu.dynamic_gather %parallel_loop3A_986[%parallel_loop3A_1020] in [0] : vector<16xf32>, vector<16xi32> -> vector<16xf32>
        %parallel_loop3A_1022 = arith.addf %parallel_loop3A_1021, %parallel_loop3A_978 : vector<16xf32>
        %parallel_loop3A_1023 = arith.mulf %parallel_loop3A_1022, %parallel_loop3A_1008 : vector<16xf32>
        %parallel_loop3A_1024 = arith.constant 41 : i32
        %parallel_loop3A_1025 = arith.index_cast %parallel_loop3A_1024 : i32 to index
        %parallel_loop3A_1026 = arith.index_cast %parallel_loop3A_994 : i32 to index
        %parallel_loop3A_1027 = tpu.vector_load %arg19[%parallel_loop3A_1025, %parallel_loop3A_1026] {strides = array<i32>} : memref<64x512xf32, #tpu.memory_space<vmem>>, vector<1x16xf32>,
        %parallel_loop3A_1028 = vector.shape_cast %parallel_loop3A_1027 : vector<1x16xf32> to vector<16xf32>
        %parallel_loop3A_1029 = vector.shape_cast %parallel_loop3A_1023 : vector<16xf32> to vector<1x16xf32>
        tpu.vector_store %arg19[%parallel_loop3A_1025, %parallel_loop3A_1026], %parallel_loop3A_1029 {strides = array<i32>} : memref<64x512xf32, #tpu.memory_space<vmem>>, vector<1x16xf32>,
        %parallel_loop3A_1030 = vector.shape_cast %parallel_loop3A_1009 : vector<16x1xi32> to vector<16xi32>
        %parallel_loop3A_1031 = tpu.dynamic_gather %parallel_loop3A_987[%parallel_loop3A_1030] in [0] : vector<16xf32>, vector<16xi32> -> vector<16xf32>
        %parallel_loop3A_1032 = arith.addf %parallel_loop3A_1031, %parallel_loop3A_979 : vector<16xf32>
        %parallel_loop3A_1033 = arith.mulf %parallel_loop3A_1032, %parallel_loop3A_1008 : vector<16xf32>
        %parallel_loop3A_1034 = arith.constant 42 : i32
        %parallel_loop3A_1035 = arith.index_cast %parallel_loop3A_1034 : i32 to index
        %parallel_loop3A_1036 = arith.index_cast %parallel_loop3A_994 : i32 to index
        %parallel_loop3A_1037 = tpu.vector_load %arg19[%parallel_loop3A_1035, %parallel_loop3A_1036] {strides = array<i32>} : memref<64x512xf32, #tpu.memory_space<vmem>>, vector<1x16xf32>,
        %parallel_loop3A_1038 = vector.shape_cast %parallel_loop3A_1037 : vector<1x16xf32> to vector<16xf32>
        %parallel_loop3A_1039 = vector.shape_cast %parallel_loop3A_1033 : vector<16xf32> to vector<1x16xf32>
        tpu.vector_store %arg19[%parallel_loop3A_1035, %parallel_loop3A_1036], %parallel_loop3A_1039 {strides = array<i32>} : memref<64x512xf32, #tpu.memory_space<vmem>>, vector<1x16xf32>,
        %parallel_loop3A_1040 = vector.shape_cast %parallel_loop3A_1009 : vector<16x1xi32> to vector<16xi32>
        %parallel_loop3A_1041 = tpu.dynamic_gather %parallel_loop3A_988[%parallel_loop3A_1040] in [0] : vector<16xf32>, vector<16xi32> -> vector<16xf32>
        %parallel_loop3A_1042 = arith.addf %parallel_loop3A_1041, %parallel_loop3A_980 : vector<16xf32>
        %parallel_loop3A_1043 = arith.mulf %parallel_loop3A_1042, %parallel_loop3A_1008 : vector<16xf32>
        %parallel_loop3A_1044 = arith.constant 43 : i32
        %parallel_loop3A_1045 = arith.index_cast %parallel_loop3A_1044 : i32 to index
        %parallel_loop3A_1046 = arith.index_cast %parallel_loop3A_994 : i32 to index
        %parallel_loop3A_1047 = tpu.vector_load %arg19[%parallel_loop3A_1045, %parallel_loop3A_1046] {strides = array<i32>} : memref<64x512xf32, #tpu.memory_space<vmem>>, vector<1x16xf32>,
        %parallel_loop3A_1048 = vector.shape_cast %parallel_loop3A_1047 : vector<1x16xf32> to vector<16xf32>
        %parallel_loop3A_1049 = vector.shape_cast %parallel_loop3A_1043 : vector<16xf32> to vector<1x16xf32>
        tpu.vector_store %arg19[%parallel_loop3A_1045, %parallel_loop3A_1046], %parallel_loop3A_1049 {strides = array<i32>} : memref<64x512xf32, #tpu.memory_space<vmem>>, vector<1x16xf32>,
        %parallel_loop3A_1050 = vector.shape_cast %parallel_loop3A_1009 : vector<16x1xi32> to vector<16xi32>
        %parallel_loop3A_1051 = tpu.dynamic_gather %parallel_loop3A_989[%parallel_loop3A_1050] in [0] : vector<16xf32>, vector<16xi32> -> vector<16xf32>
        %parallel_loop3A_1052 = arith.addf %parallel_loop3A_1051, %parallel_loop3A_981 : vector<16xf32>
        %parallel_loop3A_1053 = arith.mulf %parallel_loop3A_1052, %parallel_loop3A_1008 : vector<16xf32>
        %parallel_loop3A_1054 = arith.constant 44 : i32
        %parallel_loop3A_1055 = arith.index_cast %parallel_loop3A_1054 : i32 to index
        %parallel_loop3A_1056 = arith.index_cast %parallel_loop3A_994 : i32 to index
        %parallel_loop3A_1057 = tpu.vector_load %arg19[%parallel_loop3A_1055, %parallel_loop3A_1056] {strides = array<i32>} : memref<64x512xf32, #tpu.memory_space<vmem>>, vector<1x16xf32>,
        %parallel_loop3A_1058 = vector.shape_cast %parallel_loop3A_1057 : vector<1x16xf32> to vector<16xf32>
        %parallel_loop3A_1059 = vector.shape_cast %parallel_loop3A_1053 : vector<16xf32> to vector<1x16xf32>
        tpu.vector_store %arg19[%parallel_loop3A_1055, %parallel_loop3A_1056], %parallel_loop3A_1059 {strides = array<i32>} : memref<64x512xf32, #tpu.memory_space<vmem>>, vector<1x16xf32>,
        %parallel_loop3A_1060 = vector.shape_cast %parallel_loop3A_1009 : vector<16x1xi32> to vector<16xi32>
        %parallel_loop3A_1061 = tpu.dynamic_gather %parallel_loop3A_990[%parallel_loop3A_1060] in [0] : vector<16xf32>, vector<16xi32> -> vector<16xf32>
        %parallel_loop3A_1062 = arith.addf %parallel_loop3A_1061, %parallel_loop3A_982 : vector<16xf32>
        %parallel_loop3A_1063 = arith.mulf %parallel_loop3A_1062, %parallel_loop3A_1008 : vector<16xf32>
        %parallel_loop3A_1064 = arith.constant 45 : i32
        %parallel_loop3A_1065 = arith.index_cast %parallel_loop3A_1064 : i32 to index
        %parallel_loop3A_1066 = arith.index_cast %parallel_loop3A_994 : i32 to index
        %parallel_loop3A_1067 = tpu.vector_load %arg19[%parallel_loop3A_1065, %parallel_loop3A_1066] {strides = array<i32>} : memref<64x512xf32, #tpu.memory_space<vmem>>, vector<1x16xf32>,
        %parallel_loop3A_1068 = vector.shape_cast %parallel_loop3A_1067 : vector<1x16xf32> to vector<16xf32>
        %parallel_loop3A_1069 = vector.shape_cast %parallel_loop3A_1063 : vector<16xf32> to vector<1x16xf32>
        tpu.vector_store %arg19[%parallel_loop3A_1065, %parallel_loop3A_1066], %parallel_loop3A_1069 {strides = array<i32>} : memref<64x512xf32, #tpu.memory_space<vmem>>, vector<1x16xf32>,
        %parallel_loop3A_1070 = vector.shape_cast %parallel_loop3A_1009 : vector<16x1xi32> to vector<16xi32>
        %parallel_loop3A_1071 = tpu.dynamic_gather %parallel_loop3A_991[%parallel_loop3A_1070] in [0] : vector<16xf32>, vector<16xi32> -> vector<16xf32>
        %parallel_loop3A_1072 = arith.addf %parallel_loop3A_1071, %parallel_loop3A_983 : vector<16xf32>
        %parallel_loop3A_1073 = arith.mulf %parallel_loop3A_1072, %parallel_loop3A_1008 : vector<16xf32>
        %parallel_loop3A_1074 = arith.constant 46 : i32
        %parallel_loop3A_1075 = arith.index_cast %parallel_loop3A_1074 : i32 to index
        %parallel_loop3A_1076 = arith.index_cast %parallel_loop3A_994 : i32 to index
        %parallel_loop3A_1077 = tpu.vector_load %arg19[%parallel_loop3A_1075, %parallel_loop3A_1076] {strides = array<i32>} : memref<64x512xf32, #tpu.memory_space<vmem>>, vector<1x16xf32>,
        %parallel_loop3A_1078 = vector.shape_cast %parallel_loop3A_1077 : vector<1x16xf32> to vector<16xf32>
        %parallel_loop3A_1079 = vector.shape_cast %parallel_loop3A_1073 : vector<16xf32> to vector<1x16xf32>
        tpu.vector_store %arg19[%parallel_loop3A_1075, %parallel_loop3A_1076], %parallel_loop3A_1079 {strides = array<i32>} : memref<64x512xf32, #tpu.memory_space<vmem>>, vector<1x16xf32>,
        %parallel_loop3A_1080 = vector.shape_cast %parallel_loop3A_1009 : vector<16x1xi32> to vector<16xi32>
        %parallel_loop3A_1081 = tpu.dynamic_gather %parallel_loop3A_992[%parallel_loop3A_1080] in [0] : vector<16xf32>, vector<16xi32> -> vector<16xf32>
        %parallel_loop3A_1082 = arith.addf %parallel_loop3A_1081, %parallel_loop3A_984 : vector<16xf32>
        %parallel_loop3A_1083 = arith.mulf %parallel_loop3A_1082, %parallel_loop3A_1008 : vector<16xf32>
        %parallel_loop3A_1084 = arith.constant 47 : i32
        %parallel_loop3A_1085 = arith.index_cast %parallel_loop3A_1084 : i32 to index
        %parallel_loop3A_1086 = arith.index_cast %parallel_loop3A_994 : i32 to index
        %parallel_loop3A_1087 = tpu.vector_load %arg19[%parallel_loop3A_1085, %parallel_loop3A_1086] {strides = array<i32>} : memref<64x512xf32, #tpu.memory_space<vmem>>, vector<1x16xf32>,
        %parallel_loop3A_1088 = vector.shape_cast %parallel_loop3A_1087 : vector<1x16xf32> to vector<16xf32>
        %parallel_loop3A_1089 = vector.shape_cast %parallel_loop3A_1083 : vector<16xf32> to vector<1x16xf32>
        tpu.vector_store %arg19[%parallel_loop3A_1085, %parallel_loop3A_1086], %parallel_loop3A_1089 {strides = array<i32>} : memref<64x512xf32, #tpu.memory_space<vmem>>, vector<1x16xf32>,
        scf.yield %parallel_loop3A_977, %parallel_loop3A_978, %parallel_loop3A_979, %parallel_loop3A_980, %parallel_loop3A_981, %parallel_loop3A_982, %parallel_loop3A_983, %parallel_loop3A_984, %parallel_loop3A_985, %parallel_loop3A_986, %parallel_loop3A_987, %parallel_loop3A_988, %parallel_loop3A_989, %parallel_loop3A_990, %parallel_loop3A_991, %parallel_loop3A_992 : vector<16xf32>, vector<16xf32>, vector<16xf32>, vector<16xf32>, vector<16xf32>, vector<16xf32>, vector<16xf32>, vector<16xf32>, vector<16xf32>, vector<16xf32>, vector<16xf32>, vector<16xf32>, vector<16xf32>, vector<16xf32>, vector<16xf32>, vector<16xf32>
      } {sc.loop_unroll_factor = 1 : i64, sc.parallel_access}
      %get3A_833 = arith.constant 768 : index
      %get3A_834 = tpu.vector_load %arg18[%get3A_833] {strides = array<i32>} : memref<1024xf32, #tpu.memory_space<vmem>>, vector<16xf32>,
      %get3A_835 = vector.shape_cast %get3A_834 : vector<16xf32> to vector<16xf32>
      %get3A_836 = arith.constant 784 : index
      %get3A_837 = tpu.vector_load %arg18[%get3A_836] {strides = array<i32>} : memref<1024xf32, #tpu.memory_space<vmem>>, vector<16xf32>,
      %get3A_838 = vector.shape_cast %get3A_837 : vector<16xf32> to vector<16xf32>
      %get3A_839 = arith.constant 800 : index
      %get3A_840 = tpu.vector_load %arg18[%get3A_839] {strides = array<i32>} : memref<1024xf32, #tpu.memory_space<vmem>>, vector<16xf32>,
      %get3A_841 = vector.shape_cast %get3A_840 : vector<16xf32> to vector<16xf32>
      %get3A_842 = arith.constant 816 : index
      %get3A_843 = tpu.vector_load %arg18[%get3A_842] {strides = array<i32>} : memref<1024xf32, #tpu.memory_space<vmem>>, vector<16xf32>,
      %get3A_844 = vector.shape_cast %get3A_843 : vector<16xf32> to vector<16xf32>
      %get3A_845 = arith.constant 832 : index
      %get3A_846 = tpu.vector_load %arg18[%get3A_845] {strides = array<i32>} : memref<1024xf32, #tpu.memory_space<vmem>>, vector<16xf32>,
      %get3A_847 = vector.shape_cast %get3A_846 : vector<16xf32> to vector<16xf32>
      %get3A_848 = arith.constant 848 : index
      %get3A_849 = tpu.vector_load %arg18[%get3A_848] {strides = array<i32>} : memref<1024xf32, #tpu.memory_space<vmem>>, vector<16xf32>,
      %get3A_850 = vector.shape_cast %get3A_849 : vector<16xf32> to vector<16xf32>
      %get3A_851 = arith.constant 864 : index
      %get3A_852 = tpu.vector_load %arg18[%get3A_851] {strides = array<i32>} : memref<1024xf32, #tpu.memory_space<vmem>>, vector<16xf32>,
      %get3A_853 = vector.shape_cast %get3A_852 : vector<16xf32> to vector<16xf32>
      %get3A_854 = arith.constant 880 : index
      %get3A_855 = tpu.vector_load %arg18[%get3A_854] {strides = array<i32>} : memref<1024xf32, #tpu.memory_space<vmem>>, vector<16xf32>,
      %get3A_856 = vector.shape_cast %get3A_855 : vector<16xf32> to vector<16xf32>
      %get3A_857 = arith.constant 256 : index
      %get3A_858 = tpu.vector_load %arg21[%get3A_857] {strides = array<i32>} : memref<512xf32, #tpu.memory_space<vmem>>, vector<16xf32>,
      %get3A_859 = vector.shape_cast %get3A_858 : vector<16xf32> to vector<16xf32>
      %get3A_860 = arith.constant 272 : index
      %get3A_861 = tpu.vector_load %arg21[%get3A_860] {strides = array<i32>} : memref<512xf32, #tpu.memory_space<vmem>>, vector<16xf32>,
      %get3A_862 = vector.shape_cast %get3A_861 : vector<16xf32> to vector<16xf32>
      %get3A_863 = arith.constant 288 : index
      %get3A_864 = tpu.vector_load %arg21[%get3A_863] {strides = array<i32>} : memref<512xf32, #tpu.memory_space<vmem>>, vector<16xf32>,
      %get3A_865 = vector.shape_cast %get3A_864 : vector<16xf32> to vector<16xf32>
      %get3A_866 = arith.constant 304 : index
      %get3A_867 = tpu.vector_load %arg21[%get3A_866] {strides = array<i32>} : memref<512xf32, #tpu.memory_space<vmem>>, vector<16xf32>,
      %get3A_868 = vector.shape_cast %get3A_867 : vector<16xf32> to vector<16xf32>
      %get3A_869 = arith.constant 320 : index
      %get3A_870 = tpu.vector_load %arg21[%get3A_869] {strides = array<i32>} : memref<512xf32, #tpu.memory_space<vmem>>, vector<16xf32>,
      %get3A_871 = vector.shape_cast %get3A_870 : vector<16xf32> to vector<16xf32>
      %get3A_872 = arith.constant 336 : index
      %get3A_873 = tpu.vector_load %arg21[%get3A_872] {strides = array<i32>} : memref<512xf32, #tpu.memory_space<vmem>>, vector<16xf32>,
      %get3A_874 = vector.shape_cast %get3A_873 : vector<16xf32> to vector<16xf32>
      %get3A_875 = arith.constant 352 : index
      %get3A_876 = tpu.vector_load %arg21[%get3A_875] {strides = array<i32>} : memref<512xf32, #tpu.memory_space<vmem>>, vector<16xf32>,
      %get3A_877 = vector.shape_cast %get3A_876 : vector<16xf32> to vector<16xf32>
      %get3A_878 = arith.constant 368 : index
      %get3A_879 = tpu.vector_load %arg21[%get3A_878] {strides = array<i32>} : memref<512xf32, #tpu.memory_space<vmem>>, vector<16xf32>,
      %get3A_880 = vector.shape_cast %get3A_879 : vector<16xf32> to vector<16xf32>
      %parallel_loop3A_881 = arith.constant 0 : i32
      %parallel_loop3A_882 = arith.constant 32 : i32
      %parallel_loop3A_883 = arith.constant 1 : i32
      %parallel_loop3A_884:16 = scf.for %parallel_loop3A_976 = %parallel_loop3A_881 to %parallel_loop3A_882 step %parallel_loop3A_883 iter_args(%parallel_loop3A_977 = %get3A_835, %parallel_loop3A_978 = %get3A_838, %parallel_loop3A_979 = %get3A_841, %parallel_loop3A_980 = %get3A_844, %parallel_loop3A_981 = %get3A_847, %parallel_loop3A_982 = %get3A_850, %parallel_loop3A_983 = %get3A_853, %parallel_loop3A_984 = %get3A_856, %parallel_loop3A_985 = %get3A_859, %parallel_loop3A_986 = %get3A_862, %parallel_loop3A_987 = %get3A_865, %parallel_loop3A_988 = %get3A_868, %parallel_loop3A_989 = %get3A_871, %parallel_loop3A_990 = %get3A_874, %parallel_loop3A_991 = %get3A_877, %parallel_loop3A_992 = %get3A_880) -> (vector<16xf32>, vector<16xf32>, vector<16xf32>, vector<16xf32>, vector<16xf32>, vector<16xf32>, vector<16xf32>, vector<16xf32>, vector<16xf32>, vector<16xf32>, vector<16xf32>, vector<16xf32>, vector<16xf32>, vector<16xf32>, vector<16xf32>, vector<16xf32>)  : i32 {
        %parallel_loop3A_993 = arith.constant 16 : i32
        %parallel_loop3A_994 = arith.muli %parallel_loop3A_976, %parallel_loop3A_993 : i32
        %parallel_loop3A_995 = arith.index_cast %parallel_loop3A_994 : i32 to index
        %parallel_loop3A_996 = tpu.vector_load %arg15[%parallel_loop3A_995] {strides = array<i32>} : memref<512xi32, #tpu.memory_space<vmem>>, vector<16xi32>,
        %parallel_loop3A_997 = vector.shape_cast %parallel_loop3A_996 : vector<16xi32> to vector<16xi32>
        %parallel_loop3A_998 = arith.index_cast %parallel_loop3A_994 : i32 to index
        %parallel_loop3A_999 = tpu.vector_load %arg16[%parallel_loop3A_998] {strides = array<i32>} : memref<512xi32, #tpu.memory_space<vmem>>, vector<16xi32>,
        %parallel_loop3A_1000 = vector.shape_cast %parallel_loop3A_999 : vector<16xi32> to vector<16xi32>
        %parallel_loop3A_1001 = arith.constant 0 : i32
        %parallel_loop3A_1002 = vector.broadcast %parallel_loop3A_1001 : i32 to vector<16xi32>
        %parallel_loop3A_1003 = arith.cmpi ne, %parallel_loop3A_997, %parallel_loop3A_1002 : vector<16xi32>
        %parallel_loop3A_1004 = arith.constant 1.000000e+00 : f32
        %parallel_loop3A_1005 = arith.constant 0.000000e+00 : f32
        %parallel_loop3A_1006 = vector.broadcast %parallel_loop3A_1004 : f32 to vector<16xf32>
        %parallel_loop3A_1007 = vector.broadcast %parallel_loop3A_1005 : f32 to vector<16xf32>
        %parallel_loop3A_1008 = arith.select %parallel_loop3A_1003, %parallel_loop3A_1006, %parallel_loop3A_1007 : vector<16xi1>, vector<16xf32>
        %parallel_loop3A_1009 = vector.shape_cast %parallel_loop3A_1000 : vector<16xi32> to vector<16x1xi32>
        %parallel_loop3A_1010 = vector.shape_cast %parallel_loop3A_1009 : vector<16x1xi32> to vector<16xi32>
        %parallel_loop3A_1011 = tpu.dynamic_gather %parallel_loop3A_985[%parallel_loop3A_1010] in [0] : vector<16xf32>, vector<16xi32> -> vector<16xf32>
        %parallel_loop3A_1012 = arith.addf %parallel_loop3A_1011, %parallel_loop3A_977 : vector<16xf32>
        %parallel_loop3A_1013 = arith.mulf %parallel_loop3A_1012, %parallel_loop3A_1008 : vector<16xf32>
        %parallel_loop3A_1014 = arith.constant 48 : i32
        %parallel_loop3A_1015 = arith.index_cast %parallel_loop3A_1014 : i32 to index
        %parallel_loop3A_1016 = arith.index_cast %parallel_loop3A_994 : i32 to index
        %parallel_loop3A_1017 = tpu.vector_load %arg19[%parallel_loop3A_1015, %parallel_loop3A_1016] {strides = array<i32>} : memref<64x512xf32, #tpu.memory_space<vmem>>, vector<1x16xf32>,
        %parallel_loop3A_1018 = vector.shape_cast %parallel_loop3A_1017 : vector<1x16xf32> to vector<16xf32>
        %parallel_loop3A_1019 = vector.shape_cast %parallel_loop3A_1013 : vector<16xf32> to vector<1x16xf32>
        tpu.vector_store %arg19[%parallel_loop3A_1015, %parallel_loop3A_1016], %parallel_loop3A_1019 {strides = array<i32>} : memref<64x512xf32, #tpu.memory_space<vmem>>, vector<1x16xf32>,
        %parallel_loop3A_1020 = vector.shape_cast %parallel_loop3A_1009 : vector<16x1xi32> to vector<16xi32>
        %parallel_loop3A_1021 = tpu.dynamic_gather %parallel_loop3A_986[%parallel_loop3A_1020] in [0] : vector<16xf32>, vector<16xi32> -> vector<16xf32>
        %parallel_loop3A_1022 = arith.addf %parallel_loop3A_1021, %parallel_loop3A_978 : vector<16xf32>
        %parallel_loop3A_1023 = arith.mulf %parallel_loop3A_1022, %parallel_loop3A_1008 : vector<16xf32>
        %parallel_loop3A_1024 = arith.constant 49 : i32
        %parallel_loop3A_1025 = arith.index_cast %parallel_loop3A_1024 : i32 to index
        %parallel_loop3A_1026 = arith.index_cast %parallel_loop3A_994 : i32 to index
        %parallel_loop3A_1027 = tpu.vector_load %arg19[%parallel_loop3A_1025, %parallel_loop3A_1026] {strides = array<i32>} : memref<64x512xf32, #tpu.memory_space<vmem>>, vector<1x16xf32>,
        %parallel_loop3A_1028 = vector.shape_cast %parallel_loop3A_1027 : vector<1x16xf32> to vector<16xf32>
        %parallel_loop3A_1029 = vector.shape_cast %parallel_loop3A_1023 : vector<16xf32> to vector<1x16xf32>
        tpu.vector_store %arg19[%parallel_loop3A_1025, %parallel_loop3A_1026], %parallel_loop3A_1029 {strides = array<i32>} : memref<64x512xf32, #tpu.memory_space<vmem>>, vector<1x16xf32>,
        %parallel_loop3A_1030 = vector.shape_cast %parallel_loop3A_1009 : vector<16x1xi32> to vector<16xi32>
        %parallel_loop3A_1031 = tpu.dynamic_gather %parallel_loop3A_987[%parallel_loop3A_1030] in [0] : vector<16xf32>, vector<16xi32> -> vector<16xf32>
        %parallel_loop3A_1032 = arith.addf %parallel_loop3A_1031, %parallel_loop3A_979 : vector<16xf32>
        %parallel_loop3A_1033 = arith.mulf %parallel_loop3A_1032, %parallel_loop3A_1008 : vector<16xf32>
        %parallel_loop3A_1034 = arith.constant 50 : i32
        %parallel_loop3A_1035 = arith.index_cast %parallel_loop3A_1034 : i32 to index
        %parallel_loop3A_1036 = arith.index_cast %parallel_loop3A_994 : i32 to index
        %parallel_loop3A_1037 = tpu.vector_load %arg19[%parallel_loop3A_1035, %parallel_loop3A_1036] {strides = array<i32>} : memref<64x512xf32, #tpu.memory_space<vmem>>, vector<1x16xf32>,
        %parallel_loop3A_1038 = vector.shape_cast %parallel_loop3A_1037 : vector<1x16xf32> to vector<16xf32>
        %parallel_loop3A_1039 = vector.shape_cast %parallel_loop3A_1033 : vector<16xf32> to vector<1x16xf32>
        tpu.vector_store %arg19[%parallel_loop3A_1035, %parallel_loop3A_1036], %parallel_loop3A_1039 {strides = array<i32>} : memref<64x512xf32, #tpu.memory_space<vmem>>, vector<1x16xf32>,
        %parallel_loop3A_1040 = vector.shape_cast %parallel_loop3A_1009 : vector<16x1xi32> to vector<16xi32>
        %parallel_loop3A_1041 = tpu.dynamic_gather %parallel_loop3A_988[%parallel_loop3A_1040] in [0] : vector<16xf32>, vector<16xi32> -> vector<16xf32>
        %parallel_loop3A_1042 = arith.addf %parallel_loop3A_1041, %parallel_loop3A_980 : vector<16xf32>
        %parallel_loop3A_1043 = arith.mulf %parallel_loop3A_1042, %parallel_loop3A_1008 : vector<16xf32>
        %parallel_loop3A_1044 = arith.constant 51 : i32
        %parallel_loop3A_1045 = arith.index_cast %parallel_loop3A_1044 : i32 to index
        %parallel_loop3A_1046 = arith.index_cast %parallel_loop3A_994 : i32 to index
        %parallel_loop3A_1047 = tpu.vector_load %arg19[%parallel_loop3A_1045, %parallel_loop3A_1046] {strides = array<i32>} : memref<64x512xf32, #tpu.memory_space<vmem>>, vector<1x16xf32>,
        %parallel_loop3A_1048 = vector.shape_cast %parallel_loop3A_1047 : vector<1x16xf32> to vector<16xf32>
        %parallel_loop3A_1049 = vector.shape_cast %parallel_loop3A_1043 : vector<16xf32> to vector<1x16xf32>
        tpu.vector_store %arg19[%parallel_loop3A_1045, %parallel_loop3A_1046], %parallel_loop3A_1049 {strides = array<i32>} : memref<64x512xf32, #tpu.memory_space<vmem>>, vector<1x16xf32>,
        %parallel_loop3A_1050 = vector.shape_cast %parallel_loop3A_1009 : vector<16x1xi32> to vector<16xi32>
        %parallel_loop3A_1051 = tpu.dynamic_gather %parallel_loop3A_989[%parallel_loop3A_1050] in [0] : vector<16xf32>, vector<16xi32> -> vector<16xf32>
        %parallel_loop3A_1052 = arith.addf %parallel_loop3A_1051, %parallel_loop3A_981 : vector<16xf32>
        %parallel_loop3A_1053 = arith.mulf %parallel_loop3A_1052, %parallel_loop3A_1008 : vector<16xf32>
        %parallel_loop3A_1054 = arith.constant 52 : i32
        %parallel_loop3A_1055 = arith.index_cast %parallel_loop3A_1054 : i32 to index
        %parallel_loop3A_1056 = arith.index_cast %parallel_loop3A_994 : i32 to index
        %parallel_loop3A_1057 = tpu.vector_load %arg19[%parallel_loop3A_1055, %parallel_loop3A_1056] {strides = array<i32>} : memref<64x512xf32, #tpu.memory_space<vmem>>, vector<1x16xf32>,
        %parallel_loop3A_1058 = vector.shape_cast %parallel_loop3A_1057 : vector<1x16xf32> to vector<16xf32>
        %parallel_loop3A_1059 = vector.shape_cast %parallel_loop3A_1053 : vector<16xf32> to vector<1x16xf32>
        tpu.vector_store %arg19[%parallel_loop3A_1055, %parallel_loop3A_1056], %parallel_loop3A_1059 {strides = array<i32>} : memref<64x512xf32, #tpu.memory_space<vmem>>, vector<1x16xf32>,
        %parallel_loop3A_1060 = vector.shape_cast %parallel_loop3A_1009 : vector<16x1xi32> to vector<16xi32>
        %parallel_loop3A_1061 = tpu.dynamic_gather %parallel_loop3A_990[%parallel_loop3A_1060] in [0] : vector<16xf32>, vector<16xi32> -> vector<16xf32>
        %parallel_loop3A_1062 = arith.addf %parallel_loop3A_1061, %parallel_loop3A_982 : vector<16xf32>
        %parallel_loop3A_1063 = arith.mulf %parallel_loop3A_1062, %parallel_loop3A_1008 : vector<16xf32>
        %parallel_loop3A_1064 = arith.constant 53 : i32
        %parallel_loop3A_1065 = arith.index_cast %parallel_loop3A_1064 : i32 to index
        %parallel_loop3A_1066 = arith.index_cast %parallel_loop3A_994 : i32 to index
        %parallel_loop3A_1067 = tpu.vector_load %arg19[%parallel_loop3A_1065, %parallel_loop3A_1066] {strides = array<i32>} : memref<64x512xf32, #tpu.memory_space<vmem>>, vector<1x16xf32>,
        %parallel_loop3A_1068 = vector.shape_cast %parallel_loop3A_1067 : vector<1x16xf32> to vector<16xf32>
        %parallel_loop3A_1069 = vector.shape_cast %parallel_loop3A_1063 : vector<16xf32> to vector<1x16xf32>
        tpu.vector_store %arg19[%parallel_loop3A_1065, %parallel_loop3A_1066], %parallel_loop3A_1069 {strides = array<i32>} : memref<64x512xf32, #tpu.memory_space<vmem>>, vector<1x16xf32>,
        %parallel_loop3A_1070 = vector.shape_cast %parallel_loop3A_1009 : vector<16x1xi32> to vector<16xi32>
        %parallel_loop3A_1071 = tpu.dynamic_gather %parallel_loop3A_991[%parallel_loop3A_1070] in [0] : vector<16xf32>, vector<16xi32> -> vector<16xf32>
        %parallel_loop3A_1072 = arith.addf %parallel_loop3A_1071, %parallel_loop3A_983 : vector<16xf32>
        %parallel_loop3A_1073 = arith.mulf %parallel_loop3A_1072, %parallel_loop3A_1008 : vector<16xf32>
        %parallel_loop3A_1074 = arith.constant 54 : i32
        %parallel_loop3A_1075 = arith.index_cast %parallel_loop3A_1074 : i32 to index
        %parallel_loop3A_1076 = arith.index_cast %parallel_loop3A_994 : i32 to index
        %parallel_loop3A_1077 = tpu.vector_load %arg19[%parallel_loop3A_1075, %parallel_loop3A_1076] {strides = array<i32>} : memref<64x512xf32, #tpu.memory_space<vmem>>, vector<1x16xf32>,
        %parallel_loop3A_1078 = vector.shape_cast %parallel_loop3A_1077 : vector<1x16xf32> to vector<16xf32>
        %parallel_loop3A_1079 = vector.shape_cast %parallel_loop3A_1073 : vector<16xf32> to vector<1x16xf32>
        tpu.vector_store %arg19[%parallel_loop3A_1075, %parallel_loop3A_1076], %parallel_loop3A_1079 {strides = array<i32>} : memref<64x512xf32, #tpu.memory_space<vmem>>, vector<1x16xf32>,
        %parallel_loop3A_1080 = vector.shape_cast %parallel_loop3A_1009 : vector<16x1xi32> to vector<16xi32>
        %parallel_loop3A_1081 = tpu.dynamic_gather %parallel_loop3A_992[%parallel_loop3A_1080] in [0] : vector<16xf32>, vector<16xi32> -> vector<16xf32>
        %parallel_loop3A_1082 = arith.addf %parallel_loop3A_1081, %parallel_loop3A_984 : vector<16xf32>
        %parallel_loop3A_1083 = arith.mulf %parallel_loop3A_1082, %parallel_loop3A_1008 : vector<16xf32>
        %parallel_loop3A_1084 = arith.constant 55 : i32
        %parallel_loop3A_1085 = arith.index_cast %parallel_loop3A_1084 : i32 to index
        %parallel_loop3A_1086 = arith.index_cast %parallel_loop3A_994 : i32 to index
        %parallel_loop3A_1087 = tpu.vector_load %arg19[%parallel_loop3A_1085, %parallel_loop3A_1086] {strides = array<i32>} : memref<64x512xf32, #tpu.memory_space<vmem>>, vector<1x16xf32>,
        %parallel_loop3A_1088 = vector.shape_cast %parallel_loop3A_1087 : vector<1x16xf32> to vector<16xf32>
        %parallel_loop3A_1089 = vector.shape_cast %parallel_loop3A_1083 : vector<16xf32> to vector<1x16xf32>
        tpu.vector_store %arg19[%parallel_loop3A_1085, %parallel_loop3A_1086], %parallel_loop3A_1089 {strides = array<i32>} : memref<64x512xf32, #tpu.memory_space<vmem>>, vector<1x16xf32>,
        scf.yield %parallel_loop3A_977, %parallel_loop3A_978, %parallel_loop3A_979, %parallel_loop3A_980, %parallel_loop3A_981, %parallel_loop3A_982, %parallel_loop3A_983, %parallel_loop3A_984, %parallel_loop3A_985, %parallel_loop3A_986, %parallel_loop3A_987, %parallel_loop3A_988, %parallel_loop3A_989, %parallel_loop3A_990, %parallel_loop3A_991, %parallel_loop3A_992 : vector<16xf32>, vector<16xf32>, vector<16xf32>, vector<16xf32>, vector<16xf32>, vector<16xf32>, vector<16xf32>, vector<16xf32>, vector<16xf32>, vector<16xf32>, vector<16xf32>, vector<16xf32>, vector<16xf32>, vector<16xf32>, vector<16xf32>, vector<16xf32>
      } {sc.loop_unroll_factor = 1 : i64, sc.parallel_access}
      %get3A_885 = arith.constant 896 : index
      %get3A_886 = tpu.vector_load %arg18[%get3A_885] {strides = array<i32>} : memref<1024xf32, #tpu.memory_space<vmem>>, vector<16xf32>,
      %get3A_887 = vector.shape_cast %get3A_886 : vector<16xf32> to vector<16xf32>
      %get3A_888 = arith.constant 912 : index
      %get3A_889 = tpu.vector_load %arg18[%get3A_888] {strides = array<i32>} : memref<1024xf32, #tpu.memory_space<vmem>>, vector<16xf32>,
      %get3A_890 = vector.shape_cast %get3A_889 : vector<16xf32> to vector<16xf32>
      %get3A_891 = arith.constant 928 : index
      %get3A_892 = tpu.vector_load %arg18[%get3A_891] {strides = array<i32>} : memref<1024xf32, #tpu.memory_space<vmem>>, vector<16xf32>,
      %get3A_893 = vector.shape_cast %get3A_892 : vector<16xf32> to vector<16xf32>
      %get3A_894 = arith.constant 944 : index
      %get3A_895 = tpu.vector_load %arg18[%get3A_894] {strides = array<i32>} : memref<1024xf32, #tpu.memory_space<vmem>>, vector<16xf32>,
      %get3A_896 = vector.shape_cast %get3A_895 : vector<16xf32> to vector<16xf32>
      %get3A_897 = arith.constant 960 : index
      %get3A_898 = tpu.vector_load %arg18[%get3A_897] {strides = array<i32>} : memref<1024xf32, #tpu.memory_space<vmem>>, vector<16xf32>,
      %get3A_899 = vector.shape_cast %get3A_898 : vector<16xf32> to vector<16xf32>
      %get3A_900 = arith.constant 976 : index
      %get3A_901 = tpu.vector_load %arg18[%get3A_900] {strides = array<i32>} : memref<1024xf32, #tpu.memory_space<vmem>>, vector<16xf32>,
      %get3A_902 = vector.shape_cast %get3A_901 : vector<16xf32> to vector<16xf32>
      %get3A_903 = arith.constant 992 : index
      %get3A_904 = tpu.vector_load %arg18[%get3A_903] {strides = array<i32>} : memref<1024xf32, #tpu.memory_space<vmem>>, vector<16xf32>,
      %get3A_905 = vector.shape_cast %get3A_904 : vector<16xf32> to vector<16xf32>
      %get3A_906 = arith.constant 1008 : index
      %get3A_907 = tpu.vector_load %arg18[%get3A_906] {strides = array<i32>} : memref<1024xf32, #tpu.memory_space<vmem>>, vector<16xf32>,
      %get3A_908 = vector.shape_cast %get3A_907 : vector<16xf32> to vector<16xf32>
      %get3A_909 = arith.constant 384 : index
      %get3A_910 = tpu.vector_load %arg21[%get3A_909] {strides = array<i32>} : memref<512xf32, #tpu.memory_space<vmem>>, vector<16xf32>,
      %get3A_911 = vector.shape_cast %get3A_910 : vector<16xf32> to vector<16xf32>
      %get3A_912 = arith.constant 400 : index
      %get3A_913 = tpu.vector_load %arg21[%get3A_912] {strides = array<i32>} : memref<512xf32, #tpu.memory_space<vmem>>, vector<16xf32>,
      %get3A_914 = vector.shape_cast %get3A_913 : vector<16xf32> to vector<16xf32>
      %get3A_915 = arith.constant 416 : index
      %get3A_916 = tpu.vector_load %arg21[%get3A_915] {strides = array<i32>} : memref<512xf32, #tpu.memory_space<vmem>>, vector<16xf32>,
      %get3A_917 = vector.shape_cast %get3A_916 : vector<16xf32> to vector<16xf32>
      %get3A_918 = arith.constant 432 : index
      %get3A_919 = tpu.vector_load %arg21[%get3A_918] {strides = array<i32>} : memref<512xf32, #tpu.memory_space<vmem>>, vector<16xf32>,
      %get3A_920 = vector.shape_cast %get3A_919 : vector<16xf32> to vector<16xf32>
      %get3A_921 = arith.constant 448 : index
      %get3A_922 = tpu.vector_load %arg21[%get3A_921] {strides = array<i32>} : memref<512xf32, #tpu.memory_space<vmem>>, vector<16xf32>,
      %get3A_923 = vector.shape_cast %get3A_922 : vector<16xf32> to vector<16xf32>
      %get3A_924 = arith.constant 464 : index
      %get3A_925 = tpu.vector_load %arg21[%get3A_924] {strides = array<i32>} : memref<512xf32, #tpu.memory_space<vmem>>, vector<16xf32>,
      %get3A_926 = vector.shape_cast %get3A_925 : vector<16xf32> to vector<16xf32>
      %get3A_927 = arith.constant 480 : index
      %get3A_928 = tpu.vector_load %arg21[%get3A_927] {strides = array<i32>} : memref<512xf32, #tpu.memory_space<vmem>>, vector<16xf32>,
      %get3A_929 = vector.shape_cast %get3A_928 : vector<16xf32> to vector<16xf32>
      %get3A_930 = arith.constant 496 : index
      %get3A_931 = tpu.vector_load %arg21[%get3A_930] {strides = array<i32>} : memref<512xf32, #tpu.memory_space<vmem>>, vector<16xf32>,
      %get3A_932 = vector.shape_cast %get3A_931 : vector<16xf32> to vector<16xf32>
      %parallel_loop3A_933 = arith.constant 0 : i32
      %parallel_loop3A_934 = arith.constant 32 : i32
      %parallel_loop3A_935 = arith.constant 1 : i32
      %parallel_loop3A_936:16 = scf.for %parallel_loop3A_976 = %parallel_loop3A_933 to %parallel_loop3A_934 step %parallel_loop3A_935 iter_args(%parallel_loop3A_977 = %get3A_887, %parallel_loop3A_978 = %get3A_890, %parallel_loop3A_979 = %get3A_893, %parallel_loop3A_980 = %get3A_896, %parallel_loop3A_981 = %get3A_899, %parallel_loop3A_982 = %get3A_902, %parallel_loop3A_983 = %get3A_905, %parallel_loop3A_984 = %get3A_908, %parallel_loop3A_985 = %get3A_911, %parallel_loop3A_986 = %get3A_914, %parallel_loop3A_987 = %get3A_917, %parallel_loop3A_988 = %get3A_920, %parallel_loop3A_989 = %get3A_923, %parallel_loop3A_990 = %get3A_926, %parallel_loop3A_991 = %get3A_929, %parallel_loop3A_992 = %get3A_932) -> (vector<16xf32>, vector<16xf32>, vector<16xf32>, vector<16xf32>, vector<16xf32>, vector<16xf32>, vector<16xf32>, vector<16xf32>, vector<16xf32>, vector<16xf32>, vector<16xf32>, vector<16xf32>, vector<16xf32>, vector<16xf32>, vector<16xf32>, vector<16xf32>)  : i32 {
        %parallel_loop3A_993 = arith.constant 16 : i32
        %parallel_loop3A_994 = arith.muli %parallel_loop3A_976, %parallel_loop3A_993 : i32
        %parallel_loop3A_995 = arith.index_cast %parallel_loop3A_994 : i32 to index
        %parallel_loop3A_996 = tpu.vector_load %arg15[%parallel_loop3A_995] {strides = array<i32>} : memref<512xi32, #tpu.memory_space<vmem>>, vector<16xi32>,
        %parallel_loop3A_997 = vector.shape_cast %parallel_loop3A_996 : vector<16xi32> to vector<16xi32>
        %parallel_loop3A_998 = arith.index_cast %parallel_loop3A_994 : i32 to index
        %parallel_loop3A_999 = tpu.vector_load %arg16[%parallel_loop3A_998] {strides = array<i32>} : memref<512xi32, #tpu.memory_space<vmem>>, vector<16xi32>,
        %parallel_loop3A_1000 = vector.shape_cast %parallel_loop3A_999 : vector<16xi32> to vector<16xi32>
        %parallel_loop3A_1001 = arith.constant 0 : i32
        %parallel_loop3A_1002 = vector.broadcast %parallel_loop3A_1001 : i32 to vector<16xi32>
        %parallel_loop3A_1003 = arith.cmpi ne, %parallel_loop3A_997, %parallel_loop3A_1002 : vector<16xi32>
        %parallel_loop3A_1004 = arith.constant 1.000000e+00 : f32
        %parallel_loop3A_1005 = arith.constant 0.000000e+00 : f32
        %parallel_loop3A_1006 = vector.broadcast %parallel_loop3A_1004 : f32 to vector<16xf32>
        %parallel_loop3A_1007 = vector.broadcast %parallel_loop3A_1005 : f32 to vector<16xf32>
        %parallel_loop3A_1008 = arith.select %parallel_loop3A_1003, %parallel_loop3A_1006, %parallel_loop3A_1007 : vector<16xi1>, vector<16xf32>
        %parallel_loop3A_1009 = vector.shape_cast %parallel_loop3A_1000 : vector<16xi32> to vector<16x1xi32>
        %parallel_loop3A_1010 = vector.shape_cast %parallel_loop3A_1009 : vector<16x1xi32> to vector<16xi32>
        %parallel_loop3A_1011 = tpu.dynamic_gather %parallel_loop3A_985[%parallel_loop3A_1010] in [0] : vector<16xf32>, vector<16xi32> -> vector<16xf32>
        %parallel_loop3A_1012 = arith.addf %parallel_loop3A_1011, %parallel_loop3A_977 : vector<16xf32>
        %parallel_loop3A_1013 = arith.mulf %parallel_loop3A_1012, %parallel_loop3A_1008 : vector<16xf32>
        %parallel_loop3A_1014 = arith.constant 56 : i32
        %parallel_loop3A_1015 = arith.index_cast %parallel_loop3A_1014 : i32 to index
        %parallel_loop3A_1016 = arith.index_cast %parallel_loop3A_994 : i32 to index
        %parallel_loop3A_1017 = tpu.vector_load %arg19[%parallel_loop3A_1015, %parallel_loop3A_1016] {strides = array<i32>} : memref<64x512xf32, #tpu.memory_space<vmem>>, vector<1x16xf32>,
        %parallel_loop3A_1018 = vector.shape_cast %parallel_loop3A_1017 : vector<1x16xf32> to vector<16xf32>
        %parallel_loop3A_1019 = vector.shape_cast %parallel_loop3A_1013 : vector<16xf32> to vector<1x16xf32>
        tpu.vector_store %arg19[%parallel_loop3A_1015, %parallel_loop3A_1016], %parallel_loop3A_1019 {strides = array<i32>} : memref<64x512xf32, #tpu.memory_space<vmem>>, vector<1x16xf32>,
        %parallel_loop3A_1020 = vector.shape_cast %parallel_loop3A_1009 : vector<16x1xi32> to vector<16xi32>
        %parallel_loop3A_1021 = tpu.dynamic_gather %parallel_loop3A_986[%parallel_loop3A_1020] in [0] : vector<16xf32>, vector<16xi32> -> vector<16xf32>
        %parallel_loop3A_1022 = arith.addf %parallel_loop3A_1021, %parallel_loop3A_978 : vector<16xf32>
        %parallel_loop3A_1023 = arith.mulf %parallel_loop3A_1022, %parallel_loop3A_1008 : vector<16xf32>
        %parallel_loop3A_1024 = arith.constant 57 : i32
        %parallel_loop3A_1025 = arith.index_cast %parallel_loop3A_1024 : i32 to index
        %parallel_loop3A_1026 = arith.index_cast %parallel_loop3A_994 : i32 to index
        %parallel_loop3A_1027 = tpu.vector_load %arg19[%parallel_loop3A_1025, %parallel_loop3A_1026] {strides = array<i32>} : memref<64x512xf32, #tpu.memory_space<vmem>>, vector<1x16xf32>,
        %parallel_loop3A_1028 = vector.shape_cast %parallel_loop3A_1027 : vector<1x16xf32> to vector<16xf32>
        %parallel_loop3A_1029 = vector.shape_cast %parallel_loop3A_1023 : vector<16xf32> to vector<1x16xf32>
        tpu.vector_store %arg19[%parallel_loop3A_1025, %parallel_loop3A_1026], %parallel_loop3A_1029 {strides = array<i32>} : memref<64x512xf32, #tpu.memory_space<vmem>>, vector<1x16xf32>,
        %parallel_loop3A_1030 = vector.shape_cast %parallel_loop3A_1009 : vector<16x1xi32> to vector<16xi32>
        %parallel_loop3A_1031 = tpu.dynamic_gather %parallel_loop3A_987[%parallel_loop3A_1030] in [0] : vector<16xf32>, vector<16xi32> -> vector<16xf32>
        %parallel_loop3A_1032 = arith.addf %parallel_loop3A_1031, %parallel_loop3A_979 : vector<16xf32>
        %parallel_loop3A_1033 = arith.mulf %parallel_loop3A_1032, %parallel_loop3A_1008 : vector<16xf32>
        %parallel_loop3A_1034 = arith.constant 58 : i32
        %parallel_loop3A_1035 = arith.index_cast %parallel_loop3A_1034 : i32 to index
        %parallel_loop3A_1036 = arith.index_cast %parallel_loop3A_994 : i32 to index
        %parallel_loop3A_1037 = tpu.vector_load %arg19[%parallel_loop3A_1035, %parallel_loop3A_1036] {strides = array<i32>} : memref<64x512xf32, #tpu.memory_space<vmem>>, vector<1x16xf32>,
        %parallel_loop3A_1038 = vector.shape_cast %parallel_loop3A_1037 : vector<1x16xf32> to vector<16xf32>
        %parallel_loop3A_1039 = vector.shape_cast %parallel_loop3A_1033 : vector<16xf32> to vector<1x16xf32>
        tpu.vector_store %arg19[%parallel_loop3A_1035, %parallel_loop3A_1036], %parallel_loop3A_1039 {strides = array<i32>} : memref<64x512xf32, #tpu.memory_space<vmem>>, vector<1x16xf32>,
        %parallel_loop3A_1040 = vector.shape_cast %parallel_loop3A_1009 : vector<16x1xi32> to vector<16xi32>
        %parallel_loop3A_1041 = tpu.dynamic_gather %parallel_loop3A_988[%parallel_loop3A_1040] in [0] : vector<16xf32>, vector<16xi32> -> vector<16xf32>
        %parallel_loop3A_1042 = arith.addf %parallel_loop3A_1041, %parallel_loop3A_980 : vector<16xf32>
        %parallel_loop3A_1043 = arith.mulf %parallel_loop3A_1042, %parallel_loop3A_1008 : vector<16xf32>
        %parallel_loop3A_1044 = arith.constant 59 : i32
        %parallel_loop3A_1045 = arith.index_cast %parallel_loop3A_1044 : i32 to index
        %parallel_loop3A_1046 = arith.index_cast %parallel_loop3A_994 : i32 to index
        %parallel_loop3A_1047 = tpu.vector_load %arg19[%parallel_loop3A_1045, %parallel_loop3A_1046] {strides = array<i32>} : memref<64x512xf32, #tpu.memory_space<vmem>>, vector<1x16xf32>,
        %parallel_loop3A_1048 = vector.shape_cast %parallel_loop3A_1047 : vector<1x16xf32> to vector<16xf32>
        %parallel_loop3A_1049 = vector.shape_cast %parallel_loop3A_1043 : vector<16xf32> to vector<1x16xf32>
        tpu.vector_store %arg19[%parallel_loop3A_1045, %parallel_loop3A_1046], %parallel_loop3A_1049 {strides = array<i32>} : memref<64x512xf32, #tpu.memory_space<vmem>>, vector<1x16xf32>,
        %parallel_loop3A_1050 = vector.shape_cast %parallel_loop3A_1009 : vector<16x1xi32> to vector<16xi32>
        %parallel_loop3A_1051 = tpu.dynamic_gather %parallel_loop3A_989[%parallel_loop3A_1050] in [0] : vector<16xf32>, vector<16xi32> -> vector<16xf32>
        %parallel_loop3A_1052 = arith.addf %parallel_loop3A_1051, %parallel_loop3A_981 : vector<16xf32>
        %parallel_loop3A_1053 = arith.mulf %parallel_loop3A_1052, %parallel_loop3A_1008 : vector<16xf32>
        %parallel_loop3A_1054 = arith.constant 60 : i32
        %parallel_loop3A_1055 = arith.index_cast %parallel_loop3A_1054 : i32 to index
        %parallel_loop3A_1056 = arith.index_cast %parallel_loop3A_994 : i32 to index
        %parallel_loop3A_1057 = tpu.vector_load %arg19[%parallel_loop3A_1055, %parallel_loop3A_1056] {strides = array<i32>} : memref<64x512xf32, #tpu.memory_space<vmem>>, vector<1x16xf32>,
        %parallel_loop3A_1058 = vector.shape_cast %parallel_loop3A_1057 : vector<1x16xf32> to vector<16xf32>
        %parallel_loop3A_1059 = vector.shape_cast %parallel_loop3A_1053 : vector<16xf32> to vector<1x16xf32>
        tpu.vector_store %arg19[%parallel_loop3A_1055, %parallel_loop3A_1056], %parallel_loop3A_1059 {strides = array<i32>} : memref<64x512xf32, #tpu.memory_space<vmem>>, vector<1x16xf32>,
        %parallel_loop3A_1060 = vector.shape_cast %parallel_loop3A_1009 : vector<16x1xi32> to vector<16xi32>
        %parallel_loop3A_1061 = tpu.dynamic_gather %parallel_loop3A_990[%parallel_loop3A_1060] in [0] : vector<16xf32>, vector<16xi32> -> vector<16xf32>
        %parallel_loop3A_1062 = arith.addf %parallel_loop3A_1061, %parallel_loop3A_982 : vector<16xf32>
        %parallel_loop3A_1063 = arith.mulf %parallel_loop3A_1062, %parallel_loop3A_1008 : vector<16xf32>
        %parallel_loop3A_1064 = arith.constant 61 : i32
        %parallel_loop3A_1065 = arith.index_cast %parallel_loop3A_1064 : i32 to index
        %parallel_loop3A_1066 = arith.index_cast %parallel_loop3A_994 : i32 to index
        %parallel_loop3A_1067 = tpu.vector_load %arg19[%parallel_loop3A_1065, %parallel_loop3A_1066] {strides = array<i32>} : memref<64x512xf32, #tpu.memory_space<vmem>>, vector<1x16xf32>,
        %parallel_loop3A_1068 = vector.shape_cast %parallel_loop3A_1067 : vector<1x16xf32> to vector<16xf32>
        %parallel_loop3A_1069 = vector.shape_cast %parallel_loop3A_1063 : vector<16xf32> to vector<1x16xf32>
        tpu.vector_store %arg19[%parallel_loop3A_1065, %parallel_loop3A_1066], %parallel_loop3A_1069 {strides = array<i32>} : memref<64x512xf32, #tpu.memory_space<vmem>>, vector<1x16xf32>,
        %parallel_loop3A_1070 = vector.shape_cast %parallel_loop3A_1009 : vector<16x1xi32> to vector<16xi32>
        %parallel_loop3A_1071 = tpu.dynamic_gather %parallel_loop3A_991[%parallel_loop3A_1070] in [0] : vector<16xf32>, vector<16xi32> -> vector<16xf32>
        %parallel_loop3A_1072 = arith.addf %parallel_loop3A_1071, %parallel_loop3A_983 : vector<16xf32>
        %parallel_loop3A_1073 = arith.mulf %parallel_loop3A_1072, %parallel_loop3A_1008 : vector<16xf32>
        %parallel_loop3A_1074 = arith.constant 62 : i32
        %parallel_loop3A_1075 = arith.index_cast %parallel_loop3A_1074 : i32 to index
        %parallel_loop3A_1076 = arith.index_cast %parallel_loop3A_994 : i32 to index
        %parallel_loop3A_1077 = tpu.vector_load %arg19[%parallel_loop3A_1075, %parallel_loop3A_1076] {strides = array<i32>} : memref<64x512xf32, #tpu.memory_space<vmem>>, vector<1x16xf32>,
        %parallel_loop3A_1078 = vector.shape_cast %parallel_loop3A_1077 : vector<1x16xf32> to vector<16xf32>
        %parallel_loop3A_1079 = vector.shape_cast %parallel_loop3A_1073 : vector<16xf32> to vector<1x16xf32>
        tpu.vector_store %arg19[%parallel_loop3A_1075, %parallel_loop3A_1076], %parallel_loop3A_1079 {strides = array<i32>} : memref<64x512xf32, #tpu.memory_space<vmem>>, vector<1x16xf32>,
        %parallel_loop3A_1080 = vector.shape_cast %parallel_loop3A_1009 : vector<16x1xi32> to vector<16xi32>
        %parallel_loop3A_1081 = tpu.dynamic_gather %parallel_loop3A_992[%parallel_loop3A_1080] in [0] : vector<16xf32>, vector<16xi32> -> vector<16xf32>
        %parallel_loop3A_1082 = arith.addf %parallel_loop3A_1081, %parallel_loop3A_984 : vector<16xf32>
        %parallel_loop3A_1083 = arith.mulf %parallel_loop3A_1082, %parallel_loop3A_1008 : vector<16xf32>
        %parallel_loop3A_1084 = arith.constant 63 : i32
        %parallel_loop3A_1085 = arith.index_cast %parallel_loop3A_1084 : i32 to index
        %parallel_loop3A_1086 = arith.index_cast %parallel_loop3A_994 : i32 to index
        %parallel_loop3A_1087 = tpu.vector_load %arg19[%parallel_loop3A_1085, %parallel_loop3A_1086] {strides = array<i32>} : memref<64x512xf32, #tpu.memory_space<vmem>>, vector<1x16xf32>,
        %parallel_loop3A_1088 = vector.shape_cast %parallel_loop3A_1087 : vector<1x16xf32> to vector<16xf32>
        %parallel_loop3A_1089 = vector.shape_cast %parallel_loop3A_1083 : vector<16xf32> to vector<1x16xf32>
        tpu.vector_store %arg19[%parallel_loop3A_1085, %parallel_loop3A_1086], %parallel_loop3A_1089 {strides = array<i32>} : memref<64x512xf32, #tpu.memory_space<vmem>>, vector<1x16xf32>,
        scf.yield %parallel_loop3A_977, %parallel_loop3A_978, %parallel_loop3A_979, %parallel_loop3A_980, %parallel_loop3A_981, %parallel_loop3A_982, %parallel_loop3A_983, %parallel_loop3A_984, %parallel_loop3A_985, %parallel_loop3A_986, %parallel_loop3A_987, %parallel_loop3A_988, %parallel_loop3A_989, %parallel_loop3A_990, %parallel_loop3A_991, %parallel_loop3A_992 : vector<16xf32>, vector<16xf32>, vector<16xf32>, vector<16xf32>, vector<16xf32>, vector<16xf32>, vector<16xf32>, vector<16xf32>, vector<16xf32>, vector<16xf32>, vector<16xf32>, vector<16xf32>, vector<16xf32>, vector<16xf32>, vector<16xf32>, vector<16xf32>
      } {sc.loop_unroll_factor = 1 : i64, sc.parallel_access}
      %add3A_937 = arith.addi %mul3A_2, %add3A_554 : i32
      %jit3A_938 = arith.constant 8 : i32
      %div3A_939 = arith.divsi %add3A_937, %jit3A_938 : i32
      %sign3A_940 = arith.constant 0 : i32
      %sign3A_941 = arith.cmpi sgt, %add3A_937, %sign3A_940 : i32
      %sign3A_942 = arith.extui %sign3A_941 : i1 to i32
      %sign3A_943 = arith.constant 0 : i32
      %sign3A_944 = arith.cmpi slt, %add3A_937, %sign3A_943 : i32
      %sign3A_945 = arith.extui %sign3A_944 : i1 to i32
      %sign3A_946 = arith.subi %sign3A_942, %sign3A_945 : i32
      %sign3A_947 = arith.constant 0 : i32
      %sign3A_948 = arith.cmpi sgt, %jit3A_938, %sign3A_947 : i32
      %sign3A_949 = arith.extui %sign3A_948 : i1 to i32
      %sign3A_950 = arith.constant 0 : i32
      %sign3A_951 = arith.cmpi slt, %jit3A_938, %sign3A_950 : i32
      %sign3A_952 = arith.extui %sign3A_951 : i1 to i32
      %sign3A_953 = arith.subi %sign3A_949, %sign3A_952 : i32
      %ne3A_954 = arith.cmpi ne, %sign3A_946, %sign3A_953 : i32
      %rem3A_955 = arith.remsi %add3A_937, %jit3A_938 : i32
      %ne3A_956 = arith.constant 0 : i32
      %ne3A_957 = arith.cmpi ne, %rem3A_955, %ne3A_956 : i32
      %and3A_958 = arith.andi %ne3A_954, %ne3A_957 : i1
      %sub3A_959 = arith.constant 1 : i32
      %sub3A_960 = arith.subi %div3A_939, %sub3A_959 : i32
      %select_n3A_961 = arith.select %and3A_958, %sub3A_960, %div3A_939 : i32
      %mul3A_962 = arith.constant 8 : i32
      %mul3A_963 = arith.muli %select_n3A_961, %mul3A_962 : i32
      %sub3A_964 = arith.subi %add3A_937, %mul3A_963 : i32
      %mul3A_965 = arith.constant 512 : i32
      %mul3A_966 = arith.muli %sub3A_964, %mul3A_965 : i32
      %mul3A_967 = arith.constant 64 : i32
      %mul3A_968 = arith.muli %select_n3A_961, %mul3A_967 : i32
      %mul3A_969 = arith.constant 4096 : i32
      %mul3A_970 = arith.muli %select_n3A_961, %mul3A_969 : i32
      %add3A_971 = arith.addi %mul3A_970, %mul3A_966 : i32
      %dma_start3A_972 = tpu.memref_slice %arg7[%mul3A_968, %mul3A_966] : memref<12800x4096xf32, #tpu.memory_space<hbm>> -> memref<64x512xf32, #tpu.memory_space<hbm>>
      %dma_start3A_973 = tpu.memref_slice %arg7[%mul3A_968, %mul3A_966] : memref<12800x4096xf32, #tpu.memory_space<hbm>> -> memref<64x512xf32, #tpu.memory_space<hbm>>
      tpu.enqueue_dma source(%arg19 : memref<64x512xf32, #tpu.memory_space<vmem>>) target(%dma_start3A_973 : memref<64x512xf32, #tpu.memory_space<hbm>>) target_semaphore(%arg23 : memref<!tpu.dma_semaphore, #tpu.memory_space<semaphore_mem>>)
      %dma_start3A_974 = tpu.memref_slice %arg8[%add3A_971] : memref<819200xf32, #tpu.memory_space<hbm>> -> memref<512xf32, #tpu.memory_space<hbm>>
      %dma_start3A_975 = tpu.memref_slice %arg8[%add3A_971] : memref<819200xf32, #tpu.memory_space<hbm>> -> memref<512xf32, #tpu.memory_space<hbm>>
      tpu.enqueue_dma source(%arg20 : memref<512xf32, #tpu.memory_space<vmem>>) target(%dma_start3A_975 : memref<512xf32, #tpu.memory_space<hbm>>) target_semaphore(%arg23 : memref<!tpu.dma_semaphore, #tpu.memory_space<semaphore_mem>>)
    }
    %scan3A_47 = arith.constant 25 : i32
    %add3A_48 = arith.constant 50 : i32
    %add3A_49 = arith.addi %mul3A_2, %add3A_48 : i32
    %sub3A_50 = arith.constant 2 : i32
    %sub3A_51 = arith.subi %add3A_49, %sub3A_50 : i32
    %jit3A_52 = arith.constant 8 : i32
    %div3A_53 = arith.divsi %sub3A_51, %jit3A_52 : i32
    %sign3A_54 = arith.constant 0 : i32
    %sign3A_55 = arith.cmpi sgt, %sub3A_51, %sign3A_54 : i32
    %sign3A_56 = arith.extui %sign3A_55 : i1 to i32
    %sign3A_57 = arith.constant 0 : i32
    %sign3A_58 = arith.cmpi slt, %sub3A_51, %sign3A_57 : i32
    %sign3A_59 = arith.extui %sign3A_58 : i1 to i32
    %sign3A_60 = arith.subi %sign3A_56, %sign3A_59 : i32
    %sign3A_61 = arith.constant 0 : i32
    %sign3A_62 = arith.cmpi sgt, %jit3A_52, %sign3A_61 : i32
    %sign3A_63 = arith.extui %sign3A_62 : i1 to i32
    %sign3A_64 = arith.constant 0 : i32
    %sign3A_65 = arith.cmpi slt, %jit3A_52, %sign3A_64 : i32
    %sign3A_66 = arith.extui %sign3A_65 : i1 to i32
    %sign3A_67 = arith.subi %sign3A_63, %sign3A_66 : i32
    %ne3A_68 = arith.cmpi ne, %sign3A_60, %sign3A_67 : i32
    %rem3A_69 = arith.remsi %sub3A_51, %jit3A_52 : i32
    %ne3A_70 = arith.constant 0 : i32
    %ne3A_71 = arith.cmpi ne, %rem3A_69, %ne3A_70 : i32
    %and3A_72 = arith.andi %ne3A_68, %ne3A_71 : i1
    %sub3A_73 = arith.constant 1 : i32
    %sub3A_74 = arith.subi %div3A_53, %sub3A_73 : i32
    %select_n3A_75 = arith.select %and3A_72, %sub3A_74, %div3A_53 : i32
    %mul3A_76 = arith.constant 8 : i32
    %mul3A_77 = arith.muli %select_n3A_75, %mul3A_76 : i32
    %sub3A_78 = arith.subi %sub3A_51, %mul3A_77 : i32
    %mul3A_79 = arith.constant 512 : i32
    %mul3A_80 = arith.muli %sub3A_78, %mul3A_79 : i32
    %mul3A_81 = arith.constant 64 : i32
    %mul3A_82 = arith.muli %select_n3A_75, %mul3A_81 : i32
    %mul3A_83 = arith.constant 4096 : i32
    %mul3A_84 = arith.muli %select_n3A_75, %mul3A_83 : i32
    %add3A_85 = arith.addi %mul3A_84, %mul3A_80 : i32
    %dma_wait3A = tpu.memref_slice %arg7[%mul3A_82, %mul3A_80] : memref<12800x4096xf32, #tpu.memory_space<hbm>> -> memref<64x512xf32, #tpu.memory_space<hbm>>
    %dma_wait3A_86 = tpu.memref_slice %arg7[%mul3A_82, %mul3A_80] : memref<12800x4096xf32, #tpu.memory_space<hbm>> -> memref<64x512xf32, #tpu.memory_space<hbm>>
    tpu.wait_dma2 semaphore(%arg23 : memref<!tpu.dma_semaphore, #tpu.memory_space<semaphore_mem>>) src(%arg13 : memref<64x512xf32, #tpu.memory_space<vmem>>) dst(%dma_wait3A_86 : memref<64x512xf32, #tpu.memory_space<hbm>>)
    %dma_wait3A_87 = tpu.memref_slice %arg8[%add3A_85] : memref<819200xf32, #tpu.memory_space<hbm>> -> memref<512xf32, #tpu.memory_space<hbm>>
    %dma_wait3A_88 = tpu.memref_slice %arg8[%add3A_85] : memref<819200xf32, #tpu.memory_space<hbm>> -> memref<512xf32, #tpu.memory_space<hbm>>
    tpu.wait_dma2 semaphore(%arg23 : memref<!tpu.dma_semaphore, #tpu.memory_space<semaphore_mem>>) src(%arg14 : memref<512xf32, #tpu.memory_space<vmem>>) dst(%dma_wait3A_88 : memref<512xf32, #tpu.memory_space<hbm>>)
    %add3A_89 = arith.constant 50 : i32
    %add3A_90 = arith.addi %mul3A_2, %add3A_89 : i32
    %sub3A_91 = arith.constant 1 : i32
    %sub3A_92 = arith.subi %add3A_90, %sub3A_91 : i32
    %jit3A_93 = arith.constant 8 : i32
    %div3A_94 = arith.divsi %sub3A_92, %jit3A_93 : i32
    %sign3A_95 = arith.constant 0 : i32
    %sign3A_96 = arith.cmpi sgt, %sub3A_92, %sign3A_95 : i32
    %sign3A_97 = arith.extui %sign3A_96 : i1 to i32
    %sign3A_98 = arith.constant 0 : i32
    %sign3A_99 = arith.cmpi slt, %sub3A_92, %sign3A_98 : i32
    %sign3A_100 = arith.extui %sign3A_99 : i1 to i32
    %sign3A_101 = arith.subi %sign3A_97, %sign3A_100 : i32
    %sign3A_102 = arith.constant 0 : i32
    %sign3A_103 = arith.cmpi sgt, %jit3A_93, %sign3A_102 : i32
    %sign3A_104 = arith.extui %sign3A_103 : i1 to i32
    %sign3A_105 = arith.constant 0 : i32
    %sign3A_106 = arith.cmpi slt, %jit3A_93, %sign3A_105 : i32
    %sign3A_107 = arith.extui %sign3A_106 : i1 to i32
    %sign3A_108 = arith.subi %sign3A_104, %sign3A_107 : i32
    %ne3A_109 = arith.cmpi ne, %sign3A_101, %sign3A_108 : i32
    %rem3A_110 = arith.remsi %sub3A_92, %jit3A_93 : i32
    %ne3A_111 = arith.constant 0 : i32
    %ne3A_112 = arith.cmpi ne, %rem3A_110, %ne3A_111 : i32
    %and3A_113 = arith.andi %ne3A_109, %ne3A_112 : i1
    %sub3A_114 = arith.constant 1 : i32
    %sub3A_115 = arith.subi %div3A_94, %sub3A_114 : i32
    %select_n3A_116 = arith.select %and3A_113, %sub3A_115, %div3A_94 : i32
    %mul3A_117 = arith.constant 8 : i32
    %mul3A_118 = arith.muli %select_n3A_116, %mul3A_117 : i32
    %sub3A_119 = arith.subi %sub3A_92, %mul3A_118 : i32
    %mul3A_120 = arith.constant 512 : i32
    %mul3A_121 = arith.muli %sub3A_119, %mul3A_120 : i32
    %mul3A_122 = arith.constant 64 : i32
    %mul3A_123 = arith.muli %select_n3A_116, %mul3A_122 : i32
    %mul3A_124 = arith.constant 4096 : i32
    %mul3A_125 = arith.muli %select_n3A_116, %mul3A_124 : i32
    %add3A_126 = arith.addi %mul3A_125, %mul3A_121 : i32
    %dma_wait3A_127 = tpu.memref_slice %arg7[%mul3A_123, %mul3A_121] : memref<12800x4096xf32, #tpu.memory_space<hbm>> -> memref<64x512xf32, #tpu.memory_space<hbm>>
    %dma_wait3A_128 = tpu.memref_slice %arg7[%mul3A_123, %mul3A_121] : memref<12800x4096xf32, #tpu.memory_space<hbm>> -> memref<64x512xf32, #tpu.memory_space<hbm>>
    tpu.wait_dma2 semaphore(%arg23 : memref<!tpu.dma_semaphore, #tpu.memory_space<semaphore_mem>>) src(%arg19 : memref<64x512xf32, #tpu.memory_space<vmem>>) dst(%dma_wait3A_128 : memref<64x512xf32, #tpu.memory_space<hbm>>)
    %dma_wait3A_129 = tpu.memref_slice %arg8[%add3A_126] : memref<819200xf32, #tpu.memory_space<hbm>> -> memref<512xf32, #tpu.memory_space<hbm>>
    %dma_wait3A_130 = tpu.memref_slice %arg8[%add3A_126] : memref<819200xf32, #tpu.memory_space<hbm>> -> memref<512xf32, #tpu.memory_space<hbm>>
    tpu.wait_dma2 semaphore(%arg23 : memref<!tpu.dma_semaphore, #tpu.memory_space<semaphore_mem>>) src(%arg20 : memref<512xf32, #tpu.memory_space<vmem>>) dst(%dma_wait3A_130 : memref<512xf32, #tpu.memory_space<hbm>>)
    return
  }
}

</mosaic_0001>

<sc_bundles>
// kernel: kernel.3.cloned.1.call-start
scs
__scs_entry_jumppad:
0x0: {  	(pc) =	sbr.rel $0x88, $3  }
0x1: {  	(tag) =	ssettag $0x0;
	lr =	simm.s32 $0x1  }
0x2: {  	[smem:$0x3F9B] =	sst lr;
	_ =	strace $0xD0000000  }
0x3: {  	_ = 	snop  }
0x4: {  	_ = 	snop  }
0x5: {  	_ = 	snop  }
0x6: {  	_ = 	snop  }
0x7: {  	_ = 	snop  }
__scs_overlays_trampoline_lowered:
0x8: {  	[smem:$0x3FAA] =	sst s0  }
0x9: {  	[smem:$0x3FAB] =	sst s1  }
0xa: {  	[smem:$0x3FAC] =	sst s2  }
0xb: {  	[smem:$0x3FAD] =	sst s3  }
0xc: {  	[smem:$0x3FAE] =	sst s4  }
0xd: {  	[smem:$0x3FAF] =	sst s5  }
0xe: {  	[smem:$0x3FB0] =	sst s6  }
0xf: {  	[smem:$0x3FB1] =	sst s7  }
0x10: {  	[smem:$0x3FB2] =	sst s8  }
0x11: {  	[smem:$0x3FB3] =	sst s9;
	s0 =	simm.s32 @!p0 $0x0  }
0x12: {  	s1 =	sld [smem:$0x3F99];
	s0 =	simm.s32 @p0 $0x1  }
0x13: {  	[smem:$0x3FB4] =	sst s0;
	s0 =	simm.s32 @!p1 $0x0  }
0x14: {  	s2 =	sld [smem:$0x3F98];
	s0 =	simm.s32 @p1 $0x1  }
0x15: {  	[smem:$0x3FB5] =	sst s0;
	s0 =	simm.s32 @!p2 $0x0  }
0x16: {  	s3 =	sld [smem:$0x3FDB];
	s0 =	simm.s32 @p2 $0x1  }
0x17: {  	s4 =	simm.s32 $0x1BF5;
	[smem:$0x3FB7] =	sst s0  }
0x18: {  	s0 =	sld [smem:$0x3F9A];
	_ =	swait.ge [sflag:s4], $0x0  }
0x19: {  	s7 =	sld [smem:$0x3F9B]  }
0x1a: {  	s8 =	sadd.s32 $0xFFFFE003, lr  }
0x1b: {  	s9 =	sadd.s32 $0xFFFFFEF7, lr;
	s5 =	simm.s32 $0xFFFFFFFF;
	p2 =	slt.u32 s8, $0xFFFFF086  }
0x1c: {  	p1 =	slt.u32 s9, $0xF7A;
	s5 =	simm.s32 @!p2 $0x0  }
0x1d: {  	s5 =	simm.s32 @p1 $0x1;
	p0 =	seq.s32 s7, s2  }
0x1e: {  	s7 =	smul.u32 @!p0 $0xF7A, s2;
	p2 =	seq.s32 @!p0 s5, $0x0  }
0x1f: {  	s9 =	smul.u32 $0xF7A, s1;
	s8 =	simm.s32 @!p0 $0x1BF5;
	p2 =	por !p2, p0  }
0x20: {  	[sflag:s8] =	ssyncset.s32 @!p0 $0xFFFFF086;
	s6 =	sadd.s32 @!p0 s3, s7;
	s7 =	simm.s32 @!p0 $0x108  }
0x21: {  	s3 =	sadd.s32 s3, s9;
	s6 =	sadd.s32 @!p0 $0x88, s6;
	s7 =	simm.s32 @p2 $0x1082  }
0x22: {  	[simem:s7], [sflag:s8] =	dma.local @!p0 [hbm:s6], $0xF7A  }
0x23: {  	s9 =	sor.u32 $0xD0000000, s2;
	s6 =	simm.s32 $0x108;
	_ =	swait.ge @!p0 [sflag:s8], $0x0  }
0x24: {  	s3 =	sadd.s32 $0x88, s3;
	s6 =	simm.s32 @!p1 $0x1082;
	[sflag:s4] =	ssyncset.s32 $0xFFFFF086  }
0x25: {  	[simem:s6], [sflag:s4] =	dma.local [hbm:s3], $0xF7A  }
0x26: {  	[smem:$0x3F9B] =	sst s1;
	(tag) =	ssettag s2;
	_ =	strace s9  }
0x27: {  	s1 =	sld [smem:$0x3FAB]  }
0x28: {  	s2 =	sld [smem:$0x3FAC]  }
0x29: {  	s4 =	sld [smem:$0x3FAE]  }
0x2a: {  	p0 =	seq.s32 s5, $0x0;
	s5 =	sld [smem:$0x3FAF]  }
0x2b: {  	s6 =	sld [smem:$0x3FB0]  }
0x2c: {  	s7 =	sld [smem:$0x3FB1]  }
0x2d: {  	s3 =	simm.s32 $0x108;
	s8 =	sld [smem:$0x3FB2]  }
0x2e: {  	s3 =	simm.s32 @!p0 $0x1082;
	s9 =	sld [smem:$0x3FB3]  }
0x2f: {  	lr =	sadd.s32 s0, s3;
	s0 =	sld [smem:$0x3FAA]  }
0x30: {  	s3 =	sld [smem:$0x3FAD]  }
0x31: {  	[smem:$0x3FB6] =	sst s10  }
0x32: {  	s10 =	sld [smem:$0x3FB4];
	_ =	sdelay $0x3  }
0x33: {  	p0 =	seq.s32 s10, $0x1;
	s10 =	sld [smem:$0x3FB6];
	_ =	sdelay $0x3  }
0x34: {  	[smem:$0x3FB6] =	sst s10  }
0x35: {  	s10 =	sld [smem:$0x3FB5];
	_ =	sdelay $0x3  }
0x36: {  	p1 =	seq.s32 s10, $0x1;
	s10 =	sld [smem:$0x3FB6];
	_ =	sdelay $0x3  }
0x37: {  	[smem:$0x3FB6] =	sst s10  }
0x38: {  	s10 =	sld [smem:$0x3FB7]  }
0x39: {  	_ = 	snop;
	(pc) =	sbr.ind lr, $3  }
0x3a: {  	_ = 	snop  }
0x3b: {  	_ = 	snop  }
0x3c: {  	p2 =	seq.s32 s10, $0x1;
	s10 =	sld [smem:$0x3FB6]  }
0x3d: {  	_ =	shalt  }
0x3e: {  	_ =	shalt  }
0x3f: {  	_ =	shalt  }
0x40: {  	_ =	shalt  }
0x41: {  	_ =	shalt  }
0x42: {  	_ =	shalt  }
0x43: {  	_ =	shalt  }
0x44: {  	_ =	shalt  }
0x45: {  	_ =	shalt  }
0x46: {  	_ =	shalt  }
0x47: {  	_ =	shalt  }
0x48: {  	_ =	shalt  }
0x49: {  	_ =	shalt  }
0x4a: {  	_ =	shalt  }
0x4b: {  	_ =	shalt  }
0x4c: {  	_ =	shalt  }
0x4d: {  	_ =	shalt  }
0x4e: {  	_ =	shalt  }
0x4f: {  	_ =	shalt  }
0x50: {  	_ =	shalt  }
0x51: {  	_ =	shalt  }
0x52: {  	_ =	shalt  }
0x53: {  	_ =	shalt  }
0x54: {  	_ =	shalt  }
0x55: {  	_ =	shalt  }
0x56: {  	_ =	shalt  }
0x57: {  	_ =	shalt  }
0x58: {  	_ =	shalt  }
0x59: {  	_ =	shalt  }
0x5a: {  	_ =	shalt  }
0x5b: {  	_ =	shalt  }
0x5c: {  	_ =	shalt  }
0x5d: {  	_ =	shalt  }
0x5e: {  	_ =	shalt  }
0x5f: {  	_ =	shalt  }
0x60: {  	_ =	shalt  }
0x61: {  	_ =	shalt  }
0x62: {  	_ =	shalt  }
0x63: {  	_ =	shalt  }
0x64: {  	_ =	shalt  }
0x65: {  	_ =	shalt  }
0x66: {  	_ =	shalt  }
0x67: {  	_ =	shalt  }
0x68: {  	_ =	shalt  }
0x69: {  	_ =	shalt  }
0x6a: {  	_ =	shalt  }
0x6b: {  	_ =	shalt  }
0x6c: {  	_ =	shalt  }
0x6d: {  	_ =	shalt  }
0x6e: {  	_ =	shalt  }
0x6f: {  	_ =	shalt  }
0x70: {  	_ =	shalt  }
0x71: {  	_ =	shalt  }
0x72: {  	_ =	shalt  }
0x73: {  	_ =	shalt  }
0x74: {  	_ =	shalt  }
0x75: {  	_ =	shalt  }
0x76: {  	_ =	shalt  }
0x77: {  	_ =	shalt  }
0x78: {  	_ =	shalt  }
0x79: {  	_ =	shalt  }
0x7a: {  	_ =	shalt  }
0x7b: {  	_ =	shalt  }
0x7c: {  	_ =	shalt  }
0x7d: {  	_ =	shalt  }
0x7e: {  	_ =	shalt  }
0x7f: {  	_ =	shalt  }
0x80: {  	_ =	shalt  }
0x81: {  	_ =	shalt  }
0x82: {  	_ =	shalt  }
0x83: {  	_ =	shalt  }
0x84: {  	_ =	shalt  }
0x85: {  	_ =	shalt  }
0x86: {  	_ =	shalt  }
0x87: {  	_ =	shalt  }
.Lfunc_end0:
.L_simem_size_0:
called_computation_lowered:
.L_overlay_start_0:
0x88: {  	s2 =	sld [smem:$0x3FD9]  }
0x89: {  	s3 =	sld [smem:$0x3FFE];
	_ =	sdelay $0x1  }
0x8a: {  	s1 =	srdreg.scid  }
0x8b: {  	s0 =	sand.u32 $0x1, s1  }
0x8c: {  	s14 =	sshll.u32 s0, $0xA;
	s2 =	sadd.s32 s3, s2  }
0x8d: {  	s2 =	sadd.s32 s2, s14  }
0x8e: {  	[smem:$0x3FC2] =	sst s2  }
0x8f: {  	_ = 	snop  }
0x90: {  	s2 =	sld [smem:$0x3FD0];
	_ =	sdelay $0x2  }
0x91: {  	s4 =	simm.s32 $0xA;
	s5 =	simm.s32 $0x10;
	s15 =	sld [smem:$0x3FC7]  }
0x92: {  	[smem:s5], [sflag:s4] =	dma.local [hbm:s2], $0x1  }
0x93: {  	_ =	swait.eq [sflag:s4], $0x1  }
0x94: {  	s16 =	sld [smem:$0x10];
	[sflag:s4] =	ssyncset.done $0x0  }
0x95: {  	s17 =	sld [smem:$0x11];
	[sflag:s4] =	ssyncadd.s32 $0xFFFFFFFF  }
0x96: {  	s18 =	sld [smem:$0x12];
	(tm) =	ssettm $0x1  }
0x97: {  	s6 =	sld [smem:$0x3FFB];
	_ =	sdelay $0x3  }
0x98: {  	_ =	strace s6  }
0x99: {  	s6 =	sld [smem:$0x3FFC];
	_ =	sdelay $0x3  }
0x9a: {  	_ =	strace s6  }
0x9b: {  	s6 =	sld [smem:$0x3FFD];
	_ =	sdelay $0x3  }
0x9c: {  	_ =	strace s6  }
0x9d: {  	_ =	strace $0x8FFFFFFF  }
0x9e: {  	s19 =	sld [smem:$0x3FDB];
	_ =	sdelay $0x1  }
0x9f: {  	s7 =	simm.s32 $_scs_section_size  }
0xa0: {  	s8 =	simm.s32 $_size__tile_overlayer_lowered;
	s9 =	simm.s32 $_tile_overlayer_lowered  }
0xa1: {  	s22 =	simm.s32 $0x1BFF;
	s21 =	sshll.u32 s9, $0x1;
	s6 =	sadd.s32 s7, s19  }
0xa2: {  	s10 =	simm.s32 $0x0;
	s20 =	sshll.u32 s8, $0x1;
	s8 =	sadd.s32 s21, s6  }
0xa3: {  	[timem:s10], [sflag:s22] =	dma.local [hbm:s8], s20  }
0xa4: {  	_ =	swait.ge [sflag:s22], s20  }
0xa5: {  	s7 =	ssub.s32 $0x0, s20;
	[sflag:s22] =	ssyncset.done $0x0  }
0xa6: {  	[sflag:s22] =	ssyncadd.s32 s7;
	_ =	sdelay $0x1  }
0xa7: {  	s23 =	simm.s32 $0x1B8B  }
0xa8: {  	_ =	swait.ge [sflag:s23], $0x1  }
0xa9: {  	[sflag:s23] =	ssyncset.done $0x0  }
0xaa: {  	s25 =	simm.s32 $0x1B8E;
	s24 =	sld [smem:$0x3FFE];
	[sflag:s23] =	ssyncadd.s32 $0xFFFFFFFF  }
0xab: {  	s26 =	simm.s32 $execute0_lowered;
	[smem:$0x3FD2] =	sst s25  }
0xac: {  	s8 =	sshll.u32 s26, $0x1;
	_ =	strace $0x80000046;
	[dreg:$0x1] =	wrdreg $0xFFFFFFFF  }
0xad: {  	s28 =	simm.s32 $_size_execute0_lowered;
	s6 =	sadd.s32 s6, s8;
	[dreg:$0x0] =	wrdreg $0x0  }
0xae: {  	s8 =	sshll.u32 s28, $0x1;
	[dreg:$0x2] =	wrdreg s6  }
0xaf: {  	[dreg:$0x3] =	wrdreg s8  }
0xb0: {  	[dreg:$0x4] =	wrdreg $0xC0  }
0xb1: {  	_ =	task [dreg:s10], $0x5FFFF  }
0xb2: {  	[dreg:$0x1] =	wrdreg $0xFFFFFFFF  }
0xb3: {  	[dreg:$0x0] =	wrdreg $0x60  }
0xb4: {  	[dreg:$0x2] =	wrdreg s18  }
0xb5: {  	[dreg:$0x3] =	wrdreg s24  }
0xb6: {  	[dreg:$0x4] =	wrdreg s15  }
0xb7: {  	[dreg:$0x5] =	wrdreg s16  }
0xb8: {  	[dreg:$0x6] =	wrdreg s17  }
0xb9: {  	[dreg:$0x7] =	wrdreg $0x9  }
0xba: {  	_ =	task.clear_ibuf [dreg:s10], $0x8FFFF;
	_ =	strace $0x90000046  }
0xbb: {  	s29 =	simm.s32 $0x9;
	_ =	strace $0x80000048  }
0xbc: {  	_ =	swait.ge [sflag:s29], $0x1  }
0xbd: {  	[sflag:s29] =	ssyncadd.s32 $0xFFFFFFFF  }
0xbe: {  	_ =	strace $0x90000048  }
0xbf: {  	_ =	sfence  }
0xc0: {  	s30 =	sld [smem:$0x0];
	_ =	sdelay $0x2  }
0xc1: {  	s31 =	sshll.u32 s1, $0xD;
	s1 =	sshrl.u32 s1, $0x2  }
0xc2: {  	s3 =	sand.u32 $0x4000, s31;
	s1 =	sadd.s32 s1, s30  }
0xc3: {  	s0 =	sor.u32 s3, s0;
	s1 =	sshll.u32 s1, $0x11  }
0xc4: {  	s0 =	sor.u32 s1, s0  }
0xc5: {  	s0 =	sadd.s32 $0x8F2B, s0  }
0xc6: {  	[sflag:s0] =	ssyncadd.remote.s32 $0x1  }
0xc7: {  	_ =	sfence.sel $0xFFFF  }
0xc8: {  	[dreg:$0x0] =	wrdreg $0xFFFFFFFF;
	(pc) =	sbr.abs _section_cstart, $3  }
0xc9: {  	[dreg:$0x1] =	wrdreg $0xFFFFFFFF  }
0xca: {  	_ =	task.clear_ibuf [dreg:s10], $0x2FFFF;
	_ =	strace $0x9FFFFFFF  }
0xcb: {  	(tm) =	ssettm $0x7FFFFFFF  }
tec
execute0_lowered:
.L_overlay_start_1:
0x0: {  	(tag) =	ssettag $0x1  }
0x1: {  	s5 =	rddreg [dreg:$0x0]  }
0x2: {  	s0 =	rddreg [dreg:$0x1]  }
0x3: {  	s8 =	rddreg [dreg:$0x2]  }
0x4: {  	s1 =	srdreg.scid;
	s2 =	stileid.u32;
	s6 =	simm.s32 $0x0  }
0x5: {  	s23 =	simm.s32 $0x1;
	s10 =	simm.s32 $0x8000;
	s1 =	sand.u32 $0x1, s1  }
0x6: {  	s2 =	sshll.u32 s2, $0x1;
	[smem:$0x7FF] =	sst s6;
	s9 =	sadd.s32 $0x7400, s0  }
0x7: {  	s11 =	sadd.s32 $0x1000, s0;
	s0 =	sadd.s32 $0x20400, s0;
	s2 =	sor.u32 s1, s2  }
0x8: {  	_ =	strace $0x80000047;
	s1 =	ssub.s32 $0x2, s1;
	[dreg:$0x7] =	wrdreg s0  }
0x9: {  	[dreg:$0xd] =	wrdreg s9;
	s7 =	smul.u32 $0x32, s2;
	s3 =	sshrl.u32 s1, $0x1  }
0xa: {  	[dreg:$0xe] =	wrdreg s11;
	s2 =	smul.u32 $0x6400, s2;
	s24 =	ssub.s32 s1, s3  }
0xb: {  	s3 =	simm.s32 $0x2;
	s4 =	sshrl.u32 s7, $0x3;
	[dreg:$0x6] =	wrdreg s7  }
0xc: {  	s29 =	sshll.u32 s7, $0x4;
	s0 =	smax.u32 s24, $0x1;
	s25 =	sshll.u32 s4, $0xC  }
0xd: {  	s26 =	sshll.u32 s4, $0xE;
	s30 =	sand.u32 $0x7F80, s29;
	[dreg:$0xc] =	wrdreg s0  }
0xe: {  	s1 =	ssub.s32 s2, s25;
	s2 =	sshrl.u32 s2, $0x3;
	s31 =	sadd.s32 s11, s30  }
0xf: {  	s28 =	sadd.s32 s5, s2;
	s1 =	sadd.s32 s26, s1;
	[dreg:$0xb] =	wrdreg s31  }
0x10: {  	s2 =	sadd.s32 s9, s2;
	[dreg:$0x8] =	wrdreg s28;
	s1 =	sand.u32 $0x1FFFFC00, s1  }
0x11: {  	s4 =	simm.s32 $0x1000;
	[dreg:$0x9] =	wrdreg s2;
	s1 =	sadd.s32 s8, s1  }
0x12: {  	v0 =	vimm.f32 $1.000000000e+00;
	s5 =	simm.s32 $0x8000;
	[dreg:$0xa] =	wrdreg s1;
	s1 =	simm.s32 $0x0  }
.LBB2_1:
0x13: {  	[dreg:$0xf] =	wrdreg s1  }
0x14: {  	s0 =	rddreg [dreg:$0x3];
	s21 =	simm.s32 $0x19400;
	s22 =	simm.s32 $0x3  }
0x15: {  	[tilespmem:s21], [sflag:$0x3] =	stream.linear.gather [hbm4b:s0+s6], $0x200, $0x38;
	[tilespmem:$0x19600] =	vst v63  }
0x16: {  	_ =	swait.ge [sflag:s22], $0x200  }
0x17: {  	[sflag:s22] =	ssyncset.done $0x0  }
0x18: {  	s24 =	rddreg [dreg:$0x8];
	[sflag:s22] =	ssyncadd.s32 $0xFFFFFE00  }
0x19: {  	[tilespmem:s6], [sflag:$0x1] =	stream.linear.gather [hbm4b:s24+s6], $0x200, $0x38;
	[tilespmem:$0x19600] =	vst v63  }
0x1a: {  	s26 =	simm.s32 $0x200;
	s25 =	rddreg [dreg:$0x9]  }
0x1b: {  	[tilespmem:s26], [sflag:$0x1] =	stream.linear.gather [hbm4b:s25+s6], $0x200, $0x38;
	[tilespmem:$0x19600] =	vst v63  }
0x1c: {  	s29 =	simm.s32 $0x400;
	s28 =	rddreg [dreg:$0xa]  }
0x1d: {  	[tilespmem:s29], [sflag:$0x1] =	stream.strided.gather [hbm4b:s28+s4], $0x4000, s5, s4, $0x38;
	[tilespmem:$0x19600] =	vst v63  }
0x1e: {  	s31 =	simm.s32 $0x4400;
	s16 =	simm.s32 $0x0;
	s30 =	rddreg [dreg:$0xb]  }
0x1f: {  	[tilespmem:s31], [sflag:$0x1] =	stream.linear.gather [hbm4b:s30+s6], $0x400, $0x38;
	[tilespmem:$0x19600] =	vst v63  }
.LBB2_2:
0x20: {  	_ =	swait.ge [sflag:s23], $0x200  }
0x21: {  	[sflag:s23] =	ssyncset.done $0x0  }
0x22: {  	[sflag:s23] =	ssyncadd.s32 $0xFFFFFE00  }
0x23: {  	_ =	swait.ge [sflag:s23], $0x200  }
0x24: {  	[sflag:s23] =	ssyncset.done $0x0  }
0x25: {  	[sflag:s23] =	ssyncadd.s32 $0xFFFFFE00  }
0x26: {  	_ =	swait.ge [sflag:s23], $0x4000  }
0x27: {  	[sflag:s23] =	ssyncset.done $0x0  }
0x28: {  	s0 =	sshll.u32 s16, $0x1;
	s1 =	rddreg [dreg:$0x6];
	[sflag:s23] =	ssyncadd.s32 $0xFFFFC000  }
0x29: {  	s18 =	sadd.s32 s1, s0;
	_ =	swait.ge [sflag:s23], $0x400  }
0x2a: {  	s11 =	sshll.u32 s18, $0x9;
	[sflag:s23] =	ssyncset.done $0x0  }
0x2b: {  	s20 =	sor.u32 $0x200, s11;
	[sflag:s23] =	ssyncadd.s32 $0xFFFFFC00  }
0x2c: {  	s21 =	sshrl.u32 s18, $0x3;
	s24 =	sshrl.u32 s20, $0x3;
	s2 =	rddreg [dreg:$0x0]  }
0x2d: {  	s7 =	simm.s32 $0xCA00;
	s22 =	sshll.u32 s21, $0xC;
	s2 =	sadd.s32 s2, s24  }
0x2e: {  	[tilespmem:s7], [sflag:$0x1] =	stream.linear.gather [hbm4b:s2+s6], $0x200, $0x38;
	[tilespmem:$0x19600] =	vst v63  }
0x2f: {  	s25 =	rddreg [dreg:$0xd];
	s0 =	ssub.s32 s20, s22;
	s7 =	sshll.u32 s21, $0xE  }
0x30: {  	s26 =	simm.s32 $0xCC00;
	s1 =	sadd.s32 s25, s24;
	s0 =	sadd.s32 s7, s0  }
0x31: {  	[tilespmem:s26], [sflag:$0x1] =	stream.linear.gather [hbm4b:s1+s6], $0x200, $0x38;
	[tilespmem:$0x19600] =	vst v63  }
0x32: {  	s8 =	rddreg [dreg:$0x2];
	s0 =	sand.u32 $0x1FFFFE00, s0  }
0x33: {  	s9 =	simm.s32 $0xCE00;
	s12 =	sshll.u32 s18, $0x4;
	s0 =	sadd.s32 s8, s0  }
0x34: {  	[tilespmem:s9], [sflag:$0x1] =	stream.strided.gather [hbm4b:s0+s4], $0x4000, s5, s4, $0x38;
	[tilespmem:$0x19600] =	vst v63  }
0x35: {  	s13 =	rddreg [dreg:$0xe];
	s0 =	sand.u32 $0x1FFFFF80, s12  }
0x36: {  	s14 =	simm.s32 $0x10E00;
	p0 =	seq.s32 s16, $0x0;
	s0 =	sadd.s32 s13, s0  }
0x37: {  	[tilespmem:s14], [sflag:$0x1] =	stream.linear.gather [hbm4b:s0+s6], $0x400, $0x38;
	[tilespmem:$0x19600] =	vst v63  }
0x38: {  	s0 =	simm.s32 @!p0 $0x2  }
0x39: {  	_ =	swait.ge @!p0 [sflag:s0], $0x8000  }
0x3a: {  	[sflag:s0] =	ssyncset.done @!p0 $0x0  }
0x3b: {  	[sflag:s0] =	ssyncadd.s32 @!p0 $0xFFFF8000  }
0x3c: {  	_ =	swait.ge @!p0 [sflag:s0], $0x200  }
0x3d: {  	[sflag:s0] =	ssyncset.done @!p0 $0x0  }
0x3e: {  	[sflag:s0] =	ssyncadd.s32 @!p0 $0xFFFFFE00  }
0x3f: {  	v12 =	vld [tilespmem:$0x4400]  }
0x40: {  	s1 =	simm.s32 $0x0;
	v11 =	vld [tilespmem:$0x4410]  }
0x41: {  	v1 =	vld [tilespmem:s1+$0x0]  }
0x42: {  	v10 =	vld [tilespmem:$0x4420]  }
0x43: {  	v7 =	vld [tilespmem:$0x4430]  }
0x44: {  	v4 =	vld [tilespmem:$0x4440]  }
0x45: {  	v3 =	vld [tilespmem:$0x4450]  }
0x46: {  	s31 =	simm.s32 $0x10;
	v2 =	vld [tilespmem:$0x4460];
	vm0 =	veq.s32 v1, $0x0  }
0x47: {  	s15 =	simm.s32 $0xC800;
	s17 =	sand.u32 $0x70, s1;
	s8 =	sand.u32 $0xC00, s1;
	v5 =	vld [tilespmem:s31+$0x0];
	v14 =	vsel vm0, $0x0, v0  }
0x48: {  	s5 =	sor.u32 s17, s8;
	v1 =	vld [tilespmem:$0x4470];
	[tilespmem:s15+$0x0] =	vst v14  }
0x49: {  	v6 =	vld [tilespmem:s5+$0x400]  }
0x4a: {  	v8 =	vld [tilespmem:s5+$0x480]  }
0x4b: {  	v9 =	vld [tilespmem:s5+$0x500]  }
0x4c: {  	v17 =	vmul.f32 $8.000000000e+00, v14;
	_ =	sdelay $0x1  }
0x4d: {  	vm0 =	veq.s32 v5, $0x0;
	v5 =	vmul.f32 v17, v6;
	v6 =	vmul.f32 v14, v12  }
0x4e: {  	s19 =	sand.u32 $0x70, s31;
	s0 =	simm.s32 $0x80;
	v16 =	vsel vm0, $0x0, v0;
	v13 =	vmul.f32 v14, v11;
	v8 =	vmul.f32 v8, v17  }
0x4f: {  	s20 =	simm.s32 $0xC810;
	s12 =	simm.s32 $0x20;
	s15 =	sand.u32 $0xC00, s0;
	v5 =	vadd.f32 v5, v6;
	v6 =	vmul.f32 v9, v17;
	v9 =	vmul.f32 v14, v10  }
0x50: {  	v15 =	vld [tilespmem:s12+$0x0];
	[tilespmem:s20+$0x0] =	vst v16;
	s4 =	sor.u32 s19, s15;
	v8 =	vadd.f32 v8, v13  }
0x51: {  	v13 =	vld [tilespmem:s4+$0x400];
	[tilespmem:s5+$0x4800] =	vst v5;
	v5 =	vadd.f32 v6, v9  }
0x52: {  	s24 =	sor.u32 s8, s1;
	v9 =	vld [tilespmem:s4+$0x480];
	[tilespmem:s5+$0x4880] =	vst v8  }
0x53: {  	s2 =	sor.u32 $0x180, s24;
	v8 =	vld [tilespmem:s4+$0x500];
	[tilespmem:s5+$0x4900] =	vst v5  }
0x54: {  	v5 =	vmul.f32 $8.000000000e+00, v16;
	v18 =	vld [tilespmem:s2+$0x400];
	_ =	sdelay $0x1  }
0x55: {  	vm0 =	veq.s32 v15, $0x0;
	v15 =	vmul.f32 v16, v12;
	v13 =	vmul.f32 v5, v13  }
0x56: {  	s17 =	simm.s32 $0xC820;
	s14 =	simm.s32 $0x100;
	v19 =	vmul.f32 v16, v11;
	v6 =	vsel vm0, $0x0, v0;
	v9 =	vmul.f32 v9, v5  }
0x57: {  	s13 =	simm.s32 $0x30;
	s25 =	sand.u32 $0x70, s12;
	s19 =	sand.u32 $0xC00, s14;
	v8 =	vmul.f32 v8, v5;
	v13 =	vadd.f32 v13, v15;
	v15 =	vmul.f32 v16, v10  }
0x58: {  	v20 =	vld [tilespmem:s13+$0x0];
	s24 =	sor.u32 s25, s19;
	[tilespmem:s17+$0x0] =	vst v6;
	v9 =	vadd.f32 v9, v19;
	v19 =	vmul.f32 v14, v7;
	v18 =	vmul.f32 v18, v17  }
0x59: {  	v21 =	vld [tilespmem:s24+$0x400];
	[tilespmem:s4+$0x4800] =	vst v13;
	v8 =	vadd.f32 v8, v15  }
0x5a: {  	s26 =	sor.u32 s15, s31;
	v13 =	vld [tilespmem:s24+$0x480];
	[tilespmem:s4+$0x4880] =	vst v9;
	v9 =	vadd.f32 v18, v19  }
0x5b: {  	s20 =	sor.u32 $0x180, s26;
	v15 =	vld [tilespmem:s24+$0x500];
	[tilespmem:s4+$0x4900] =	vst v8  }
0x5c: {  	v8 =	vmul.f32 $8.000000000e+00, v6;
	v18 =	vld [tilespmem:s20+$0x400];
	[tilespmem:s2+$0x4800] =	vst v9  }
0x5d: {  	v19 =	vld [tilespmem:s5+$0x600]  }
0x5e: {  	vm0 =	veq.s32 v20, $0x0;
	v20 =	vmul.f32 v8, v21;
	v21 =	vmul.f32 v6, v12;
	v22 =	vld [tilespmem:s5+$0x680]  }
0x5f: {  	s9 =	sand.u32 $0x70, s13;
	s17 =	simm.s32 $0x180;
	v23 =	vmul.f32 v6, v11;
	v9 =	vsel vm0, $0x0, v0;
	v13 =	vmul.f32 v13, v8;
	v24 =	vld [tilespmem:s5+$0x700]  }
0x60: {  	s15 =	simm.s32 $0x40;
	s25 =	simm.s32 $0xC830;
	s8 =	sand.u32 $0xC00, s17;
	v15 =	vmul.f32 v15, v8;
	v20 =	vadd.f32 v20, v21;
	v21 =	vmul.f32 v6, v10  }
0x61: {  	v25 =	vld [tilespmem:s15+$0x0];
	[tilespmem:s25+$0x0] =	vst v9;
	s25 =	sor.u32 s9, s8;
	v13 =	vadd.f32 v13, v23;
	v23 =	vmul.f32 v16, v7;
	v18 =	vmul.f32 v18, v5  }
0x62: {  	v26 =	vld [tilespmem:s25+$0x400];
	[tilespmem:s24+$0x4800] =	vst v20;
	v15 =	vadd.f32 v15, v21;
	v20 =	vmul.f32 v14, v4;
	v19 =	vmul.f32 v19, v17  }
0x63: {  	s26 =	sor.u32 s19, s12;
	v21 =	vld [tilespmem:s25+$0x480];
	[tilespmem:s24+$0x4880] =	vst v13;
	v18 =	vadd.f32 v18, v23;
	v22 =	vmul.f32 v22, v17;
	v23 =	vmul.f32 v14, v3  }
0x64: {  	s30 =	sor.u32 $0x180, s26;
	v27 =	vld [tilespmem:s25+$0x500];
	[tilespmem:s24+$0x4900] =	vst v15;
	v15 =	vadd.f32 v19, v20;
	v19 =	vmul.f32 v24, v17;
	v20 =	vmul.f32 v14, v2  }
0x65: {  	v13 =	vmul.f32 $8.000000000e+00, v9;
	v24 =	vld [tilespmem:s30+$0x400];
	[tilespmem:s20+$0x4800] =	vst v18;
	v18 =	vadd.f32 v22, v23  }
0x66: {  	v28 =	vmul.f32 v14, v1;
	v22 =	vld [tilespmem:s4+$0x600];
	[tilespmem:s5+$0x4A00] =	vst v15;
	v15 =	vadd.f32 v19, v20  }
0x67: {  	s1 =	sor.u32 s1, s1;
	vm0 =	veq.s32 v25, $0x0;
	v23 =	vld [tilespmem:s4+$0x680];
	v19 =	vmul.f32 v13, v26;
	v20 =	vmul.f32 v9, v12;
	[tilespmem:s5+$0x4A80] =	vst v18  }
0x68: {  	s28 =	simm.s32 $0x200;
	s19 =	simm.s32 $0xC840;
	s26 =	sor.u32 $0x380, s1;
	v14 =	vsel vm0, $0x0, v0;
	v25 =	vld [tilespmem:s4+$0x700];
	v18 =	vmul.f32 v21, v13;
	v21 =	vmul.f32 v9, v11;
	[tilespmem:s5+$0x4B00] =	vst v15  }
0x69: {  	s1 =	sand.u32 $0xC00, s28;
	s2 =	simm.s32 $0x50;
	s9 =	sand.u32 $0x70, s15;
	v15 =	vadd.f32 v19, v20;
	v19 =	vmul.f32 v27, v13;
	v20 =	vmul.f32 v9, v10;
	v26 =	vld [tilespmem:s26+$0x400]  }
0x6a: {  	v29 =	vmul.f32 v6, v7;
	s29 =	sor.u32 s9, s1;
	[tilespmem:s19+$0x0] =	vst v14;
	v27 =	vld [tilespmem:s2+$0x0];
	v18 =	vadd.f32 v18, v21;
	v21 =	vmul.f32 v24, v8  }
0x6b: {  	v30 =	vld [tilespmem:s29+$0x400];
	[tilespmem:s25+$0x4800] =	vst v15;
	v15 =	vadd.f32 v19, v20;
	v19 =	vmul.f32 v22, v5;
	v20 =	vmul.f32 v16, v4  }
0x6c: {  	v63 =	vmul.f32 v16, v3;
	s20 =	sor.u32 s8, s13;
	v24 =	vld [tilespmem:s29+$0x480];
	[tilespmem:s25+$0x4880] =	vst v18;
	v23 =	vmul.f32 v23, v5;
	v18 =	vadd.f32 v21, v29  }
0x6d: {  	v31 =	vmul.f32 v16, v2;
	s5 =	sor.u32 $0x180, s20;
	v22 =	vld [tilespmem:s29+$0x500];
	v25 =	vmul.f32 v25, v5;
	[tilespmem:s25+$0x4900] =	vst v15;
	v20 =	vadd.f32 v19, v20  }
0x6e: {  	s11 =	ssub.s32 s11, s22;
	v15 =	vmul.f32 $8.000000000e+00, v14;
	v21 =	vld [tilespmem:s5+$0x400];
	[tilespmem:s30+$0x4800] =	vst v18;
	v18 =	vadd.f32 v23, v63;
	v17 =	vmul.f32 v26, v17  }
0x6f: {  	s22 =	sshllo.u32 s16, $0x1;
	s7 =	simm.s32 $0x1000;
	s8 =	simm.s32 $0x60;
	v16 =	vmul.f32 v16, v1;
	vm0 =	veq.s32 v27, $0x0;
	v23 =	vadd.f32 v25, v31;
	v19 =	vld [tilespmem:s24+$0x600];
	[tilespmem:s4+$0x4A00] =	vst v20  }
0x70: {  	s20 =	sor.u32 s0, s31;
	s31 =	simm.s32 $0x50;
	s30 =	simm.s32 $0x280;
	v25 =	vmul.f32 v15, v30;
	v26 =	vmul.f32 v14, v12;
	v20 =	vld [tilespmem:s24+$0x680];
	[tilespmem:s4+$0x4A80] =	vst v18;
	v17 =	vadd.f32 v17, v28  }
.LBB2_3:
0x71: {  	p0 =	sne.s32 s8, $0x1F0;
	s2 =	sadd.s32 $0x10, s2;
	v18 =	vmul.f32 v24, v15;
	v24 =	vmul.f32 v14, v11;
	s0 =	sor.u32 $0x380, s20;
	v28 =	vmovc v9;
	v9 =	vmov v14  }
0x72: {  	v27 =	vld [tilespmem:s24+$0x700];
	[tilespmem:s4+$0x4B00] =	vst v23;
	v14 =	vsel vm0, $0x0, v0;
	v23 =	vmovc v8;
	v8 =	vmovc v13;
	v13 =	vmov v15;
	v29 =	vmov v16;
	s4 =	smov.u32 s24;
	s24 =	smov.u32 s25;
	s25 =	smov.u32 s29  }
0x73: {  	s20 =	sand.u32 $0x70, s31;
	s9 =	sand.u32 $0xC00, s30;
	s19 =	sadd.s32 $0x10, s19;
	v15 =	vadd.f32 v25, v26;
	v16 =	vmul.f32 v22, v13;
	v22 =	vmul.f32 v9, v10;
	v25 =	vld [tilespmem:s0+$0x400];
	[tilespmem:s26+$0x4800] =	vst v17  }
0x74: {  	s29 =	sor.u32 s20, s9;
	v26 =	vmul.f32 v28, v7;
	s26 =	smov.u32 s0;
	s0 =	smov.u32 s12;
	v17 =	vld [tilespmem:s2+$0x0];
	[tilespmem:s19+$0x0] =	vst v14;
	v18 =	vadd.f32 v18, v24;
	v21 =	vmul.f32 v21, v8  }
0x75: {  	s12 =	smov.u32 s13;
	s13 =	smov.u32 s15;
	s15 =	smov.u32 s31;
	v30 =	vld [tilespmem:s29+$0x400];
	[tilespmem:s25+$0x4800] =	vst v15;
	v15 =	vadd.f32 v16, v22;
	v16 =	vmul.f32 v19, v23;
	v19 =	vmul.f32 v6, v4  }
.Ltmp0:
0x76: {  	s20 =	sor.u32 s1, s13;
	s1 =	smov.u32 s9;
	v24 =	vld [tilespmem:s29+$0x480];
	[tilespmem:s25+$0x4880] =	vst v18;
	v18 =	vadd.f32 v21, v26;
	v20 =	vmul.f32 v20, v23;
	v26 =	vmul.f32 v6, v3;
	(pc) =	sbr.rel @p0 .LBB2_3-.Ltmp0, $4  }
0x77: {  	v31 =	vmul.f32 v6, v2;
	s31 =	smov.u32 s8;
	s9 =	sor.u32 $0x180, s20;
	s20 =	smov.u32 s14;
	v22 =	vld [tilespmem:s29+$0x500];
	[tilespmem:s25+$0x4900] =	vst v15;
	v16 =	vadd.f32 v16, v19;
	v27 =	vmul.f32 v27, v23  }
0x78: {  	s14 =	smov.u32 s17;
	s17 =	smov.u32 s28;
	v15 =	vmul.f32 $8.000000000e+00, v14;
	v21 =	vld [tilespmem:s9+$0x400];
	[tilespmem:s5+$0x4800] =	vst v18;
	v18 =	vadd.f32 v20, v26;
	v32 =	vmul.f32 v25, v5;
	v5 =	vmovc v23;
	s5 =	smov.u32 s9  }
0x79: {  	s28 =	smov.u32 s30;
	vm0 =	veq.s32 v17, $0x0;
	v19 =	vld [tilespmem:s24+$0x600];
	[tilespmem:s4+$0x4A00] =	vst v16;
	v23 =	vadd.f32 v27, v31;
	v16 =	vmul.f32 v6, v1;
	v6 =	vmovc v28  }
0x7a: {  	s8 =	sadd.s32 $0x10, s8;
	s30 =	sadd.s32 $0x80, s30;
	s20 =	sor.u32 s20, s0;
	v26 =	vmul.f32 v14, v12;
	v25 =	vmul.f32 v15, v30;
	v20 =	vld [tilespmem:s24+$0x680];
	[tilespmem:s4+$0x4A80] =	vst v18;
	v17 =	vadd.f32 v32, v29  }
0x7b: {  	v18 =	vsel vm0, $0x0, v0;
	s0 =	sand.u32 $0x70, s31;
	s2 =	sand.u32 $0xC00, s30;
	s8 =	sadd.s32 $0x10, s19  }
0x7c: {  	[tilespmem:s8+$0x0] =	vst v18;
	s0 =	sor.u32 s0, s2  }
0x7d: {  	v27 =	vld [tilespmem:s0+$0x400]  }
0x7e: {  	v28 =	vld [tilespmem:s0+$0x480]  }
0x7f: {  	v24 =	vmul.f32 v24, v15;
	v29 =	vld [tilespmem:s0+$0x500]  }
0x80: {  	v30 =	vmul.f32 v14, v11;
	v31 =	vmul.f32 $8.000000000e+00, v18  }
0x81: {  	v25 =	vadd.f32 v25, v26;
	v22 =	vmul.f32 v22, v15;
	v26 =	vmul.f32 v14, v10  }
0x82: {  	v12 =	vmul.f32 v18, v12;
	v24 =	vadd.f32 v24, v30;
	v27 =	vmul.f32 v31, v27  }
0x83: {  	v11 =	vmul.f32 v18, v11;
	[tilespmem:s29+$0x4800] =	vst v25;
	v22 =	vadd.f32 v22, v26;
	v25 =	vmul.f32 v28, v31  }
0x84: {  	s1 =	sor.u32 s1, s15;
	v10 =	vmul.f32 v18, v10;
	[tilespmem:s29+$0x4880] =	vst v24;
	v24 =	vmul.f32 v29, v31;
	v12 =	vadd.f32 v27, v12  }
0x85: {  	s1 =	sor.u32 $0x180, s1;
	[tilespmem:s29+$0x4900] =	vst v22;
	v11 =	vadd.f32 v25, v11  }
0x86: {  	v22 =	vld [tilespmem:s1+$0x400];
	v10 =	vadd.f32 v24, v10;
	[tilespmem:s0+$0x4800] =	vst v12  }
0x87: {  	s2 =	sor.u32 s2, s31;
	[tilespmem:s0+$0x4880] =	vst v11  }
0x88: {  	s2 =	sor.u32 $0x180, s2;
	v11 =	vmul.f32 v21, v13;
	v12 =	vmul.f32 v9, v7;
	[tilespmem:s0+$0x4900] =	vst v10  }
0x89: {  	v10 =	vld [tilespmem:s2+$0x400]  }
0x8a: {  	v11 =	vadd.f32 v11, v12  }
0x8b: {  	v21 =	vmul.f32 v14, v7;
	v12 =	vmul.f32 v22, v15  }
0x8c: {  	v22 =	vld [tilespmem:s24+$0x700];
	[tilespmem:s5+$0x4800] =	vst v11  }
0x8d: {  	v12 =	vadd.f32 v12, v21;
	v11 =	vld [tilespmem:s25+$0x600]  }
0x8e: {  	v7 =	vmul.f32 v18, v7;
	v21 =	vld [tilespmem:s25+$0x680];
	v10 =	vmul.f32 v10, v31  }
0x8f: {  	v19 =	vmul.f32 v19, v8;
	v24 =	vmul.f32 v6, v4;
	v25 =	vld [tilespmem:s25+$0x700];
	[tilespmem:s1+$0x4800] =	vst v12  }
0x90: {  	v12 =	vmul.f32 v20, v8;
	v20 =	vmul.f32 v6, v3;
	v26 =	vld [tilespmem:s29+$0x600];
	v7 =	vadd.f32 v10, v7  }
0x91: {  	[tilespmem:s4+$0x4B00] =	vst v23;
	v23 =	vld [tilespmem:s29+$0x680];
	v10 =	vadd.f32 v19, v24;
	v19 =	vmul.f32 v22, v8;
	v22 =	vmul.f32 v6, v2  }
0x92: {  	v12 =	vadd.f32 v12, v20;
	v20 =	vmul.f32 v9, v4;
	v24 =	vld [tilespmem:s29+$0x700];
	v11 =	vmul.f32 v11, v13;
	[tilespmem:s2+$0x4800] =	vst v7  }
0x93: {  	[tilespmem:s24+$0x4A00] =	vst v10;
	v7 =	vadd.f32 v19, v22;
	v10 =	vmul.f32 v21, v13;
	v19 =	vmul.f32 v9, v3;
	v21 =	vld [tilespmem:s0+$0x600]  }
0x94: {  	[tilespmem:s24+$0x4A80] =	vst v12;
	v12 =	vmul.f32 v25, v13;
	v22 =	vld [tilespmem:s0+$0x680];
	v11 =	vadd.f32 v11, v20;
	v20 =	vmul.f32 v9, v2  }
0x95: {  	v25 =	vld [tilespmem:s0+$0x700];
	[tilespmem:s24+$0x4B00] =	vst v7;
	v7 =	vadd.f32 v10, v19;
	v10 =	vmul.f32 v26, v15;
	v19 =	vmul.f32 v14, v4  }
0x96: {  	[tilespmem:s25+$0x4A00] =	vst v11;
	v11 =	vadd.f32 v12, v20;
	v12 =	vmul.f32 v23, v15;
	v20 =	vmul.f32 v14, v3  }
0x97: {  	[tilespmem:s25+$0x4A80] =	vst v7;
	v7 =	vadd.f32 v10, v19;
	v10 =	vmul.f32 v24, v15;
	v19 =	vmul.f32 v14, v2  }
0x98: {  	v4 =	vmul.f32 v18, v4;
	[tilespmem:s25+$0x4B00] =	vst v11;
	v11 =	vadd.f32 v12, v20;
	v12 =	vmul.f32 v21, v31  }
0x99: {  	v3 =	vmul.f32 v18, v3;
	[tilespmem:s29+$0x4A00] =	vst v7;
	v7 =	vadd.f32 v10, v19;
	v10 =	vmul.f32 v22, v31  }
0x9a: {  	s4 =	sor.u32 s14, s12;
	v2 =	vmul.f32 v18, v2;
	s25 =	sor.u32 $0x380, s20;
	[tilespmem:s29+$0x4A80] =	vst v11;
	v4 =	vadd.f32 v12, v4;
	v11 =	vmul.f32 v25, v31  }
0x9b: {  	s5 =	sor.u32 s17, s13;
	s2 =	sor.u32 $0x380, s4;
	v12 =	vld [tilespmem:s25+$0x400];
	[tilespmem:s29+$0x4B00] =	vst v7;
	v3 =	vadd.f32 v10, v3  }
0x9c: {  	s8 =	sor.u32 s28, s15;
	s4 =	sor.u32 $0x380, s5;
	v7 =	vld [tilespmem:s2+$0x400];
	[tilespmem:s0+$0x4A00] =	vst v4;
	v2 =	vadd.f32 v11, v2  }
0x9d: {  	s9 =	sor.u32 s30, s31;
	s5 =	sor.u32 $0x380, s8;
	v4 =	vld [tilespmem:s4+$0x400];
	[tilespmem:s0+$0x4A80] =	vst v3  }
0x9e: {  	s12 =	sor.u32 $0x380, s9;
	v3 =	vld [tilespmem:s5+$0x400];
	[tilespmem:s0+$0x4B00] =	vst v2  }
0x9f: {  	v2 =	vld [tilespmem:s12+$0x400]  }
0xa0: {  	v5 =	vmul.f32 v12, v5  }
0xa1: {  	v6 =	vmul.f32 v6, v1;
	v7 =	vmul.f32 v7, v8  }
0xa2: {  	v8 =	vmul.f32 v9, v1;
	v5 =	vadd.f32 v5, v16;
	v4 =	vmul.f32 v4, v13  }
0xa3: {  	[tilespmem:s26+$0x4800] =	vst v17;
	v6 =	vadd.f32 v7, v6;
	v7 =	vmul.f32 v14, v1;
	v3 =	vmul.f32 v3, v15  }
0xa4: {  	v1 =	vmul.f32 v18, v1;
	[tilespmem:s25+$0x4800] =	vst v5;
	v4 =	vadd.f32 v4, v8;
	v2 =	vmul.f32 v2, v31  }
0xa5: {  	[tilespmem:s2+$0x4800] =	vst v6;
	v3 =	vadd.f32 v3, v7  }
0xa6: {  	[tilespmem:s4+$0x4800] =	vst v4;
	v1 =	vadd.f32 v2, v1  }
0xa7: {  	[tilespmem:s5+$0x4800] =	vst v3  }
0xa8: {  	[tilespmem:s12+$0x4800] =	vst v1  }
0xa9: {  	s2 =	simm.s32 $0x0;
	v12 =	vld [tilespmem:$0x4480]  }
0xaa: {  	v1 =	vld [tilespmem:s2+$0x0]  }
0xab: {  	v13 =	vld [tilespmem:$0x4490]  }
0xac: {  	s13 =	sand.u32 $0x70, s2;
	s14 =	sand.u32 $0xC00, s2;
	v11 =	vld [tilespmem:$0x44A0]  }
0xad: {  	s1 =	sor.u32 s13, s14;
	v9 =	vld [tilespmem:$0x44B0]  }
0xae: {  	v5 =	vld [tilespmem:s1+$0x1400]  }
0xaf: {  	v6 =	vld [tilespmem:s1+$0x1480];
	vm12 =	veq.s32 v1, $0x0  }
0xb0: {  	v7 =	vld [tilespmem:s1+$0x1500];
	v16 =	vsel vm12, $0x0, v0  }
0xb1: {  	s15 =	simm.s32 $0x10;
	v3 =	vld [tilespmem:$0x44C0];
	v2 =	vmul.f32 $8.000000000e+00, v16  }
0xb2: {  	v8 =	vld [tilespmem:s15+$0x0]  }
0xb3: {  	s8 =	simm.s32 $0x80;
	v4 =	vld [tilespmem:$0x44D0];
	v10 =	vmul.f32 v16, v12;
	v14 =	vmul.f32 v2, v5  }
0xb4: {  	s9 =	sand.u32 $0xC00, s8;
	s12 =	sand.u32 $0x70, s15;
	v1 =	vld [tilespmem:$0x44F0];
	v15 =	vmul.f32 v16, v13;
	v6 =	vmul.f32 v2, v6  }
0xb5: {  	s4 =	sor.u32 s12, s9;
	v17 =	vmul.f32 v16, v11;
	v5 =	vld [tilespmem:$0x44E0];
	v7 =	vmul.f32 v7, v2;
	v10 =	vadd.f32 v14, v10  }
0xb6: {  	v6 =	vadd.f32 v6, v15;
	v14 =	vld [tilespmem:s4+$0x1400]  }
0xb7: {  	vm13 =	veq.s32 v8, $0x0;
	v7 =	vadd.f32 v7, v17;
	v15 =	vld [tilespmem:s4+$0x1480];
	[tilespmem:s1+$0x5800] =	vst v10  }
0xb8: {  	s13 =	sor.u32 s14, s2;
	v8 =	vld [tilespmem:s4+$0x1500];
	[tilespmem:s1+$0x5880] =	vst v6;
	v6 =	vsel vm13, $0x0, v0  }
0xb9: {  	s0 =	sor.u32 $0x1180, s13;
	[tilespmem:s1+$0x5900] =	vst v7;
	v7 =	vmul.f32 $8.000000000e+00, v6  }
0xba: {  	s17 =	simm.s32 $0x20;
	v10 =	vld [tilespmem:s0+$0x400]  }
0xbb: {  	v17 =	vld [tilespmem:s17+$0x0];
	v18 =	vmul.f32 v6, v12;
	v14 =	vmul.f32 v7, v14  }
0xbc: {  	s20 =	simm.s32 $0x100;
	v19 =	vmul.f32 v6, v13;
	v15 =	vmul.f32 v7, v15  }
0xbd: {  	s24 =	sand.u32 $0x70, s17;
	s25 =	sand.u32 $0xC00, s20;
	v20 =	vmul.f32 v6, v11;
	v8 =	vmul.f32 v8, v7;
	v14 =	vadd.f32 v14, v18  }
0xbe: {  	s12 =	sor.u32 s24, s25;
	v15 =	vadd.f32 v15, v19  }
0xbf: {  	v8 =	vadd.f32 v8, v20;
	v18 =	vmul.f32 v16, v9;
	v10 =	vmul.f32 v10, v2;
	[tilespmem:s4+$0x5800] =	vst v14;
	v14 =	vld [tilespmem:s12+$0x1400]  }
0xc0: {  	s29 =	sor.u32 s9, s15;
	vm14 =	veq.s32 v17, $0x0;
	v19 =	vld [tilespmem:s12+$0x1480];
	[tilespmem:s4+$0x5880] =	vst v15  }
0xc1: {  	s9 =	sor.u32 $0x1180, s29;
	v15 =	vld [tilespmem:s12+$0x1500];
	[tilespmem:s4+$0x5900] =	vst v8;
	v8 =	vsel vm14, $0x0, v0;
	v17 =	vadd.f32 v10, v18  }
0xc2: {  	s30 =	simm.s32 $0x30;
	v18 =	vld [tilespmem:s9+$0x400];
	v10 =	vmul.f32 $8.000000000e+00, v8  }
0xc3: {  	v20 =	vld [tilespmem:s30+$0x0];
	[tilespmem:s0+$0x4800] =	vst v17  }
0xc4: {  	s31 =	simm.s32 $0x180;
	v17 =	vmul.f32 v8, v12;
	v21 =	vld [tilespmem:s1+$0x1600];
	v14 =	vmul.f32 v10, v14  }
0xc5: {  	s26 =	sand.u32 $0x70, s30;
	s28 =	sand.u32 $0xC00, s31;
	v22 =	vmul.f32 v8, v13;
	v19 =	vmul.f32 v10, v19;
	v23 =	vld [tilespmem:s1+$0x1680]  }
0xc6: {  	s13 =	sor.u32 s26, s28;
	v25 =	vmul.f32 v8, v11;
	v24 =	vld [tilespmem:s1+$0x1700];
	v15 =	vmul.f32 v15, v10;
	v14 =	vadd.f32 v14, v17  }
0xc7: {  	v26 =	vld [tilespmem:s13+$0x1400];
	v18 =	vmul.f32 v18, v7;
	v17 =	vadd.f32 v19, v22;
	v22 =	vmul.f32 v16, v3  }
0xc8: {  	v19 =	vld [tilespmem:s13+$0x1480];
	v15 =	vadd.f32 v15, v25;
	v25 =	vmul.f32 v16, v5;
	[tilespmem:s12+$0x5800] =	vst v14;
	v14 =	vmul.f32 v6, v9  }
0xc9: {  	s29 =	sor.u32 s25, s17;
	vm15 =	veq.s32 v20, $0x0;
	[tilespmem:s12+$0x5880] =	vst v17;
	v17 =	vld [tilespmem:s13+$0x1500];
	v20 =	vmul.f32 v21, v2;
	v21 =	vmul.f32 v16, v4  }
0xca: {  	s0 =	sor.u32 $0x1180, s29;
	[tilespmem:s12+$0x5900] =	vst v15;
	v15 =	vsel vm15, $0x0, v0;
	v23 =	vmul.f32 v23, v2;
	v18 =	vadd.f32 v18, v14  }
0xcb: {  	s5 =	simm.s32 $0x40;
	v24 =	vmul.f32 v24, v2;
	v27 =	vld [tilespmem:s0+$0x400];
	v14 =	vmul.f32 $8.000000000e+00, v15;
	v22 =	vadd.f32 v20, v22  }
0xcc: {  	s19 =	sor.u32 s28, s30;
	v61 =	vmul.f32 v15, v13;
	v62 =	vmul.f32 v15, v12;
	v20 =	vld [tilespmem:s5+$0x0];
	v21 =	vadd.f32 v23, v21;
	[tilespmem:s9+$0x4800] =	vst v18  }
0xcd: {  	s14 =	sor.u32 s31, s30;
	s2 =	sor.u32 s2, s2;
	s25 =	simm.s32 $0x200;
	v63 =	vmul.f32 v15, v11;
	v23 =	vmul.f32 v14, v26;
	[tilespmem:s1+$0x5A00] =	vst v22;
	v22 =	vadd.f32 v24, v25;
	v18 =	vld [tilespmem:s4+$0x1700]  }
0xce: {  	s24 =	sor.u32 s8, s15;
	s15 =	sor.u32 $0x1380, s2;
	s31 =	sand.u32 $0xC00, s25;
	v26 =	vmul.f32 v14, v19;
	[tilespmem:s1+$0x5A80] =	vst v21;
	v17 =	vmul.f32 v17, v14;
	v19 =	vld [tilespmem:s4+$0x1600]  }
0xcf: {  	s2 =	sor.u32 s25, s5;
	s8 =	sor.u32 s31, s5;
	s30 =	sand.u32 $0x70, s5;
	v16 =	vmul.f32 v16, v1;
	v21 =	vld [tilespmem:s4+$0x1680];
	v25 =	vadd.f32 v23, v62;
	[tilespmem:s1+$0x5B00] =	vst v22  }
0xd0: {  	s17 =	sor.u32 s20, s17;
	s20 =	simm.s32 $0x50;
	v24 =	vadd.f32 v26, v61;
	v22 =	vmul.f32 v27, v10;
	s1 =	sor.u32 s30, s31;
	v23 =	vadd.f32 v17, v63;
	v17 =	vld [tilespmem:s15+$0x400]  }
.LBB2_5:
0xd1: {  	p0 =	sne.s32 s20, $0x1F0;
	v26 =	vld [tilespmem:s1+$0x1480];
	[tilespmem:s13+$0x5800] =	vst v25;
	v25 =	vmul.f32 v6, v3;
	v27 =	vmul.f32 v6, v5;
	v28 =	vmovc v15;
	v29 =	vmov v2;
	s26 =	smov.u32 s20;
	s20 =	sadd.s32 $0x10, s20  }
0xd2: {  	v2 =	vmovc v7;
	s9 =	smov.u32 s17;
	s17 =	smov.u32 s14;
	s14 =	smov.u32 s2;
	v30 =	vld [tilespmem:s1+$0x1400];
	[tilespmem:s13+$0x5880] =	vst v24;
	v24 =	vmul.f32 v8, v9;
	v31 =	vmul.f32 v18, v7;
	v7 =	vmov v10  }
0xd3: {  	vm0 =	veq.s32 v20, $0x0;
	s2 =	sor.u32 $0x1180, s19;
	s28 =	smov.u32 s4;
	s4 =	smov.u32 s12;
	v10 =	vmovc v14;
	v32 =	vld [tilespmem:s1+$0x1500];
	[tilespmem:s13+$0x5900] =	vst v23;
	v18 =	vmul.f32 v19, v2;
	v19 =	vmul.f32 v6, v4  }
0xd4: {  	s12 =	smov.u32 s13;
	s19 =	smov.u32 s8;
	v15 =	vsel vm0, $0x0, v0;
	s13 =	smov.u32 s1;
	v23 =	vld [tilespmem:s2+$0x400];
	v22 =	vadd.f32 v22, v24;
	v21 =	vmul.f32 v21, v2  }
0xd5: {  	s5 =	sadd.s32 $0x10, s5;
	v14 =	vmul.f32 $8.000000000e+00, v15;
	v24 =	vmul.f32 v15, v13;
	v25 =	vadd.f32 v18, v25  }
.Ltmp1:
0xd6: {  	v33 =	vmul.f32 v15, v12;
	v17 =	vmul.f32 v17, v29;
	v20 =	vld [tilespmem:s5+$0x0];
	[tilespmem:s0+$0x4800] =	vst v22;
	v21 =	vadd.f32 v21, v19;
	s0 =	smov.u32 s2;
	(pc) =	sbr.rel @p0 .LBB2_5-.Ltmp1, $4  }
0xd7: {  	v27 =	vadd.f32 v31, v27;
	v26 =	vmul.f32 v14, v26;
	v22 =	vmul.f32 v14, v30;
	v18 =	vld [tilespmem:s4+$0x1700];
	[tilespmem:s28+$0x5A00] =	vst v25  }
0xd8: {  	s25 =	sadd.s32 $0x80, s25;
	s29 =	sor.u32 $0x1380, s24;
	s24 =	smov.u32 s9;
	v30 =	vmul.f32 v15, v11;
	v31 =	vadd.f32 v17, v16;
	v29 =	vmul.f32 v32, v14;
	v19 =	vld [tilespmem:s4+$0x1600];
	[tilespmem:s28+$0x5A80] =	vst v21  }
0xd9: {  	s8 =	sand.u32 $0xC00, s25;
	s1 =	sand.u32 $0x70, s26;
	s2 =	sor.u32 s25, s26;
	v24 =	vadd.f32 v26, v24;
	v25 =	vadd.f32 v22, v33;
	v22 =	vmul.f32 v23, v10;
	v21 =	vld [tilespmem:s4+$0x1680];
	[tilespmem:s28+$0x5B00] =	vst v27  }
0xda: {  	s1 =	sor.u32 s1, s8;
	s8 =	sor.u32 s8, s26;
	v16 =	vmul.f32 v6, v1;
	v6 =	vmovc v8;
	v8 =	vmov v28;
	v23 =	vadd.f32 v29, v30;
	v17 =	vld [tilespmem:s29+$0x400];
	[tilespmem:s15+$0x4800] =	vst v31;
	s15 =	smov.u32 s29  }
0xdb: {  	v26 =	vld [tilespmem:s1+$0x1400]  }
0xdc: {  	v27 =	vld [tilespmem:s1+$0x1480];
	vm0 =	veq.s32 v20, $0x0  }
0xdd: {  	v20 =	vld [tilespmem:s1+$0x1500];
	v28 =	vsel vm0, $0x0, v0  }
0xde: {  	v29 =	vmul.f32 $8.000000000e+00, v28;
	_ =	sdelay $0x1  }
0xdf: {  	v12 =	vmul.f32 v28, v12;
	v26 =	vmul.f32 v29, v26  }
0xe0: {  	[tilespmem:s13+$0x5800] =	vst v25;
	v13 =	vmul.f32 v28, v13;
	v25 =	vmul.f32 v29, v27  }
0xe1: {  	[tilespmem:s13+$0x5880] =	vst v24;
	v11 =	vmul.f32 v28, v11;
	v20 =	vmul.f32 v20, v29;
	v12 =	vadd.f32 v26, v12  }
0xe2: {  	s5 =	sor.u32 $0x1180, s19;
	[tilespmem:s13+$0x5900] =	vst v23;
	v13 =	vadd.f32 v25, v13  }
0xe3: {  	v23 =	vld [tilespmem:s5+$0x400];
	v11 =	vadd.f32 v20, v11;
	[tilespmem:s1+$0x5800] =	vst v12  }
0xe4: {  	[tilespmem:s1+$0x5880] =	vst v13  }
0xe5: {  	s8 =	sor.u32 $0x1180, s8;
	v12 =	vmul.f32 v8, v9;
	[tilespmem:s1+$0x5900] =	vst v11  }
0xe6: {  	v11 =	vld [tilespmem:s8+$0x400]  }
0xe7: {  	v12 =	vadd.f32 v22, v12  }
0xe8: {  	v20 =	vmul.f32 v15, v9;
	v13 =	vmul.f32 v23, v14  }
0xe9: {  	[tilespmem:s0+$0x4800] =	vst v12  }
0xea: {  	v13 =	vadd.f32 v13, v20;
	v12 =	vld [tilespmem:s12+$0x1600]  }
0xeb: {  	v9 =	vmul.f32 v28, v9;
	v20 =	vld [tilespmem:s12+$0x1680];
	v11 =	vmul.f32 v11, v29  }
0xec: {  	v19 =	vmul.f32 v19, v7;
	v22 =	vmul.f32 v6, v3;
	[tilespmem:s5+$0x4800] =	vst v13;
	v23 =	vld [tilespmem:s12+$0x1700]  }
0xed: {  	v21 =	vmul.f32 v21, v7;
	v13 =	vmul.f32 v6, v4;
	v24 =	vld [tilespmem:s13+$0x1600];
	v9 =	vadd.f32 v11, v9  }
0xee: {  	v18 =	vmul.f32 v18, v7;
	v19 =	vadd.f32 v19, v22;
	v22 =	vld [tilespmem:s13+$0x1680];
	v11 =	vmul.f32 v6, v5  }
0xef: {  	v25 =	vld [tilespmem:s13+$0x1700];
	v13 =	vadd.f32 v21, v13;
	v21 =	vmul.f32 v8, v3;
	v12 =	vmul.f32 v12, v10;
	[tilespmem:s8+$0x4800] =	vst v9  }
0xf0: {  	[tilespmem:s4+$0x5A00] =	vst v19;
	v9 =	vadd.f32 v18, v11;
	v11 =	vmul.f32 v8, v4;
	v18 =	vmul.f32 v20, v10;
	v19 =	vld [tilespmem:s1+$0x1600]  }
0xf1: {  	[tilespmem:s4+$0x5A80] =	vst v13;
	v13 =	vmul.f32 v8, v5;
	v20 =	vmul.f32 v23, v10;
	v12 =	vadd.f32 v12, v21;
	v21 =	vld [tilespmem:s1+$0x1680]  }
0xf2: {  	v23 =	vld [tilespmem:s1+$0x1700];
	[tilespmem:s4+$0x5B00] =	vst v9;
	v9 =	vadd.f32 v18, v11;
	v11 =	vmul.f32 v15, v3;
	v18 =	vmul.f32 v24, v14  }
0xf3: {  	[tilespmem:s12+$0x5A00] =	vst v12;
	v12 =	vadd.f32 v20, v13;
	v13 =	vmul.f32 v15, v4;
	v20 =	vmul.f32 v22, v14  }
0xf4: {  	[tilespmem:s12+$0x5A80] =	vst v9;
	v9 =	vmul.f32 v15, v5;
	v22 =	vmul.f32 v25, v14;
	v11 =	vadd.f32 v18, v11  }
0xf5: {  	v3 =	vmul.f32 v28, v3;
	[tilespmem:s12+$0x5B00] =	vst v12;
	v12 =	vadd.f32 v20, v13;
	v13 =	vmul.f32 v19, v29  }
0xf6: {  	v4 =	vmul.f32 v28, v4;
	[tilespmem:s13+$0x5A00] =	vst v11;
	v9 =	vadd.f32 v22, v9;
	v11 =	vmul.f32 v21, v29  }
0xf7: {  	v5 =	vmul.f32 v28, v5;
	[tilespmem:s13+$0x5A80] =	vst v12;
	v12 =	vmul.f32 v23, v29;
	v3 =	vadd.f32 v13, v3  }
0xf8: {  	s29 =	sor.u32 $0x1380, s24;
	[tilespmem:s13+$0x5B00] =	vst v9;
	v4 =	vadd.f32 v11, v4  }
0xf9: {  	s30 =	sor.u32 $0x1380, s17;
	v9 =	vld [tilespmem:s29+$0x400];
	[tilespmem:s1+$0x5A00] =	vst v3;
	v3 =	vadd.f32 v12, v5  }
0xfa: {  	s31 =	sor.u32 $0x1380, s14;
	v5 =	vld [tilespmem:s30+$0x400];
	[tilespmem:s1+$0x5A80] =	vst v4  }
0xfb: {  	s2 =	sor.u32 $0x1380, s2;
	v4 =	vld [tilespmem:s31+$0x400];
	[tilespmem:s1+$0x5B00] =	vst v3  }
0xfc: {  	v3 =	vld [tilespmem:s2+$0x400]  }
0xfd: {  	v2 =	vmul.f32 v17, v2  }
0xfe: {  	v6 =	vmul.f32 v6, v1;
	v7 =	vmul.f32 v9, v7  }
0xff: {  	v2 =	vadd.f32 v2, v16;
	v8 =	vmul.f32 v8, v1;
	v5 =	vmul.f32 v5, v10  }
0x100: {  	v6 =	vadd.f32 v7, v6;
	v7 =	vmul.f32 v15, v1;
	v4 =	vmul.f32 v4, v14  }
0x101: {  	[tilespmem:s15+$0x4800] =	vst v2;
	v1 =	vmul.f32 v28, v1;
	v2 =	vadd.f32 v5, v8;
	v3 =	vmul.f32 v3, v29  }
0x102: {  	[tilespmem:s29+$0x4800] =	vst v6;
	v4 =	vadd.f32 v4, v7  }
0x103: {  	[tilespmem:s30+$0x4800] =	vst v2;
	v1 =	vadd.f32 v3, v1  }
0x104: {  	[tilespmem:s31+$0x4800] =	vst v4  }
0x105: {  	[tilespmem:s2+$0x4800] =	vst v1  }
0x106: {  	s8 =	simm.s32 $0x0;
	v12 =	vld [tilespmem:$0x4500]  }
0x107: {  	v1 =	vld [tilespmem:s8+$0x0]  }
0x108: {  	v13 =	vld [tilespmem:$0x4510]  }
0x109: {  	s14 =	sand.u32 $0xC00, s8;
	s13 =	sand.u32 $0x70, s8;
	v11 =	vld [tilespmem:$0x4520]  }
0x10a: {  	s1 =	sor.u32 s13, s14;
	v9 =	vld [tilespmem:$0x4530]  }
0x10b: {  	v5 =	vld [tilespmem:s1+$0x2400]  }
0x10c: {  	v6 =	vld [tilespmem:s1+$0x2480];
	vm12 =	veq.s32 v1, $0x0  }
0x10d: {  	v7 =	vld [tilespmem:s1+$0x2500];
	v16 =	vsel vm12, $0x0, v0  }
0x10e: {  	s15 =	simm.s32 $0x10;
	v3 =	vld [tilespmem:$0x4540];
	v2 =	vmul.f32 $8.000000000e+00, v16  }
0x10f: {  	v8 =	vld [tilespmem:s15+$0x0]  }
0x110: {  	s17 =	simm.s32 $0x80;
	v4 =	vld [tilespmem:$0x4550];
	v10 =	vmul.f32 v16, v12;
	v14 =	vmul.f32 v2, v5  }
0x111: {  	s9 =	sand.u32 $0xC00, s17;
	s28 =	sand.u32 $0x70, s15;
	v1 =	vld [tilespmem:$0x4570];
	v15 =	vmul.f32 v16, v13;
	v6 =	vmul.f32 v2, v6  }
0x112: {  	s4 =	sor.u32 s28, s9;
	v17 =	vmul.f32 v16, v11;
	v5 =	vld [tilespmem:$0x4560];
	v7 =	vmul.f32 v7, v2;
	v10 =	vadd.f32 v14, v10  }
0x113: {  	v6 =	vadd.f32 v6, v15;
	v14 =	vld [tilespmem:s4+$0x2400]  }
0x114: {  	vm13 =	veq.s32 v8, $0x0;
	v7 =	vadd.f32 v7, v17;
	v15 =	vld [tilespmem:s4+$0x2480];
	[tilespmem:s1+$0x6800] =	vst v10  }
0x115: {  	s29 =	sor.u32 s14, s8;
	v8 =	vld [tilespmem:s4+$0x2500];
	[tilespmem:s1+$0x6880] =	vst v6;
	v6 =	vsel vm13, $0x0, v0  }
0x116: {  	s0 =	sor.u32 $0x2180, s29;
	[tilespmem:s1+$0x6900] =	vst v7;
	v7 =	vmul.f32 $8.000000000e+00, v6  }
0x117: {  	s30 =	simm.s32 $0x20;
	v10 =	vld [tilespmem:s0+$0x400]  }
0x118: {  	v17 =	vld [tilespmem:s30+$0x0];
	v18 =	vmul.f32 v6, v12;
	v14 =	vmul.f32 v7, v14  }
0x119: {  	s31 =	simm.s32 $0x100;
	v19 =	vmul.f32 v6, v13;
	v15 =	vmul.f32 v7, v15  }
0x11a: {  	s20 =	sand.u32 $0x70, s30;
	s24 =	sand.u32 $0xC00, s31;
	v20 =	vmul.f32 v6, v11;
	v8 =	vmul.f32 v8, v7;
	v14 =	vadd.f32 v14, v18  }
0x11b: {  	s12 =	sor.u32 s20, s24;
	v15 =	vadd.f32 v15, v19  }
0x11c: {  	v8 =	vadd.f32 v8, v20;
	v18 =	vmul.f32 v16, v9;
	v10 =	vmul.f32 v10, v2;
	[tilespmem:s4+$0x6800] =	vst v14;
	v14 =	vld [tilespmem:s12+$0x2400]  }
0x11d: {  	s26 =	sor.u32 s9, s15;
	vm14 =	veq.s32 v17, $0x0;
	v19 =	vld [tilespmem:s12+$0x2480];
	[tilespmem:s4+$0x6880] =	vst v15  }
0x11e: {  	s9 =	sor.u32 $0x2180, s26;
	v15 =	vld [tilespmem:s12+$0x2500];
	[tilespmem:s4+$0x6900] =	vst v8;
	v8 =	vsel vm14, $0x0, v0;
	v17 =	vadd.f32 v10, v18  }
0x11f: {  	s20 =	simm.s32 $0x30;
	v18 =	vld [tilespmem:s9+$0x400];
	v10 =	vmul.f32 $8.000000000e+00, v8  }
0x120: {  	v20 =	vld [tilespmem:s20+$0x0];
	[tilespmem:s0+$0x4800] =	vst v17  }
0x121: {  	s25 =	simm.s32 $0x180;
	v17 =	vmul.f32 v8, v12;
	v21 =	vld [tilespmem:s1+$0x2600];
	v14 =	vmul.f32 v10, v14  }
0x122: {  	s26 =	sand.u32 $0xC00, s25;
	s28 =	sand.u32 $0x70, s20;
	v22 =	vmul.f32 v8, v13;
	v19 =	vmul.f32 v10, v19;
	v23 =	vld [tilespmem:s1+$0x2680]  }
0x123: {  	s13 =	sor.u32 s28, s26;
	v25 =	vmul.f32 v8, v11;
	v24 =	vld [tilespmem:s1+$0x2700];
	v15 =	vmul.f32 v15, v10;
	v14 =	vadd.f32 v14, v17  }
0x124: {  	v26 =	vld [tilespmem:s13+$0x2400];
	v18 =	vmul.f32 v18, v7;
	v17 =	vadd.f32 v19, v22;
	v22 =	vmul.f32 v16, v3  }
0x125: {  	v19 =	vld [tilespmem:s13+$0x2480];
	v15 =	vadd.f32 v15, v25;
	v25 =	vmul.f32 v16, v5;
	[tilespmem:s12+$0x6800] =	vst v14;
	v14 =	vmul.f32 v6, v9  }
0x126: {  	s29 =	sor.u32 s24, s30;
	vm15 =	veq.s32 v20, $0x0;
	[tilespmem:s12+$0x6880] =	vst v17;
	v17 =	vld [tilespmem:s13+$0x2500];
	v20 =	vmul.f32 v21, v2;
	v21 =	vmul.f32 v16, v4  }
0x127: {  	s0 =	sor.u32 $0x2180, s29;
	[tilespmem:s12+$0x6900] =	vst v15;
	v15 =	vsel vm15, $0x0, v0;
	v23 =	vmul.f32 v23, v2;
	v18 =	vadd.f32 v18, v14  }
0x128: {  	s5 =	simm.s32 $0x40;
	v24 =	vmul.f32 v24, v2;
	v27 =	vld [tilespmem:s0+$0x400];
	v14 =	vmul.f32 $8.000000000e+00, v15;
	v22 =	vadd.f32 v20, v22  }
0x129: {  	s2 =	sor.u32 s8, s8;
	v62 =	vmul.f32 v15, v13;
	v63 =	vmul.f32 v15, v12;
	v20 =	vld [tilespmem:s5+$0x0];
	v21 =	vadd.f32 v23, v21;
	[tilespmem:s9+$0x4800] =	vst v18  }
0x12a: {  	s24 =	sor.u32 s17, s15;
	s17 =	sor.u32 s31, s30;
	s14 =	sor.u32 s25, s20;
	v30 =	vmul.f32 v15, v11;
	v23 =	vmul.f32 v14, v26;
	[tilespmem:s1+$0x6A00] =	vst v22;
	v22 =	vadd.f32 v24, v25;
	v18 =	vld [tilespmem:s4+$0x2700]  }
0x12b: {  	s19 =	sor.u32 s26, s20;
	s25 =	simm.s32 $0x200;
	s15 =	sor.u32 $0x2380, s2;
	v26 =	vmul.f32 v14, v19;
	[tilespmem:s1+$0x6A80] =	vst v21;
	v17 =	vmul.f32 v17, v14;
	v19 =	vld [tilespmem:s4+$0x2600]  }
0x12c: {  	s31 =	sand.u32 $0xC00, s25;
	s2 =	sor.u32 s25, s5;
	s30 =	sand.u32 $0x70, s5;
	v16 =	vmul.f32 v16, v1;
	v21 =	vld [tilespmem:s4+$0x2680];
	v25 =	vadd.f32 v23, v63;
	[tilespmem:s1+$0x6B00] =	vst v22  }
0x12d: {  	s8 =	sor.u32 s31, s5;
	s20 =	simm.s32 $0x50;
	v24 =	vadd.f32 v26, v62;
	v22 =	vmul.f32 v27, v10;
	s1 =	sor.u32 s30, s31;
	v23 =	vadd.f32 v17, v30;
	v17 =	vld [tilespmem:s15+$0x400]  }
.LBB2_7:
0x12e: {  	p0 =	sne.s32 s20, $0x1F0;
	v26 =	vld [tilespmem:s1+$0x2480];
	[tilespmem:s13+$0x6800] =	vst v25;
	v25 =	vmul.f32 v6, v3;
	v27 =	vmul.f32 v6, v5;
	v28 =	vmovc v15;
	v29 =	vmov v2;
	s26 =	smov.u32 s20;
	s20 =	sadd.s32 $0x10, s20  }
0x12f: {  	v2 =	vmovc v7;
	s9 =	smov.u32 s17;
	s17 =	smov.u32 s14;
	s14 =	smov.u32 s2;
	v30 =	vld [tilespmem:s1+$0x2400];
	[tilespmem:s13+$0x6880] =	vst v24;
	v24 =	vmul.f32 v8, v9;
	v31 =	vmul.f32 v18, v7;
	v7 =	vmov v10  }
0x130: {  	vm0 =	veq.s32 v20, $0x0;
	s2 =	sor.u32 $0x2180, s19;
	s28 =	smov.u32 s4;
	s4 =	smov.u32 s12;
	v10 =	vmovc v14;
	v32 =	vld [tilespmem:s1+$0x2500];
	[tilespmem:s13+$0x6900] =	vst v23;
	v18 =	vmul.f32 v19, v2;
	v19 =	vmul.f32 v6, v4  }
0x131: {  	s12 =	smov.u32 s13;
	s19 =	smov.u32 s8;
	v15 =	vsel vm0, $0x0, v0;
	s13 =	smov.u32 s1;
	v23 =	vld [tilespmem:s2+$0x400];
	v22 =	vadd.f32 v22, v24;
	v21 =	vmul.f32 v21, v2  }
0x132: {  	s5 =	sadd.s32 $0x10, s5;
	v14 =	vmul.f32 $8.000000000e+00, v15;
	v24 =	vmul.f32 v15, v13;
	v25 =	vadd.f32 v18, v25  }
.Ltmp2:
0x133: {  	v33 =	vmul.f32 v15, v12;
	v17 =	vmul.f32 v17, v29;
	v20 =	vld [tilespmem:s5+$0x0];
	[tilespmem:s0+$0x4800] =	vst v22;
	v21 =	vadd.f32 v21, v19;
	s0 =	smov.u32 s2;
	(pc) =	sbr.rel @p0 .LBB2_7-.Ltmp2, $4  }
0x134: {  	v27 =	vadd.f32 v31, v27;
	v26 =	vmul.f32 v14, v26;
	v22 =	vmul.f32 v14, v30;
	v18 =	vld [tilespmem:s4+$0x2700];
	[tilespmem:s28+$0x6A00] =	vst v25  }
0x135: {  	s25 =	sadd.s32 $0x80, s25;
	s29 =	sor.u32 $0x2380, s24;
	s24 =	smov.u32 s9;
	v30 =	vmul.f32 v15, v11;
	v31 =	vadd.f32 v17, v16;
	v29 =	vmul.f32 v32, v14;
	v19 =	vld [tilespmem:s4+$0x2600];
	[tilespmem:s28+$0x6A80] =	vst v21  }
0x136: {  	s8 =	sand.u32 $0xC00, s25;
	s1 =	sand.u32 $0x70, s26;
	s2 =	sor.u32 s25, s26;
	v24 =	vadd.f32 v26, v24;
	v25 =	vadd.f32 v22, v33;
	v22 =	vmul.f32 v23, v10;
	v21 =	vld [tilespmem:s4+$0x2680];
	[tilespmem:s28+$0x6B00] =	vst v27  }
0x137: {  	s1 =	sor.u32 s1, s8;
	s8 =	sor.u32 s8, s26;
	v16 =	vmul.f32 v6, v1;
	v6 =	vmovc v8;
	v8 =	vmov v28;
	v23 =	vadd.f32 v29, v30;
	v17 =	vld [tilespmem:s29+$0x400];
	[tilespmem:s15+$0x4800] =	vst v31;
	s15 =	smov.u32 s29  }
0x138: {  	v26 =	vld [tilespmem:s1+$0x2400]  }
0x139: {  	v27 =	vld [tilespmem:s1+$0x2480];
	vm0 =	veq.s32 v20, $0x0  }
0x13a: {  	v20 =	vld [tilespmem:s1+$0x2500];
	v28 =	vsel vm0, $0x0, v0  }
0x13b: {  	v29 =	vmul.f32 $8.000000000e+00, v28;
	_ =	sdelay $0x1  }
0x13c: {  	v12 =	vmul.f32 v28, v12;
	v26 =	vmul.f32 v29, v26  }
0x13d: {  	[tilespmem:s13+$0x6800] =	vst v25;
	v13 =	vmul.f32 v28, v13;
	v25 =	vmul.f32 v29, v27  }
0x13e: {  	[tilespmem:s13+$0x6880] =	vst v24;
	v11 =	vmul.f32 v28, v11;
	v20 =	vmul.f32 v20, v29;
	v12 =	vadd.f32 v26, v12  }
0x13f: {  	s5 =	sor.u32 $0x2180, s19;
	[tilespmem:s13+$0x6900] =	vst v23;
	v13 =	vadd.f32 v25, v13  }
0x140: {  	v23 =	vld [tilespmem:s5+$0x400];
	v11 =	vadd.f32 v20, v11;
	[tilespmem:s1+$0x6800] =	vst v12  }
0x141: {  	[tilespmem:s1+$0x6880] =	vst v13  }
0x142: {  	s8 =	sor.u32 $0x2180, s8;
	v12 =	vmul.f32 v8, v9;
	[tilespmem:s1+$0x6900] =	vst v11  }
0x143: {  	v11 =	vld [tilespmem:s8+$0x400]  }
0x144: {  	v12 =	vadd.f32 v22, v12  }
0x145: {  	v20 =	vmul.f32 v15, v9;
	v13 =	vmul.f32 v23, v14  }
0x146: {  	[tilespmem:s0+$0x4800] =	vst v12  }
0x147: {  	v13 =	vadd.f32 v13, v20;
	v12 =	vld [tilespmem:s12+$0x2600]  }
0x148: {  	v9 =	vmul.f32 v28, v9;
	v20 =	vld [tilespmem:s12+$0x2680];
	v11 =	vmul.f32 v11, v29  }
0x149: {  	v19 =	vmul.f32 v19, v7;
	v22 =	vmul.f32 v6, v3;
	[tilespmem:s5+$0x4800] =	vst v13;
	v23 =	vld [tilespmem:s12+$0x2700]  }
0x14a: {  	v21 =	vmul.f32 v21, v7;
	v13 =	vmul.f32 v6, v4;
	v24 =	vld [tilespmem:s13+$0x2600];
	v9 =	vadd.f32 v11, v9  }
0x14b: {  	v18 =	vmul.f32 v18, v7;
	v19 =	vadd.f32 v19, v22;
	v22 =	vld [tilespmem:s13+$0x2680];
	v11 =	vmul.f32 v6, v5  }
0x14c: {  	v25 =	vld [tilespmem:s13+$0x2700];
	v13 =	vadd.f32 v21, v13;
	v21 =	vmul.f32 v8, v3;
	v12 =	vmul.f32 v12, v10;
	[tilespmem:s8+$0x4800] =	vst v9  }
0x14d: {  	[tilespmem:s4+$0x6A00] =	vst v19;
	v9 =	vadd.f32 v18, v11;
	v11 =	vmul.f32 v8, v4;
	v18 =	vmul.f32 v20, v10;
	v19 =	vld [tilespmem:s1+$0x2600]  }
0x14e: {  	[tilespmem:s4+$0x6A80] =	vst v13;
	v13 =	vmul.f32 v8, v5;
	v20 =	vmul.f32 v23, v10;
	v12 =	vadd.f32 v12, v21;
	v21 =	vld [tilespmem:s1+$0x2680]  }
0x14f: {  	v23 =	vld [tilespmem:s1+$0x2700];
	[tilespmem:s4+$0x6B00] =	vst v9;
	v9 =	vadd.f32 v18, v11;
	v11 =	vmul.f32 v15, v3;
	v18 =	vmul.f32 v24, v14  }
0x150: {  	[tilespmem:s12+$0x6A00] =	vst v12;
	v12 =	vadd.f32 v20, v13;
	v13 =	vmul.f32 v15, v4;
	v20 =	vmul.f32 v22, v14  }
0x151: {  	[tilespmem:s12+$0x6A80] =	vst v9;
	v9 =	vmul.f32 v15, v5;
	v22 =	vmul.f32 v25, v14;
	v11 =	vadd.f32 v18, v11  }
0x152: {  	v3 =	vmul.f32 v28, v3;
	[tilespmem:s12+$0x6B00] =	vst v12;
	v12 =	vadd.f32 v20, v13;
	v13 =	vmul.f32 v19, v29  }
0x153: {  	v4 =	vmul.f32 v28, v4;
	[tilespmem:s13+$0x6A00] =	vst v11;
	v9 =	vadd.f32 v22, v9;
	v11 =	vmul.f32 v21, v29  }
0x154: {  	v5 =	vmul.f32 v28, v5;
	[tilespmem:s13+$0x6A80] =	vst v12;
	v12 =	vmul.f32 v23, v29;
	v3 =	vadd.f32 v13, v3  }
0x155: {  	s29 =	sor.u32 $0x2380, s24;
	[tilespmem:s13+$0x6B00] =	vst v9;
	v4 =	vadd.f32 v11, v4  }
0x156: {  	s30 =	sor.u32 $0x2380, s17;
	v9 =	vld [tilespmem:s29+$0x400];
	[tilespmem:s1+$0x6A00] =	vst v3;
	v3 =	vadd.f32 v12, v5  }
0x157: {  	s31 =	sor.u32 $0x2380, s14;
	v5 =	vld [tilespmem:s30+$0x400];
	[tilespmem:s1+$0x6A80] =	vst v4  }
0x158: {  	s2 =	sor.u32 $0x2380, s2;
	v4 =	vld [tilespmem:s31+$0x400];
	[tilespmem:s1+$0x6B00] =	vst v3  }
0x159: {  	v3 =	vld [tilespmem:s2+$0x400]  }
0x15a: {  	v2 =	vmul.f32 v17, v2  }
0x15b: {  	v6 =	vmul.f32 v6, v1;
	v7 =	vmul.f32 v9, v7  }
0x15c: {  	v2 =	vadd.f32 v2, v16;
	v8 =	vmul.f32 v8, v1;
	v5 =	vmul.f32 v5, v10  }
0x15d: {  	v6 =	vadd.f32 v7, v6;
	v7 =	vmul.f32 v15, v1;
	v4 =	vmul.f32 v4, v14  }
0x15e: {  	[tilespmem:s15+$0x4800] =	vst v2;
	v1 =	vmul.f32 v28, v1;
	v2 =	vadd.f32 v5, v8;
	v3 =	vmul.f32 v3, v29  }
0x15f: {  	[tilespmem:s29+$0x4800] =	vst v6;
	v4 =	vadd.f32 v4, v7  }
0x160: {  	[tilespmem:s30+$0x4800] =	vst v2;
	v1 =	vadd.f32 v3, v1  }
0x161: {  	[tilespmem:s31+$0x4800] =	vst v4  }
0x162: {  	[tilespmem:s2+$0x4800] =	vst v1  }
0x163: {  	s8 =	simm.s32 $0x0;
	v12 =	vld [tilespmem:$0x4580]  }
0x164: {  	v1 =	vld [tilespmem:s8+$0x0]  }
0x165: {  	v13 =	vld [tilespmem:$0x4590]  }
0x166: {  	s14 =	sand.u32 $0xC00, s8;
	s13 =	sand.u32 $0x70, s8;
	v11 =	vld [tilespmem:$0x45A0]  }
0x167: {  	s1 =	sor.u32 s13, s14;
	v9 =	vld [tilespmem:$0x45B0]  }
0x168: {  	v5 =	vld [tilespmem:s1+$0x3400]  }
0x169: {  	v6 =	vld [tilespmem:s1+$0x3480];
	vm12 =	veq.s32 v1, $0x0  }
0x16a: {  	v7 =	vld [tilespmem:s1+$0x3500];
	v16 =	vsel vm12, $0x0, v0  }
0x16b: {  	s15 =	simm.s32 $0x10;
	v3 =	vld [tilespmem:$0x45C0];
	v2 =	vmul.f32 $8.000000000e+00, v16  }
0x16c: {  	v8 =	vld [tilespmem:s15+$0x0]  }
0x16d: {  	s17 =	simm.s32 $0x80;
	v4 =	vld [tilespmem:$0x45D0];
	v10 =	vmul.f32 v16, v12;
	v14 =	vmul.f32 v2, v5  }
0x16e: {  	s9 =	sand.u32 $0xC00, s17;
	s28 =	sand.u32 $0x70, s15;
	v1 =	vld [tilespmem:$0x45F0];
	v15 =	vmul.f32 v16, v13;
	v6 =	vmul.f32 v2, v6  }
0x16f: {  	s4 =	sor.u32 s28, s9;
	v17 =	vmul.f32 v16, v11;
	v5 =	vld [tilespmem:$0x45E0];
	v7 =	vmul.f32 v7, v2;
	v10 =	vadd.f32 v14, v10  }
0x170: {  	v6 =	vadd.f32 v6, v15;
	v14 =	vld [tilespmem:s4+$0x3400]  }
0x171: {  	vm13 =	veq.s32 v8, $0x0;
	v7 =	vadd.f32 v7, v17;
	v15 =	vld [tilespmem:s4+$0x3480];
	[tilespmem:s1+$0x7800] =	vst v10  }
0x172: {  	s29 =	sor.u32 s14, s8;
	v8 =	vld [tilespmem:s4+$0x3500];
	[tilespmem:s1+$0x7880] =	vst v6;
	v6 =	vsel vm13, $0x0, v0  }
0x173: {  	s0 =	sor.u32 $0x3180, s29;
	[tilespmem:s1+$0x7900] =	vst v7;
	v7 =	vmul.f32 $8.000000000e+00, v6  }
0x174: {  	s30 =	simm.s32 $0x20;
	v10 =	vld [tilespmem:s0+$0x400]  }
0x175: {  	v17 =	vld [tilespmem:s30+$0x0];
	v18 =	vmul.f32 v6, v12;
	v14 =	vmul.f32 v7, v14  }
0x176: {  	s31 =	simm.s32 $0x100;
	v19 =	vmul.f32 v6, v13;
	v15 =	vmul.f32 v7, v15  }
0x177: {  	s20 =	sand.u32 $0x70, s30;
	s24 =	sand.u32 $0xC00, s31;
	v20 =	vmul.f32 v6, v11;
	v8 =	vmul.f32 v8, v7;
	v14 =	vadd.f32 v14, v18  }
0x178: {  	s12 =	sor.u32 s20, s24;
	v15 =	vadd.f32 v15, v19  }
0x179: {  	v8 =	vadd.f32 v8, v20;
	v18 =	vmul.f32 v16, v9;
	v10 =	vmul.f32 v10, v2;
	[tilespmem:s4+$0x7800] =	vst v14;
	v14 =	vld [tilespmem:s12+$0x3400]  }
0x17a: {  	s26 =	sor.u32 s9, s15;
	vm14 =	veq.s32 v17, $0x0;
	v19 =	vld [tilespmem:s12+$0x3480];
	[tilespmem:s4+$0x7880] =	vst v15  }
0x17b: {  	s9 =	sor.u32 $0x3180, s26;
	v15 =	vld [tilespmem:s12+$0x3500];
	[tilespmem:s4+$0x7900] =	vst v8;
	v8 =	vsel vm14, $0x0, v0;
	v17 =	vadd.f32 v10, v18  }
0x17c: {  	s20 =	simm.s32 $0x30;
	v18 =	vld [tilespmem:s9+$0x400];
	v10 =	vmul.f32 $8.000000000e+00, v8  }
0x17d: {  	v20 =	vld [tilespmem:s20+$0x0];
	[tilespmem:s0+$0x4800] =	vst v17  }
0x17e: {  	s25 =	simm.s32 $0x180;
	v17 =	vmul.f32 v8, v12;
	v21 =	vld [tilespmem:s1+$0x3600];
	v14 =	vmul.f32 v10, v14  }
0x17f: {  	s26 =	sand.u32 $0xC00, s25;
	s28 =	sand.u32 $0x70, s20;
	v22 =	vmul.f32 v8, v13;
	v19 =	vmul.f32 v10, v19;
	v23 =	vld [tilespmem:s1+$0x3680]  }
0x180: {  	s13 =	sor.u32 s28, s26;
	v25 =	vmul.f32 v8, v11;
	v24 =	vld [tilespmem:s1+$0x3700];
	v15 =	vmul.f32 v15, v10;
	v14 =	vadd.f32 v14, v17  }
0x181: {  	v26 =	vld [tilespmem:s13+$0x3400];
	v18 =	vmul.f32 v18, v7;
	v17 =	vadd.f32 v19, v22;
	v22 =	vmul.f32 v16, v3  }
0x182: {  	v19 =	vld [tilespmem:s13+$0x3480];
	v15 =	vadd.f32 v15, v25;
	v25 =	vmul.f32 v16, v5;
	[tilespmem:s12+$0x7800] =	vst v14;
	v14 =	vmul.f32 v6, v9  }
0x183: {  	s29 =	sor.u32 s24, s30;
	vm15 =	veq.s32 v20, $0x0;
	[tilespmem:s12+$0x7880] =	vst v17;
	v17 =	vld [tilespmem:s13+$0x3500];
	v20 =	vmul.f32 v21, v2;
	v21 =	vmul.f32 v16, v4  }
0x184: {  	s0 =	sor.u32 $0x3180, s29;
	[tilespmem:s12+$0x7900] =	vst v15;
	v15 =	vsel vm15, $0x0, v0;
	v23 =	vmul.f32 v23, v2;
	v18 =	vadd.f32 v18, v14  }
0x185: {  	s5 =	simm.s32 $0x40;
	v24 =	vmul.f32 v24, v2;
	v27 =	vld [tilespmem:s0+$0x400];
	v14 =	vmul.f32 $8.000000000e+00, v15;
	v22 =	vadd.f32 v20, v22  }
0x186: {  	s2 =	sor.u32 s8, s8;
	v62 =	vmul.f32 v15, v13;
	v63 =	vmul.f32 v15, v12;
	v20 =	vld [tilespmem:s5+$0x0];
	v21 =	vadd.f32 v23, v21;
	[tilespmem:s9+$0x4800] =	vst v18  }
0x187: {  	s24 =	sor.u32 s17, s15;
	s17 =	sor.u32 s31, s30;
	s14 =	sor.u32 s25, s20;
	v30 =	vmul.f32 v15, v11;
	v23 =	vmul.f32 v14, v26;
	[tilespmem:s1+$0x7A00] =	vst v22;
	v22 =	vadd.f32 v24, v25;
	v18 =	vld [tilespmem:s4+$0x3700]  }
0x188: {  	s19 =	sor.u32 s26, s20;
	s25 =	simm.s32 $0x200;
	s15 =	sor.u32 $0x3380, s2;
	v26 =	vmul.f32 v14, v19;
	[tilespmem:s1+$0x7A80] =	vst v21;
	v17 =	vmul.f32 v17, v14;
	v19 =	vld [tilespmem:s4+$0x3600]  }
0x189: {  	s31 =	sand.u32 $0xC00, s25;
	s2 =	sor.u32 s25, s5;
	s30 =	sand.u32 $0x70, s5;
	v16 =	vmul.f32 v16, v1;
	v21 =	vld [tilespmem:s4+$0x3680];
	v25 =	vadd.f32 v23, v63;
	[tilespmem:s1+$0x7B00] =	vst v22  }
0x18a: {  	s8 =	sor.u32 s31, s5;
	s20 =	simm.s32 $0x50;
	v24 =	vadd.f32 v26, v62;
	v22 =	vmul.f32 v27, v10;
	s1 =	sor.u32 s30, s31;
	v23 =	vadd.f32 v17, v30;
	v17 =	vld [tilespmem:s15+$0x400]  }
.LBB2_9:
0x18b: {  	p0 =	sne.s32 s20, $0x1F0;
	v26 =	vld [tilespmem:s1+$0x3480];
	[tilespmem:s13+$0x7800] =	vst v25;
	v25 =	vmul.f32 v6, v3;
	v27 =	vmul.f32 v6, v5;
	v28 =	vmovc v15;
	v29 =	vmov v2;
	s26 =	smov.u32 s20;
	s20 =	sadd.s32 $0x10, s20  }
0x18c: {  	v2 =	vmovc v7;
	s9 =	smov.u32 s17;
	s17 =	smov.u32 s14;
	s14 =	smov.u32 s2;
	v30 =	vld [tilespmem:s1+$0x3400];
	[tilespmem:s13+$0x7880] =	vst v24;
	v24 =	vmul.f32 v8, v9;
	v31 =	vmul.f32 v18, v7;
	v7 =	vmov v10  }
0x18d: {  	vm0 =	veq.s32 v20, $0x0;
	s2 =	sor.u32 $0x3180, s19;
	s28 =	smov.u32 s4;
	s4 =	smov.u32 s12;
	v10 =	vmovc v14;
	v32 =	vld [tilespmem:s1+$0x3500];
	[tilespmem:s13+$0x7900] =	vst v23;
	v18 =	vmul.f32 v19, v2;
	v19 =	vmul.f32 v6, v4  }
0x18e: {  	s12 =	smov.u32 s13;
	s19 =	smov.u32 s8;
	v15 =	vsel vm0, $0x0, v0;
	s13 =	smov.u32 s1;
	v23 =	vld [tilespmem:s2+$0x400];
	v22 =	vadd.f32 v22, v24;
	v21 =	vmul.f32 v21, v2  }
0x18f: {  	s5 =	sadd.s32 $0x10, s5;
	v14 =	vmul.f32 $8.000000000e+00, v15;
	v24 =	vmul.f32 v15, v13;
	v25 =	vadd.f32 v18, v25  }
.Ltmp3:
0x190: {  	v33 =	vmul.f32 v15, v12;
	v17 =	vmul.f32 v17, v29;
	v20 =	vld [tilespmem:s5+$0x0];
	[tilespmem:s0+$0x4800] =	vst v22;
	v21 =	vadd.f32 v21, v19;
	s0 =	smov.u32 s2;
	(pc) =	sbr.rel @p0 .LBB2_9-.Ltmp3, $4  }
0x191: {  	v27 =	vadd.f32 v31, v27;
	v26 =	vmul.f32 v14, v26;
	v22 =	vmul.f32 v14, v30;
	v18 =	vld [tilespmem:s4+$0x3700];
	[tilespmem:s28+$0x7A00] =	vst v25  }
0x192: {  	s25 =	sadd.s32 $0x80, s25;
	s29 =	sor.u32 $0x3380, s24;
	s24 =	smov.u32 s9;
	v30 =	vmul.f32 v15, v11;
	v31 =	vadd.f32 v17, v16;
	v29 =	vmul.f32 v32, v14;
	v19 =	vld [tilespmem:s4+$0x3600];
	[tilespmem:s28+$0x7A80] =	vst v21  }
0x193: {  	s8 =	sand.u32 $0xC00, s25;
	s1 =	sand.u32 $0x70, s26;
	s2 =	sor.u32 s25, s26;
	v24 =	vadd.f32 v26, v24;
	v25 =	vadd.f32 v22, v33;
	v22 =	vmul.f32 v23, v10;
	v21 =	vld [tilespmem:s4+$0x3680];
	[tilespmem:s28+$0x7B00] =	vst v27  }
0x194: {  	s1 =	sor.u32 s1, s8;
	s8 =	sor.u32 s8, s26;
	v16 =	vmul.f32 v6, v1;
	v6 =	vmovc v8;
	v8 =	vmov v28;
	v23 =	vadd.f32 v29, v30;
	v17 =	vld [tilespmem:s29+$0x400];
	[tilespmem:s15+$0x4800] =	vst v31;
	s15 =	smov.u32 s29  }
0x195: {  	v26 =	vld [tilespmem:s1+$0x3400]  }
0x196: {  	v27 =	vld [tilespmem:s1+$0x3480];
	vm0 =	veq.s32 v20, $0x0  }
0x197: {  	v20 =	vld [tilespmem:s1+$0x3500];
	v28 =	vsel vm0, $0x0, v0  }
0x198: {  	v29 =	vmul.f32 $8.000000000e+00, v28;
	_ =	sdelay $0x1  }
0x199: {  	v12 =	vmul.f32 v28, v12;
	v26 =	vmul.f32 v29, v26  }
0x19a: {  	[tilespmem:s13+$0x7800] =	vst v25;
	v13 =	vmul.f32 v28, v13;
	v25 =	vmul.f32 v29, v27  }
0x19b: {  	[tilespmem:s13+$0x7880] =	vst v24;
	v11 =	vmul.f32 v28, v11;
	v20 =	vmul.f32 v20, v29;
	v12 =	vadd.f32 v26, v12  }
0x19c: {  	s5 =	sor.u32 $0x3180, s19;
	[tilespmem:s13+$0x7900] =	vst v23;
	v13 =	vadd.f32 v25, v13  }
0x19d: {  	v23 =	vld [tilespmem:s5+$0x400];
	v11 =	vadd.f32 v20, v11;
	[tilespmem:s1+$0x7800] =	vst v12  }
0x19e: {  	[tilespmem:s1+$0x7880] =	vst v13  }
0x19f: {  	s8 =	sor.u32 $0x3180, s8;
	v12 =	vmul.f32 v8, v9;
	[tilespmem:s1+$0x7900] =	vst v11  }
0x1a0: {  	v11 =	vld [tilespmem:s8+$0x400]  }
0x1a1: {  	v12 =	vadd.f32 v22, v12  }
0x1a2: {  	v20 =	vmul.f32 v15, v9;
	v13 =	vmul.f32 v23, v14  }
0x1a3: {  	[tilespmem:s0+$0x4800] =	vst v12  }
0x1a4: {  	v13 =	vadd.f32 v13, v20;
	v12 =	vld [tilespmem:s12+$0x3600]  }
0x1a5: {  	v9 =	vmul.f32 v28, v9;
	v20 =	vld [tilespmem:s12+$0x3680];
	v11 =	vmul.f32 v11, v29  }
0x1a6: {  	v19 =	vmul.f32 v19, v7;
	v22 =	vmul.f32 v6, v3;
	[tilespmem:s5+$0x4800] =	vst v13;
	v23 =	vld [tilespmem:s12+$0x3700]  }
0x1a7: {  	v21 =	vmul.f32 v21, v7;
	v13 =	vmul.f32 v6, v4;
	v24 =	vld [tilespmem:s13+$0x3600];
	v9 =	vadd.f32 v11, v9  }
0x1a8: {  	v18 =	vmul.f32 v18, v7;
	v19 =	vadd.f32 v19, v22;
	v22 =	vld [tilespmem:s13+$0x3680];
	v11 =	vmul.f32 v6, v5  }
0x1a9: {  	v25 =	vld [tilespmem:s13+$0x3700];
	v13 =	vadd.f32 v21, v13;
	v21 =	vmul.f32 v8, v3;
	v12 =	vmul.f32 v12, v10;
	[tilespmem:s8+$0x4800] =	vst v9  }
0x1aa: {  	[tilespmem:s4+$0x7A00] =	vst v19;
	v9 =	vadd.f32 v18, v11;
	v11 =	vmul.f32 v8, v4;
	v18 =	vmul.f32 v20, v10;
	v19 =	vld [tilespmem:s1+$0x3600]  }
0x1ab: {  	[tilespmem:s4+$0x7A80] =	vst v13;
	v13 =	vmul.f32 v8, v5;
	v20 =	vmul.f32 v23, v10;
	v12 =	vadd.f32 v12, v21;
	v21 =	vld [tilespmem:s1+$0x3680]  }
0x1ac: {  	v23 =	vld [tilespmem:s1+$0x3700];
	[tilespmem:s4+$0x7B00] =	vst v9;
	v9 =	vadd.f32 v18, v11;
	v11 =	vmul.f32 v15, v3;
	v18 =	vmul.f32 v24, v14  }
0x1ad: {  	[tilespmem:s12+$0x7A00] =	vst v12;
	v12 =	vadd.f32 v20, v13;
	v13 =	vmul.f32 v15, v4;
	v20 =	vmul.f32 v22, v14  }
0x1ae: {  	[tilespmem:s12+$0x7A80] =	vst v9;
	v9 =	vmul.f32 v15, v5;
	v22 =	vmul.f32 v25, v14;
	v11 =	vadd.f32 v18, v11  }
0x1af: {  	v3 =	vmul.f32 v28, v3;
	[tilespmem:s12+$0x7B00] =	vst v12;
	v12 =	vadd.f32 v20, v13;
	v13 =	vmul.f32 v19, v29  }
0x1b0: {  	v4 =	vmul.f32 v28, v4;
	[tilespmem:s13+$0x7A00] =	vst v11;
	v9 =	vadd.f32 v22, v9;
	v11 =	vmul.f32 v21, v29  }
0x1b1: {  	v5 =	vmul.f32 v28, v5;
	[tilespmem:s13+$0x7A80] =	vst v12;
	v12 =	vmul.f32 v23, v29;
	v3 =	vadd.f32 v13, v3  }
0x1b2: {  	s24 =	sor.u32 $0x3380, s24;
	[tilespmem:s13+$0x7B00] =	vst v9;
	v4 =	vadd.f32 v11, v4  }
0x1b3: {  	s25 =	sor.u32 $0x3380, s17;
	v9 =	vld [tilespmem:s24+$0x400];
	[tilespmem:s1+$0x7A00] =	vst v3;
	v3 =	vadd.f32 v12, v5  }
0x1b4: {  	s26 =	sor.u32 $0x3380, s14;
	v5 =	vld [tilespmem:s25+$0x400];
	[tilespmem:s1+$0x7A80] =	vst v4  }
0x1b5: {  	s2 =	sor.u32 $0x3380, s2;
	v4 =	vld [tilespmem:s26+$0x400];
	[tilespmem:s1+$0x7B00] =	vst v3  }
0x1b6: {  	v3 =	vld [tilespmem:s2+$0x400]  }
0x1b7: {  	v2 =	vmul.f32 v17, v2  }
0x1b8: {  	v6 =	vmul.f32 v6, v1;
	v7 =	vmul.f32 v9, v7  }
0x1b9: {  	v2 =	vadd.f32 v2, v16;
	v8 =	vmul.f32 v8, v1;
	v5 =	vmul.f32 v5, v10  }
0x1ba: {  	v6 =	vadd.f32 v7, v6;
	v7 =	vmul.f32 v15, v1;
	v4 =	vmul.f32 v4, v14  }
0x1bb: {  	[tilespmem:s15+$0x4800] =	vst v2;
	v1 =	vmul.f32 v28, v1;
	v2 =	vadd.f32 v5, v8;
	v3 =	vmul.f32 v3, v29  }
0x1bc: {  	[tilespmem:s24+$0x4800] =	vst v6;
	v4 =	vadd.f32 v4, v7  }
0x1bd: {  	[tilespmem:s25+$0x4800] =	vst v2;
	v1 =	vadd.f32 v3, v1  }
0x1be: {  	[tilespmem:s26+$0x4800] =	vst v4  }
0x1bf: {  	[tilespmem:s2+$0x4800] =	vst v1  }
0x1c0: {  	v8 =	vld [tilespmem:$0x4600]  }
0x1c1: {  	v1 =	vld [tilespmem:$0x4620]  }
0x1c2: {  	v7 =	vld [tilespmem:$0x4640]  }
0x1c3: {  	v4 =	vld [tilespmem:$0x4650]  }
0x1c4: {  	v10 =	vld [tilespmem:$0x19400]  }
0x1c5: {  	v11 =	vld [tilespmem:$0x19410]  }
0x1c6: {  	v12 =	vld [tilespmem:$0x19420]  }
0x1c7: {  	s28 =	simm.s32 $0x200;
	v14 =	vld [tilespmem:$0x19440]  }
0x1c8: {  	v2 =	vld [tilespmem:s28+$0x0]  }
0x1c9: {  	s0 =	simm.s32 $0x0;
	v15 =	vld [tilespmem:$0x19450]  }
0x1ca: {  	v13 =	vld [tilespmem:s0+$0x0]  }
0x1cb: {  	v16 =	vld [tilespmem:$0x19460]  }
0x1cc: {  	v9 =	vld [tilespmem:$0x19470]  }
0x1cd: {  	s29 =	simm.s32 $0x210;
	v5 =	vld [tilespmem:$0x19430]  }
0x1ce: {  	v22 =	vld [tilespmem:s29+$0x0];
	v17 =	vand.u32 $0xF, v2  }
0x1cf: {  	v3 =	vld [tilespmem:$0x4660];
	v18 =	vperm.xlane v10, v17;
	v19 =	vperm.xlane v12, v17  }
0x1d0: {  	v6 =	vld [tilespmem:$0x4670];
	vm0 =	veq.s32 v13, $0x0;
	v13 =	vperm.xlane v14, v17;
	v21 =	vperm.xlane v16, v17  }
0x1d1: {  	s2 =	simm.s32 $0x10;
	v2 =	vld [tilespmem:$0x4630];
	v23 =	vperm.xlane v15, v17;
	v26 =	vperm.xlane v11, v17  }
0x1d2: {  	v25 =	vld [tilespmem:s2+$0x0];
	v27 =	vperm.xlane v9, v17;
	v20 =	vsel vm0, $0x0, v0;
	v24 =	vadd.f32 v13, v7  }
0x1d3: {  	v29 =	vperm.xlane v5, v17;
	v17 =	vand.u32 $0xF, v22;
	v13 =	vld [tilespmem:$0x4610];
	v28 =	vadd.f32 v23, v4  }
0x1d4: {  	s30 =	sand.u32 $0x70, s0;
	s31 =	sand.u32 $0xC00, s0;
	v18 =	vadd.f32 v18, v8;
	v21 =	vadd.f32 v21, v3;
	v24 =	vmul.f32 v24, v20  }
0x1d5: {  	s1 =	sor.u32 s30, s31;
	v27 =	vadd.f32 v27, v6;
	v23 =	vadd.f32 v19, v1;
	v19 =	vmul.f32 v28, v20  }
0x1d6: {  	v28 =	vmul.f32 v21, v20;
	v22 =	vadd.f32 v29, v2;
	v29 =	vmul.f32 v18, v20;
	[tilespmem:s1+$0x8A00] =	vst v24  }
0x1d7: {  	vm0 =	veq.s32 v25, $0x0;
	v24 =	vmul.f32 v27, v20;
	v27 =	vperm.xlane v10, v17;
	[tilespmem:s1+$0x8A80] =	vst v19  }
0x1d8: {  	v25 =	vperm.xlane v16, v17;
	v21 =	vperm.xlane v12, v17;
	[tilespmem:s1+$0x8B00] =	vst v28;
	v26 =	vadd.f32 v26, v13  }
0x1d9: {  	s5 =	simm.s32 $0x20;
	s8 =	simm.s32 $0x220;
	s4 =	simm.s32 $0x10;
	v18 =	vperm.xlane v11, v17;
	[tilespmem:s1+$0x8800] =	vst v29;
	v19 =	vadd.f32 v27, v8;
	v27 =	vperm.xlane v14, v17  }
.LBB2_11:
0x1da: {  	v28 =	vld [tilespmem:s8+$0x0];
	p0 =	sne.s32 s5, $0x1F0;
	v29 =	vsel vm0, $0x0, v0;
	v30 =	vperm.xlane v15, v17;
	s2 =	sadd.s32 $0x10, s2;
	v26 =	vmul.f32 v26, v20;
	s0 =	sadd.s32 $0x80, s0  }
0x1db: {  	v32 =	vperm.xlane v9, v17;
	v23 =	vmul.f32 v23, v20;
	s9 =	smov.u32 s5;
	s5 =	sadd.s32 $0x10, s5;
	v31 =	vld [tilespmem:s2+$0x0];
	v27 =	vadd.f32 v27, v7;
	[tilespmem:s1+$0x8B80] =	vst v24  }
0x1dc: {  	v25 =	vadd.f32 v25, v3;
	v33 =	vmul.f32 v22, v20;
	v24 =	vadd.f32 v30, v4;
	[tilespmem:s1+$0x8880] =	vst v26  }
0x1dd: {  	s12 =	sand.u32 $0x70, s4;
	v22 =	vperm.xlane v5, v17;
	s13 =	sand.u32 $0xC00, s0;
	s4 =	smov.u32 s9;
	v26 =	vmul.f32 v27, v29;
	v27 =	vadd.f32 v32, v6;
	[tilespmem:s1+$0x8900] =	vst v23  }
.Ltmp4:
0x1de: {  	v30 =	vmul.f32 v25, v29;
	v23 =	vadd.f32 v21, v1;
	v21 =	vmul.f32 v24, v29;
	[tilespmem:s1+$0x8980] =	vst v33;
	s1 =	sor.u32 s12, s13;
	(pc) =	sbr.rel @p0 .LBB2_11-.Ltmp4, $4  }
0x1df: {  	v20 =	vmovc v29;
	v22 =	vadd.f32 v22, v2;
	v17 =	vand.u32 $0xF, v28;
	[tilespmem:s1+$0x8A00] =	vst v26;
	v24 =	vmul.f32 v27, v29  }
0x1e0: {  	v28 =	vmul.f32 v19, v20;
	vm0 =	veq.s32 v31, $0x0;
	v27 =	vperm.xlane v10, v17;
	[tilespmem:s1+$0x8A80] =	vst v21  }
0x1e1: {  	v26 =	vadd.f32 v18, v13;
	v21 =	vperm.xlane v12, v17;
	v25 =	vperm.xlane v16, v17;
	[tilespmem:s1+$0x8B00] =	vst v30  }
0x1e2: {  	s8 =	sadd.s32 $0x10, s8;
	v18 =	vperm.xlane v11, v17;
	v19 =	vadd.f32 v27, v8;
	v27 =	vperm.xlane v14, v17;
	[tilespmem:s1+$0x8800] =	vst v28  }
0x1e3: {  	v8 =	vperm.xlane v15, v17;
	v10 =	vmul.f32 v26, v20  }
0x1e4: {  	v11 =	vmul.f32 v23, v20;
	[tilespmem:s1+$0x8B80] =	vst v24;
	v12 =	vsel vm0, $0x0, v0;
	v3 =	vadd.f32 v25, v3  }
0x1e5: {  	s0 =	sadd.s32 $0x80, s0;
	v1 =	vadd.f32 v21, v1;
	v4 =	vadd.f32 v8, v4;
	[tilespmem:s1+$0x8880] =	vst v10;
	v8 =	vmul.f32 v22, v20  }
0x1e6: {  	v9 =	vperm.xlane v9, v17;
	s2 =	sand.u32 $0x70, s4;
	v7 =	vadd.f32 v27, v7;
	s0 =	sand.u32 $0xC00, s0;
	[tilespmem:s1+$0x8900] =	vst v11;
	v3 =	vmul.f32 v3, v12  }
0x1e7: {  	v5 =	vperm.xlane v5, v17;
	s0 =	sor.u32 s2, s0;
	v1 =	vmul.f32 v1, v12;
	[tilespmem:s1+$0x8980] =	vst v8  }
0x1e8: {  	v6 =	vadd.f32 v9, v6;
	v7 =	vmul.f32 v7, v12;
	[tilespmem:s0+$0x8B00] =	vst v3  }
0x1e9: {  	v2 =	vadd.f32 v5, v2;
	v4 =	vmul.f32 v4, v12;
	[tilespmem:s0+$0x8900] =	vst v1  }
0x1ea: {  	v6 =	vmul.f32 v6, v12;
	[tilespmem:s0+$0x8A00] =	vst v7  }
0x1eb: {  	v2 =	vmul.f32 v2, v12;
	[tilespmem:s0+$0x8A80] =	vst v4;
	v4 =	vadd.f32 v18, v13  }
0x1ec: {  	v7 =	vmul.f32 v19, v12;
	[tilespmem:s0+$0x8B80] =	vst v6  }
0x1ed: {  	[tilespmem:s0+$0x8980] =	vst v2;
	v3 =	vmul.f32 v4, v12  }
0x1ee: {  	[tilespmem:s0+$0x8800] =	vst v7  }
0x1ef: {  	[tilespmem:s0+$0x8880] =	vst v3  }
0x1f0: {  	v8 =	vld [tilespmem:$0x4680]  }
0x1f1: {  	v1 =	vld [tilespmem:$0x46A0]  }
0x1f2: {  	v7 =	vld [tilespmem:$0x46C0]  }
0x1f3: {  	v4 =	vld [tilespmem:$0x46D0]  }
0x1f4: {  	v10 =	vld [tilespmem:$0x19480]  }
0x1f5: {  	v11 =	vld [tilespmem:$0x19490]  }
0x1f6: {  	v12 =	vld [tilespmem:$0x194A0]  }
0x1f7: {  	s28 =	simm.s32 $0x200;
	v14 =	vld [tilespmem:$0x194C0]  }
0x1f8: {  	v2 =	vld [tilespmem:s28+$0x0]  }
0x1f9: {  	s0 =	simm.s32 $0x0;
	v15 =	vld [tilespmem:$0x194D0]  }
0x1fa: {  	v13 =	vld [tilespmem:s0+$0x0]  }
0x1fb: {  	v16 =	vld [tilespmem:$0x194E0]  }
0x1fc: {  	v9 =	vld [tilespmem:$0x194F0]  }
0x1fd: {  	s29 =	simm.s32 $0x210;
	v5 =	vld [tilespmem:$0x194B0]  }
0x1fe: {  	v22 =	vld [tilespmem:s29+$0x0];
	v17 =	vand.u32 $0xF, v2  }
0x1ff: {  	v3 =	vld [tilespmem:$0x46E0];
	v18 =	vperm.xlane v10, v17;
	v19 =	vperm.xlane v12, v17  }
0x200: {  	v6 =	vld [tilespmem:$0x46F0];
	vm0 =	veq.s32 v13, $0x0;
	v13 =	vperm.xlane v14, v17;
	v21 =	vperm.xlane v16, v17  }
0x201: {  	s2 =	simm.s32 $0x10;
	v2 =	vld [tilespmem:$0x46B0];
	v23 =	vperm.xlane v15, v17;
	v26 =	vperm.xlane v11, v17  }
0x202: {  	v25 =	vld [tilespmem:s2+$0x0];
	v27 =	vperm.xlane v9, v17;
	v20 =	vsel vm0, $0x0, v0;
	v24 =	vadd.f32 v13, v7  }
0x203: {  	v29 =	vperm.xlane v5, v17;
	v17 =	vand.u32 $0xF, v22;
	v13 =	vld [tilespmem:$0x4690];
	v28 =	vadd.f32 v23, v4  }
0x204: {  	s30 =	sand.u32 $0x70, s0;
	s31 =	sand.u32 $0xC00, s0;
	v18 =	vadd.f32 v18, v8;
	v21 =	vadd.f32 v21, v3;
	v24 =	vmul.f32 v24, v20  }
0x205: {  	s1 =	sor.u32 s30, s31;
	v27 =	vadd.f32 v27, v6;
	v23 =	vadd.f32 v19, v1;
	v19 =	vmul.f32 v28, v20  }
0x206: {  	v28 =	vmul.f32 v21, v20;
	v22 =	vadd.f32 v29, v2;
	v29 =	vmul.f32 v18, v20;
	[tilespmem:s1+$0x9A00] =	vst v24  }
0x207: {  	vm0 =	veq.s32 v25, $0x0;
	v24 =	vmul.f32 v27, v20;
	v27 =	vperm.xlane v10, v17;
	[tilespmem:s1+$0x9A80] =	vst v19  }
0x208: {  	v25 =	vperm.xlane v16, v17;
	v21 =	vperm.xlane v12, v17;
	[tilespmem:s1+$0x9B00] =	vst v28;
	v26 =	vadd.f32 v26, v13  }
0x209: {  	s5 =	simm.s32 $0x20;
	s8 =	simm.s32 $0x220;
	s4 =	simm.s32 $0x10;
	v18 =	vperm.xlane v11, v17;
	[tilespmem:s1+$0x9800] =	vst v29;
	v19 =	vadd.f32 v27, v8;
	v27 =	vperm.xlane v14, v17  }
.LBB2_13:
0x20a: {  	v28 =	vld [tilespmem:s8+$0x0];
	p0 =	sne.s32 s5, $0x1F0;
	v29 =	vsel vm0, $0x0, v0;
	v30 =	vperm.xlane v15, v17;
	s2 =	sadd.s32 $0x10, s2;
	v26 =	vmul.f32 v26, v20;
	s0 =	sadd.s32 $0x80, s0  }
0x20b: {  	v32 =	vperm.xlane v9, v17;
	v23 =	vmul.f32 v23, v20;
	s9 =	smov.u32 s5;
	s5 =	sadd.s32 $0x10, s5;
	v31 =	vld [tilespmem:s2+$0x0];
	v27 =	vadd.f32 v27, v7;
	[tilespmem:s1+$0x9B80] =	vst v24  }
0x20c: {  	v25 =	vadd.f32 v25, v3;
	v33 =	vmul.f32 v22, v20;
	v24 =	vadd.f32 v30, v4;
	[tilespmem:s1+$0x9880] =	vst v26  }
0x20d: {  	s12 =	sand.u32 $0x70, s4;
	v22 =	vperm.xlane v5, v17;
	s13 =	sand.u32 $0xC00, s0;
	s4 =	smov.u32 s9;
	v26 =	vmul.f32 v27, v29;
	v27 =	vadd.f32 v32, v6;
	[tilespmem:s1+$0x9900] =	vst v23  }
.Ltmp5:
0x20e: {  	v30 =	vmul.f32 v25, v29;
	v23 =	vadd.f32 v21, v1;
	v21 =	vmul.f32 v24, v29;
	[tilespmem:s1+$0x9980] =	vst v33;
	s1 =	sor.u32 s12, s13;
	(pc) =	sbr.rel @p0 .LBB2_13-.Ltmp5, $4  }
0x20f: {  	v20 =	vmovc v29;
	v22 =	vadd.f32 v22, v2;
	v17 =	vand.u32 $0xF, v28;
	[tilespmem:s1+$0x9A00] =	vst v26;
	v24 =	vmul.f32 v27, v29  }
0x210: {  	v28 =	vmul.f32 v19, v20;
	vm0 =	veq.s32 v31, $0x0;
	v27 =	vperm.xlane v10, v17;
	[tilespmem:s1+$0x9A80] =	vst v21  }
0x211: {  	v26 =	vadd.f32 v18, v13;
	v21 =	vperm.xlane v12, v17;
	v25 =	vperm.xlane v16, v17;
	[tilespmem:s1+$0x9B00] =	vst v30  }
0x212: {  	s8 =	sadd.s32 $0x10, s8;
	v18 =	vperm.xlane v11, v17;
	v19 =	vadd.f32 v27, v8;
	v27 =	vperm.xlane v14, v17;
	[tilespmem:s1+$0x9800] =	vst v28  }
0x213: {  	v8 =	vperm.xlane v15, v17;
	v10 =	vmul.f32 v26, v20  }
0x214: {  	v11 =	vmul.f32 v23, v20;
	[tilespmem:s1+$0x9B80] =	vst v24;
	v12 =	vsel vm0, $0x0, v0;
	v3 =	vadd.f32 v25, v3  }
0x215: {  	s0 =	sadd.s32 $0x80, s0;
	v1 =	vadd.f32 v21, v1;
	v4 =	vadd.f32 v8, v4;
	[tilespmem:s1+$0x9880] =	vst v10;
	v8 =	vmul.f32 v22, v20  }
0x216: {  	v9 =	vperm.xlane v9, v17;
	s2 =	sand.u32 $0x70, s4;
	v7 =	vadd.f32 v27, v7;
	s0 =	sand.u32 $0xC00, s0;
	[tilespmem:s1+$0x9900] =	vst v11;
	v3 =	vmul.f32 v3, v12  }
0x217: {  	v5 =	vperm.xlane v5, v17;
	s0 =	sor.u32 s2, s0;
	v1 =	vmul.f32 v1, v12;
	[tilespmem:s1+$0x9980] =	vst v8  }
0x218: {  	v6 =	vadd.f32 v9, v6;
	v7 =	vmul.f32 v7, v12;
	[tilespmem:s0+$0x9B00] =	vst v3  }
0x219: {  	v2 =	vadd.f32 v5, v2;
	v4 =	vmul.f32 v4, v12;
	[tilespmem:s0+$0x9900] =	vst v1  }
0x21a: {  	v6 =	vmul.f32 v6, v12;
	[tilespmem:s0+$0x9A00] =	vst v7  }
0x21b: {  	v2 =	vmul.f32 v2, v12;
	[tilespmem:s0+$0x9A80] =	vst v4;
	v4 =	vadd.f32 v18, v13  }
0x21c: {  	v7 =	vmul.f32 v19, v12;
	[tilespmem:s0+$0x9B80] =	vst v6  }
0x21d: {  	[tilespmem:s0+$0x9980] =	vst v2;
	v3 =	vmul.f32 v4, v12  }
0x21e: {  	[tilespmem:s0+$0x9800] =	vst v7  }
0x21f: {  	[tilespmem:s0+$0x9880] =	vst v3  }
0x220: {  	v8 =	vld [tilespmem:$0x4700]  }
0x221: {  	v1 =	vld [tilespmem:$0x4720]  }
0x222: {  	v7 =	vld [tilespmem:$0x4740]  }
0x223: {  	v4 =	vld [tilespmem:$0x4750]  }
0x224: {  	v10 =	vld [tilespmem:$0x19500]  }
0x225: {  	v11 =	vld [tilespmem:$0x19510]  }
0x226: {  	v12 =	vld [tilespmem:$0x19520]  }
0x227: {  	s28 =	simm.s32 $0x200;
	v14 =	vld [tilespmem:$0x19540]  }
0x228: {  	v2 =	vld [tilespmem:s28+$0x0]  }
0x229: {  	s0 =	simm.s32 $0x0;
	v15 =	vld [tilespmem:$0x19550]  }
0x22a: {  	v13 =	vld [tilespmem:s0+$0x0]  }
0x22b: {  	v16 =	vld [tilespmem:$0x19560]  }
0x22c: {  	v9 =	vld [tilespmem:$0x19570]  }
0x22d: {  	s29 =	simm.s32 $0x210;
	v5 =	vld [tilespmem:$0x19530]  }
0x22e: {  	v22 =	vld [tilespmem:s29+$0x0];
	v17 =	vand.u32 $0xF, v2  }
0x22f: {  	v3 =	vld [tilespmem:$0x4760];
	v18 =	vperm.xlane v10, v17;
	v19 =	vperm.xlane v12, v17  }
0x230: {  	v6 =	vld [tilespmem:$0x4770];
	vm0 =	veq.s32 v13, $0x0;
	v13 =	vperm.xlane v14, v17;
	v21 =	vperm.xlane v16, v17  }
0x231: {  	s2 =	simm.s32 $0x10;
	v2 =	vld [tilespmem:$0x4730];
	v23 =	vperm.xlane v15, v17;
	v26 =	vperm.xlane v11, v17  }
0x232: {  	v25 =	vld [tilespmem:s2+$0x0];
	v27 =	vperm.xlane v9, v17;
	v20 =	vsel vm0, $0x0, v0;
	v24 =	vadd.f32 v13, v7  }
0x233: {  	v29 =	vperm.xlane v5, v17;
	v17 =	vand.u32 $0xF, v22;
	v13 =	vld [tilespmem:$0x4710];
	v28 =	vadd.f32 v23, v4  }
0x234: {  	s30 =	sand.u32 $0x70, s0;
	s31 =	sand.u32 $0xC00, s0;
	v18 =	vadd.f32 v18, v8;
	v21 =	vadd.f32 v21, v3;
	v24 =	vmul.f32 v24, v20  }
0x235: {  	s1 =	sor.u32 s30, s31;
	v27 =	vadd.f32 v27, v6;
	v23 =	vadd.f32 v19, v1;
	v19 =	vmul.f32 v28, v20  }
0x236: {  	v28 =	vmul.f32 v21, v20;
	v22 =	vadd.f32 v29, v2;
	v29 =	vmul.f32 v18, v20;
	[tilespmem:s1+$0xAA00] =	vst v24  }
0x237: {  	vm0 =	veq.s32 v25, $0x0;
	v24 =	vmul.f32 v27, v20;
	v27 =	vperm.xlane v10, v17;
	[tilespmem:s1+$0xAA80] =	vst v19  }
0x238: {  	v25 =	vperm.xlane v16, v17;
	v21 =	vperm.xlane v12, v17;
	[tilespmem:s1+$0xAB00] =	vst v28;
	v26 =	vadd.f32 v26, v13  }
0x239: {  	s5 =	simm.s32 $0x20;
	s8 =	simm.s32 $0x220;
	s4 =	simm.s32 $0x10;
	v18 =	vperm.xlane v11, v17;
	[tilespmem:s1+$0xA800] =	vst v29;
	v19 =	vadd.f32 v27, v8;
	v27 =	vperm.xlane v14, v17  }
.LBB2_15:
0x23a: {  	v28 =	vld [tilespmem:s8+$0x0];
	p0 =	sne.s32 s5, $0x1F0;
	v29 =	vsel vm0, $0x0, v0;
	v30 =	vperm.xlane v15, v17;
	s2 =	sadd.s32 $0x10, s2;
	v26 =	vmul.f32 v26, v20;
	s0 =	sadd.s32 $0x80, s0  }
0x23b: {  	v32 =	vperm.xlane v9, v17;
	v23 =	vmul.f32 v23, v20;
	s9 =	smov.u32 s5;
	s5 =	sadd.s32 $0x10, s5;
	v31 =	vld [tilespmem:s2+$0x0];
	v27 =	vadd.f32 v27, v7;
	[tilespmem:s1+$0xAB80] =	vst v24  }
0x23c: {  	v25 =	vadd.f32 v25, v3;
	v33 =	vmul.f32 v22, v20;
	v24 =	vadd.f32 v30, v4;
	[tilespmem:s1+$0xA880] =	vst v26  }
0x23d: {  	s12 =	sand.u32 $0x70, s4;
	v22 =	vperm.xlane v5, v17;
	s13 =	sand.u32 $0xC00, s0;
	s4 =	smov.u32 s9;
	v26 =	vmul.f32 v27, v29;
	v27 =	vadd.f32 v32, v6;
	[tilespmem:s1+$0xA900] =	vst v23  }
.Ltmp6:
0x23e: {  	v30 =	vmul.f32 v25, v29;
	v23 =	vadd.f32 v21, v1;
	v21 =	vmul.f32 v24, v29;
	[tilespmem:s1+$0xA980] =	vst v33;
	s1 =	sor.u32 s12, s13;
	(pc) =	sbr.rel @p0 .LBB2_15-.Ltmp6, $4  }
0x23f: {  	v20 =	vmovc v29;
	v22 =	vadd.f32 v22, v2;
	v17 =	vand.u32 $0xF, v28;
	[tilespmem:s1+$0xAA00] =	vst v26;
	v24 =	vmul.f32 v27, v29  }
0x240: {  	v28 =	vmul.f32 v19, v20;
	vm0 =	veq.s32 v31, $0x0;
	v27 =	vperm.xlane v10, v17;
	[tilespmem:s1+$0xAA80] =	vst v21  }
0x241: {  	v26 =	vadd.f32 v18, v13;
	v21 =	vperm.xlane v12, v17;
	v25 =	vperm.xlane v16, v17;
	[tilespmem:s1+$0xAB00] =	vst v30  }
0x242: {  	s8 =	sadd.s32 $0x10, s8;
	v18 =	vperm.xlane v11, v17;
	v19 =	vadd.f32 v27, v8;
	v27 =	vperm.xlane v14, v17;
	[tilespmem:s1+$0xA800] =	vst v28  }
0x243: {  	v8 =	vperm.xlane v15, v17;
	v10 =	vmul.f32 v26, v20  }
0x244: {  	v11 =	vmul.f32 v23, v20;
	[tilespmem:s1+$0xAB80] =	vst v24;
	v12 =	vsel vm0, $0x0, v0;
	v3 =	vadd.f32 v25, v3  }
0x245: {  	s0 =	sadd.s32 $0x80, s0;
	v1 =	vadd.f32 v21, v1;
	v4 =	vadd.f32 v8, v4;
	[tilespmem:s1+$0xA880] =	vst v10;
	v8 =	vmul.f32 v22, v20  }
0x246: {  	v9 =	vperm.xlane v9, v17;
	s2 =	sand.u32 $0x70, s4;
	v7 =	vadd.f32 v27, v7;
	s0 =	sand.u32 $0xC00, s0;
	[tilespmem:s1+$0xA900] =	vst v11;
	v3 =	vmul.f32 v3, v12  }
0x247: {  	v5 =	vperm.xlane v5, v17;
	s0 =	sor.u32 s2, s0;
	v1 =	vmul.f32 v1, v12;
	[tilespmem:s1+$0xA980] =	vst v8  }
0x248: {  	v6 =	vadd.f32 v9, v6;
	v7 =	vmul.f32 v7, v12;
	[tilespmem:s0+$0xAB00] =	vst v3  }
0x249: {  	v2 =	vadd.f32 v5, v2;
	v4 =	vmul.f32 v4, v12;
	[tilespmem:s0+$0xA900] =	vst v1  }
0x24a: {  	v6 =	vmul.f32 v6, v12;
	[tilespmem:s0+$0xAA00] =	vst v7  }
0x24b: {  	v2 =	vmul.f32 v2, v12;
	[tilespmem:s0+$0xAA80] =	vst v4;
	v4 =	vadd.f32 v18, v13  }
0x24c: {  	v7 =	vmul.f32 v19, v12;
	[tilespmem:s0+$0xAB80] =	vst v6  }
0x24d: {  	[tilespmem:s0+$0xA980] =	vst v2;
	v3 =	vmul.f32 v4, v12  }
0x24e: {  	[tilespmem:s0+$0xA800] =	vst v7  }
0x24f: {  	[tilespmem:s0+$0xA880] =	vst v3  }
0x250: {  	v8 =	vld [tilespmem:$0x4780]  }
0x251: {  	v1 =	vld [tilespmem:$0x47A0]  }
0x252: {  	v7 =	vld [tilespmem:$0x47C0]  }
0x253: {  	v4 =	vld [tilespmem:$0x47D0]  }
0x254: {  	v10 =	vld [tilespmem:$0x19580]  }
0x255: {  	v11 =	vld [tilespmem:$0x19590]  }
0x256: {  	v12 =	vld [tilespmem:$0x195A0]  }
0x257: {  	s28 =	simm.s32 $0x200;
	v14 =	vld [tilespmem:$0x195C0]  }
0x258: {  	v2 =	vld [tilespmem:s28+$0x0]  }
0x259: {  	s0 =	simm.s32 $0x0;
	v15 =	vld [tilespmem:$0x195D0]  }
0x25a: {  	v13 =	vld [tilespmem:s0+$0x0]  }
0x25b: {  	v16 =	vld [tilespmem:$0x195E0]  }
0x25c: {  	v9 =	vld [tilespmem:$0x195F0]  }
0x25d: {  	s29 =	simm.s32 $0x210;
	v5 =	vld [tilespmem:$0x195B0]  }
0x25e: {  	v22 =	vld [tilespmem:s29+$0x0];
	v17 =	vand.u32 $0xF, v2  }
0x25f: {  	v3 =	vld [tilespmem:$0x47E0];
	v18 =	vperm.xlane v10, v17;
	v19 =	vperm.xlane v12, v17  }
0x260: {  	v6 =	vld [tilespmem:$0x47F0];
	vm0 =	veq.s32 v13, $0x0;
	v13 =	vperm.xlane v14, v17;
	v21 =	vperm.xlane v16, v17  }
0x261: {  	s2 =	simm.s32 $0x10;
	v2 =	vld [tilespmem:$0x47B0];
	v23 =	vperm.xlane v15, v17;
	v26 =	vperm.xlane v11, v17  }
0x262: {  	v25 =	vld [tilespmem:s2+$0x0];
	v27 =	vperm.xlane v9, v17;
	v20 =	vsel vm0, $0x0, v0;
	v24 =	vadd.f32 v13, v7  }
0x263: {  	v29 =	vperm.xlane v5, v17;
	v17 =	vand.u32 $0xF, v22;
	v13 =	vld [tilespmem:$0x4790];
	v28 =	vadd.f32 v23, v4  }
0x264: {  	s30 =	sand.u32 $0x70, s0;
	s31 =	sand.u32 $0xC00, s0;
	v18 =	vadd.f32 v18, v8;
	v21 =	vadd.f32 v21, v3;
	v24 =	vmul.f32 v24, v20  }
0x265: {  	s1 =	sor.u32 s30, s31;
	v27 =	vadd.f32 v27, v6;
	v23 =	vadd.f32 v19, v1;
	v19 =	vmul.f32 v28, v20  }
0x266: {  	v28 =	vmul.f32 v21, v20;
	v22 =	vadd.f32 v29, v2;
	v29 =	vmul.f32 v18, v20;
	[tilespmem:s1+$0xBA00] =	vst v24  }
0x267: {  	vm0 =	veq.s32 v25, $0x0;
	v24 =	vmul.f32 v27, v20;
	v27 =	vperm.xlane v10, v17;
	[tilespmem:s1+$0xBA80] =	vst v19  }
0x268: {  	v25 =	vperm.xlane v16, v17;
	v21 =	vperm.xlane v12, v17;
	[tilespmem:s1+$0xBB00] =	vst v28;
	v26 =	vadd.f32 v26, v13  }
0x269: {  	s5 =	simm.s32 $0x20;
	s8 =	simm.s32 $0x220;
	s4 =	simm.s32 $0x10;
	v18 =	vperm.xlane v11, v17;
	[tilespmem:s1+$0xB800] =	vst v29;
	v19 =	vadd.f32 v27, v8;
	v27 =	vperm.xlane v14, v17  }
.LBB2_17:
0x26a: {  	v28 =	vld [tilespmem:s8+$0x0];
	p0 =	sne.s32 s5, $0x1F0;
	v29 =	vsel vm0, $0x0, v0;
	v30 =	vperm.xlane v15, v17;
	s2 =	sadd.s32 $0x10, s2;
	v26 =	vmul.f32 v26, v20;
	s0 =	sadd.s32 $0x80, s0  }
0x26b: {  	v32 =	vperm.xlane v9, v17;
	v23 =	vmul.f32 v23, v20;
	s9 =	smov.u32 s5;
	s5 =	sadd.s32 $0x10, s5;
	v31 =	vld [tilespmem:s2+$0x0];
	v27 =	vadd.f32 v27, v7;
	[tilespmem:s1+$0xBB80] =	vst v24  }
0x26c: {  	v25 =	vadd.f32 v25, v3;
	v33 =	vmul.f32 v22, v20;
	v24 =	vadd.f32 v30, v4;
	[tilespmem:s1+$0xB880] =	vst v26  }
0x26d: {  	s12 =	sand.u32 $0x70, s4;
	v22 =	vperm.xlane v5, v17;
	s13 =	sand.u32 $0xC00, s0;
	s4 =	smov.u32 s9;
	v26 =	vmul.f32 v27, v29;
	v27 =	vadd.f32 v32, v6;
	[tilespmem:s1+$0xB900] =	vst v23  }
.Ltmp7:
0x26e: {  	v30 =	vmul.f32 v25, v29;
	v23 =	vadd.f32 v21, v1;
	v21 =	vmul.f32 v24, v29;
	[tilespmem:s1+$0xB980] =	vst v33;
	s1 =	sor.u32 s12, s13;
	(pc) =	sbr.rel @p0 .LBB2_17-.Ltmp7, $4  }
0x26f: {  	v20 =	vmovc v29;
	v22 =	vadd.f32 v22, v2;
	v17 =	vand.u32 $0xF, v28;
	[tilespmem:s1+$0xBA00] =	vst v26;
	v24 =	vmul.f32 v27, v29  }
0x270: {  	v28 =	vmul.f32 v19, v20;
	vm0 =	veq.s32 v31, $0x0;
	v27 =	vperm.xlane v10, v17;
	[tilespmem:s1+$0xBA80] =	vst v21  }
0x271: {  	v26 =	vadd.f32 v18, v13;
	v21 =	vperm.xlane v12, v17;
	v25 =	vperm.xlane v16, v17;
	[tilespmem:s1+$0xBB00] =	vst v30  }
0x272: {  	s8 =	sadd.s32 $0x10, s8;
	v18 =	vperm.xlane v11, v17;
	v19 =	vadd.f32 v27, v8;
	v27 =	vperm.xlane v14, v17;
	[tilespmem:s1+$0xB800] =	vst v28  }
0x273: {  	v8 =	vperm.xlane v15, v17;
	v10 =	vmul.f32 v26, v20  }
0x274: {  	v11 =	vmul.f32 v23, v20;
	[tilespmem:s1+$0xBB80] =	vst v24;
	v12 =	vsel vm0, $0x0, v0;
	v3 =	vadd.f32 v25, v3  }
0x275: {  	s0 =	sadd.s32 $0x80, s0;
	v1 =	vadd.f32 v21, v1;
	v4 =	vadd.f32 v8, v4;
	[tilespmem:s1+$0xB880] =	vst v10;
	v8 =	vmul.f32 v22, v20  }
0x276: {  	v9 =	vperm.xlane v9, v17;
	s2 =	sand.u32 $0x70, s4;
	v7 =	vadd.f32 v27, v7;
	s0 =	sand.u32 $0xC00, s0;
	[tilespmem:s1+$0xB900] =	vst v11;
	v3 =	vmul.f32 v3, v12  }
0x277: {  	v5 =	vperm.xlane v5, v17;
	s0 =	sor.u32 s2, s0;
	v1 =	vmul.f32 v1, v12;
	[tilespmem:s1+$0xB980] =	vst v8  }
0x278: {  	v6 =	vadd.f32 v9, v6;
	v7 =	vmul.f32 v7, v12;
	[tilespmem:s0+$0xBB00] =	vst v3  }
0x279: {  	v2 =	vadd.f32 v5, v2;
	v4 =	vmul.f32 v4, v12;
	[tilespmem:s0+$0xB900] =	vst v1  }
0x27a: {  	v6 =	vmul.f32 v6, v12;
	[tilespmem:s0+$0xBA00] =	vst v7  }
0x27b: {  	v2 =	vmul.f32 v2, v12;
	[tilespmem:s0+$0xBA80] =	vst v4;
	v4 =	vadd.f32 v18, v13  }
0x27c: {  	s2 =	sshll.u32 s21, $0xF;
	v7 =	vmul.f32 v19, v12;
	[tilespmem:s0+$0xBB80] =	vst v6  }
0x27d: {  	s1 =	sadd.s32 s2, s11;
	[tilespmem:s0+$0xB980] =	vst v2;
	v3 =	vmul.f32 v4, v12  }
0x27e: {  	s4 =	rddreg [dreg:$0x4];
	s1 =	sand.u32 $0x1FFFFC00, s1;
	[tilespmem:s0+$0xB800] =	vst v7  }
0x27f: {  	s5 =	simm.s32 $0x4800;
	[tilespmem:s0+$0xB880] =	vst v3;
	s0 =	sadd.s32 s4, s1  }
0x280: {  	[hbm4b:s0+s7] =	stream.strided.scatter [tilespmem:s5], [sflag:$0x2], $0x8000, s10, s7, $0x38;
	[tilespmem:$0x19600] =	vst v63  }
0x281: {  	s8 =	sshll.u32 s18, $0x6;
	s9 =	rddreg [dreg:$0x7]  }
0x282: {  	s11 =	simm.s32 $0xC800;
	s0 =	sadd.s32 s9, s8  }
0x283: {  	[hbm4b:s0+s6] =	stream.linear.scatter [tilespmem:s11], [sflag:$0x2], $0x200, $0x38;
	[tilespmem:$0x19600] =	vst v63  }
0x284: {  	_ =	swait.ge [sflag:s23], $0x200  }
0x285: {  	[sflag:s23] =	ssyncset.done $0x0  }
0x286: {  	[sflag:s23] =	ssyncadd.s32 $0xFFFFFE00  }
0x287: {  	_ =	swait.ge [sflag:s23], $0x200  }
0x288: {  	[sflag:s23] =	ssyncset.done $0x0  }
0x289: {  	[sflag:s23] =	ssyncadd.s32 $0xFFFFFE00  }
0x28a: {  	_ =	swait.ge [sflag:s23], $0x4000  }
0x28b: {  	[sflag:s23] =	ssyncset.done $0x0  }
0x28c: {  	[sflag:s23] =	ssyncadd.s32 $0xFFFFC000  }
0x28d: {  	s12 =	rddreg [dreg:$0x6];
	_ =	swait.ge [sflag:s23], $0x400  }
0x28e: {  	p0 =	seq.s32 s16, $0x18;
	s18 =	sadd.s32 s12, s22;
	[sflag:s23] =	ssyncset.done $0x0  }
0x28f: {  	s0 =	sadd.s32 @!p0 $0x1, s18;
	[sflag:s23] =	ssyncadd.s32 $0xFFFFFC00  }
0x290: {  	s1 =	sshll.u32 @!p0 s0, $0x6;
	s2 =	rddreg [dreg:$0x0]  }
0x291: {  	s4 =	simm.s32 @!p0 $0x0;
	s5 =	rddreg [dreg:$0xd];
	s2 =	sadd.s32 @!p0 s2, s1  }
0x292: {  	[tilespmem:s4], [sflag:$0x1] =	stream.linear.gather @!p0 [hbm4b:s2+s4], $0x200, $0x38;
	[tilespmem:$0x19600] =	vst v63  }
0x293: {  	s1 =	sadd.s32 @!p0 s5, s1;
	s5 =	simm.s32 @!p0 $0x200;
	s2 =	sshrl.u32 @!p0 s0, $0x3  }
0x294: {  	[tilespmem:s5], [sflag:$0x1] =	stream.linear.gather @!p0 [hbm4b:s1+s4], $0x200, $0x38;
	[tilespmem:$0x19600] =	vst v63  }
0x295: {  	s1 =	sshll.u32 @!p0 s0, $0x9;
	s5 =	sshll.u32 @!p0 s2, $0xC  }
0x296: {  	s2 =	sshll.u32 @!p0 s2, $0xE;
	s1 =	ssub.s32 @!p0 s1, s5  }
0x297: {  	s8 =	simm.s32 @!p0 $0x400;
	s1 =	sadd.s32 @!p0 s2, s1  }
0x298: {  	s0 =	sshll.u32 @!p0 s0, $0x4;
	s2 =	rddreg [dreg:$0x2];
	s1 =	sand.u32 @!p0 $0x1FFFFE00, s1  }
0x299: {  	s5 =	simm.s32 @!p0 $0x8000;
	s1 =	sadd.s32 @!p0 s2, s1;
	s2 =	simm.s32 @!p0 $0x1000  }
0x29a: {  	[tilespmem:s8], [sflag:$0x1] =	stream.strided.gather @!p0 [hbm4b:s1+s2], $0x4000, s5, s2, $0x38;
	[tilespmem:$0x19600] =	vst v63  }
0x29b: {  	s0 =	sand.u32 @!p0 $0x1FFFFF80, s0;
	s1 =	rddreg [dreg:$0xe]  }
0x29c: {  	p1 =	seq.s32 @!p0 s16, $0x0;
	s0 =	sadd.s32 @!p0 s1, s0;
	s1 =	simm.s32 @!p0 $0x4400  }
0x29d: {  	[tilespmem:s1], [sflag:$0x1] =	stream.linear.gather @!p0 [hbm4b:s0+s4], $0x400, $0x38;
	[tilespmem:$0x19600] =	vst v63  }
0x29e: {  	p0 =	por p0, !p1  }
0x29f: {  	_ =	swait.ge @p0 [sflag:s3], $0x8000  }
0x2a0: {  	[sflag:s3] =	ssyncset.done @p0 $0x0  }
0x2a1: {  	[sflag:s3] =	ssyncadd.s32 @p0 $0xFFFF8000  }
0x2a2: {  	_ =	swait.ge @p0 [sflag:s3], $0x200  }
0x2a3: {  	[sflag:s3] =	ssyncset.done @p0 $0x0  }
0x2a4: {  	[sflag:s3] =	ssyncadd.s32 @p0 $0xFFFFFE00  }
0x2a5: {  	v12 =	vld [tilespmem:$0x10E00]  }
0x2a6: {  	s13 =	simm.s32 $0xCA00;
	v11 =	vld [tilespmem:$0x10E10]  }
0x2a7: {  	v1 =	vld [tilespmem:s13+$0x0]  }
0x2a8: {  	v10 =	vld [tilespmem:$0x10E20]  }
0x2a9: {  	v7 =	vld [tilespmem:$0x10E30]  }
0x2aa: {  	v4 =	vld [tilespmem:$0x10E40]  }
0x2ab: {  	v3 =	vld [tilespmem:$0x10E50]  }
0x2ac: {  	s15 =	simm.s32 $0xCA10;
	s1 =	simm.s32 $0x0;
	v2 =	vld [tilespmem:$0x10E60];
	vm0 =	veq.s32 v1, $0x0  }
0x2ad: {  	s14 =	simm.s32 $0x19200;
	s17 =	sand.u32 $0x70, s1;
	s19 =	sand.u32 $0xC00, s1;
	v5 =	vld [tilespmem:s15+$0x0];
	v14 =	vsel vm0, $0x0, v0  }
0x2ae: {  	s5 =	sor.u32 s17, s19;
	v1 =	vld [tilespmem:$0x10E70];
	[tilespmem:s14+$0x0] =	vst v14  }
0x2af: {  	v6 =	vld [tilespmem:s5+$0xCE00]  }
0x2b0: {  	v8 =	vld [tilespmem:s5+$0xCE80]  }
0x2b1: {  	v9 =	vld [tilespmem:s5+$0xCF00]  }
0x2b2: {  	v17 =	vmul.f32 $8.000000000e+00, v14;
	_ =	sdelay $0x1  }
0x2b3: {  	vm0 =	veq.s32 v5, $0x0;
	v5 =	vmul.f32 v17, v6;
	v6 =	vmul.f32 v14, v12  }
0x2b4: {  	s31 =	simm.s32 $0x10;
	s20 =	simm.s32 $0xCA20;
	s0 =	simm.s32 $0x80;
	v16 =	vsel vm0, $0x0, v0;
	v13 =	vmul.f32 v14, v11;
	v8 =	vmul.f32 v8, v17  }
0x2b5: {  	s21 =	sand.u32 $0x70, s31;
	s22 =	simm.s32 $0x19210;
	s9 =	sand.u32 $0xC00, s0;
	v5 =	vadd.f32 v5, v6;
	v6 =	vmul.f32 v9, v17;
	v9 =	vmul.f32 v14, v10  }
0x2b6: {  	v15 =	vld [tilespmem:s20+$0x0];
	s15 =	sor.u32 s21, s9;
	[tilespmem:s22+$0x0] =	vst v16;
	v8 =	vadd.f32 v8, v13  }
0x2b7: {  	v13 =	vld [tilespmem:s15+$0xCE00];
	[tilespmem:s5+$0x11200] =	vst v5;
	v5 =	vadd.f32 v6, v9  }
0x2b8: {  	s24 =	sor.u32 s19, s1;
	v9 =	vld [tilespmem:s15+$0xCE80];
	[tilespmem:s5+$0x11280] =	vst v8  }
0x2b9: {  	s2 =	sor.u32 $0x180, s24;
	v8 =	vld [tilespmem:s15+$0xCF00];
	[tilespmem:s5+$0x11300] =	vst v5  }
0x2ba: {  	v5 =	vmul.f32 $8.000000000e+00, v16;
	v18 =	vld [tilespmem:s2+$0xCE00];
	_ =	sdelay $0x1  }
0x2bb: {  	vm0 =	veq.s32 v15, $0x0;
	v15 =	vmul.f32 v16, v12;
	v13 =	vmul.f32 v5, v13  }
0x2bc: {  	s25 =	simm.s32 $0xCA30;
	s11 =	simm.s32 $0x20;
	s12 =	simm.s32 $0x100;
	v19 =	vmul.f32 v16, v11;
	v6 =	vsel vm0, $0x0, v0;
	v9 =	vmul.f32 v9, v5  }
0x2bd: {  	s26 =	sand.u32 $0x70, s11;
	s19 =	sand.u32 $0xC00, s12;
	s13 =	simm.s32 $0x19220;
	v8 =	vmul.f32 v8, v5;
	v13 =	vadd.f32 v13, v15;
	v15 =	vmul.f32 v16, v10  }
0x2be: {  	s17 =	sor.u32 s26, s19;
	v20 =	vld [tilespmem:s25+$0x0];
	[tilespmem:s13+$0x0] =	vst v6;
	v9 =	vadd.f32 v9, v19;
	v19 =	vmul.f32 v14, v7;
	v18 =	vmul.f32 v18, v17  }
0x2bf: {  	v21 =	vld [tilespmem:s17+$0xCE00];
	[tilespmem:s15+$0x11200] =	vst v13;
	v8 =	vadd.f32 v8, v15  }
0x2c0: {  	s7 =	sor.u32 s9, s31;
	v13 =	vld [tilespmem:s17+$0xCE80];
	[tilespmem:s15+$0x11280] =	vst v9;
	v9 =	vadd.f32 v18, v19  }
0x2c1: {  	s9 =	sor.u32 $0x180, s7;
	v15 =	vld [tilespmem:s17+$0xCF00];
	[tilespmem:s15+$0x11300] =	vst v8  }
0x2c2: {  	v8 =	vmul.f32 $8.000000000e+00, v6;
	v18 =	vld [tilespmem:s9+$0xCE00];
	[tilespmem:s2+$0x11200] =	vst v9  }
0x2c3: {  	v19 =	vld [tilespmem:s5+$0xD000]  }
0x2c4: {  	vm0 =	veq.s32 v20, $0x0;
	v20 =	vmul.f32 v8, v21;
	v21 =	vmul.f32 v6, v12;
	v22 =	vld [tilespmem:s5+$0xD080]  }
0x2c5: {  	s8 =	simm.s32 $0xCA40;
	s14 =	simm.s32 $0x180;
	s13 =	simm.s32 $0x30;
	v23 =	vmul.f32 v6, v11;
	v9 =	vsel vm0, $0x0, v0;
	v13 =	vmul.f32 v13, v8;
	v24 =	vld [tilespmem:s5+$0xD100]  }
0x2c6: {  	s20 =	simm.s32 $0x19230;
	s22 =	sand.u32 $0xC00, s14;
	s21 =	sand.u32 $0x70, s13;
	v15 =	vmul.f32 v15, v8;
	v20 =	vadd.f32 v20, v21;
	v21 =	vmul.f32 v6, v10  }
0x2c7: {  	v25 =	vld [tilespmem:s8+$0x0];
	s4 =	sor.u32 s21, s22;
	[tilespmem:s20+$0x0] =	vst v9;
	v13 =	vadd.f32 v13, v23;
	v23 =	vmul.f32 v16, v7;
	v18 =	vmul.f32 v18, v5  }
0x2c8: {  	v26 =	vld [tilespmem:s4+$0xCE00];
	[tilespmem:s17+$0x11200] =	vst v20;
	v15 =	vadd.f32 v15, v21;
	v20 =	vmul.f32 v14, v4;
	v19 =	vmul.f32 v19, v17  }
0x2c9: {  	s26 =	sor.u32 s19, s11;
	v21 =	vld [tilespmem:s4+$0xCE80];
	[tilespmem:s17+$0x11280] =	vst v13;
	v18 =	vadd.f32 v18, v23;
	v22 =	vmul.f32 v22, v17;
	v23 =	vmul.f32 v14, v3  }
0x2ca: {  	s20 =	sor.u32 $0x180, s26;
	v27 =	vld [tilespmem:s4+$0xCF00];
	[tilespmem:s17+$0x11300] =	vst v15;
	v15 =	vadd.f32 v19, v20;
	v19 =	vmul.f32 v24, v17;
	v20 =	vmul.f32 v14, v2  }
0x2cb: {  	v13 =	vmul.f32 $8.000000000e+00, v9;
	v24 =	vld [tilespmem:s20+$0xCE00];
	[tilespmem:s9+$0x11200] =	vst v18;
	v18 =	vadd.f32 v22, v23  }
0x2cc: {  	v28 =	vmul.f32 v14, v1;
	v22 =	vld [tilespmem:s15+$0xD000];
	[tilespmem:s5+$0x11400] =	vst v15;
	v15 =	vadd.f32 v19, v20  }
0x2cd: {  	s1 =	sor.u32 s1, s1;
	s24 =	simm.s32 $0x40;
	vm0 =	veq.s32 v25, $0x0;
	v25 =	vld [tilespmem:s15+$0xD080];
	v19 =	vmul.f32 v13, v26;
	v20 =	vmul.f32 v9, v12;
	[tilespmem:s5+$0x11480] =	vst v18  }
0x2ce: {  	s19 =	simm.s32 $0x19240;
	s25 =	sor.u32 $0x380, s1;
	s26 =	simm.s32 $0x200;
	v14 =	vsel vm0, $0x0, v0;
	v18 =	vmul.f32 v21, v13;
	v21 =	vmul.f32 v9, v11;
	v26 =	vld [tilespmem:s15+$0xD100];
	[tilespmem:s5+$0x11500] =	vst v15  }
0x2cf: {  	s7 =	sand.u32 $0x70, s24;
	s2 =	simm.s32 $0xCA50;
	s1 =	sand.u32 $0xC00, s26;
	v15 =	vadd.f32 v19, v20;
	v19 =	vmul.f32 v27, v13;
	v20 =	vmul.f32 v9, v10;
	v27 =	vld [tilespmem:s25+$0xCE00]  }
0x2d0: {  	v29 =	vld [tilespmem:s2+$0x0];
	s28 =	sor.u32 s7, s1;
	[tilespmem:s19+$0x0] =	vst v14;
	v18 =	vadd.f32 v18, v21;
	v21 =	vmul.f32 v24, v8;
	v24 =	vmul.f32 v6, v7  }
0x2d1: {  	v30 =	vld [tilespmem:s28+$0xCE00];
	[tilespmem:s4+$0x11200] =	vst v15;
	v15 =	vadd.f32 v19, v20;
	v19 =	vmul.f32 v22, v5;
	v20 =	vmul.f32 v16, v4  }
0x2d2: {  	s8 =	sor.u32 s22, s13;
	v23 =	vld [tilespmem:s28+$0xCE80];
	[tilespmem:s4+$0x11280] =	vst v18;
	v18 =	vadd.f32 v21, v24;
	v24 =	vmul.f32 v25, v5;
	v25 =	vmul.f32 v16, v3  }
0x2d3: {  	v31 =	vmul.f32 v16, v2;
	s5 =	sor.u32 $0x180, s8;
	v22 =	vld [tilespmem:s28+$0xCF00];
	v26 =	vmul.f32 v26, v5;
	[tilespmem:s4+$0x11300] =	vst v15;
	v20 =	vadd.f32 v19, v20  }
0x2d4: {  	s30 =	simm.s32 $0x50;
	s21 =	sshrl.u32 s18, $0x3;
	v15 =	vmul.f32 $8.000000000e+00, v14;
	v21 =	vld [tilespmem:s5+$0xCE00];
	[tilespmem:s20+$0x11200] =	vst v18;
	v18 =	vadd.f32 v24, v25;
	v17 =	vmul.f32 v27, v17  }
0x2d5: {  	s29 =	simm.s32 $0x280;
	s22 =	sshll.u32 s21, $0xC;
	s9 =	sshll.u32 s18, $0x9;
	vm0 =	veq.s32 v29, $0x0;
	v16 =	vmul.f32 v16, v1;
	v24 =	vadd.f32 v26, v31;
	v19 =	vld [tilespmem:s17+$0xD000];
	[tilespmem:s15+$0x11400] =	vst v20  }
0x2d6: {  	s22 =	ssub.s32 s9, s22;
	s8 =	simm.s32 $0x60;
	v26 =	vmul.f32 v14, v12;
	s20 =	sor.u32 s0, s31;
	v25 =	vmul.f32 v15, v30;
	v20 =	vld [tilespmem:s17+$0xD080];
	[tilespmem:s15+$0x11480] =	vst v18;
	v17 =	vadd.f32 v17, v28  }
.LBB2_19:
0x2d7: {  	p0 =	sne.s32 s8, $0x1F0;
	s2 =	sadd.s32 $0x10, s2;
	v18 =	vmul.f32 v23, v15;
	v23 =	vmul.f32 v14, v11;
	s0 =	sor.u32 $0x380, s20;
	v28 =	vmovc v9;
	v9 =	vmov v14  }
0x2d8: {  	v27 =	vld [tilespmem:s17+$0xD100];
	[tilespmem:s15+$0x11500] =	vst v24;
	v14 =	vsel vm0, $0x0, v0;
	v24 =	vmovc v8;
	v8 =	vmovc v13;
	v13 =	vmov v15;
	v29 =	vmov v16;
	s15 =	smov.u32 s17;
	s17 =	smov.u32 s4;
	s4 =	smov.u32 s28  }
0x2d9: {  	s9 =	sand.u32 $0x70, s30;
	s20 =	sand.u32 $0xC00, s29;
	s19 =	sadd.s32 $0x10, s19;
	v15 =	vadd.f32 v25, v26;
	v16 =	vmul.f32 v22, v13;
	v22 =	vmul.f32 v9, v10;
	v25 =	vld [tilespmem:s0+$0xCE00];
	[tilespmem:s25+$0x11200] =	vst v17  }
0x2da: {  	s28 =	sor.u32 s9, s20;
	v26 =	vmul.f32 v28, v7;
	s25 =	smov.u32 s0;
	s0 =	smov.u32 s11;
	v17 =	vld [tilespmem:s2+$0x0];
	[tilespmem:s19+$0x0] =	vst v14;
	v18 =	vadd.f32 v18, v23;
	v21 =	vmul.f32 v21, v8  }
0x2db: {  	s11 =	smov.u32 s13;
	s13 =	smov.u32 s24;
	s24 =	smov.u32 s30;
	v30 =	vld [tilespmem:s28+$0xCE00];
	[tilespmem:s4+$0x11200] =	vst v15;
	v15 =	vadd.f32 v16, v22;
	v16 =	vmul.f32 v19, v24;
	v19 =	vmul.f32 v6, v4  }
.Ltmp8:
0x2dc: {  	s9 =	sor.u32 s1, s13;
	s1 =	smov.u32 s20;
	v23 =	vld [tilespmem:s28+$0xCE80];
	[tilespmem:s4+$0x11280] =	vst v18;
	v18 =	vadd.f32 v21, v26;
	v20 =	vmul.f32 v20, v24;
	v26 =	vmul.f32 v6, v3;
	(pc) =	sbr.rel @p0 .LBB2_19-.Ltmp8, $4  }
0x2dd: {  	v31 =	vmul.f32 v6, v2;
	s30 =	smov.u32 s8;
	s20 =	smov.u32 s12;
	s9 =	sor.u32 $0x180, s9;
	v22 =	vld [tilespmem:s28+$0xCF00];
	[tilespmem:s4+$0x11300] =	vst v15;
	v16 =	vadd.f32 v16, v19;
	v27 =	vmul.f32 v27, v24  }
0x2de: {  	s12 =	smov.u32 s14;
	s14 =	smov.u32 s26;
	v15 =	vmul.f32 $8.000000000e+00, v14;
	v21 =	vld [tilespmem:s9+$0xCE00];
	[tilespmem:s5+$0x11200] =	vst v18;
	v18 =	vadd.f32 v20, v26;
	v32 =	vmul.f32 v25, v5;
	v5 =	vmovc v24;
	s5 =	smov.u32 s9  }
0x2df: {  	s26 =	smov.u32 s29;
	vm0 =	veq.s32 v17, $0x0;
	v19 =	vld [tilespmem:s17+$0xD000];
	[tilespmem:s15+$0x11400] =	vst v16;
	v24 =	vadd.f32 v27, v31;
	v16 =	vmul.f32 v6, v1;
	v6 =	vmovc v28  }
0x2e0: {  	s8 =	sadd.s32 $0x10, s8;
	s29 =	sadd.s32 $0x80, s29;
	s20 =	sor.u32 s20, s0;
	v26 =	vmul.f32 v14, v12;
	v25 =	vmul.f32 v15, v30;
	v20 =	vld [tilespmem:s17+$0xD080];
	[tilespmem:s15+$0x11480] =	vst v18;
	v17 =	vadd.f32 v32, v29  }
0x2e1: {  	v18 =	vsel vm0, $0x0, v0;
	s0 =	sand.u32 $0x70, s30;
	s2 =	sand.u32 $0xC00, s29;
	s8 =	sadd.s32 $0x10, s19  }
0x2e2: {  	[tilespmem:s8+$0x0] =	vst v18;
	s0 =	sor.u32 s0, s2  }
0x2e3: {  	v27 =	vld [tilespmem:s0+$0xCE00]  }
0x2e4: {  	v28 =	vld [tilespmem:s0+$0xCE80]  }
0x2e5: {  	v23 =	vmul.f32 v23, v15;
	v29 =	vld [tilespmem:s0+$0xCF00]  }
0x2e6: {  	v30 =	vmul.f32 v14, v11;
	v31 =	vmul.f32 $8.000000000e+00, v18  }
0x2e7: {  	v25 =	vadd.f32 v25, v26;
	v22 =	vmul.f32 v22, v15;
	v26 =	vmul.f32 v14, v10  }
0x2e8: {  	v12 =	vmul.f32 v18, v12;
	v23 =	vadd.f32 v23, v30;
	v27 =	vmul.f32 v31, v27  }
0x2e9: {  	v11 =	vmul.f32 v18, v11;
	[tilespmem:s28+$0x11200] =	vst v25;
	v22 =	vadd.f32 v22, v26;
	v25 =	vmul.f32 v28, v31  }
0x2ea: {  	s1 =	sor.u32 s1, s24;
	v10 =	vmul.f32 v18, v10;
	[tilespmem:s28+$0x11280] =	vst v23;
	v23 =	vmul.f32 v29, v31;
	v12 =	vadd.f32 v27, v12  }
0x2eb: {  	s1 =	sor.u32 $0x180, s1;
	[tilespmem:s28+$0x11300] =	vst v22;
	v11 =	vadd.f32 v25, v11  }
0x2ec: {  	v22 =	vld [tilespmem:s1+$0xCE00];
	v10 =	vadd.f32 v23, v10;
	[tilespmem:s0+$0x11200] =	vst v12  }
0x2ed: {  	s2 =	sor.u32 s2, s30;
	[tilespmem:s0+$0x11280] =	vst v11  }
0x2ee: {  	s2 =	sor.u32 $0x180, s2;
	v11 =	vmul.f32 v21, v13;
	v12 =	vmul.f32 v9, v7;
	[tilespmem:s0+$0x11300] =	vst v10  }
0x2ef: {  	v10 =	vld [tilespmem:s2+$0xCE00]  }
0x2f0: {  	v11 =	vadd.f32 v11, v12  }
0x2f1: {  	v21 =	vmul.f32 v14, v7;
	v12 =	vmul.f32 v22, v15  }
0x2f2: {  	v22 =	vld [tilespmem:s17+$0xD100];
	[tilespmem:s5+$0x11200] =	vst v11  }
0x2f3: {  	v12 =	vadd.f32 v12, v21;
	v11 =	vld [tilespmem:s4+$0xD000]  }
0x2f4: {  	v7 =	vmul.f32 v18, v7;
	v21 =	vld [tilespmem:s4+$0xD080];
	v10 =	vmul.f32 v10, v31  }
0x2f5: {  	v19 =	vmul.f32 v19, v8;
	v23 =	vmul.f32 v6, v4;
	v25 =	vld [tilespmem:s4+$0xD100];
	[tilespmem:s1+$0x11200] =	vst v12  }
0x2f6: {  	v12 =	vmul.f32 v20, v8;
	v20 =	vmul.f32 v6, v3;
	v26 =	vld [tilespmem:s28+$0xD000];
	v7 =	vadd.f32 v10, v7  }
0x2f7: {  	[tilespmem:s15+$0x11500] =	vst v24;
	v10 =	vadd.f32 v19, v23;
	v19 =	vmul.f32 v22, v8;
	v22 =	vmul.f32 v6, v2;
	v23 =	vld [tilespmem:s28+$0xD080]  }
0x2f8: {  	v24 =	vld [tilespmem:s28+$0xD100];
	v12 =	vadd.f32 v12, v20;
	v20 =	vmul.f32 v9, v4;
	v11 =	vmul.f32 v11, v13;
	[tilespmem:s2+$0x11200] =	vst v7  }
0x2f9: {  	[tilespmem:s17+$0x11400] =	vst v10;
	v7 =	vadd.f32 v19, v22;
	v10 =	vmul.f32 v21, v13;
	v19 =	vmul.f32 v9, v3;
	v21 =	vld [tilespmem:s0+$0xD000]  }
0x2fa: {  	[tilespmem:s17+$0x11480] =	vst v12;
	v12 =	vmul.f32 v25, v13;
	v22 =	vld [tilespmem:s0+$0xD080];
	v11 =	vadd.f32 v11, v20;
	v20 =	vmul.f32 v9, v2  }
0x2fb: {  	v25 =	vld [tilespmem:s0+$0xD100];
	[tilespmem:s17+$0x11500] =	vst v7;
	v7 =	vadd.f32 v10, v19;
	v10 =	vmul.f32 v26, v15;
	v19 =	vmul.f32 v14, v4  }
0x2fc: {  	[tilespmem:s4+$0x11400] =	vst v11;
	v11 =	vadd.f32 v12, v20;
	v12 =	vmul.f32 v23, v15;
	v20 =	vmul.f32 v14, v3  }
0x2fd: {  	[tilespmem:s4+$0x11480] =	vst v7;
	v7 =	vadd.f32 v10, v19;
	v10 =	vmul.f32 v24, v15;
	v19 =	vmul.f32 v14, v2  }
0x2fe: {  	v4 =	vmul.f32 v18, v4;
	[tilespmem:s4+$0x11500] =	vst v11;
	v11 =	vadd.f32 v12, v20;
	v12 =	vmul.f32 v21, v31  }
0x2ff: {  	v3 =	vmul.f32 v18, v3;
	[tilespmem:s28+$0x11400] =	vst v7;
	v7 =	vadd.f32 v10, v19;
	v10 =	vmul.f32 v22, v31  }
0x300: {  	s19 =	sor.u32 s12, s11;
	s17 =	sor.u32 $0x380, s20;
	v2 =	vmul.f32 v18, v2;
	[tilespmem:s28+$0x11480] =	vst v11;
	v4 =	vadd.f32 v12, v4;
	v11 =	vmul.f32 v25, v31  }
0x301: {  	s2 =	sor.u32 $0x380, s19;
	s20 =	sor.u32 s14, s13;
	v12 =	vld [tilespmem:s17+$0xCE00];
	[tilespmem:s28+$0x11500] =	vst v7;
	v3 =	vadd.f32 v10, v3  }
0x302: {  	s31 =	sor.u32 s26, s24;
	s4 =	sor.u32 $0x380, s20;
	v7 =	vld [tilespmem:s2+$0xCE00];
	[tilespmem:s0+$0x11400] =	vst v4;
	v2 =	vadd.f32 v11, v2  }
0x303: {  	s7 =	sor.u32 s29, s30;
	s5 =	sor.u32 $0x380, s31;
	v4 =	vld [tilespmem:s4+$0xCE00];
	[tilespmem:s0+$0x11480] =	vst v3  }
0x304: {  	s8 =	sor.u32 $0x380, s7;
	v3 =	vld [tilespmem:s5+$0xCE00];
	[tilespmem:s0+$0x11500] =	vst v2  }
0x305: {  	v2 =	vld [tilespmem:s8+$0xCE00]  }
0x306: {  	v5 =	vmul.f32 v12, v5  }
0x307: {  	v6 =	vmul.f32 v6, v1;
	v7 =	vmul.f32 v7, v8  }
0x308: {  	v8 =	vmul.f32 v9, v1;
	v5 =	vadd.f32 v5, v16;
	v4 =	vmul.f32 v4, v13  }
0x309: {  	[tilespmem:s25+$0x11200] =	vst v17;
	v6 =	vadd.f32 v7, v6;
	v7 =	vmul.f32 v14, v1;
	v3 =	vmul.f32 v3, v15  }
0x30a: {  	v1 =	vmul.f32 v18, v1;
	[tilespmem:s17+$0x11200] =	vst v5;
	v4 =	vadd.f32 v4, v8;
	v2 =	vmul.f32 v2, v31  }
0x30b: {  	[tilespmem:s2+$0x11200] =	vst v6;
	v3 =	vadd.f32 v3, v7  }
0x30c: {  	[tilespmem:s4+$0x11200] =	vst v4;
	v1 =	vadd.f32 v2, v1  }
0x30d: {  	[tilespmem:s5+$0x11200] =	vst v3  }
0x30e: {  	[tilespmem:s8+$0x11200] =	vst v1  }
0x30f: {  	s9 =	simm.s32 $0xCA00;
	v12 =	vld [tilespmem:$0x10E80]  }
0x310: {  	v1 =	vld [tilespmem:s9+$0x0]  }
0x311: {  	s2 =	simm.s32 $0x0;
	v13 =	vld [tilespmem:$0x10E90]  }
0x312: {  	s11 =	sand.u32 $0x70, s2;
	s12 =	sand.u32 $0xC00, s2;
	v11 =	vld [tilespmem:$0x10EA0]  }
0x313: {  	s1 =	sor.u32 s11, s12;
	v9 =	vld [tilespmem:$0x10EB0]  }
0x314: {  	v5 =	vld [tilespmem:s1+$0xDE00]  }
0x315: {  	v6 =	vld [tilespmem:s1+$0xDE80];
	vm12 =	veq.s32 v1, $0x0  }
0x316: {  	v7 =	vld [tilespmem:s1+$0xDF00];
	v16 =	vsel vm12, $0x0, v0  }
0x317: {  	s13 =	simm.s32 $0xCA10;
	v3 =	vld [tilespmem:$0x10EC0];
	v2 =	vmul.f32 $8.000000000e+00, v16  }
0x318: {  	v8 =	vld [tilespmem:s13+$0x0]  }
0x319: {  	s8 =	simm.s32 $0x80;
	v4 =	vld [tilespmem:$0x10ED0];
	s13 =	simm.s32 $0x10;
	v10 =	vmul.f32 v16, v12;
	v14 =	vmul.f32 v2, v5  }
0x31a: {  	s9 =	sand.u32 $0xC00, s8;
	s14 =	sand.u32 $0x70, s13;
	v1 =	vld [tilespmem:$0x10EF0];
	v15 =	vmul.f32 v16, v13;
	v6 =	vmul.f32 v2, v6  }
0x31b: {  	s4 =	sor.u32 s14, s9;
	v17 =	vmul.f32 v16, v11;
	v5 =	vld [tilespmem:$0x10EE0];
	v7 =	vmul.f32 v7, v2;
	v10 =	vadd.f32 v14, v10  }
0x31c: {  	v6 =	vadd.f32 v6, v15;
	v14 =	vld [tilespmem:s4+$0xDE00]  }
0x31d: {  	vm13 =	veq.s32 v8, $0x0;
	v7 =	vadd.f32 v7, v17;
	v15 =	vld [tilespmem:s4+$0xDE80];
	[tilespmem:s1+$0x12200] =	vst v10  }
0x31e: {  	s15 =	sor.u32 s12, s2;
	v8 =	vld [tilespmem:s4+$0xDF00];
	[tilespmem:s1+$0x12280] =	vst v6;
	v6 =	vsel vm13, $0x0, v0  }
0x31f: {  	s0 =	sor.u32 $0x1180, s15;
	[tilespmem:s1+$0x12300] =	vst v7;
	v7 =	vmul.f32 $8.000000000e+00, v6  }
0x320: {  	s17 =	simm.s32 $0xCA20;
	v10 =	vld [tilespmem:s0+$0xCE00]  }
0x321: {  	v17 =	vld [tilespmem:s17+$0x0];
	v18 =	vmul.f32 v6, v12;
	v14 =	vmul.f32 v7, v14  }
0x322: {  	s19 =	simm.s32 $0x20;
	s20 =	simm.s32 $0x100;
	v19 =	vmul.f32 v6, v13;
	v15 =	vmul.f32 v7, v15  }
0x323: {  	s29 =	sand.u32 $0xC00, s20;
	s28 =	sand.u32 $0x70, s19;
	v20 =	vmul.f32 v6, v11;
	v8 =	vmul.f32 v8, v7;
	v14 =	vadd.f32 v14, v18  }
0x324: {  	s11 =	sor.u32 s28, s29;
	v15 =	vadd.f32 v15, v19  }
0x325: {  	v8 =	vadd.f32 v8, v20;
	v18 =	vmul.f32 v16, v9;
	v10 =	vmul.f32 v10, v2;
	[tilespmem:s4+$0x12200] =	vst v14;
	v14 =	vld [tilespmem:s11+$0xDE00]  }
0x326: {  	s30 =	sor.u32 s9, s13;
	vm14 =	veq.s32 v17, $0x0;
	v19 =	vld [tilespmem:s11+$0xDE80];
	[tilespmem:s4+$0x12280] =	vst v15  }
0x327: {  	s9 =	sor.u32 $0x1180, s30;
	v15 =	vld [tilespmem:s11+$0xDF00];
	[tilespmem:s4+$0x12300] =	vst v8;
	v8 =	vsel vm14, $0x0, v0;
	v17 =	vadd.f32 v10, v18  }
0x328: {  	s31 =	simm.s32 $0xCA30;
	v18 =	vld [tilespmem:s9+$0xCE00];
	v10 =	vmul.f32 $8.000000000e+00, v8  }
0x329: {  	v20 =	vld [tilespmem:s31+$0x0];
	[tilespmem:s0+$0x11200] =	vst v17  }
0x32a: {  	s24 =	simm.s32 $0x180;
	s7 =	simm.s32 $0x30;
	v17 =	vmul.f32 v8, v12;
	v21 =	vld [tilespmem:s1+$0xE000];
	v14 =	vmul.f32 v10, v14  }
0x32b: {  	s26 =	sand.u32 $0xC00, s24;
	s25 =	sand.u32 $0x70, s7;
	v22 =	vmul.f32 v8, v13;
	v19 =	vmul.f32 v10, v19;
	v23 =	vld [tilespmem:s1+$0xE080]  }
0x32c: {  	s12 =	sor.u32 s25, s26;
	v25 =	vmul.f32 v8, v11;
	v24 =	vld [tilespmem:s1+$0xE100];
	v15 =	vmul.f32 v15, v10;
	v14 =	vadd.f32 v14, v17  }
0x32d: {  	v26 =	vld [tilespmem:s12+$0xDE00];
	v18 =	vmul.f32 v18, v7;
	v17 =	vadd.f32 v19, v22;
	v22 =	vmul.f32 v16, v3  }
0x32e: {  	v19 =	vld [tilespmem:s12+$0xDE80];
	v15 =	vadd.f32 v15, v25;
	v25 =	vmul.f32 v16, v5;
	[tilespmem:s11+$0x12200] =	vst v14;
	v14 =	vmul.f32 v6, v9  }
0x32f: {  	s28 =	sor.u32 s29, s19;
	vm15 =	veq.s32 v20, $0x0;
	[tilespmem:s11+$0x12280] =	vst v17;
	v17 =	vld [tilespmem:s12+$0xDF00];
	v20 =	vmul.f32 v21, v2;
	v21 =	vmul.f32 v16, v4  }
0x330: {  	s0 =	sor.u32 $0x1180, s28;
	[tilespmem:s11+$0x12300] =	vst v15;
	v15 =	vsel vm15, $0x0, v0;
	v23 =	vmul.f32 v23, v2;
	v18 =	vadd.f32 v18, v14  }
0x331: {  	s5 =	simm.s32 $0xCA40;
	v24 =	vmul.f32 v24, v2;
	v27 =	vld [tilespmem:s0+$0xCE00];
	v14 =	vmul.f32 $8.000000000e+00, v15;
	v22 =	vadd.f32 v20, v22  }
0x332: {  	s2 =	sor.u32 s2, s2;
	s29 =	simm.s32 $0x40;
	v61 =	vmul.f32 v15, v13;
	v62 =	vmul.f32 v15, v12;
	v20 =	vld [tilespmem:s5+$0x0];
	v21 =	vadd.f32 v23, v21;
	[tilespmem:s9+$0x11200] =	vst v18  }
0x333: {  	s15 =	sor.u32 s8, s13;
	s13 =	sor.u32 s24, s7;
	s24 =	simm.s32 $0x200;
	v63 =	vmul.f32 v15, v11;
	v23 =	vmul.f32 v14, v26;
	[tilespmem:s1+$0x12400] =	vst v22;
	v22 =	vadd.f32 v24, v25;
	v18 =	vld [tilespmem:s4+$0xE100]  }
0x334: {  	s14 =	sor.u32 $0x1380, s2;
	s30 =	sand.u32 $0x70, s29;
	s2 =	sor.u32 s24, s29;
	v26 =	vmul.f32 v14, v19;
	[tilespmem:s1+$0x12480] =	vst v21;
	v17 =	vmul.f32 v17, v14;
	v19 =	vld [tilespmem:s4+$0xE000]  }
0x335: {  	s17 =	sor.u32 s20, s19;
	s19 =	sor.u32 s26, s7;
	s31 =	sand.u32 $0xC00, s24;
	v16 =	vmul.f32 v16, v1;
	v21 =	vld [tilespmem:s4+$0xE080];
	v25 =	vadd.f32 v23, v62;
	[tilespmem:s1+$0x12500] =	vst v22  }
0x336: {  	s20 =	simm.s32 $0x50;
	s8 =	sor.u32 s31, s29;
	v24 =	vadd.f32 v26, v61;
	v22 =	vmul.f32 v27, v10;
	s1 =	sor.u32 s30, s31;
	v23 =	vadd.f32 v17, v63;
	v17 =	vld [tilespmem:s14+$0xCE00]  }
.LBB2_21:
0x337: {  	p0 =	sne.s32 s20, $0x1F0;
	v26 =	vld [tilespmem:s1+$0xDE80];
	[tilespmem:s12+$0x12200] =	vst v25;
	v25 =	vmul.f32 v6, v3;
	v27 =	vmul.f32 v6, v5;
	v28 =	vmovc v15;
	v29 =	vmov v2;
	s25 =	smov.u32 s20;
	s20 =	sadd.s32 $0x10, s20  }
0x338: {  	v2 =	vmovc v7;
	s9 =	smov.u32 s17;
	s17 =	smov.u32 s13;
	s13 =	smov.u32 s2;
	v30 =	vld [tilespmem:s1+$0xDE00];
	[tilespmem:s12+$0x12280] =	vst v24;
	v24 =	vmul.f32 v8, v9;
	v31 =	vmul.f32 v18, v7;
	v7 =	vmov v10  }
0x339: {  	vm0 =	veq.s32 v20, $0x0;
	s2 =	sor.u32 $0x1180, s19;
	s26 =	smov.u32 s4;
	s4 =	smov.u32 s11;
	v10 =	vmovc v14;
	v32 =	vld [tilespmem:s1+$0xDF00];
	[tilespmem:s12+$0x12300] =	vst v23;
	v18 =	vmul.f32 v19, v2;
	v19 =	vmul.f32 v6, v4  }
0x33a: {  	s11 =	smov.u32 s12;
	s19 =	smov.u32 s8;
	v15 =	vsel vm0, $0x0, v0;
	s12 =	smov.u32 s1;
	v23 =	vld [tilespmem:s2+$0xCE00];
	v22 =	vadd.f32 v22, v24;
	v21 =	vmul.f32 v21, v2  }
0x33b: {  	s5 =	sadd.s32 $0x10, s5;
	v14 =	vmul.f32 $8.000000000e+00, v15;
	v24 =	vmul.f32 v15, v13;
	v25 =	vadd.f32 v18, v25  }
.Ltmp9:
0x33c: {  	v33 =	vmul.f32 v15, v12;
	v17 =	vmul.f32 v17, v29;
	v20 =	vld [tilespmem:s5+$0x0];
	[tilespmem:s0+$0x11200] =	vst v22;
	v21 =	vadd.f32 v21, v19;
	s0 =	smov.u32 s2;
	(pc) =	sbr.rel @p0 .LBB2_21-.Ltmp9, $4  }
0x33d: {  	v27 =	vadd.f32 v31, v27;
	v26 =	vmul.f32 v14, v26;
	v22 =	vmul.f32 v14, v30;
	v18 =	vld [tilespmem:s4+$0xE100];
	[tilespmem:s26+$0x12400] =	vst v25  }
0x33e: {  	s24 =	sadd.s32 $0x80, s24;
	s28 =	sor.u32 $0x1380, s15;
	s15 =	smov.u32 s9;
	v30 =	vmul.f32 v15, v11;
	v31 =	vadd.f32 v17, v16;
	v29 =	vmul.f32 v32, v14;
	v19 =	vld [tilespmem:s4+$0xE000];
	[tilespmem:s26+$0x12480] =	vst v21  }
0x33f: {  	s8 =	sand.u32 $0xC00, s24;
	s1 =	sand.u32 $0x70, s25;
	s2 =	sor.u32 s24, s25;
	v24 =	vadd.f32 v26, v24;
	v25 =	vadd.f32 v22, v33;
	v22 =	vmul.f32 v23, v10;
	v21 =	vld [tilespmem:s4+$0xE080];
	[tilespmem:s26+$0x12500] =	vst v27  }
0x340: {  	s1 =	sor.u32 s1, s8;
	s8 =	sor.u32 s8, s25;
	v16 =	vmul.f32 v6, v1;
	v6 =	vmovc v8;
	v8 =	vmov v28;
	v23 =	vadd.f32 v29, v30;
	v17 =	vld [tilespmem:s28+$0xCE00];
	[tilespmem:s14+$0x11200] =	vst v31;
	s14 =	smov.u32 s28  }
0x341: {  	v26 =	vld [tilespmem:s1+$0xDE00]  }
0x342: {  	v27 =	vld [tilespmem:s1+$0xDE80];
	vm0 =	veq.s32 v20, $0x0  }
0x343: {  	v20 =	vld [tilespmem:s1+$0xDF00];
	v28 =	vsel vm0, $0x0, v0  }
0x344: {  	v29 =	vmul.f32 $8.000000000e+00, v28;
	_ =	sdelay $0x1  }
0x345: {  	v12 =	vmul.f32 v28, v12;
	v26 =	vmul.f32 v29, v26  }
0x346: {  	[tilespmem:s12+$0x12200] =	vst v25;
	v13 =	vmul.f32 v28, v13;
	v25 =	vmul.f32 v29, v27  }
0x347: {  	[tilespmem:s12+$0x12280] =	vst v24;
	v11 =	vmul.f32 v28, v11;
	v20 =	vmul.f32 v20, v29;
	v12 =	vadd.f32 v26, v12  }
0x348: {  	s5 =	sor.u32 $0x1180, s19;
	[tilespmem:s12+$0x12300] =	vst v23;
	v13 =	vadd.f32 v25, v13  }
0x349: {  	v23 =	vld [tilespmem:s5+$0xCE00];
	v11 =	vadd.f32 v20, v11;
	[tilespmem:s1+$0x12200] =	vst v12  }
0x34a: {  	[tilespmem:s1+$0x12280] =	vst v13  }
0x34b: {  	s8 =	sor.u32 $0x1180, s8;
	v12 =	vmul.f32 v8, v9;
	[tilespmem:s1+$0x12300] =	vst v11  }
0x34c: {  	v11 =	vld [tilespmem:s8+$0xCE00]  }
0x34d: {  	v12 =	vadd.f32 v22, v12  }
0x34e: {  	v20 =	vmul.f32 v15, v9;
	v13 =	vmul.f32 v23, v14  }
0x34f: {  	[tilespmem:s0+$0x11200] =	vst v12  }
0x350: {  	v13 =	vadd.f32 v13, v20;
	v12 =	vld [tilespmem:s11+$0xE000]  }
0x351: {  	v9 =	vmul.f32 v28, v9;
	v20 =	vld [tilespmem:s11+$0xE080];
	v11 =	vmul.f32 v11, v29  }
0x352: {  	v19 =	vmul.f32 v19, v7;
	v22 =	vmul.f32 v6, v3;
	[tilespmem:s5+$0x11200] =	vst v13;
	v23 =	vld [tilespmem:s11+$0xE100]  }
0x353: {  	v21 =	vmul.f32 v21, v7;
	v13 =	vmul.f32 v6, v4;
	v24 =	vld [tilespmem:s12+$0xE000];
	v9 =	vadd.f32 v11, v9  }
0x354: {  	v18 =	vmul.f32 v18, v7;
	v19 =	vadd.f32 v19, v22;
	v22 =	vld [tilespmem:s12+$0xE080];
	v11 =	vmul.f32 v6, v5  }
0x355: {  	v25 =	vld [tilespmem:s12+$0xE100];
	v13 =	vadd.f32 v21, v13;
	v21 =	vmul.f32 v8, v3;
	v12 =	vmul.f32 v12, v10;
	[tilespmem:s8+$0x11200] =	vst v9  }
0x356: {  	[tilespmem:s4+$0x12400] =	vst v19;
	v9 =	vadd.f32 v18, v11;
	v11 =	vmul.f32 v8, v4;
	v18 =	vmul.f32 v20, v10;
	v19 =	vld [tilespmem:s1+$0xE000]  }
0x357: {  	[tilespmem:s4+$0x12480] =	vst v13;
	v13 =	vmul.f32 v8, v5;
	v20 =	vmul.f32 v23, v10;
	v12 =	vadd.f32 v12, v21;
	v21 =	vld [tilespmem:s1+$0xE080]  }
0x358: {  	v23 =	vld [tilespmem:s1+$0xE100];
	[tilespmem:s4+$0x12500] =	vst v9;
	v9 =	vadd.f32 v18, v11;
	v11 =	vmul.f32 v15, v3;
	v18 =	vmul.f32 v24, v14  }
0x359: {  	[tilespmem:s11+$0x12400] =	vst v12;
	v12 =	vadd.f32 v20, v13;
	v13 =	vmul.f32 v15, v4;
	v20 =	vmul.f32 v22, v14  }
0x35a: {  	[tilespmem:s11+$0x12480] =	vst v9;
	v9 =	vmul.f32 v15, v5;
	v22 =	vmul.f32 v25, v14;
	v11 =	vadd.f32 v18, v11  }
0x35b: {  	v3 =	vmul.f32 v28, v3;
	[tilespmem:s11+$0x12500] =	vst v12;
	v12 =	vadd.f32 v20, v13;
	v13 =	vmul.f32 v19, v29  }
0x35c: {  	v4 =	vmul.f32 v28, v4;
	[tilespmem:s12+$0x12400] =	vst v11;
	v9 =	vadd.f32 v22, v9;
	v11 =	vmul.f32 v21, v29  }
0x35d: {  	v5 =	vmul.f32 v28, v5;
	[tilespmem:s12+$0x12480] =	vst v12;
	v12 =	vmul.f32 v23, v29;
	v3 =	vadd.f32 v13, v3  }
0x35e: {  	s29 =	sor.u32 $0x1380, s15;
	[tilespmem:s12+$0x12500] =	vst v9;
	v4 =	vadd.f32 v11, v4  }
0x35f: {  	s30 =	sor.u32 $0x1380, s17;
	v9 =	vld [tilespmem:s29+$0xCE00];
	[tilespmem:s1+$0x12400] =	vst v3;
	v3 =	vadd.f32 v12, v5  }
0x360: {  	s31 =	sor.u32 $0x1380, s13;
	v5 =	vld [tilespmem:s30+$0xCE00];
	[tilespmem:s1+$0x12480] =	vst v4  }
0x361: {  	s2 =	sor.u32 $0x1380, s2;
	v4 =	vld [tilespmem:s31+$0xCE00];
	[tilespmem:s1+$0x12500] =	vst v3  }
0x362: {  	v3 =	vld [tilespmem:s2+$0xCE00]  }
0x363: {  	v2 =	vmul.f32 v17, v2  }
0x364: {  	v6 =	vmul.f32 v6, v1;
	v7 =	vmul.f32 v9, v7  }
0x365: {  	v2 =	vadd.f32 v2, v16;
	v8 =	vmul.f32 v8, v1;
	v5 =	vmul.f32 v5, v10  }
0x366: {  	v6 =	vadd.f32 v7, v6;
	v7 =	vmul.f32 v15, v1;
	v4 =	vmul.f32 v4, v14  }
0x367: {  	[tilespmem:s14+$0x11200] =	vst v2;
	v1 =	vmul.f32 v28, v1;
	v2 =	vadd.f32 v5, v8;
	v3 =	vmul.f32 v3, v29  }
0x368: {  	[tilespmem:s29+$0x11200] =	vst v6;
	v4 =	vadd.f32 v4, v7  }
0x369: {  	[tilespmem:s30+$0x11200] =	vst v2;
	v1 =	vadd.f32 v3, v1  }
0x36a: {  	[tilespmem:s31+$0x11200] =	vst v4  }
0x36b: {  	[tilespmem:s2+$0x11200] =	vst v1  }
0x36c: {  	s7 =	simm.s32 $0xCA00;
	v12 =	vld [tilespmem:$0x10F00]  }
0x36d: {  	v1 =	vld [tilespmem:s7+$0x0]  }
0x36e: {  	s8 =	simm.s32 $0x0;
	v13 =	vld [tilespmem:$0x10F10]  }
0x36f: {  	s11 =	sand.u32 $0x70, s8;
	s12 =	sand.u32 $0xC00, s8;
	v11 =	vld [tilespmem:$0x10F20]  }
0x370: {  	s1 =	sor.u32 s11, s12;
	v9 =	vld [tilespmem:$0x10F30]  }
0x371: {  	v5 =	vld [tilespmem:s1+$0xEE00]  }
0x372: {  	v6 =	vld [tilespmem:s1+$0xEE80];
	vm12 =	veq.s32 v1, $0x0  }
0x373: {  	v7 =	vld [tilespmem:s1+$0xEF00];
	v16 =	vsel vm12, $0x0, v0  }
0x374: {  	s13 =	simm.s32 $0xCA10;
	v3 =	vld [tilespmem:$0x10F40];
	v2 =	vmul.f32 $8.000000000e+00, v16  }
0x375: {  	v8 =	vld [tilespmem:s13+$0x0]  }
0x376: {  	s17 =	simm.s32 $0x80;
	s14 =	simm.s32 $0x10;
	v4 =	vld [tilespmem:$0x10F50];
	v10 =	vmul.f32 v16, v12;
	v14 =	vmul.f32 v2, v5  }
0x377: {  	s9 =	sand.u32 $0xC00, s17;
	s28 =	sand.u32 $0x70, s14;
	v1 =	vld [tilespmem:$0x10F70];
	v15 =	vmul.f32 v16, v13;
	v6 =	vmul.f32 v2, v6  }
0x378: {  	s4 =	sor.u32 s28, s9;
	v17 =	vmul.f32 v16, v11;
	v5 =	vld [tilespmem:$0x10F60];
	v7 =	vmul.f32 v7, v2;
	v10 =	vadd.f32 v14, v10  }
0x379: {  	v6 =	vadd.f32 v6, v15;
	v14 =	vld [tilespmem:s4+$0xEE00]  }
0x37a: {  	vm13 =	veq.s32 v8, $0x0;
	v7 =	vadd.f32 v7, v17;
	v15 =	vld [tilespmem:s4+$0xEE80];
	[tilespmem:s1+$0x13200] =	vst v10  }
0x37b: {  	s29 =	sor.u32 s12, s8;
	v8 =	vld [tilespmem:s4+$0xEF00];
	[tilespmem:s1+$0x13280] =	vst v6;
	v6 =	vsel vm13, $0x0, v0  }
0x37c: {  	s0 =	sor.u32 $0x2180, s29;
	[tilespmem:s1+$0x13300] =	vst v7;
	v7 =	vmul.f32 $8.000000000e+00, v6  }
0x37d: {  	s30 =	simm.s32 $0xCA20;
	v10 =	vld [tilespmem:s0+$0xCE00]  }
0x37e: {  	v17 =	vld [tilespmem:s30+$0x0];
	v18 =	vmul.f32 v6, v12;
	v14 =	vmul.f32 v7, v14  }
0x37f: {  	s31 =	simm.s32 $0x20;
	s7 =	simm.s32 $0x100;
	v19 =	vmul.f32 v6, v13;
	v15 =	vmul.f32 v7, v15  }
0x380: {  	s15 =	sand.u32 $0x70, s31;
	s19 =	sand.u32 $0xC00, s7;
	v20 =	vmul.f32 v6, v11;
	v8 =	vmul.f32 v8, v7;
	v14 =	vadd.f32 v14, v18  }
0x381: {  	s11 =	sor.u32 s15, s19;
	v15 =	vadd.f32 v15, v19  }
0x382: {  	v8 =	vadd.f32 v8, v20;
	v18 =	vmul.f32 v16, v9;
	v10 =	vmul.f32 v10, v2;
	[tilespmem:s4+$0x13200] =	vst v14;
	v14 =	vld [tilespmem:s11+$0xEE00]  }
0x383: {  	s24 =	sor.u32 s9, s14;
	vm14 =	veq.s32 v17, $0x0;
	v19 =	vld [tilespmem:s11+$0xEE80];
	[tilespmem:s4+$0x13280] =	vst v15  }
0x384: {  	s9 =	sor.u32 $0x2180, s24;
	v15 =	vld [tilespmem:s11+$0xEF00];
	[tilespmem:s4+$0x13300] =	vst v8;
	v8 =	vsel vm14, $0x0, v0;
	v17 =	vadd.f32 v10, v18  }
0x385: {  	s25 =	simm.s32 $0xCA30;
	v18 =	vld [tilespmem:s9+$0xCE00];
	v10 =	vmul.f32 $8.000000000e+00, v8  }
0x386: {  	v20 =	vld [tilespmem:s25+$0x0];
	[tilespmem:s0+$0x11200] =	vst v17  }
0x387: {  	s26 =	simm.s32 $0x30;
	s20 =	simm.s32 $0x180;
	v17 =	vmul.f32 v8, v12;
	v21 =	vld [tilespmem:s1+$0xF000];
	v14 =	vmul.f32 v10, v14  }
0x388: {  	s28 =	sand.u32 $0x70, s26;
	s24 =	sand.u32 $0xC00, s20;
	v22 =	vmul.f32 v8, v13;
	v19 =	vmul.f32 v10, v19;
	v23 =	vld [tilespmem:s1+$0xF080]  }
0x389: {  	s12 =	sor.u32 s28, s24;
	v25 =	vmul.f32 v8, v11;
	v24 =	vld [tilespmem:s1+$0xF100];
	v15 =	vmul.f32 v15, v10;
	v14 =	vadd.f32 v14, v17  }
0x38a: {  	v26 =	vld [tilespmem:s12+$0xEE00];
	v18 =	vmul.f32 v18, v7;
	v17 =	vadd.f32 v19, v22;
	v22 =	vmul.f32 v16, v3  }
0x38b: {  	v19 =	vld [tilespmem:s12+$0xEE80];
	v15 =	vadd.f32 v15, v25;
	v25 =	vmul.f32 v16, v5;
	[tilespmem:s11+$0x13200] =	vst v14;
	v14 =	vmul.f32 v6, v9  }
0x38c: {  	s29 =	sor.u32 s19, s31;
	vm15 =	veq.s32 v20, $0x0;
	[tilespmem:s11+$0x13280] =	vst v17;
	v17 =	vld [tilespmem:s12+$0xEF00];
	v20 =	vmul.f32 v21, v2;
	v21 =	vmul.f32 v16, v4  }
0x38d: {  	s0 =	sor.u32 $0x2180, s29;
	[tilespmem:s11+$0x13300] =	vst v15;
	v15 =	vsel vm15, $0x0, v0;
	v23 =	vmul.f32 v23, v2;
	v18 =	vadd.f32 v18, v14  }
0x38e: {  	s5 =	simm.s32 $0xCA40;
	v24 =	vmul.f32 v24, v2;
	v27 =	vld [tilespmem:s0+$0xCE00];
	v14 =	vmul.f32 $8.000000000e+00, v15;
	v22 =	vadd.f32 v20, v22  }
0x38f: {  	s2 =	sor.u32 s8, s8;
	s13 =	sor.u32 s20, s26;
	v62 =	vmul.f32 v15, v13;
	v63 =	vmul.f32 v15, v12;
	v20 =	vld [tilespmem:s5+$0x0];
	v21 =	vadd.f32 v23, v21;
	[tilespmem:s9+$0x11200] =	vst v18  }
0x390: {  	s20 =	simm.s32 $0x50;
	s15 =	sor.u32 s17, s14;
	s17 =	sor.u32 s7, s31;
	v30 =	vmul.f32 v15, v11;
	v23 =	vmul.f32 v14, v26;
	[tilespmem:s1+$0x13400] =	vst v22;
	v22 =	vadd.f32 v24, v25;
	v18 =	vld [tilespmem:s4+$0xF100]  }
0x391: {  	s19 =	sor.u32 s24, s26;
	s24 =	simm.s32 $0x200;
	s30 =	simm.s32 $0x40;
	v26 =	vmul.f32 v14, v19;
	[tilespmem:s1+$0x13480] =	vst v21;
	v17 =	vmul.f32 v17, v14;
	v19 =	vld [tilespmem:s4+$0xF000]  }
0x392: {  	s14 =	sor.u32 $0x2380, s2;
	s31 =	sand.u32 $0x70, s30;
	s25 =	sand.u32 $0xC00, s24;
	v16 =	vmul.f32 v16, v1;
	v21 =	vld [tilespmem:s4+$0xF080];
	v25 =	vadd.f32 v23, v63;
	[tilespmem:s1+$0x13500] =	vst v22  }
0x393: {  	s2 =	sor.u32 s24, s30;
	s8 =	sor.u32 s25, s30;
	v24 =	vadd.f32 v26, v62;
	v22 =	vmul.f32 v27, v10;
	s1 =	sor.u32 s31, s25;
	v23 =	vadd.f32 v17, v30;
	v17 =	vld [tilespmem:s14+$0xCE00]  }
.LBB2_23:
0x394: {  	p0 =	sne.s32 s20, $0x1F0;
	v26 =	vld [tilespmem:s1+$0xEE80];
	[tilespmem:s12+$0x13200] =	vst v25;
	v25 =	vmul.f32 v6, v3;
	v27 =	vmul.f32 v6, v5;
	v28 =	vmovc v15;
	v29 =	vmov v2;
	s25 =	smov.u32 s20;
	s20 =	sadd.s32 $0x10, s20  }
0x395: {  	v2 =	vmovc v7;
	s9 =	smov.u32 s17;
	s17 =	smov.u32 s13;
	s13 =	smov.u32 s2;
	v30 =	vld [tilespmem:s1+$0xEE00];
	[tilespmem:s12+$0x13280] =	vst v24;
	v24 =	vmul.f32 v8, v9;
	v31 =	vmul.f32 v18, v7;
	v7 =	vmov v10  }
0x396: {  	vm0 =	veq.s32 v20, $0x0;
	s2 =	sor.u32 $0x2180, s19;
	s26 =	smov.u32 s4;
	s4 =	smov.u32 s11;
	v10 =	vmovc v14;
	v32 =	vld [tilespmem:s1+$0xEF00];
	[tilespmem:s12+$0x13300] =	vst v23;
	v18 =	vmul.f32 v19, v2;
	v19 =	vmul.f32 v6, v4  }
0x397: {  	s11 =	smov.u32 s12;
	s19 =	smov.u32 s8;
	v15 =	vsel vm0, $0x0, v0;
	s12 =	smov.u32 s1;
	v23 =	vld [tilespmem:s2+$0xCE00];
	v22 =	vadd.f32 v22, v24;
	v21 =	vmul.f32 v21, v2  }
0x398: {  	s5 =	sadd.s32 $0x10, s5;
	v14 =	vmul.f32 $8.000000000e+00, v15;
	v24 =	vmul.f32 v15, v13;
	v25 =	vadd.f32 v18, v25  }
.Ltmp10:
0x399: {  	v33 =	vmul.f32 v15, v12;
	v17 =	vmul.f32 v17, v29;
	v20 =	vld [tilespmem:s5+$0x0];
	[tilespmem:s0+$0x11200] =	vst v22;
	v21 =	vadd.f32 v21, v19;
	s0 =	smov.u32 s2;
	(pc) =	sbr.rel @p0 .LBB2_23-.Ltmp10, $4  }
0x39a: {  	v27 =	vadd.f32 v31, v27;
	v26 =	vmul.f32 v14, v26;
	v22 =	vmul.f32 v14, v30;
	v18 =	vld [tilespmem:s4+$0xF100];
	[tilespmem:s26+$0x13400] =	vst v25  }
0x39b: {  	s24 =	sadd.s32 $0x80, s24;
	s28 =	sor.u32 $0x2380, s15;
	s15 =	smov.u32 s9;
	v30 =	vmul.f32 v15, v11;
	v31 =	vadd.f32 v17, v16;
	v29 =	vmul.f32 v32, v14;
	v19 =	vld [tilespmem:s4+$0xF000];
	[tilespmem:s26+$0x13480] =	vst v21  }
0x39c: {  	s8 =	sand.u32 $0xC00, s24;
	s1 =	sand.u32 $0x70, s25;
	s2 =	sor.u32 s24, s25;
	v24 =	vadd.f32 v26, v24;
	v25 =	vadd.f32 v22, v33;
	v22 =	vmul.f32 v23, v10;
	v21 =	vld [tilespmem:s4+$0xF080];
	[tilespmem:s26+$0x13500] =	vst v27  }
0x39d: {  	s1 =	sor.u32 s1, s8;
	s8 =	sor.u32 s8, s25;
	v16 =	vmul.f32 v6, v1;
	v6 =	vmovc v8;
	v8 =	vmov v28;
	v23 =	vadd.f32 v29, v30;
	v17 =	vld [tilespmem:s28+$0xCE00];
	[tilespmem:s14+$0x11200] =	vst v31;
	s14 =	smov.u32 s28  }
0x39e: {  	v26 =	vld [tilespmem:s1+$0xEE00]  }
0x39f: {  	v27 =	vld [tilespmem:s1+$0xEE80];
	vm0 =	veq.s32 v20, $0x0  }
0x3a0: {  	v20 =	vld [tilespmem:s1+$0xEF00];
	v28 =	vsel vm0, $0x0, v0  }
0x3a1: {  	v29 =	vmul.f32 $8.000000000e+00, v28;
	_ =	sdelay $0x1  }
0x3a2: {  	v12 =	vmul.f32 v28, v12;
	v26 =	vmul.f32 v29, v26  }
0x3a3: {  	[tilespmem:s12+$0x13200] =	vst v25;
	v13 =	vmul.f32 v28, v13;
	v25 =	vmul.f32 v29, v27  }
0x3a4: {  	[tilespmem:s12+$0x13280] =	vst v24;
	v11 =	vmul.f32 v28, v11;
	v20 =	vmul.f32 v20, v29;
	v12 =	vadd.f32 v26, v12  }
0x3a5: {  	s5 =	sor.u32 $0x2180, s19;
	[tilespmem:s12+$0x13300] =	vst v23;
	v13 =	vadd.f32 v25, v13  }
0x3a6: {  	v23 =	vld [tilespmem:s5+$0xCE00];
	v11 =	vadd.f32 v20, v11;
	[tilespmem:s1+$0x13200] =	vst v12  }
0x3a7: {  	[tilespmem:s1+$0x13280] =	vst v13  }
0x3a8: {  	s8 =	sor.u32 $0x2180, s8;
	v12 =	vmul.f32 v8, v9;
	[tilespmem:s1+$0x13300] =	vst v11  }
0x3a9: {  	v11 =	vld [tilespmem:s8+$0xCE00]  }
0x3aa: {  	v12 =	vadd.f32 v22, v12  }
0x3ab: {  	v20 =	vmul.f32 v15, v9;
	v13 =	vmul.f32 v23, v14  }
0x3ac: {  	[tilespmem:s0+$0x11200] =	vst v12  }
0x3ad: {  	v13 =	vadd.f32 v13, v20;
	v12 =	vld [tilespmem:s11+$0xF000]  }
0x3ae: {  	v9 =	vmul.f32 v28, v9;
	v20 =	vld [tilespmem:s11+$0xF080];
	v11 =	vmul.f32 v11, v29  }
0x3af: {  	v19 =	vmul.f32 v19, v7;
	v22 =	vmul.f32 v6, v3;
	[tilespmem:s5+$0x11200] =	vst v13;
	v23 =	vld [tilespmem:s11+$0xF100]  }
0x3b0: {  	v21 =	vmul.f32 v21, v7;
	v13 =	vmul.f32 v6, v4;
	v24 =	vld [tilespmem:s12+$0xF000];
	v9 =	vadd.f32 v11, v9  }
0x3b1: {  	v18 =	vmul.f32 v18, v7;
	v19 =	vadd.f32 v19, v22;
	v22 =	vld [tilespmem:s12+$0xF080];
	v11 =	vmul.f32 v6, v5  }
0x3b2: {  	v25 =	vld [tilespmem:s12+$0xF100];
	v13 =	vadd.f32 v21, v13;
	v21 =	vmul.f32 v8, v3;
	v12 =	vmul.f32 v12, v10;
	[tilespmem:s8+$0x11200] =	vst v9  }
0x3b3: {  	[tilespmem:s4+$0x13400] =	vst v19;
	v9 =	vadd.f32 v18, v11;
	v11 =	vmul.f32 v8, v4;
	v18 =	vmul.f32 v20, v10;
	v19 =	vld [tilespmem:s1+$0xF000]  }
0x3b4: {  	[tilespmem:s4+$0x13480] =	vst v13;
	v13 =	vmul.f32 v8, v5;
	v20 =	vmul.f32 v23, v10;
	v12 =	vadd.f32 v12, v21;
	v21 =	vld [tilespmem:s1+$0xF080]  }
0x3b5: {  	v23 =	vld [tilespmem:s1+$0xF100];
	[tilespmem:s4+$0x13500] =	vst v9;
	v9 =	vadd.f32 v18, v11;
	v11 =	vmul.f32 v15, v3;
	v18 =	vmul.f32 v24, v14  }
0x3b6: {  	[tilespmem:s11+$0x13400] =	vst v12;
	v12 =	vadd.f32 v20, v13;
	v13 =	vmul.f32 v15, v4;
	v20 =	vmul.f32 v22, v14  }
0x3b7: {  	[tilespmem:s11+$0x13480] =	vst v9;
	v9 =	vmul.f32 v15, v5;
	v22 =	vmul.f32 v25, v14;
	v11 =	vadd.f32 v18, v11  }
0x3b8: {  	v3 =	vmul.f32 v28, v3;
	[tilespmem:s11+$0x13500] =	vst v12;
	v12 =	vadd.f32 v20, v13;
	v13 =	vmul.f32 v19, v29  }
0x3b9: {  	v4 =	vmul.f32 v28, v4;
	[tilespmem:s12+$0x13400] =	vst v11;
	v9 =	vadd.f32 v22, v9;
	v11 =	vmul.f32 v21, v29  }
0x3ba: {  	v5 =	vmul.f32 v28, v5;
	[tilespmem:s12+$0x13480] =	vst v12;
	v12 =	vmul.f32 v23, v29;
	v3 =	vadd.f32 v13, v3  }
0x3bb: {  	s29 =	sor.u32 $0x2380, s15;
	[tilespmem:s12+$0x13500] =	vst v9;
	v4 =	vadd.f32 v11, v4  }
0x3bc: {  	s30 =	sor.u32 $0x2380, s17;
	v9 =	vld [tilespmem:s29+$0xCE00];
	[tilespmem:s1+$0x13400] =	vst v3;
	v3 =	vadd.f32 v12, v5  }
0x3bd: {  	s31 =	sor.u32 $0x2380, s13;
	v5 =	vld [tilespmem:s30+$0xCE00];
	[tilespmem:s1+$0x13480] =	vst v4  }
0x3be: {  	s2 =	sor.u32 $0x2380, s2;
	v4 =	vld [tilespmem:s31+$0xCE00];
	[tilespmem:s1+$0x13500] =	vst v3  }
0x3bf: {  	v3 =	vld [tilespmem:s2+$0xCE00]  }
0x3c0: {  	v2 =	vmul.f32 v17, v2  }
0x3c1: {  	v6 =	vmul.f32 v6, v1;
	v7 =	vmul.f32 v9, v7  }
0x3c2: {  	v2 =	vadd.f32 v2, v16;
	v8 =	vmul.f32 v8, v1;
	v5 =	vmul.f32 v5, v10  }
0x3c3: {  	v6 =	vadd.f32 v7, v6;
	v7 =	vmul.f32 v15, v1;
	v4 =	vmul.f32 v4, v14  }
0x3c4: {  	[tilespmem:s14+$0x11200] =	vst v2;
	v1 =	vmul.f32 v28, v1;
	v2 =	vadd.f32 v5, v8;
	v3 =	vmul.f32 v3, v29  }
0x3c5: {  	[tilespmem:s29+$0x11200] =	vst v6;
	v4 =	vadd.f32 v4, v7  }
0x3c6: {  	[tilespmem:s30+$0x11200] =	vst v2;
	v1 =	vadd.f32 v3, v1  }
0x3c7: {  	[tilespmem:s31+$0x11200] =	vst v4  }
0x3c8: {  	[tilespmem:s2+$0x11200] =	vst v1  }
0x3c9: {  	s7 =	simm.s32 $0xCA00;
	v12 =	vld [tilespmem:$0x10F80]  }
0x3ca: {  	v1 =	vld [tilespmem:s7+$0x0]  }
0x3cb: {  	s8 =	simm.s32 $0x0;
	v13 =	vld [tilespmem:$0x10F90]  }
0x3cc: {  	s11 =	sand.u32 $0x70, s8;
	s12 =	sand.u32 $0xC00, s8;
	v11 =	vld [tilespmem:$0x10FA0]  }
0x3cd: {  	s1 =	sor.u32 s11, s12;
	v9 =	vld [tilespmem:$0x10FB0]  }
0x3ce: {  	v5 =	vld [tilespmem:s1+$0xFE00]  }
0x3cf: {  	v6 =	vld [tilespmem:s1+$0xFE80];
	vm12 =	veq.s32 v1, $0x0  }
0x3d0: {  	v7 =	vld [tilespmem:s1+$0xFF00];
	v16 =	vsel vm12, $0x0, v0  }
0x3d1: {  	s13 =	simm.s32 $0xCA10;
	v3 =	vld [tilespmem:$0x10FC0];
	v2 =	vmul.f32 $8.000000000e+00, v16  }
0x3d2: {  	v8 =	vld [tilespmem:s13+$0x0]  }
0x3d3: {  	s17 =	simm.s32 $0x80;
	s14 =	simm.s32 $0x10;
	v4 =	vld [tilespmem:$0x10FD0];
	v10 =	vmul.f32 v16, v12;
	v14 =	vmul.f32 v2, v5  }
0x3d4: {  	s9 =	sand.u32 $0xC00, s17;
	s28 =	sand.u32 $0x70, s14;
	v1 =	vld [tilespmem:$0x10FF0];
	v15 =	vmul.f32 v16, v13;
	v6 =	vmul.f32 v2, v6  }
0x3d5: {  	s4 =	sor.u32 s28, s9;
	v17 =	vmul.f32 v16, v11;
	v5 =	vld [tilespmem:$0x10FE0];
	v7 =	vmul.f32 v7, v2;
	v10 =	vadd.f32 v14, v10  }
0x3d6: {  	v6 =	vadd.f32 v6, v15;
	v14 =	vld [tilespmem:s4+$0xFE00]  }
0x3d7: {  	vm13 =	veq.s32 v8, $0x0;
	v7 =	vadd.f32 v7, v17;
	v15 =	vld [tilespmem:s4+$0xFE80];
	[tilespmem:s1+$0x14200] =	vst v10  }
0x3d8: {  	s29 =	sor.u32 s12, s8;
	v8 =	vld [tilespmem:s4+$0xFF00];
	[tilespmem:s1+$0x14280] =	vst v6;
	v6 =	vsel vm13, $0x0, v0  }
0x3d9: {  	s0 =	sor.u32 $0x3180, s29;
	[tilespmem:s1+$0x14300] =	vst v7;
	v7 =	vmul.f32 $8.000000000e+00, v6  }
0x3da: {  	s30 =	simm.s32 $0xCA20;
	v10 =	vld [tilespmem:s0+$0xCE00]  }
0x3db: {  	v17 =	vld [tilespmem:s30+$0x0];
	v18 =	vmul.f32 v6, v12;
	v14 =	vmul.f32 v7, v14  }
0x3dc: {  	s31 =	simm.s32 $0x20;
	s7 =	simm.s32 $0x100;
	v19 =	vmul.f32 v6, v13;
	v15 =	vmul.f32 v7, v15  }
0x3dd: {  	s15 =	sand.u32 $0x70, s31;
	s19 =	sand.u32 $0xC00, s7;
	v20 =	vmul.f32 v6, v11;
	v8 =	vmul.f32 v8, v7;
	v14 =	vadd.f32 v14, v18  }
0x3de: {  	s11 =	sor.u32 s15, s19;
	v15 =	vadd.f32 v15, v19  }
0x3df: {  	v8 =	vadd.f32 v8, v20;
	v18 =	vmul.f32 v16, v9;
	v10 =	vmul.f32 v10, v2;
	[tilespmem:s4+$0x14200] =	vst v14;
	v14 =	vld [tilespmem:s11+$0xFE00]  }
0x3e0: {  	s24 =	sor.u32 s9, s14;
	vm14 =	veq.s32 v17, $0x0;
	v19 =	vld [tilespmem:s11+$0xFE80];
	[tilespmem:s4+$0x14280] =	vst v15  }
0x3e1: {  	s9 =	sor.u32 $0x3180, s24;
	v15 =	vld [tilespmem:s11+$0xFF00];
	[tilespmem:s4+$0x14300] =	vst v8;
	v8 =	vsel vm14, $0x0, v0;
	v17 =	vadd.f32 v10, v18  }
0x3e2: {  	s25 =	simm.s32 $0xCA30;
	v18 =	vld [tilespmem:s9+$0xCE00];
	v10 =	vmul.f32 $8.000000000e+00, v8  }
0x3e3: {  	v20 =	vld [tilespmem:s25+$0x0];
	[tilespmem:s0+$0x11200] =	vst v17  }
0x3e4: {  	s26 =	simm.s32 $0x30;
	s20 =	simm.s32 $0x180;
	v17 =	vmul.f32 v8, v12;
	v21 =	vld [tilespmem:s1+$0x10000];
	v14 =	vmul.f32 v10, v14  }
0x3e5: {  	s28 =	sand.u32 $0x70, s26;
	s24 =	sand.u32 $0xC00, s20;
	v22 =	vmul.f32 v8, v13;
	v19 =	vmul.f32 v10, v19;
	v23 =	vld [tilespmem:s1+$0x10080]  }
0x3e6: {  	s12 =	sor.u32 s28, s24;
	v25 =	vmul.f32 v8, v11;
	v24 =	vld [tilespmem:s1+$0x10100];
	v15 =	vmul.f32 v15, v10;
	v14 =	vadd.f32 v14, v17  }
0x3e7: {  	v26 =	vld [tilespmem:s12+$0xFE00];
	v18 =	vmul.f32 v18, v7;
	v17 =	vadd.f32 v19, v22;
	v22 =	vmul.f32 v16, v3  }
0x3e8: {  	v19 =	vld [tilespmem:s12+$0xFE80];
	v15 =	vadd.f32 v15, v25;
	v25 =	vmul.f32 v16, v5;
	[tilespmem:s11+$0x14200] =	vst v14;
	v14 =	vmul.f32 v6, v9  }
0x3e9: {  	s29 =	sor.u32 s19, s31;
	vm15 =	veq.s32 v20, $0x0;
	[tilespmem:s11+$0x14280] =	vst v17;
	v17 =	vld [tilespmem:s12+$0xFF00];
	v20 =	vmul.f32 v21, v2;
	v21 =	vmul.f32 v16, v4  }
0x3ea: {  	s0 =	sor.u32 $0x3180, s29;
	[tilespmem:s11+$0x14300] =	vst v15;
	v15 =	vsel vm15, $0x0, v0;
	v23 =	vmul.f32 v23, v2;
	v18 =	vadd.f32 v18, v14  }
0x3eb: {  	s5 =	simm.s32 $0xCA40;
	v24 =	vmul.f32 v24, v2;
	v27 =	vld [tilespmem:s0+$0xCE00];
	v14 =	vmul.f32 $8.000000000e+00, v15;
	v22 =	vadd.f32 v20, v22  }
0x3ec: {  	s2 =	sor.u32 s8, s8;
	s13 =	sor.u32 s20, s26;
	v62 =	vmul.f32 v15, v13;
	v63 =	vmul.f32 v15, v12;
	v20 =	vld [tilespmem:s5+$0x0];
	v21 =	vadd.f32 v23, v21;
	[tilespmem:s9+$0x11200] =	vst v18  }
0x3ed: {  	s20 =	simm.s32 $0x50;
	s15 =	sor.u32 s17, s14;
	s17 =	sor.u32 s7, s31;
	v30 =	vmul.f32 v15, v11;
	v23 =	vmul.f32 v14, v26;
	[tilespmem:s1+$0x14400] =	vst v22;
	v22 =	vadd.f32 v24, v25;
	v18 =	vld [tilespmem:s4+$0x10100]  }
0x3ee: {  	s19 =	sor.u32 s24, s26;
	s24 =	simm.s32 $0x200;
	s30 =	simm.s32 $0x40;
	v26 =	vmul.f32 v14, v19;
	[tilespmem:s1+$0x14480] =	vst v21;
	v17 =	vmul.f32 v17, v14;
	v19 =	vld [tilespmem:s4+$0x10000]  }
0x3ef: {  	s14 =	sor.u32 $0x3380, s2;
	s31 =	sand.u32 $0x70, s30;
	s25 =	sand.u32 $0xC00, s24;
	v16 =	vmul.f32 v16, v1;
	v21 =	vld [tilespmem:s4+$0x10080];
	v25 =	vadd.f32 v23, v63;
	[tilespmem:s1+$0x14500] =	vst v22  }
0x3f0: {  	s2 =	sor.u32 s24, s30;
	s8 =	sor.u32 s25, s30;
	v24 =	vadd.f32 v26, v62;
	v22 =	vmul.f32 v27, v10;
	s1 =	sor.u32 s31, s25;
	v23 =	vadd.f32 v17, v30;
	v17 =	vld [tilespmem:s14+$0xCE00]  }
.LBB2_25:
0x3f1: {  	p0 =	sne.s32 s20, $0x1F0;
	v26 =	vld [tilespmem:s1+$0xFE80];
	[tilespmem:s12+$0x14200] =	vst v25;
	v25 =	vmul.f32 v6, v3;
	v27 =	vmul.f32 v6, v5;
	v28 =	vmovc v15;
	v29 =	vmov v2;
	s25 =	smov.u32 s20;
	s20 =	sadd.s32 $0x10, s20  }
0x3f2: {  	v2 =	vmovc v7;
	s9 =	smov.u32 s17;
	s17 =	smov.u32 s13;
	s13 =	smov.u32 s2;
	v30 =	vld [tilespmem:s1+$0xFE00];
	[tilespmem:s12+$0x14280] =	vst v24;
	v24 =	vmul.f32 v8, v9;
	v31 =	vmul.f32 v18, v7;
	v7 =	vmov v10  }
0x3f3: {  	vm0 =	veq.s32 v20, $0x0;
	s2 =	sor.u32 $0x3180, s19;
	s26 =	smov.u32 s4;
	s4 =	smov.u32 s11;
	v10 =	vmovc v14;
	v32 =	vld [tilespmem:s1+$0xFF00];
	[tilespmem:s12+$0x14300] =	vst v23;
	v18 =	vmul.f32 v19, v2;
	v19 =	vmul.f32 v6, v4  }
0x3f4: {  	s11 =	smov.u32 s12;
	s19 =	smov.u32 s8;
	v15 =	vsel vm0, $0x0, v0;
	s12 =	smov.u32 s1;
	v23 =	vld [tilespmem:s2+$0xCE00];
	v22 =	vadd.f32 v22, v24;
	v21 =	vmul.f32 v21, v2  }
0x3f5: {  	s5 =	sadd.s32 $0x10, s5;
	v14 =	vmul.f32 $8.000000000e+00, v15;
	v24 =	vmul.f32 v15, v13;
	v25 =	vadd.f32 v18, v25  }
.Ltmp11:
0x3f6: {  	v33 =	vmul.f32 v15, v12;
	v17 =	vmul.f32 v17, v29;
	v20 =	vld [tilespmem:s5+$0x0];
	[tilespmem:s0+$0x11200] =	vst v22;
	v21 =	vadd.f32 v21, v19;
	s0 =	smov.u32 s2;
	(pc) =	sbr.rel @p0 .LBB2_25-.Ltmp11, $4  }
0x3f7: {  	v27 =	vadd.f32 v31, v27;
	v26 =	vmul.f32 v14, v26;
	v22 =	vmul.f32 v14, v30;
	v18 =	vld [tilespmem:s4+$0x10100];
	[tilespmem:s26+$0x14400] =	vst v25  }
0x3f8: {  	s24 =	sadd.s32 $0x80, s24;
	s28 =	sor.u32 $0x3380, s15;
	s15 =	smov.u32 s9;
	v30 =	vmul.f32 v15, v11;
	v31 =	vadd.f32 v17, v16;
	v29 =	vmul.f32 v32, v14;
	v19 =	vld [tilespmem:s4+$0x10000];
	[tilespmem:s26+$0x14480] =	vst v21  }
0x3f9: {  	s8 =	sand.u32 $0xC00, s24;
	s1 =	sand.u32 $0x70, s25;
	s2 =	sor.u32 s24, s25;
	v24 =	vadd.f32 v26, v24;
	v25 =	vadd.f32 v22, v33;
	v22 =	vmul.f32 v23, v10;
	v21 =	vld [tilespmem:s4+$0x10080];
	[tilespmem:s26+$0x14500] =	vst v27  }
0x3fa: {  	s1 =	sor.u32 s1, s8;
	s8 =	sor.u32 s8, s25;
	v16 =	vmul.f32 v6, v1;
	v6 =	vmovc v8;
	v8 =	vmov v28;
	v23 =	vadd.f32 v29, v30;
	v17 =	vld [tilespmem:s28+$0xCE00];
	[tilespmem:s14+$0x11200] =	vst v31;
	s14 =	smov.u32 s28  }
0x3fb: {  	v26 =	vld [tilespmem:s1+$0xFE00]  }
0x3fc: {  	v27 =	vld [tilespmem:s1+$0xFE80];
	vm0 =	veq.s32 v20, $0x0  }
0x3fd: {  	v20 =	vld [tilespmem:s1+$0xFF00];
	v28 =	vsel vm0, $0x0, v0  }
0x3fe: {  	v29 =	vmul.f32 $8.000000000e+00, v28;
	_ =	sdelay $0x1  }
0x3ff: {  	v12 =	vmul.f32 v28, v12;
	v26 =	vmul.f32 v29, v26  }
0x400: {  	[tilespmem:s12+$0x14200] =	vst v25;
	v13 =	vmul.f32 v28, v13;
	v25 =	vmul.f32 v29, v27  }
0x401: {  	[tilespmem:s12+$0x14280] =	vst v24;
	v11 =	vmul.f32 v28, v11;
	v20 =	vmul.f32 v20, v29;
	v12 =	vadd.f32 v26, v12  }
0x402: {  	s5 =	sor.u32 $0x3180, s19;
	[tilespmem:s12+$0x14300] =	vst v23;
	v13 =	vadd.f32 v25, v13  }
0x403: {  	v23 =	vld [tilespmem:s5+$0xCE00];
	v11 =	vadd.f32 v20, v11;
	[tilespmem:s1+$0x14200] =	vst v12  }
0x404: {  	[tilespmem:s1+$0x14280] =	vst v13  }
0x405: {  	s8 =	sor.u32 $0x3180, s8;
	v12 =	vmul.f32 v8, v9;
	[tilespmem:s1+$0x14300] =	vst v11  }
0x406: {  	v11 =	vld [tilespmem:s8+$0xCE00]  }
0x407: {  	v12 =	vadd.f32 v22, v12  }
0x408: {  	v20 =	vmul.f32 v15, v9;
	v13 =	vmul.f32 v23, v14  }
0x409: {  	[tilespmem:s0+$0x11200] =	vst v12  }
0x40a: {  	v13 =	vadd.f32 v13, v20;
	v12 =	vld [tilespmem:s11+$0x10000]  }
0x40b: {  	v9 =	vmul.f32 v28, v9;
	v20 =	vld [tilespmem:s11+$0x10080];
	v11 =	vmul.f32 v11, v29  }
0x40c: {  	v19 =	vmul.f32 v19, v7;
	v22 =	vmul.f32 v6, v3;
	[tilespmem:s5+$0x11200] =	vst v13;
	v23 =	vld [tilespmem:s11+$0x10100]  }
0x40d: {  	v21 =	vmul.f32 v21, v7;
	v13 =	vmul.f32 v6, v4;
	v24 =	vld [tilespmem:s12+$0x10000];
	v9 =	vadd.f32 v11, v9  }
0x40e: {  	v18 =	vmul.f32 v18, v7;
	v19 =	vadd.f32 v19, v22;
	v22 =	vld [tilespmem:s12+$0x10080];
	v11 =	vmul.f32 v6, v5  }
0x40f: {  	v25 =	vld [tilespmem:s12+$0x10100];
	v13 =	vadd.f32 v21, v13;
	v21 =	vmul.f32 v8, v3;
	v12 =	vmul.f32 v12, v10;
	[tilespmem:s8+$0x11200] =	vst v9  }
0x410: {  	[tilespmem:s4+$0x14400] =	vst v19;
	v9 =	vadd.f32 v18, v11;
	v11 =	vmul.f32 v8, v4;
	v18 =	vmul.f32 v20, v10;
	v19 =	vld [tilespmem:s1+$0x10000]  }
0x411: {  	[tilespmem:s4+$0x14480] =	vst v13;
	v13 =	vmul.f32 v8, v5;
	v20 =	vmul.f32 v23, v10;
	v12 =	vadd.f32 v12, v21;
	v21 =	vld [tilespmem:s1+$0x10080]  }
0x412: {  	v23 =	vld [tilespmem:s1+$0x10100];
	[tilespmem:s4+$0x14500] =	vst v9;
	v9 =	vadd.f32 v18, v11;
	v11 =	vmul.f32 v15, v3;
	v18 =	vmul.f32 v24, v14  }
0x413: {  	[tilespmem:s11+$0x14400] =	vst v12;
	v12 =	vadd.f32 v20, v13;
	v13 =	vmul.f32 v15, v4;
	v20 =	vmul.f32 v22, v14  }
0x414: {  	[tilespmem:s11+$0x14480] =	vst v9;
	v9 =	vmul.f32 v15, v5;
	v22 =	vmul.f32 v25, v14;
	v11 =	vadd.f32 v18, v11  }
0x415: {  	v3 =	vmul.f32 v28, v3;
	[tilespmem:s11+$0x14500] =	vst v12;
	v12 =	vadd.f32 v20, v13;
	v13 =	vmul.f32 v19, v29  }
0x416: {  	v4 =	vmul.f32 v28, v4;
	[tilespmem:s12+$0x14400] =	vst v11;
	v9 =	vadd.f32 v22, v9;
	v11 =	vmul.f32 v21, v29  }
0x417: {  	v5 =	vmul.f32 v28, v5;
	[tilespmem:s12+$0x14480] =	vst v12;
	v12 =	vmul.f32 v23, v29;
	v3 =	vadd.f32 v13, v3  }
0x418: {  	s20 =	sor.u32 $0x3380, s15;
	[tilespmem:s12+$0x14500] =	vst v9;
	v4 =	vadd.f32 v11, v4  }
0x419: {  	s24 =	sor.u32 $0x3380, s17;
	v9 =	vld [tilespmem:s20+$0xCE00];
	[tilespmem:s1+$0x14400] =	vst v3;
	v3 =	vadd.f32 v12, v5  }
0x41a: {  	s25 =	sor.u32 $0x3380, s13;
	v5 =	vld [tilespmem:s24+$0xCE00];
	[tilespmem:s1+$0x14480] =	vst v4  }
0x41b: {  	s2 =	sor.u32 $0x3380, s2;
	v4 =	vld [tilespmem:s25+$0xCE00];
	[tilespmem:s1+$0x14500] =	vst v3  }
0x41c: {  	v3 =	vld [tilespmem:s2+$0xCE00]  }
0x41d: {  	v2 =	vmul.f32 v17, v2  }
0x41e: {  	v6 =	vmul.f32 v6, v1;
	v7 =	vmul.f32 v9, v7  }
0x41f: {  	v2 =	vadd.f32 v2, v16;
	v8 =	vmul.f32 v8, v1;
	v5 =	vmul.f32 v5, v10  }
0x420: {  	v6 =	vadd.f32 v7, v6;
	v7 =	vmul.f32 v15, v1;
	v4 =	vmul.f32 v4, v14  }
0x421: {  	[tilespmem:s14+$0x11200] =	vst v2;
	v1 =	vmul.f32 v28, v1;
	v2 =	vadd.f32 v5, v8;
	v3 =	vmul.f32 v3, v29  }
0x422: {  	[tilespmem:s20+$0x11200] =	vst v6;
	v4 =	vadd.f32 v4, v7  }
0x423: {  	[tilespmem:s24+$0x11200] =	vst v2;
	v1 =	vadd.f32 v3, v1  }
0x424: {  	[tilespmem:s25+$0x11200] =	vst v4  }
0x425: {  	[tilespmem:s2+$0x11200] =	vst v1  }
0x426: {  	v8 =	vld [tilespmem:$0x11000]  }
0x427: {  	v1 =	vld [tilespmem:$0x11020]  }
0x428: {  	v7 =	vld [tilespmem:$0x11040]  }
0x429: {  	v4 =	vld [tilespmem:$0x11050]  }
0x42a: {  	v10 =	vld [tilespmem:$0x19400]  }
0x42b: {  	v11 =	vld [tilespmem:$0x19410]  }
0x42c: {  	v12 =	vld [tilespmem:$0x19420]  }
0x42d: {  	s26 =	simm.s32 $0xCC00;
	v14 =	vld [tilespmem:$0x19440]  }
0x42e: {  	v2 =	vld [tilespmem:s26+$0x0]  }
0x42f: {  	s28 =	simm.s32 $0xCA00;
	v15 =	vld [tilespmem:$0x19450]  }
0x430: {  	v13 =	vld [tilespmem:s28+$0x0]  }
0x431: {  	v16 =	vld [tilespmem:$0x19460]  }
0x432: {  	v9 =	vld [tilespmem:$0x19470]  }
0x433: {  	s29 =	simm.s32 $0xCC10;
	v5 =	vld [tilespmem:$0x19430]  }
0x434: {  	s2 =	simm.s32 $0xCA10;
	v22 =	vld [tilespmem:s29+$0x0];
	v17 =	vand.u32 $0xF, v2  }
0x435: {  	v25 =	vld [tilespmem:s2+$0x0];
	v18 =	vperm.xlane v10, v17  }
0x436: {  	v3 =	vld [tilespmem:$0x11060];
	vm0 =	veq.s32 v13, $0x0;
	v20 =	vperm.xlane v12, v17;
	v13 =	vperm.xlane v14, v17  }
0x437: {  	v6 =	vld [tilespmem:$0x11070];
	v21 =	vperm.xlane v16, v17;
	v23 =	vperm.xlane v15, v17  }
0x438: {  	v26 =	vperm.xlane v11, v17;
	v27 =	vperm.xlane v9, v17;
	v19 =	vsel vm0, $0x0, v0  }
0x439: {  	v2 =	vld [tilespmem:$0x11030];
	v29 =	vperm.xlane v5, v17;
	v17 =	vand.u32 $0xF, v22;
	v24 =	vadd.f32 v13, v7  }
0x43a: {  	s1 =	simm.s32 $0x0;
	vm0 =	veq.s32 v25, $0x0;
	v25 =	vperm.xlane v16, v17;
	v13 =	vld [tilespmem:$0x11010];
	v28 =	vadd.f32 v23, v4  }
0x43b: {  	s30 =	sand.u32 $0x70, s1;
	s31 =	sand.u32 $0xC00, s1;
	v18 =	vadd.f32 v18, v8;
	v21 =	vadd.f32 v21, v3;
	v24 =	vmul.f32 v24, v19  }
0x43c: {  	s0 =	sor.u32 s30, s31;
	v27 =	vadd.f32 v27, v6;
	v23 =	vadd.f32 v20, v1;
	v20 =	vmul.f32 v28, v19  }
0x43d: {  	v21 =	vmul.f32 v21, v19;
	v28 =	vmul.f32 v18, v19;
	[tilespmem:s0+$0x15400] =	vst v24  }
0x43e: {  	v24 =	vmul.f32 v27, v19;
	v27 =	vperm.xlane v10, v17;
	[tilespmem:s0+$0x15480] =	vst v20  }
0x43f: {  	v22 =	vadd.f32 v29, v2;
	v18 =	vperm.xlane v11, v17;
	[tilespmem:s0+$0x15500] =	vst v21;
	v26 =	vadd.f32 v26, v13  }
0x440: {  	s5 =	simm.s32 $0x20;
	s8 =	simm.s32 $0xCC20;
	s4 =	simm.s32 $0x10;
	v20 =	vperm.xlane v12, v17;
	[tilespmem:s0+$0x15200] =	vst v28;
	v21 =	vadd.f32 v27, v8;
	v27 =	vperm.xlane v14, v17  }
.LBB2_27:
0x441: {  	v28 =	vld [tilespmem:s8+$0x0];
	p0 =	sne.s32 s5, $0x1F0;
	v29 =	vsel vm0, $0x0, v0;
	v30 =	vperm.xlane v15, v17;
	s2 =	sadd.s32 $0x10, s2;
	v26 =	vmul.f32 v26, v19;
	s1 =	sadd.s32 $0x80, s1  }
0x442: {  	v32 =	vperm.xlane v9, v17;
	v23 =	vmul.f32 v23, v19;
	s9 =	smov.u32 s5;
	s5 =	sadd.s32 $0x10, s5;
	v31 =	vld [tilespmem:s2+$0x0];
	v27 =	vadd.f32 v27, v7;
	[tilespmem:s0+$0x15580] =	vst v24  }
0x443: {  	v25 =	vadd.f32 v25, v3;
	v33 =	vmul.f32 v22, v19;
	v24 =	vadd.f32 v30, v4;
	[tilespmem:s0+$0x15280] =	vst v26  }
0x444: {  	s11 =	sand.u32 $0x70, s4;
	v22 =	vperm.xlane v5, v17;
	s12 =	sand.u32 $0xC00, s1;
	s4 =	smov.u32 s9;
	v26 =	vmul.f32 v27, v29;
	v27 =	vadd.f32 v32, v6;
	[tilespmem:s0+$0x15300] =	vst v23  }
.Ltmp12:
0x445: {  	v30 =	vmul.f32 v25, v29;
	v23 =	vadd.f32 v20, v1;
	v20 =	vmul.f32 v24, v29;
	[tilespmem:s0+$0x15380] =	vst v33;
	s0 =	sor.u32 s11, s12;
	(pc) =	sbr.rel @p0 .LBB2_27-.Ltmp12, $4  }
0x446: {  	v19 =	vmovc v29;
	v22 =	vadd.f32 v22, v2;
	v17 =	vand.u32 $0xF, v28;
	[tilespmem:s0+$0x15400] =	vst v26;
	v24 =	vmul.f32 v27, v29  }
0x447: {  	v28 =	vmul.f32 v21, v19;
	vm0 =	veq.s32 v31, $0x0;
	v27 =	vperm.xlane v10, v17;
	[tilespmem:s0+$0x15480] =	vst v20  }
0x448: {  	v26 =	vadd.f32 v18, v13;
	v20 =	vperm.xlane v12, v17;
	v25 =	vperm.xlane v16, v17;
	[tilespmem:s0+$0x15500] =	vst v30  }
0x449: {  	s8 =	sadd.s32 $0x10, s8;
	v18 =	vperm.xlane v11, v17;
	v21 =	vadd.f32 v27, v8;
	v27 =	vperm.xlane v14, v17;
	[tilespmem:s0+$0x15200] =	vst v28  }
0x44a: {  	v8 =	vperm.xlane v15, v17;
	v10 =	vmul.f32 v26, v19  }
0x44b: {  	v11 =	vmul.f32 v23, v19;
	[tilespmem:s0+$0x15580] =	vst v24;
	v12 =	vsel vm0, $0x0, v0;
	v3 =	vadd.f32 v25, v3  }
0x44c: {  	s1 =	sadd.s32 $0x80, s1;
	v1 =	vadd.f32 v20, v1;
	v4 =	vadd.f32 v8, v4;
	[tilespmem:s0+$0x15280] =	vst v10;
	v8 =	vmul.f32 v22, v19  }
0x44d: {  	v9 =	vperm.xlane v9, v17;
	s2 =	sand.u32 $0x70, s4;
	v7 =	vadd.f32 v27, v7;
	s1 =	sand.u32 $0xC00, s1;
	[tilespmem:s0+$0x15300] =	vst v11;
	v3 =	vmul.f32 v3, v12  }
0x44e: {  	v5 =	vperm.xlane v5, v17;
	s1 =	sor.u32 s2, s1;
	v1 =	vmul.f32 v1, v12;
	[tilespmem:s0+$0x15380] =	vst v8  }
0x44f: {  	v6 =	vadd.f32 v9, v6;
	v7 =	vmul.f32 v7, v12;
	[tilespmem:s1+$0x15500] =	vst v3  }
0x450: {  	v2 =	vadd.f32 v5, v2;
	v4 =	vmul.f32 v4, v12;
	[tilespmem:s1+$0x15300] =	vst v1  }
0x451: {  	v6 =	vmul.f32 v6, v12;
	[tilespmem:s1+$0x15400] =	vst v7  }
0x452: {  	v2 =	vmul.f32 v2, v12;
	[tilespmem:s1+$0x15480] =	vst v4;
	v4 =	vadd.f32 v18, v13  }
0x453: {  	v7 =	vmul.f32 v21, v12;
	[tilespmem:s1+$0x15580] =	vst v6  }
0x454: {  	[tilespmem:s1+$0x15380] =	vst v2;
	v3 =	vmul.f32 v4, v12  }
0x455: {  	[tilespmem:s1+$0x15200] =	vst v7  }
0x456: {  	[tilespmem:s1+$0x15280] =	vst v3  }
0x457: {  	v8 =	vld [tilespmem:$0x11080]  }
0x458: {  	v1 =	vld [tilespmem:$0x110A0]  }
0x459: {  	v7 =	vld [tilespmem:$0x110C0]  }
0x45a: {  	v4 =	vld [tilespmem:$0x110D0]  }
0x45b: {  	v10 =	vld [tilespmem:$0x19480]  }
0x45c: {  	v11 =	vld [tilespmem:$0x19490]  }
0x45d: {  	v12 =	vld [tilespmem:$0x194A0]  }
0x45e: {  	s26 =	simm.s32 $0xCC00;
	v14 =	vld [tilespmem:$0x194C0]  }
0x45f: {  	v2 =	vld [tilespmem:s26+$0x0]  }
0x460: {  	s28 =	simm.s32 $0xCA00;
	v15 =	vld [tilespmem:$0x194D0]  }
0x461: {  	v13 =	vld [tilespmem:s28+$0x0]  }
0x462: {  	v16 =	vld [tilespmem:$0x194E0]  }
0x463: {  	v9 =	vld [tilespmem:$0x194F0]  }
0x464: {  	s29 =	simm.s32 $0xCC10;
	v5 =	vld [tilespmem:$0x194B0]  }
0x465: {  	s2 =	simm.s32 $0xCA10;
	v22 =	vld [tilespmem:s29+$0x0];
	v17 =	vand.u32 $0xF, v2  }
0x466: {  	v25 =	vld [tilespmem:s2+$0x0];
	v18 =	vperm.xlane v10, v17  }
0x467: {  	v3 =	vld [tilespmem:$0x110E0];
	vm0 =	veq.s32 v13, $0x0;
	v20 =	vperm.xlane v12, v17;
	v13 =	vperm.xlane v14, v17  }
0x468: {  	v6 =	vld [tilespmem:$0x110F0];
	v21 =	vperm.xlane v16, v17;
	v23 =	vperm.xlane v15, v17  }
0x469: {  	v26 =	vperm.xlane v11, v17;
	v27 =	vperm.xlane v9, v17;
	v19 =	vsel vm0, $0x0, v0  }
0x46a: {  	v2 =	vld [tilespmem:$0x110B0];
	v29 =	vperm.xlane v5, v17;
	v17 =	vand.u32 $0xF, v22;
	v24 =	vadd.f32 v13, v7  }
0x46b: {  	s1 =	simm.s32 $0x0;
	vm0 =	veq.s32 v25, $0x0;
	v25 =	vperm.xlane v16, v17;
	v13 =	vld [tilespmem:$0x11090];
	v28 =	vadd.f32 v23, v4  }
0x46c: {  	s30 =	sand.u32 $0x70, s1;
	s31 =	sand.u32 $0xC00, s1;
	v18 =	vadd.f32 v18, v8;
	v21 =	vadd.f32 v21, v3;
	v24 =	vmul.f32 v24, v19  }
0x46d: {  	s0 =	sor.u32 s30, s31;
	v27 =	vadd.f32 v27, v6;
	v23 =	vadd.f32 v20, v1;
	v20 =	vmul.f32 v28, v19  }
0x46e: {  	v21 =	vmul.f32 v21, v19;
	v28 =	vmul.f32 v18, v19;
	[tilespmem:s0+$0x16400] =	vst v24  }
0x46f: {  	v24 =	vmul.f32 v27, v19;
	v27 =	vperm.xlane v10, v17;
	[tilespmem:s0+$0x16480] =	vst v20  }
0x470: {  	v22 =	vadd.f32 v29, v2;
	v18 =	vperm.xlane v11, v17;
	[tilespmem:s0+$0x16500] =	vst v21;
	v26 =	vadd.f32 v26, v13  }
0x471: {  	s4 =	simm.s32 $0x10;
	s5 =	simm.s32 $0x20;
	s8 =	simm.s32 $0xCC20;
	v20 =	vperm.xlane v12, v17;
	[tilespmem:s0+$0x16200] =	vst v28;
	v21 =	vadd.f32 v27, v8;
	v27 =	vperm.xlane v14, v17  }
.LBB2_29:
0x472: {  	v28 =	vld [tilespmem:s8+$0x0];
	p0 =	sne.s32 s5, $0x1F0;
	v29 =	vsel vm0, $0x0, v0;
	v30 =	vperm.xlane v15, v17;
	s2 =	sadd.s32 $0x10, s2;
	v26 =	vmul.f32 v26, v19;
	s1 =	sadd.s32 $0x80, s1  }
0x473: {  	v32 =	vperm.xlane v9, v17;
	v23 =	vmul.f32 v23, v19;
	s9 =	smov.u32 s5;
	s5 =	sadd.s32 $0x10, s5;
	v31 =	vld [tilespmem:s2+$0x0];
	v27 =	vadd.f32 v27, v7;
	[tilespmem:s0+$0x16580] =	vst v24  }
0x474: {  	v25 =	vadd.f32 v25, v3;
	v33 =	vmul.f32 v22, v19;
	v24 =	vadd.f32 v30, v4;
	[tilespmem:s0+$0x16280] =	vst v26  }
0x475: {  	s11 =	sand.u32 $0x70, s4;
	v22 =	vperm.xlane v5, v17;
	s12 =	sand.u32 $0xC00, s1;
	s4 =	smov.u32 s9;
	v26 =	vmul.f32 v27, v29;
	v27 =	vadd.f32 v32, v6;
	[tilespmem:s0+$0x16300] =	vst v23  }
.Ltmp13:
0x476: {  	v30 =	vmul.f32 v25, v29;
	v23 =	vadd.f32 v20, v1;
	v20 =	vmul.f32 v24, v29;
	[tilespmem:s0+$0x16380] =	vst v33;
	s0 =	sor.u32 s11, s12;
	(pc) =	sbr.rel @p0 .LBB2_29-.Ltmp13, $4  }
0x477: {  	v19 =	vmovc v29;
	v22 =	vadd.f32 v22, v2;
	v17 =	vand.u32 $0xF, v28;
	[tilespmem:s0+$0x16400] =	vst v26;
	v24 =	vmul.f32 v27, v29  }
0x478: {  	v28 =	vmul.f32 v21, v19;
	vm0 =	veq.s32 v31, $0x0;
	v27 =	vperm.xlane v10, v17;
	[tilespmem:s0+$0x16480] =	vst v20  }
0x479: {  	v26 =	vadd.f32 v18, v13;
	v20 =	vperm.xlane v12, v17;
	v25 =	vperm.xlane v16, v17;
	[tilespmem:s0+$0x16500] =	vst v30  }
0x47a: {  	s8 =	sadd.s32 $0x10, s8;
	v18 =	vperm.xlane v11, v17;
	v21 =	vadd.f32 v27, v8;
	v27 =	vperm.xlane v14, v17;
	[tilespmem:s0+$0x16200] =	vst v28  }
0x47b: {  	v8 =	vperm.xlane v15, v17;
	v10 =	vmul.f32 v26, v19  }
0x47c: {  	v11 =	vmul.f32 v23, v19;
	[tilespmem:s0+$0x16580] =	vst v24;
	v12 =	vsel vm0, $0x0, v0;
	v3 =	vadd.f32 v25, v3  }
0x47d: {  	s1 =	sadd.s32 $0x80, s1;
	v1 =	vadd.f32 v20, v1;
	v4 =	vadd.f32 v8, v4;
	[tilespmem:s0+$0x16280] =	vst v10;
	v8 =	vmul.f32 v22, v19  }
0x47e: {  	v9 =	vperm.xlane v9, v17;
	s2 =	sand.u32 $0x70, s4;
	v7 =	vadd.f32 v27, v7;
	s1 =	sand.u32 $0xC00, s1;
	[tilespmem:s0+$0x16300] =	vst v11;
	v3 =	vmul.f32 v3, v12  }
0x47f: {  	v5 =	vperm.xlane v5, v17;
	s1 =	sor.u32 s2, s1;
	v1 =	vmul.f32 v1, v12;
	[tilespmem:s0+$0x16380] =	vst v8  }
0x480: {  	v6 =	vadd.f32 v9, v6;
	v7 =	vmul.f32 v7, v12;
	[tilespmem:s1+$0x16500] =	vst v3  }
0x481: {  	v2 =	vadd.f32 v5, v2;
	v4 =	vmul.f32 v4, v12;
	[tilespmem:s1+$0x16300] =	vst v1  }
0x482: {  	v6 =	vmul.f32 v6, v12;
	[tilespmem:s1+$0x16400] =	vst v7  }
0x483: {  	v2 =	vmul.f32 v2, v12;
	[tilespmem:s1+$0x16480] =	vst v4;
	v4 =	vadd.f32 v18, v13  }
0x484: {  	v7 =	vmul.f32 v21, v12;
	[tilespmem:s1+$0x16580] =	vst v6  }
0x485: {  	[tilespmem:s1+$0x16380] =	vst v2;
	v3 =	vmul.f32 v4, v12  }
0x486: {  	[tilespmem:s1+$0x16200] =	vst v7  }
0x487: {  	[tilespmem:s1+$0x16280] =	vst v3  }
0x488: {  	v8 =	vld [tilespmem:$0x11100]  }
0x489: {  	v1 =	vld [tilespmem:$0x11120]  }
0x48a: {  	v7 =	vld [tilespmem:$0x11140]  }
0x48b: {  	v4 =	vld [tilespmem:$0x11150]  }
0x48c: {  	v10 =	vld [tilespmem:$0x19500]  }
0x48d: {  	v11 =	vld [tilespmem:$0x19510]  }
0x48e: {  	v12 =	vld [tilespmem:$0x19520]  }
0x48f: {  	s26 =	simm.s32 $0xCC00;
	v14 =	vld [tilespmem:$0x19540]  }
0x490: {  	v2 =	vld [tilespmem:s26+$0x0]  }
0x491: {  	s28 =	simm.s32 $0xCA00;
	v15 =	vld [tilespmem:$0x19550]  }
0x492: {  	v13 =	vld [tilespmem:s28+$0x0]  }
0x493: {  	v16 =	vld [tilespmem:$0x19560]  }
0x494: {  	v9 =	vld [tilespmem:$0x19570]  }
0x495: {  	s29 =	simm.s32 $0xCC10;
	v5 =	vld [tilespmem:$0x19530]  }
0x496: {  	s2 =	simm.s32 $0xCA10;
	v22 =	vld [tilespmem:s29+$0x0];
	v17 =	vand.u32 $0xF, v2  }
0x497: {  	v25 =	vld [tilespmem:s2+$0x0];
	v18 =	vperm.xlane v10, v17  }
0x498: {  	v3 =	vld [tilespmem:$0x11160];
	vm0 =	veq.s32 v13, $0x0;
	v20 =	vperm.xlane v12, v17;
	v13 =	vperm.xlane v14, v17  }
0x499: {  	v6 =	vld [tilespmem:$0x11170];
	v21 =	vperm.xlane v16, v17;
	v23 =	vperm.xlane v15, v17  }
0x49a: {  	v26 =	vperm.xlane v11, v17;
	v27 =	vperm.xlane v9, v17;
	v19 =	vsel vm0, $0x0, v0  }
0x49b: {  	v2 =	vld [tilespmem:$0x11130];
	v29 =	vperm.xlane v5, v17;
	v17 =	vand.u32 $0xF, v22;
	v24 =	vadd.f32 v13, v7  }
0x49c: {  	s1 =	simm.s32 $0x0;
	vm0 =	veq.s32 v25, $0x0;
	v25 =	vperm.xlane v16, v17;
	v13 =	vld [tilespmem:$0x11110];
	v28 =	vadd.f32 v23, v4  }
0x49d: {  	s30 =	sand.u32 $0x70, s1;
	s31 =	sand.u32 $0xC00, s1;
	v18 =	vadd.f32 v18, v8;
	v21 =	vadd.f32 v21, v3;
	v24 =	vmul.f32 v24, v19  }
0x49e: {  	s0 =	sor.u32 s30, s31;
	v27 =	vadd.f32 v27, v6;
	v23 =	vadd.f32 v20, v1;
	v20 =	vmul.f32 v28, v19  }
0x49f: {  	v21 =	vmul.f32 v21, v19;
	v28 =	vmul.f32 v18, v19;
	[tilespmem:s0+$0x17400] =	vst v24  }
0x4a0: {  	v24 =	vmul.f32 v27, v19;
	v27 =	vperm.xlane v10, v17;
	[tilespmem:s0+$0x17480] =	vst v20  }
0x4a1: {  	v22 =	vadd.f32 v29, v2;
	v18 =	vperm.xlane v11, v17;
	[tilespmem:s0+$0x17500] =	vst v21;
	v26 =	vadd.f32 v26, v13  }
0x4a2: {  	s4 =	simm.s32 $0x10;
	s5 =	simm.s32 $0x20;
	s8 =	simm.s32 $0xCC20;
	v20 =	vperm.xlane v12, v17;
	[tilespmem:s0+$0x17200] =	vst v28;
	v21 =	vadd.f32 v27, v8;
	v27 =	vperm.xlane v14, v17  }
.LBB2_31:
0x4a3: {  	v28 =	vld [tilespmem:s8+$0x0];
	p0 =	sne.s32 s5, $0x1F0;
	v29 =	vsel vm0, $0x0, v0;
	v30 =	vperm.xlane v15, v17;
	s2 =	sadd.s32 $0x10, s2;
	v26 =	vmul.f32 v26, v19;
	s1 =	sadd.s32 $0x80, s1  }
0x4a4: {  	v32 =	vperm.xlane v9, v17;
	v23 =	vmul.f32 v23, v19;
	s9 =	smov.u32 s5;
	s5 =	sadd.s32 $0x10, s5;
	v31 =	vld [tilespmem:s2+$0x0];
	v27 =	vadd.f32 v27, v7;
	[tilespmem:s0+$0x17580] =	vst v24  }
0x4a5: {  	v25 =	vadd.f32 v25, v3;
	v33 =	vmul.f32 v22, v19;
	v24 =	vadd.f32 v30, v4;
	[tilespmem:s0+$0x17280] =	vst v26  }
0x4a6: {  	s11 =	sand.u32 $0x70, s4;
	v22 =	vperm.xlane v5, v17;
	s12 =	sand.u32 $0xC00, s1;
	s4 =	smov.u32 s9;
	v26 =	vmul.f32 v27, v29;
	v27 =	vadd.f32 v32, v6;
	[tilespmem:s0+$0x17300] =	vst v23  }
.Ltmp14:
0x4a7: {  	v30 =	vmul.f32 v25, v29;
	v23 =	vadd.f32 v20, v1;
	v20 =	vmul.f32 v24, v29;
	[tilespmem:s0+$0x17380] =	vst v33;
	s0 =	sor.u32 s11, s12;
	(pc) =	sbr.rel @p0 .LBB2_31-.Ltmp14, $4  }
0x4a8: {  	v19 =	vmovc v29;
	v22 =	vadd.f32 v22, v2;
	v17 =	vand.u32 $0xF, v28;
	[tilespmem:s0+$0x17400] =	vst v26;
	v24 =	vmul.f32 v27, v29  }
0x4a9: {  	v28 =	vmul.f32 v21, v19;
	vm0 =	veq.s32 v31, $0x0;
	v27 =	vperm.xlane v10, v17;
	[tilespmem:s0+$0x17480] =	vst v20  }
0x4aa: {  	v26 =	vadd.f32 v18, v13;
	v20 =	vperm.xlane v12, v17;
	v25 =	vperm.xlane v16, v17;
	[tilespmem:s0+$0x17500] =	vst v30  }
0x4ab: {  	s8 =	sadd.s32 $0x10, s8;
	v18 =	vperm.xlane v11, v17;
	v21 =	vadd.f32 v27, v8;
	v27 =	vperm.xlane v14, v17;
	[tilespmem:s0+$0x17200] =	vst v28  }
0x4ac: {  	v8 =	vperm.xlane v15, v17;
	v10 =	vmul.f32 v26, v19  }
0x4ad: {  	v11 =	vmul.f32 v23, v19;
	[tilespmem:s0+$0x17580] =	vst v24;
	v12 =	vsel vm0, $0x0, v0;
	v3 =	vadd.f32 v25, v3  }
0x4ae: {  	s1 =	sadd.s32 $0x80, s1;
	v1 =	vadd.f32 v20, v1;
	v4 =	vadd.f32 v8, v4;
	[tilespmem:s0+$0x17280] =	vst v10;
	v8 =	vmul.f32 v22, v19  }
0x4af: {  	v9 =	vperm.xlane v9, v17;
	s2 =	sand.u32 $0x70, s4;
	v7 =	vadd.f32 v27, v7;
	s1 =	sand.u32 $0xC00, s1;
	[tilespmem:s0+$0x17300] =	vst v11;
	v3 =	vmul.f32 v3, v12  }
0x4b0: {  	v5 =	vperm.xlane v5, v17;
	s1 =	sor.u32 s2, s1;
	v1 =	vmul.f32 v1, v12;
	[tilespmem:s0+$0x17380] =	vst v8  }
0x4b1: {  	v6 =	vadd.f32 v9, v6;
	v7 =	vmul.f32 v7, v12;
	[tilespmem:s1+$0x17500] =	vst v3  }
0x4b2: {  	v2 =	vadd.f32 v5, v2;
	v4 =	vmul.f32 v4, v12;
	[tilespmem:s1+$0x17300] =	vst v1  }
0x4b3: {  	v6 =	vmul.f32 v6, v12;
	[tilespmem:s1+$0x17400] =	vst v7  }
0x4b4: {  	v2 =	vmul.f32 v2, v12;
	[tilespmem:s1+$0x17480] =	vst v4;
	v4 =	vadd.f32 v18, v13  }
0x4b5: {  	v7 =	vmul.f32 v21, v12;
	[tilespmem:s1+$0x17580] =	vst v6  }
0x4b6: {  	[tilespmem:s1+$0x17380] =	vst v2;
	v3 =	vmul.f32 v4, v12  }
0x4b7: {  	[tilespmem:s1+$0x17200] =	vst v7  }
0x4b8: {  	[tilespmem:s1+$0x17280] =	vst v3  }
0x4b9: {  	v8 =	vld [tilespmem:$0x11180]  }
0x4ba: {  	v1 =	vld [tilespmem:$0x111A0]  }
0x4bb: {  	v7 =	vld [tilespmem:$0x111C0]  }
0x4bc: {  	v4 =	vld [tilespmem:$0x111D0]  }
0x4bd: {  	v10 =	vld [tilespmem:$0x19580]  }
0x4be: {  	v11 =	vld [tilespmem:$0x19590]  }
0x4bf: {  	v12 =	vld [tilespmem:$0x195A0]  }
0x4c0: {  	s26 =	simm.s32 $0xCC00;
	v14 =	vld [tilespmem:$0x195C0]  }
0x4c1: {  	v2 =	vld [tilespmem:s26+$0x0]  }
0x4c2: {  	s28 =	simm.s32 $0xCA00;
	v15 =	vld [tilespmem:$0x195D0]  }
0x4c3: {  	v13 =	vld [tilespmem:s28+$0x0]  }
0x4c4: {  	v16 =	vld [tilespmem:$0x195E0]  }
0x4c5: {  	v9 =	vld [tilespmem:$0x195F0]  }
0x4c6: {  	s29 =	simm.s32 $0xCC10;
	v5 =	vld [tilespmem:$0x195B0]  }
0x4c7: {  	s2 =	simm.s32 $0xCA10;
	v22 =	vld [tilespmem:s29+$0x0];
	v17 =	vand.u32 $0xF, v2  }
0x4c8: {  	v25 =	vld [tilespmem:s2+$0x0];
	v18 =	vperm.xlane v10, v17  }
0x4c9: {  	v3 =	vld [tilespmem:$0x111E0];
	vm0 =	veq.s32 v13, $0x0;
	v20 =	vperm.xlane v12, v17;
	v13 =	vperm.xlane v14, v17  }
0x4ca: {  	v6 =	vld [tilespmem:$0x111F0];
	v21 =	vperm.xlane v16, v17;
	v23 =	vperm.xlane v15, v17  }
0x4cb: {  	v26 =	vperm.xlane v11, v17;
	v27 =	vperm.xlane v9, v17;
	v19 =	vsel vm0, $0x0, v0  }
0x4cc: {  	v2 =	vld [tilespmem:$0x111B0];
	v29 =	vperm.xlane v5, v17;
	v17 =	vand.u32 $0xF, v22;
	v24 =	vadd.f32 v13, v7  }
0x4cd: {  	s1 =	simm.s32 $0x0;
	vm0 =	veq.s32 v25, $0x0;
	v25 =	vperm.xlane v16, v17;
	v13 =	vld [tilespmem:$0x11190];
	v28 =	vadd.f32 v23, v4  }
0x4ce: {  	s30 =	sand.u32 $0x70, s1;
	s31 =	sand.u32 $0xC00, s1;
	v18 =	vadd.f32 v18, v8;
	v21 =	vadd.f32 v21, v3;
	v24 =	vmul.f32 v24, v19  }
0x4cf: {  	s0 =	sor.u32 s30, s31;
	v27 =	vadd.f32 v27, v6;
	v23 =	vadd.f32 v20, v1;
	v20 =	vmul.f32 v28, v19  }
0x4d0: {  	v21 =	vmul.f32 v21, v19;
	v28 =	vmul.f32 v18, v19;
	[tilespmem:s0+$0x18400] =	vst v24  }
0x4d1: {  	v24 =	vmul.f32 v27, v19;
	v27 =	vperm.xlane v10, v17;
	[tilespmem:s0+$0x18480] =	vst v20  }
0x4d2: {  	v22 =	vadd.f32 v29, v2;
	v18 =	vperm.xlane v11, v17;
	[tilespmem:s0+$0x18500] =	vst v21;
	v26 =	vadd.f32 v26, v13  }
0x4d3: {  	s4 =	simm.s32 $0x10;
	s5 =	simm.s32 $0x20;
	s8 =	simm.s32 $0xCC20;
	v20 =	vperm.xlane v12, v17;
	[tilespmem:s0+$0x18200] =	vst v28;
	v21 =	vadd.f32 v27, v8;
	v27 =	vperm.xlane v14, v17  }
.LBB2_33:
0x4d4: {  	v28 =	vld [tilespmem:s8+$0x0];
	p0 =	sne.s32 s5, $0x1F0;
	v29 =	vsel vm0, $0x0, v0;
	v30 =	vperm.xlane v15, v17;
	s2 =	sadd.s32 $0x10, s2;
	v26 =	vmul.f32 v26, v19;
	s1 =	sadd.s32 $0x80, s1  }
0x4d5: {  	v32 =	vperm.xlane v9, v17;
	v23 =	vmul.f32 v23, v19;
	s9 =	smov.u32 s5;
	s5 =	sadd.s32 $0x10, s5;
	v31 =	vld [tilespmem:s2+$0x0];
	v27 =	vadd.f32 v27, v7;
	[tilespmem:s0+$0x18580] =	vst v24  }
0x4d6: {  	v25 =	vadd.f32 v25, v3;
	v33 =	vmul.f32 v22, v19;
	v24 =	vadd.f32 v30, v4;
	[tilespmem:s0+$0x18280] =	vst v26  }
0x4d7: {  	s11 =	sand.u32 $0x70, s4;
	v22 =	vperm.xlane v5, v17;
	s12 =	sand.u32 $0xC00, s1;
	s4 =	smov.u32 s9;
	v26 =	vmul.f32 v27, v29;
	v27 =	vadd.f32 v32, v6;
	[tilespmem:s0+$0x18300] =	vst v23  }
.Ltmp15:
0x4d8: {  	v30 =	vmul.f32 v25, v29;
	v23 =	vadd.f32 v20, v1;
	v20 =	vmul.f32 v24, v29;
	[tilespmem:s0+$0x18380] =	vst v33;
	s0 =	sor.u32 s11, s12;
	(pc) =	sbr.rel @p0 .LBB2_33-.Ltmp15, $4  }
0x4d9: {  	v19 =	vmovc v29;
	v22 =	vadd.f32 v22, v2;
	v17 =	vand.u32 $0xF, v28;
	[tilespmem:s0+$0x18400] =	vst v26;
	v24 =	vmul.f32 v27, v29  }
0x4da: {  	v28 =	vmul.f32 v21, v19;
	vm0 =	veq.s32 v31, $0x0;
	v27 =	vperm.xlane v10, v17;
	[tilespmem:s0+$0x18480] =	vst v20  }
0x4db: {  	v26 =	vadd.f32 v18, v13;
	v20 =	vperm.xlane v12, v17;
	v25 =	vperm.xlane v16, v17;
	[tilespmem:s0+$0x18500] =	vst v30  }
0x4dc: {  	s8 =	sadd.s32 $0x10, s8;
	v18 =	vperm.xlane v11, v17;
	v21 =	vadd.f32 v27, v8;
	v27 =	vperm.xlane v14, v17;
	[tilespmem:s0+$0x18200] =	vst v28  }
0x4dd: {  	v10 =	vmul.f32 v26, v19  }
0x4de: {  	v11 =	vmul.f32 v23, v19;
	[tilespmem:s0+$0x18580] =	vst v24  }
0x4df: {  	v12 =	vsel vm0, $0x0, v0;
	s1 =	sadd.s32 $0x80, s1;
	v61 =	vmul.f32 v22, v19;
	v3 =	vadd.f32 v25, v3;
	[tilespmem:s0+$0x18280] =	vst v10  }
0x4e0: {  	v8 =	vperm.xlane v15, v17;
	s2 =	sand.u32 $0x70, s4;
	v1 =	vadd.f32 v20, v1;
	s1 =	sand.u32 $0xC00, s1;
	v62 =	vmul.f32 v21, v12;
	[tilespmem:s0+$0x18300] =	vst v11  }
0x4e1: {  	v9 =	vperm.xlane v9, v17;
	v7 =	vadd.f32 v27, v7;
	s1 =	sor.u32 s2, s1;
	[tilespmem:s0+$0x18380] =	vst v61;
	v3 =	vmul.f32 v3, v12  }
0x4e2: {  	v4 =	vadd.f32 v8, v4;
	v1 =	vmul.f32 v1, v12;
	[tilespmem:s1+$0x18200] =	vst v62  }
0x4e3: {  	v5 =	vperm.xlane v5, v17;
	v6 =	vadd.f32 v9, v6;
	v7 =	vmul.f32 v7, v12;
	[tilespmem:s1+$0x18500] =	vst v3  }
0x4e4: {  	v63 =	vadd.f32 v18, v13;
	v4 =	vmul.f32 v4, v12;
	[tilespmem:s1+$0x18300] =	vst v1  }
0x4e5: {  	v2 =	vadd.f32 v5, v2;
	v6 =	vmul.f32 v6, v12;
	[tilespmem:s1+$0x18400] =	vst v7  }
0x4e6: {  	s25 =	sshll.u32 s21, $0xF;
	s26 =	rddreg [dreg:$0x4];
	v3 =	vmul.f32 v63, v12;
	[tilespmem:s1+$0x18480] =	vst v4  }
0x4e7: {  	s4 =	simm.s32 $0x1000;
	s16 =	sadd.s32 $0x1, s16;
	s0 =	sadd.s32 s25, s22;
	v2 =	vmul.f32 v2, v12;
	[tilespmem:s1+$0x18580] =	vst v6  }
0x4e8: {  	s5 =	simm.s32 $0x8000;
	p0 =	sne.s32 s16, $0x19;
	s0 =	sand.u32 $0x1FFFFE00, s0;
	[tilespmem:s1+$0x18280] =	vst v3  }
.Ltmp16:
0x4e9: {  	s28 =	simm.s32 $0x11200;
	s0 =	sadd.s32 s26, s0;
	[tilespmem:s1+$0x18380] =	vst v2;
	(pc) =	sbr.rel @p0 .LBB2_2-.Ltmp16, $4  }
0x4ea: {  	[hbm4b:s0+s4] =	stream.strided.scatter [tilespmem:s28], [sflag:$0x2], $0x8000, s5, s4, $0x38;
	[tilespmem:$0x19600] =	vst v63  }
0x4eb: {  	s29 =	sshll.u32 s18, $0x6;
	s30 =	rddreg [dreg:$0x7]  }
0x4ec: {  	s31 =	simm.s32 $0x19200;
	s0 =	sadd.s32 s30, s29  }
0x4ed: {  	[hbm4b:s0+s6] =	stream.linear.scatter [tilespmem:s31], [sflag:$0x2], $0x200, $0x38;
	[tilespmem:$0x19600] =	vst v63  }
0x4ee: {  	_ =	swait.ge [sflag:s3], $0x8000  }
0x4ef: {  	[sflag:s3] =	ssyncset.done $0x0  }
0x4f0: {  	[sflag:s3] =	ssyncadd.s32 $0xFFFF8000  }
0x4f1: {  	_ =	swait.ge [sflag:s3], $0x200  }
0x4f2: {  	[sflag:s3] =	ssyncset.done $0x0  }
0x4f3: {  	[sflag:s3] =	ssyncadd.s32 $0xFFFFFE00  }
0x4f4: {  	_ =	swait.ge [sflag:s3], $0x8000  }
0x4f5: {  	[sflag:s3] =	ssyncset.done $0x0  }
0x4f6: {  	[sflag:s3] =	ssyncadd.s32 $0xFFFF8000  }
0x4f7: {  	_ =	swait.ge [sflag:s3], $0x200  }
0x4f8: {  	s1 =	rddreg [dreg:$0xf]  }
0x4f9: {  	s0 =	rddreg [dreg:$0xc];
	s1 =	sadd.s32 $0x1, s1  }
0x4fa: {  	p0 =	sne.s32 s1, s0  }
.Ltmp17:
0x4fb: {  	_ = 	snop;
	(pc) =	sbr.rel @p0 .LBB2_1-.Ltmp17, $3  }
0x4fc: {  	_ =	sdelay $0x1  }
0x4fd: {  	[sflag:s3] =	ssyncset.done $0x0  }
0x4fe: {  	[sflag:s3] =	ssyncadd.s32 $0xFFFFFE00  }
0x4ff: {  	_ =	sfence.sel $0x180000  }
0x500: {  	[bflag:$0x0] =	sbarrier.arrive $0xFFFF  }
0x501: {  	_ =	strace $0x90000047  }
0x502: {  	s0 =	stileid.u32;
	[bflag:$0x2] =	sbarrier.arrive $0xFFFF  }
0x503: {  	p0 =	sne.s32 s0, $0x0;
	s0 =	rddreg [dreg:$0x5]  }
0x504: {  	s0 =	sadd.s32 @!p0 $0x100000, s0  }
0x505: {  	[sflag:s0] =	ssyncadd.tile.s32 @!p0 $0x1;
	_ =	shalt  }
.Lfunc_end2:
_tile_overlayer_lowered:
.L_overlay_start_2:
0x506: {  	(tag) =	ssettag $0x2  }
0x507: {  	s0 =	rddreg [dreg:$0x0];
	s2 =	stileid.u32  }
0x508: {  	s1 =	rddreg [dreg:$0x1];
	p0 =	sne.s32 s2, $0x0  }
0x509: {  	s3 =	rddreg [dreg:$0x2];
	[bflag:$0x3] =	sbarrier.arrive $0xFFFF;
	s2 =	simm.s32 @!p0 $0x1C03  }
0x50a: {  	[timem:s3], [sflag:s2] =	dma.local @!p0 [hbm:s0], s1  }
0x50b: {  	s0 =	simm.s32 @!p0 $0x3  }
0x50c: {  	_ =	swait.ge @!p0 [sflag:s0], s1  }
0x50d: {  	s1 =	ssub.s32 @!p0 $0x0, s1;
	[sflag:s0] =	ssyncset.done @!p0 $0x0  }
0x50e: {  	[sflag:s0] =	ssyncadd.s32 @!p0 s1  }
0x50f: {  	[bflag:$0x3] =	sbarrier.arrive $0xFFFF  }
0x510: {  	_ =	shalt  }

</sc_bundles>
